<compile_context>
chip_gen: v7x
topology: tpu7x:2x2x1
jax: 0.10.2.dev20260603
libtpu: 0.0.44.dev20260713+nightly
codegen_flags: <defaults>
</compile_context>

<pallas_src>
import jax
import jax.numpy as jnp
from jax import lax
from jax.experimental import pallas as pl
from jax.experimental.pallas import tpu as pltpu
from jax.experimental.pallas import tpu_sc as plsc

N_NODES = 100000
D = 128
NC = 2
NS = 16
NW = NC * NS
L = 16

ROWS_W = 3120
MAIN = NW * ROWS_W
CH = 240
NCHUNK = ROWS_W // CH
NBUF = 3
TAIL = N_NODES - MAIN
TAIL_W = TAIL // 8


def _splat_lane(tv, rl):
    dnums = lax.GatherDimensionNumbers(
        offset_dims=(), collapsed_slice_dims=(0,), start_index_map=(0,))
    return lax.gather(
        tv, jnp.full((L, 1), rl, jnp.int32), dnums, (1,),
        mode=lax.GatherScatterMode.PROMISE_IN_BOUNDS)


def _add_row(xb, tbl_v, t, rowflat):
    for j in range(D // L):
        col = jnp.arange(j * L, (j + 1) * L, dtype=jnp.int32)
        v = plsc.load_gather(tbl_v, [t + col])
        plsc.addupdate(xb.at[pl.ds(rowflat + j * L, L)], v)


def _body(x_hbm, idx_hbm, tbl_hbm, out_hbm, idx_v, tbl_v,
          xb0, xb1, xb2, tidx_v, txb,
          sx0, sx1, sx2, so0, so1, so2, st, stx):
    xb = [xb0, xb1, xb2]
    sx = [sx0, sx1, sx2]
    so = [so0, so1, so2]

    wid = lax.axis_index("s") * NC + lax.axis_index("c")
    base = wid * ROWS_W
    t0 = MAIN + wid * 8

    def start_in(k):
        s = k % NBUF
        return pltpu.async_copy(
            x_hbm.at[pl.ds((base + k * CH) * D, CH * D)], xb[s], sx[s])

    in_desc = [None] * NCHUNK
    out_desc = [None] * NCHUNK
    in_desc[0] = start_in(0)
    in_desc[1] = start_in(1)
    in_desc[2] = start_in(2)
    tail_on = wid < TAIL_W

    @pl.when(tail_on)
    def _tail_prefetch():
        pltpu.async_copy(idx_hbm.at[pl.ds(t0 - 8, L)], tidx_v, st)
        pltpu.async_copy(x_hbm.at[pl.ds(t0 * D, 8 * D)], txb, stx)

    pltpu.sync_copy(tbl_hbm, tbl_v)
    pltpu.sync_copy(idx_hbm.at[pl.ds(base, ROWS_W)], idx_v.at[pl.ds(0, ROWS_W)])

    for k in range(NCHUNK):
        s = k % NBUF
        in_desc[k].wait()


        @plsc.parallel_loop(0, CH, unroll=3)
        def chunk_rows(r, k=k, s=s):
            tv = idx_v[pl.ds(k * CH + r, L)]
            t = _splat_lane(tv, 0)
            _add_row(xb[s], tbl_v, t, r * D)

        out_desc[k] = pltpu.async_copy(
            xb[s], out_hbm.at[pl.ds((base + k * CH) * D, CH * D)], so[s])
        if k >= 1 and k + 2 < NCHUNK:
            out_desc[k - 1].wait()
            in_desc[k + 2] = start_in(k + 2)
    @pl.when(tail_on)
    def _tail():
        pltpu.make_async_copy(idx_hbm.at[pl.ds(t0 - 8, L)], tidx_v, st).wait()
        pltpu.make_async_copy(x_hbm.at[pl.ds(t0 * D, 8 * D)], txb, stx).wait()
        tD = tidx_v[...]
        for rl in range(8):
            t = _splat_lane(tD, 8 + rl)
            _add_row(txb, tbl_v, t, rl * D)
        pltpu.sync_copy(txb, out_hbm.at[pl.ds(t0 * D, 8 * D)])

    for k in range(max(0, NCHUNK - 3), NCHUNK):
        out_desc[k].wait()


@jax.jit
def _sc_add_embed(x, idx, tbl):
    mesh = plsc.VectorSubcoreMesh(
        core_axis_name="c", subcore_axis_name="s", num_cores=NC, num_subcores=NS
    )
    return pl.kernel(
        _body,
        out_type=jax.ShapeDtypeStruct((N_NODES * D,), jnp.float32),
        mesh=mesh,
        compiler_params=pltpu.CompilerParams(needs_layout_passes=False),
        scratch_types=[
            pltpu.VMEM((ROWS_W + L,), jnp.int32),
            pltpu.VMEM((64 * D,), jnp.float32),
            pltpu.VMEM((CH * D,), jnp.float32),
            pltpu.VMEM((CH * D,), jnp.float32),
            pltpu.VMEM((CH * D,), jnp.float32),
            pltpu.VMEM((L,), jnp.int32),
            pltpu.VMEM((8 * D,), jnp.float32),
            pltpu.SemaphoreType.DMA,
            pltpu.SemaphoreType.DMA,
            pltpu.SemaphoreType.DMA,
            pltpu.SemaphoreType.DMA,
            pltpu.SemaphoreType.DMA,
            pltpu.SemaphoreType.DMA,
            pltpu.SemaphoreType.DMA,
            pltpu.SemaphoreType.DMA,
        ],
    )(x, idx, tbl)


def kernel(x, node_types, type_table):
    toff = node_types.astype(jnp.int32) * D
    out = _sc_add_embed(x.reshape(-1), toff, type_table.reshape(-1))
    return out.reshape(N_NODES, D)

# --- scband reference (transcript-rebuilt; emitter-appended) ---
"""Pipeline reference for scband-gnn-6253472383493 (READ-ONLY COPY).

The authoritative reference and input builder live on the scoring server;
editing this copy changes nothing except your own understanding.
"""

import jax, jax.numpy as jnp
import numpy as np

N_NODES = 100000
D_FEAT = 128
NUM_TYPES = 64

def setup_inputs(seed: int = 0) -> dict:
    key = jax.random.key(seed)
    k_x, k_t, k_w = jax.random.split(key, 3)
    x = jax.random.normal(k_x, (N_NODES, D_FEAT), dtype=jnp.float32)
    node_types = jax.random.randint(k_t, (N_NODES,), 0, NUM_TYPES, dtype=jnp.int64)
    # learned node-type embedding table (TypeEmbedder weight)
    type_table = jax.random.normal(k_w, (NUM_TYPES, D_FEAT), dtype=jnp.float32) * 0.02
    return {"x": x, "node_types": node_types, "type_table": type_table}

def reference(x, node_types, type_table):
    # GNN._forward with use_node_type_embeddings=True:
    #   type_embeddings = node_type_embedder(data.types.node_types)  -> embedding gather
    #   data.x = data.x + type_embeddings
    type_embeddings = jnp.take(type_table, node_types, axis=0)
    out = x + type_embeddings
    return out

if __name__ == "__main__":
    import jax
    _d = setup_inputs()
    print(jax.jit(kernel)(*tuple(_d.values())))

</pallas_src>

<mosaic_0001>
#map = affine_map<(d0, d1) -> (0)>
module attributes {stable_mosaic.version = 14 : i64} {
  func.func @_body(%arg0: i32, %arg1: i32, %arg2: memref<12800000xf32, #tpu.memory_space<hbm>>, %arg3: memref<100000xi32, #tpu.memory_space<hbm>>, %arg4: memref<8192xf32, #tpu.memory_space<hbm>>, %arg5: memref<12800000xf32, #tpu.memory_space<hbm>>, %arg6: memref<3136xi32, #tpu.memory_space<vmem>>, %arg7: memref<8192xf32, #tpu.memory_space<vmem>>, %arg8: memref<30720xf32, #tpu.memory_space<vmem>>, %arg9: memref<30720xf32, #tpu.memory_space<vmem>>, %arg10: memref<30720xf32, #tpu.memory_space<vmem>>, %arg11: memref<16xi32, #tpu.memory_space<vmem>>, %arg12: memref<1024xf32, #tpu.memory_space<vmem>>, %arg13: memref<!tpu.dma_semaphore, #tpu.memory_space<semaphore_mem>>, %arg14: memref<!tpu.dma_semaphore, #tpu.memory_space<semaphore_mem>>, %arg15: memref<!tpu.dma_semaphore, #tpu.memory_space<semaphore_mem>>, %arg16: memref<!tpu.dma_semaphore, #tpu.memory_space<semaphore_mem>>, %arg17: memref<!tpu.dma_semaphore, #tpu.memory_space<semaphore_mem>>, %arg18: memref<!tpu.dma_semaphore, #tpu.memory_space<semaphore_mem>>, %arg19: memref<!tpu.dma_semaphore, #tpu.memory_space<semaphore_mem>>, %arg20: memref<!tpu.dma_semaphore, #tpu.memory_space<semaphore_mem>>) attributes {dimension_semantics = [#tpu.dimension_semantics<core_parallel>, #tpu.dimension_semantics<subcore_parallel>], iteration_bounds = array<i64: 2, 16>, scalar_prefetch = 0 : i64, scratch_operands = 15 : i64, tpu.core_type = #tpu.core_type<sc_vector_subcore>, window_params = [{transform_indices = #map}, {transform_indices = #map}, {transform_indices = #map}, {transform_indices = #map}]} {
    %mul3A = arith.constant 2 : i32
    %mul3A_0 = arith.muli %arg1, %mul3A : i32
    %add3A = arith.addi %mul3A_0, %arg0 : i32
    %mul3A_1 = arith.constant 3120 : i32
    %mul3A_2 = arith.muli %add3A, %mul3A_1 : i32
    %mul3A_3 = arith.constant 8 : i32
    %mul3A_4 = arith.muli %add3A, %mul3A_3 : i32
    %add3A_5 = arith.constant 99840 : i32
    %add3A_6 = arith.addi %add3A_5, %mul3A_4 : i32
    %add3A_7 = arith.constant 0 : i32
    %add3A_8 = arith.addi %mul3A_2, %add3A_7 : i32
    %mul3A_9 = arith.constant 128 : i32
    %mul3A_10 = arith.muli %add3A_8, %mul3A_9 : i32
    %dma_start3A = tpu.memref_slice %arg2[%mul3A_10] : memref<12800000xf32, #tpu.memory_space<hbm>> -> memref<30720xf32, #tpu.memory_space<hbm>>
    %dma_start3A_11 = tpu.memref_slice %arg2[%mul3A_10] : memref<12800000xf32, #tpu.memory_space<hbm>> -> memref<30720xf32, #tpu.memory_space<hbm>>
    tpu.enqueue_dma source(%dma_start3A_11 : memref<30720xf32, #tpu.memory_space<hbm>>) target(%arg8 : memref<30720xf32, #tpu.memory_space<vmem>>) target_semaphore(%arg13 : memref<!tpu.dma_semaphore, #tpu.memory_space<semaphore_mem>>)
    %add3A_12 = arith.constant 240 : i32
    %add3A_13 = arith.addi %mul3A_2, %add3A_12 : i32
    %mul3A_14 = arith.constant 128 : i32
    %mul3A_15 = arith.muli %add3A_13, %mul3A_14 : i32
    %dma_start3A_16 = tpu.memref_slice %arg2[%mul3A_15] : memref<12800000xf32, #tpu.memory_space<hbm>> -> memref<30720xf32, #tpu.memory_space<hbm>>
    %dma_start3A_17 = tpu.memref_slice %arg2[%mul3A_15] : memref<12800000xf32, #tpu.memory_space<hbm>> -> memref<30720xf32, #tpu.memory_space<hbm>>
    tpu.enqueue_dma source(%dma_start3A_17 : memref<30720xf32, #tpu.memory_space<hbm>>) target(%arg9 : memref<30720xf32, #tpu.memory_space<vmem>>) target_semaphore(%arg14 : memref<!tpu.dma_semaphore, #tpu.memory_space<semaphore_mem>>)
    %add3A_18 = arith.constant 480 : i32
    %add3A_19 = arith.addi %mul3A_2, %add3A_18 : i32
    %mul3A_20 = arith.constant 128 : i32
    %mul3A_21 = arith.muli %add3A_19, %mul3A_20 : i32
    %dma_start3A_22 = tpu.memref_slice %arg2[%mul3A_21] : memref<12800000xf32, #tpu.memory_space<hbm>> -> memref<30720xf32, #tpu.memory_space<hbm>>
    %dma_start3A_23 = tpu.memref_slice %arg2[%mul3A_21] : memref<12800000xf32, #tpu.memory_space<hbm>> -> memref<30720xf32, #tpu.memory_space<hbm>>
    tpu.enqueue_dma source(%dma_start3A_23 : memref<30720xf32, #tpu.memory_space<hbm>>) target(%arg10 : memref<30720xf32, #tpu.memory_space<vmem>>) target_semaphore(%arg15 : memref<!tpu.dma_semaphore, #tpu.memory_space<semaphore_mem>>)
    %lt3A = arith.constant 20 : i32
    %lt3A_24 = arith.cmpi slt, %add3A, %lt3A : i32
    %convert_element_type3A = arith.extui %lt3A_24 : i1 to i32
    %cond3A = arith.constant 0 : i32
    %cond3A_25 = arith.cmpi ne, %convert_element_type3A, %cond3A : i32
    scf.if %cond3A_25 {
      %sub3A = arith.constant 8 : i32
      %sub3A_256 = arith.subi %add3A_6, %sub3A : i32
      %dma_start3A_257 = tpu.memref_slice %arg3[%sub3A_256] : memref<100000xi32, #tpu.memory_space<hbm>> -> memref<16xi32, #tpu.memory_space<hbm>>
      %dma_start3A_258 = tpu.memref_slice %arg3[%sub3A_256] : memref<100000xi32, #tpu.memory_space<hbm>> -> memref<16xi32, #tpu.memory_space<hbm>>
      tpu.enqueue_dma source(%dma_start3A_258 : memref<16xi32, #tpu.memory_space<hbm>>) target(%arg11 : memref<16xi32, #tpu.memory_space<vmem>>) target_semaphore(%arg19 : memref<!tpu.dma_semaphore, #tpu.memory_space<semaphore_mem>>)
      %mul3A_259 = arith.constant 128 : i32
      %mul3A_260 = arith.muli %add3A_6, %mul3A_259 : i32
      %dma_start3A_261 = tpu.memref_slice %arg2[%mul3A_260] : memref<12800000xf32, #tpu.memory_space<hbm>> -> memref<1024xf32, #tpu.memory_space<hbm>>
      %dma_start3A_262 = tpu.memref_slice %arg2[%mul3A_260] : memref<12800000xf32, #tpu.memory_space<hbm>> -> memref<1024xf32, #tpu.memory_space<hbm>>
      tpu.enqueue_dma source(%dma_start3A_262 : memref<1024xf32, #tpu.memory_space<hbm>>) target(%arg12 : memref<1024xf32, #tpu.memory_space<vmem>>) target_semaphore(%arg20 : memref<!tpu.dma_semaphore, #tpu.memory_space<semaphore_mem>>)
    } else {
    }
    "tpu.region"() ({
      %run_scoped3A = tpu.sem_alloc : memref<!tpu.dma_semaphore, #tpu.memory_space<semaphore_mem>>
      tpu.enqueue_dma source(%arg4 : memref<8192xf32, #tpu.memory_space<hbm>>) target(%arg7 : memref<8192xf32, #tpu.memory_space<vmem>>) target_semaphore(%run_scoped3A : memref<!tpu.dma_semaphore, #tpu.memory_space<semaphore_mem>>)
      tpu.wait_dma2 semaphore(%run_scoped3A : memref<!tpu.dma_semaphore, #tpu.memory_space<semaphore_mem>>) src(%arg4 : memref<8192xf32, #tpu.memory_space<hbm>>) dst(%arg7 : memref<8192xf32, #tpu.memory_space<vmem>>)
      tpu.yield
    }) : () -> ()
    "tpu.region"() ({
      %run_scoped3A = tpu.sem_alloc : memref<!tpu.dma_semaphore, #tpu.memory_space<semaphore_mem>>
      %dma_start3A_256 = arith.constant 0 : i32
      %dma_start3A_257 = tpu.memref_slice %arg6[%dma_start3A_256] : memref<3136xi32, #tpu.memory_space<vmem>> -> memref<3120xi32, #tpu.memory_space<vmem>>
      %dma_start3A_258 = tpu.memref_slice %arg3[%mul3A_2] : memref<100000xi32, #tpu.memory_space<hbm>> -> memref<3120xi32, #tpu.memory_space<hbm>>
      %dma_start3A_259 = arith.constant 0 : i32
      %dma_start3A_260 = tpu.memref_slice %arg6[%dma_start3A_259] : memref<3136xi32, #tpu.memory_space<vmem>> -> memref<3120xi32, #tpu.memory_space<vmem>>
      %dma_start3A_261 = tpu.memref_slice %arg3[%mul3A_2] : memref<100000xi32, #tpu.memory_space<hbm>> -> memref<3120xi32, #tpu.memory_space<hbm>>
      tpu.enqueue_dma source(%dma_start3A_261 : memref<3120xi32, #tpu.memory_space<hbm>>) target(%dma_start3A_260 : memref<3120xi32, #tpu.memory_space<vmem>>) target_semaphore(%run_scoped3A : memref<!tpu.dma_semaphore, #tpu.memory_space<semaphore_mem>>)
      %dma_wait3A_262 = arith.constant 0 : i32
      %dma_wait3A_263 = tpu.memref_slice %arg6[%dma_wait3A_262] : memref<3136xi32, #tpu.memory_space<vmem>> -> memref<3120xi32, #tpu.memory_space<vmem>>
      %dma_wait3A_264 = tpu.memref_slice %arg3[%mul3A_2] : memref<100000xi32, #tpu.memory_space<hbm>> -> memref<3120xi32, #tpu.memory_space<hbm>>
      %dma_wait3A_265 = arith.constant 0 : i32
      %dma_wait3A_266 = tpu.memref_slice %arg6[%dma_wait3A_265] : memref<3136xi32, #tpu.memory_space<vmem>> -> memref<3120xi32, #tpu.memory_space<vmem>>
      %dma_wait3A_267 = tpu.memref_slice %arg3[%mul3A_2] : memref<100000xi32, #tpu.memory_space<hbm>> -> memref<3120xi32, #tpu.memory_space<hbm>>
      tpu.wait_dma2 semaphore(%run_scoped3A : memref<!tpu.dma_semaphore, #tpu.memory_space<semaphore_mem>>) src(%dma_wait3A_267 : memref<3120xi32, #tpu.memory_space<hbm>>) dst(%dma_wait3A_266 : memref<3120xi32, #tpu.memory_space<vmem>>)
      tpu.yield
    }) : () -> ()
    %dma_wait3A = tpu.memref_slice %arg2[%mul3A_10] : memref<12800000xf32, #tpu.memory_space<hbm>> -> memref<30720xf32, #tpu.memory_space<hbm>>
    %dma_wait3A_26 = tpu.memref_slice %arg2[%mul3A_10] : memref<12800000xf32, #tpu.memory_space<hbm>> -> memref<30720xf32, #tpu.memory_space<hbm>>
    tpu.wait_dma2 semaphore(%arg13 : memref<!tpu.dma_semaphore, #tpu.memory_space<semaphore_mem>>) src(%dma_wait3A_26 : memref<30720xf32, #tpu.memory_space<hbm>>) dst(%arg8 : memref<30720xf32, #tpu.memory_space<vmem>>)
    %parallel_loop3A = arith.constant 0 : i32
    %parallel_loop3A_27 = arith.constant 240 : i32
    %parallel_loop3A_28 = arith.constant 1 : i32
    scf.for %parallel_loop3A_256 = %parallel_loop3A to %parallel_loop3A_27 step %parallel_loop3A_28  : i32 {
      %parallel_loop3A_257 = arith.constant 0 : i32
      %parallel_loop3A_258 = arith.addi %parallel_loop3A_257, %parallel_loop3A_256 : i32
      %parallel_loop3A_259 = arith.index_cast %parallel_loop3A_258 : i32 to index
      %parallel_loop3A_260 = tpu.vector_load %arg6[%parallel_loop3A_259] {strides = array<i32>} : memref<3136xi32, #tpu.memory_space<vmem>>, vector<16xi32>,
      %parallel_loop3A_261 = arith.constant 0 : i32
      %parallel_loop3A_262 = vector.broadcast %parallel_loop3A_261 : i32 to vector<16x1xi32>
      %parallel_loop3A_263 = vector.shape_cast %parallel_loop3A_262 : vector<16x1xi32> to vector<16xi32>
      %parallel_loop3A_264 = tpu.dynamic_gather %parallel_loop3A_260[%parallel_loop3A_263] in [0] : vector<16xi32>, vector<16xi32> -> vector<16xi32>
      %parallel_loop3A_265 = arith.constant 128 : i32
      %parallel_loop3A_266 = arith.muli %parallel_loop3A_256, %parallel_loop3A_265 : i32
      %parallel_loop3A_267 = tpu.iota {dimensions = array<i32: 0>} : vector<16xi32>
      %parallel_loop3A_268 = arith.addi %parallel_loop3A_264, %parallel_loop3A_267 : vector<16xi32>
      %parallel_loop3A_269 = tpu.vector_load_idx %arg7[%parallel_loop3A_268] : memref<8192xf32, #tpu.memory_space<vmem>>[vector<16xi32>], vector<16xf32>,
      %parallel_loop3A_270 = arith.constant 0 : i32
      %parallel_loop3A_271 = arith.addi %parallel_loop3A_266, %parallel_loop3A_270 : i32
      %parallel_loop3A_272 = arith.index_cast %parallel_loop3A_271 : i32 to index
      %parallel_loop3A_273 = tpu.vector_load %arg8[%parallel_loop3A_272] {strides = array<i32>} : memref<30720xf32, #tpu.memory_space<vmem>>, vector<16xf32>,
      tpu.vector_store %arg8[%parallel_loop3A_272], %parallel_loop3A_269 {add = true, strides = array<i32>} : memref<30720xf32, #tpu.memory_space<vmem>>, vector<16xf32>,
      %parallel_loop3A_274 = tpu.iota {dimensions = array<i32: 0>} : vector<16xi32>
      %parallel_loop3A_275 = arith.constant 16 : i32
      %parallel_loop3A_276 = vector.broadcast %parallel_loop3A_275 : i32 to vector<16xi32>
      %parallel_loop3A_277 = arith.addi %parallel_loop3A_276, %parallel_loop3A_274 : vector<16xi32>
      %parallel_loop3A_278 = arith.addi %parallel_loop3A_264, %parallel_loop3A_277 : vector<16xi32>
      %parallel_loop3A_279 = tpu.vector_load_idx %arg7[%parallel_loop3A_278] : memref<8192xf32, #tpu.memory_space<vmem>>[vector<16xi32>], vector<16xf32>,
      %parallel_loop3A_280 = arith.constant 16 : i32
      %parallel_loop3A_281 = arith.addi %parallel_loop3A_266, %parallel_loop3A_280 : i32
      %parallel_loop3A_282 = arith.index_cast %parallel_loop3A_281 : i32 to index
      %parallel_loop3A_283 = tpu.vector_load %arg8[%parallel_loop3A_282] {strides = array<i32>} : memref<30720xf32, #tpu.memory_space<vmem>>, vector<16xf32>,
      tpu.vector_store %arg8[%parallel_loop3A_282], %parallel_loop3A_279 {add = true, strides = array<i32>} : memref<30720xf32, #tpu.memory_space<vmem>>, vector<16xf32>,
      %parallel_loop3A_284 = tpu.iota {dimensions = array<i32: 0>} : vector<16xi32>
      %parallel_loop3A_285 = arith.constant 32 : i32
      %parallel_loop3A_286 = vector.broadcast %parallel_loop3A_285 : i32 to vector<16xi32>
      %parallel_loop3A_287 = arith.addi %parallel_loop3A_286, %parallel_loop3A_284 : vector<16xi32>
      %parallel_loop3A_288 = arith.addi %parallel_loop3A_264, %parallel_loop3A_287 : vector<16xi32>
      %parallel_loop3A_289 = tpu.vector_load_idx %arg7[%parallel_loop3A_288] : memref<8192xf32, #tpu.memory_space<vmem>>[vector<16xi32>], vector<16xf32>,
      %parallel_loop3A_290 = arith.constant 32 : i32
      %parallel_loop3A_291 = arith.addi %parallel_loop3A_266, %parallel_loop3A_290 : i32
      %parallel_loop3A_292 = arith.index_cast %parallel_loop3A_291 : i32 to index
      %parallel_loop3A_293 = tpu.vector_load %arg8[%parallel_loop3A_292] {strides = array<i32>} : memref<30720xf32, #tpu.memory_space<vmem>>, vector<16xf32>,
      tpu.vector_store %arg8[%parallel_loop3A_292], %parallel_loop3A_289 {add = true, strides = array<i32>} : memref<30720xf32, #tpu.memory_space<vmem>>, vector<16xf32>,
      %parallel_loop3A_294 = tpu.iota {dimensions = array<i32: 0>} : vector<16xi32>
      %parallel_loop3A_295 = arith.constant 48 : i32
      %parallel_loop3A_296 = vector.broadcast %parallel_loop3A_295 : i32 to vector<16xi32>
      %parallel_loop3A_297 = arith.addi %parallel_loop3A_296, %parallel_loop3A_294 : vector<16xi32>
      %parallel_loop3A_298 = arith.addi %parallel_loop3A_264, %parallel_loop3A_297 : vector<16xi32>
      %parallel_loop3A_299 = tpu.vector_load_idx %arg7[%parallel_loop3A_298] : memref<8192xf32, #tpu.memory_space<vmem>>[vector<16xi32>], vector<16xf32>,
      %parallel_loop3A_300 = arith.constant 48 : i32
      %parallel_loop3A_301 = arith.addi %parallel_loop3A_266, %parallel_loop3A_300 : i32
      %parallel_loop3A_302 = arith.index_cast %parallel_loop3A_301 : i32 to index
      %parallel_loop3A_303 = tpu.vector_load %arg8[%parallel_loop3A_302] {strides = array<i32>} : memref<30720xf32, #tpu.memory_space<vmem>>, vector<16xf32>,
      tpu.vector_store %arg8[%parallel_loop3A_302], %parallel_loop3A_299 {add = true, strides = array<i32>} : memref<30720xf32, #tpu.memory_space<vmem>>, vector<16xf32>,
      %parallel_loop3A_304 = tpu.iota {dimensions = array<i32: 0>} : vector<16xi32>
      %parallel_loop3A_305 = arith.constant 64 : i32
      %parallel_loop3A_306 = vector.broadcast %parallel_loop3A_305 : i32 to vector<16xi32>
      %parallel_loop3A_307 = arith.addi %parallel_loop3A_306, %parallel_loop3A_304 : vector<16xi32>
      %parallel_loop3A_308 = arith.addi %parallel_loop3A_264, %parallel_loop3A_307 : vector<16xi32>
      %parallel_loop3A_309 = tpu.vector_load_idx %arg7[%parallel_loop3A_308] : memref<8192xf32, #tpu.memory_space<vmem>>[vector<16xi32>], vector<16xf32>,
      %parallel_loop3A_310 = arith.constant 64 : i32
      %parallel_loop3A_311 = arith.addi %parallel_loop3A_266, %parallel_loop3A_310 : i32
      %parallel_loop3A_312 = arith.index_cast %parallel_loop3A_311 : i32 to index
      %parallel_loop3A_313 = tpu.vector_load %arg8[%parallel_loop3A_312] {strides = array<i32>} : memref<30720xf32, #tpu.memory_space<vmem>>, vector<16xf32>,
      tpu.vector_store %arg8[%parallel_loop3A_312], %parallel_loop3A_309 {add = true, strides = array<i32>} : memref<30720xf32, #tpu.memory_space<vmem>>, vector<16xf32>,
      %parallel_loop3A_314 = tpu.iota {dimensions = array<i32: 0>} : vector<16xi32>
      %parallel_loop3A_315 = arith.constant 80 : i32
      %parallel_loop3A_316 = vector.broadcast %parallel_loop3A_315 : i32 to vector<16xi32>
      %parallel_loop3A_317 = arith.addi %parallel_loop3A_316, %parallel_loop3A_314 : vector<16xi32>
      %parallel_loop3A_318 = arith.addi %parallel_loop3A_264, %parallel_loop3A_317 : vector<16xi32>
      %parallel_loop3A_319 = tpu.vector_load_idx %arg7[%parallel_loop3A_318] : memref<8192xf32, #tpu.memory_space<vmem>>[vector<16xi32>], vector<16xf32>,
      %parallel_loop3A_320 = arith.constant 80 : i32
      %parallel_loop3A_321 = arith.addi %parallel_loop3A_266, %parallel_loop3A_320 : i32
      %parallel_loop3A_322 = arith.index_cast %parallel_loop3A_321 : i32 to index
      %parallel_loop3A_323 = tpu.vector_load %arg8[%parallel_loop3A_322] {strides = array<i32>} : memref<30720xf32, #tpu.memory_space<vmem>>, vector<16xf32>,
      tpu.vector_store %arg8[%parallel_loop3A_322], %parallel_loop3A_319 {add = true, strides = array<i32>} : memref<30720xf32, #tpu.memory_space<vmem>>, vector<16xf32>,
      %parallel_loop3A_324 = tpu.iota {dimensions = array<i32: 0>} : vector<16xi32>
      %parallel_loop3A_325 = arith.constant 96 : i32
      %parallel_loop3A_326 = vector.broadcast %parallel_loop3A_325 : i32 to vector<16xi32>
      %parallel_loop3A_327 = arith.addi %parallel_loop3A_326, %parallel_loop3A_324 : vector<16xi32>
      %parallel_loop3A_328 = arith.addi %parallel_loop3A_264, %parallel_loop3A_327 : vector<16xi32>
      %parallel_loop3A_329 = tpu.vector_load_idx %arg7[%parallel_loop3A_328] : memref<8192xf32, #tpu.memory_space<vmem>>[vector<16xi32>], vector<16xf32>,
      %parallel_loop3A_330 = arith.constant 96 : i32
      %parallel_loop3A_331 = arith.addi %parallel_loop3A_266, %parallel_loop3A_330 : i32
      %parallel_loop3A_332 = arith.index_cast %parallel_loop3A_331 : i32 to index
      %parallel_loop3A_333 = tpu.vector_load %arg8[%parallel_loop3A_332] {strides = array<i32>} : memref<30720xf32, #tpu.memory_space<vmem>>, vector<16xf32>,
      tpu.vector_store %arg8[%parallel_loop3A_332], %parallel_loop3A_329 {add = true, strides = array<i32>} : memref<30720xf32, #tpu.memory_space<vmem>>, vector<16xf32>,
      %parallel_loop3A_334 = tpu.iota {dimensions = array<i32: 0>} : vector<16xi32>
      %parallel_loop3A_335 = arith.constant 112 : i32
      %parallel_loop3A_336 = vector.broadcast %parallel_loop3A_335 : i32 to vector<16xi32>
      %parallel_loop3A_337 = arith.addi %parallel_loop3A_336, %parallel_loop3A_334 : vector<16xi32>
      %parallel_loop3A_338 = arith.addi %parallel_loop3A_264, %parallel_loop3A_337 : vector<16xi32>
      %parallel_loop3A_339 = tpu.vector_load_idx %arg7[%parallel_loop3A_338] : memref<8192xf32, #tpu.memory_space<vmem>>[vector<16xi32>], vector<16xf32>,
      %parallel_loop3A_340 = arith.constant 112 : i32
      %parallel_loop3A_341 = arith.addi %parallel_loop3A_266, %parallel_loop3A_340 : i32
      %parallel_loop3A_342 = arith.index_cast %parallel_loop3A_341 : i32 to index
      %parallel_loop3A_343 = tpu.vector_load %arg8[%parallel_loop3A_342] {strides = array<i32>} : memref<30720xf32, #tpu.memory_space<vmem>>, vector<16xf32>,
      tpu.vector_store %arg8[%parallel_loop3A_342], %parallel_loop3A_339 {add = true, strides = array<i32>} : memref<30720xf32, #tpu.memory_space<vmem>>, vector<16xf32>,
    } {sc.loop_unroll_factor = 3 : i64, sc.parallel_access}
    %add3A_29 = arith.constant 0 : i32
    %add3A_30 = arith.addi %mul3A_2, %add3A_29 : i32
    %mul3A_31 = arith.constant 128 : i32
    %mul3A_32 = arith.muli %add3A_30, %mul3A_31 : i32
    %dma_start3A_33 = tpu.memref_slice %arg5[%mul3A_32] : memref<12800000xf32, #tpu.memory_space<hbm>> -> memref<30720xf32, #tpu.memory_space<hbm>>
    %dma_start3A_34 = tpu.memref_slice %arg5[%mul3A_32] : memref<12800000xf32, #tpu.memory_space<hbm>> -> memref<30720xf32, #tpu.memory_space<hbm>>
    tpu.enqueue_dma source(%arg8 : memref<30720xf32, #tpu.memory_space<vmem>>) target(%dma_start3A_34 : memref<30720xf32, #tpu.memory_space<hbm>>) target_semaphore(%arg16 : memref<!tpu.dma_semaphore, #tpu.memory_space<semaphore_mem>>)
    %dma_wait3A_35 = tpu.memref_slice %arg2[%mul3A_15] : memref<12800000xf32, #tpu.memory_space<hbm>> -> memref<30720xf32, #tpu.memory_space<hbm>>
    %dma_wait3A_36 = tpu.memref_slice %arg2[%mul3A_15] : memref<12800000xf32, #tpu.memory_space<hbm>> -> memref<30720xf32, #tpu.memory_space<hbm>>
    tpu.wait_dma2 semaphore(%arg14 : memref<!tpu.dma_semaphore, #tpu.memory_space<semaphore_mem>>) src(%dma_wait3A_36 : memref<30720xf32, #tpu.memory_space<hbm>>) dst(%arg9 : memref<30720xf32, #tpu.memory_space<vmem>>)
    %parallel_loop3A_37 = arith.constant 0 : i32
    %parallel_loop3A_38 = arith.constant 240 : i32
    %parallel_loop3A_39 = arith.constant 1 : i32
    scf.for %parallel_loop3A_256 = %parallel_loop3A_37 to %parallel_loop3A_38 step %parallel_loop3A_39  : i32 {
      %parallel_loop3A_257 = arith.constant 240 : i32
      %parallel_loop3A_258 = arith.addi %parallel_loop3A_257, %parallel_loop3A_256 : i32
      %parallel_loop3A_259 = arith.index_cast %parallel_loop3A_258 : i32 to index
      %parallel_loop3A_260 = tpu.vector_load %arg6[%parallel_loop3A_259] {strides = array<i32>} : memref<3136xi32, #tpu.memory_space<vmem>>, vector<16xi32>,
      %parallel_loop3A_261 = arith.constant 0 : i32
      %parallel_loop3A_262 = vector.broadcast %parallel_loop3A_261 : i32 to vector<16x1xi32>
      %parallel_loop3A_263 = vector.shape_cast %parallel_loop3A_262 : vector<16x1xi32> to vector<16xi32>
      %parallel_loop3A_264 = tpu.dynamic_gather %parallel_loop3A_260[%parallel_loop3A_263] in [0] : vector<16xi32>, vector<16xi32> -> vector<16xi32>
      %parallel_loop3A_265 = arith.constant 128 : i32
      %parallel_loop3A_266 = arith.muli %parallel_loop3A_256, %parallel_loop3A_265 : i32
      %parallel_loop3A_267 = tpu.iota {dimensions = array<i32: 0>} : vector<16xi32>
      %parallel_loop3A_268 = arith.addi %parallel_loop3A_264, %parallel_loop3A_267 : vector<16xi32>
      %parallel_loop3A_269 = tpu.vector_load_idx %arg7[%parallel_loop3A_268] : memref<8192xf32, #tpu.memory_space<vmem>>[vector<16xi32>], vector<16xf32>,
      %parallel_loop3A_270 = arith.constant 0 : i32
      %parallel_loop3A_271 = arith.addi %parallel_loop3A_266, %parallel_loop3A_270 : i32
      %parallel_loop3A_272 = arith.index_cast %parallel_loop3A_271 : i32 to index
      %parallel_loop3A_273 = tpu.vector_load %arg9[%parallel_loop3A_272] {strides = array<i32>} : memref<30720xf32, #tpu.memory_space<vmem>>, vector<16xf32>,
      tpu.vector_store %arg9[%parallel_loop3A_272], %parallel_loop3A_269 {add = true, strides = array<i32>} : memref<30720xf32, #tpu.memory_space<vmem>>, vector<16xf32>,
      %parallel_loop3A_274 = tpu.iota {dimensions = array<i32: 0>} : vector<16xi32>
      %parallel_loop3A_275 = arith.constant 16 : i32
      %parallel_loop3A_276 = vector.broadcast %parallel_loop3A_275 : i32 to vector<16xi32>
      %parallel_loop3A_277 = arith.addi %parallel_loop3A_276, %parallel_loop3A_274 : vector<16xi32>
      %parallel_loop3A_278 = arith.addi %parallel_loop3A_264, %parallel_loop3A_277 : vector<16xi32>
      %parallel_loop3A_279 = tpu.vector_load_idx %arg7[%parallel_loop3A_278] : memref<8192xf32, #tpu.memory_space<vmem>>[vector<16xi32>], vector<16xf32>,
      %parallel_loop3A_280 = arith.constant 16 : i32
      %parallel_loop3A_281 = arith.addi %parallel_loop3A_266, %parallel_loop3A_280 : i32
      %parallel_loop3A_282 = arith.index_cast %parallel_loop3A_281 : i32 to index
      %parallel_loop3A_283 = tpu.vector_load %arg9[%parallel_loop3A_282] {strides = array<i32>} : memref<30720xf32, #tpu.memory_space<vmem>>, vector<16xf32>,
      tpu.vector_store %arg9[%parallel_loop3A_282], %parallel_loop3A_279 {add = true, strides = array<i32>} : memref<30720xf32, #tpu.memory_space<vmem>>, vector<16xf32>,
      %parallel_loop3A_284 = tpu.iota {dimensions = array<i32: 0>} : vector<16xi32>
      %parallel_loop3A_285 = arith.constant 32 : i32
      %parallel_loop3A_286 = vector.broadcast %parallel_loop3A_285 : i32 to vector<16xi32>
      %parallel_loop3A_287 = arith.addi %parallel_loop3A_286, %parallel_loop3A_284 : vector<16xi32>
      %parallel_loop3A_288 = arith.addi %parallel_loop3A_264, %parallel_loop3A_287 : vector<16xi32>
      %parallel_loop3A_289 = tpu.vector_load_idx %arg7[%parallel_loop3A_288] : memref<8192xf32, #tpu.memory_space<vmem>>[vector<16xi32>], vector<16xf32>,
      %parallel_loop3A_290 = arith.constant 32 : i32
      %parallel_loop3A_291 = arith.addi %parallel_loop3A_266, %parallel_loop3A_290 : i32
      %parallel_loop3A_292 = arith.index_cast %parallel_loop3A_291 : i32 to index
      %parallel_loop3A_293 = tpu.vector_load %arg9[%parallel_loop3A_292] {strides = array<i32>} : memref<30720xf32, #tpu.memory_space<vmem>>, vector<16xf32>,
      tpu.vector_store %arg9[%parallel_loop3A_292], %parallel_loop3A_289 {add = true, strides = array<i32>} : memref<30720xf32, #tpu.memory_space<vmem>>, vector<16xf32>,
      %parallel_loop3A_294 = tpu.iota {dimensions = array<i32: 0>} : vector<16xi32>
      %parallel_loop3A_295 = arith.constant 48 : i32
      %parallel_loop3A_296 = vector.broadcast %parallel_loop3A_295 : i32 to vector<16xi32>
      %parallel_loop3A_297 = arith.addi %parallel_loop3A_296, %parallel_loop3A_294 : vector<16xi32>
      %parallel_loop3A_298 = arith.addi %parallel_loop3A_264, %parallel_loop3A_297 : vector<16xi32>
      %parallel_loop3A_299 = tpu.vector_load_idx %arg7[%parallel_loop3A_298] : memref<8192xf32, #tpu.memory_space<vmem>>[vector<16xi32>], vector<16xf32>,
      %parallel_loop3A_300 = arith.constant 48 : i32
      %parallel_loop3A_301 = arith.addi %parallel_loop3A_266, %parallel_loop3A_300 : i32
      %parallel_loop3A_302 = arith.index_cast %parallel_loop3A_301 : i32 to index
      %parallel_loop3A_303 = tpu.vector_load %arg9[%parallel_loop3A_302] {strides = array<i32>} : memref<30720xf32, #tpu.memory_space<vmem>>, vector<16xf32>,
      tpu.vector_store %arg9[%parallel_loop3A_302], %parallel_loop3A_299 {add = true, strides = array<i32>} : memref<30720xf32, #tpu.memory_space<vmem>>, vector<16xf32>,
      %parallel_loop3A_304 = tpu.iota {dimensions = array<i32: 0>} : vector<16xi32>
      %parallel_loop3A_305 = arith.constant 64 : i32
      %parallel_loop3A_306 = vector.broadcast %parallel_loop3A_305 : i32 to vector<16xi32>
      %parallel_loop3A_307 = arith.addi %parallel_loop3A_306, %parallel_loop3A_304 : vector<16xi32>
      %parallel_loop3A_308 = arith.addi %parallel_loop3A_264, %parallel_loop3A_307 : vector<16xi32>
      %parallel_loop3A_309 = tpu.vector_load_idx %arg7[%parallel_loop3A_308] : memref<8192xf32, #tpu.memory_space<vmem>>[vector<16xi32>], vector<16xf32>,
      %parallel_loop3A_310 = arith.constant 64 : i32
      %parallel_loop3A_311 = arith.addi %parallel_loop3A_266, %parallel_loop3A_310 : i32
      %parallel_loop3A_312 = arith.index_cast %parallel_loop3A_311 : i32 to index
      %parallel_loop3A_313 = tpu.vector_load %arg9[%parallel_loop3A_312] {strides = array<i32>} : memref<30720xf32, #tpu.memory_space<vmem>>, vector<16xf32>,
      tpu.vector_store %arg9[%parallel_loop3A_312], %parallel_loop3A_309 {add = true, strides = array<i32>} : memref<30720xf32, #tpu.memory_space<vmem>>, vector<16xf32>,
      %parallel_loop3A_314 = tpu.iota {dimensions = array<i32: 0>} : vector<16xi32>
      %parallel_loop3A_315 = arith.constant 80 : i32
      %parallel_loop3A_316 = vector.broadcast %parallel_loop3A_315 : i32 to vector<16xi32>
      %parallel_loop3A_317 = arith.addi %parallel_loop3A_316, %parallel_loop3A_314 : vector<16xi32>
      %parallel_loop3A_318 = arith.addi %parallel_loop3A_264, %parallel_loop3A_317 : vector<16xi32>
      %parallel_loop3A_319 = tpu.vector_load_idx %arg7[%parallel_loop3A_318] : memref<8192xf32, #tpu.memory_space<vmem>>[vector<16xi32>], vector<16xf32>,
      %parallel_loop3A_320 = arith.constant 80 : i32
      %parallel_loop3A_321 = arith.addi %parallel_loop3A_266, %parallel_loop3A_320 : i32
      %parallel_loop3A_322 = arith.index_cast %parallel_loop3A_321 : i32 to index
      %parallel_loop3A_323 = tpu.vector_load %arg9[%parallel_loop3A_322] {strides = array<i32>} : memref<30720xf32, #tpu.memory_space<vmem>>, vector<16xf32>,
      tpu.vector_store %arg9[%parallel_loop3A_322], %parallel_loop3A_319 {add = true, strides = array<i32>} : memref<30720xf32, #tpu.memory_space<vmem>>, vector<16xf32>,
      %parallel_loop3A_324 = tpu.iota {dimensions = array<i32: 0>} : vector<16xi32>
      %parallel_loop3A_325 = arith.constant 96 : i32
      %parallel_loop3A_326 = vector.broadcast %parallel_loop3A_325 : i32 to vector<16xi32>
      %parallel_loop3A_327 = arith.addi %parallel_loop3A_326, %parallel_loop3A_324 : vector<16xi32>
      %parallel_loop3A_328 = arith.addi %parallel_loop3A_264, %parallel_loop3A_327 : vector<16xi32>
      %parallel_loop3A_329 = tpu.vector_load_idx %arg7[%parallel_loop3A_328] : memref<8192xf32, #tpu.memory_space<vmem>>[vector<16xi32>], vector<16xf32>,
      %parallel_loop3A_330 = arith.constant 96 : i32
      %parallel_loop3A_331 = arith.addi %parallel_loop3A_266, %parallel_loop3A_330 : i32
      %parallel_loop3A_332 = arith.index_cast %parallel_loop3A_331 : i32 to index
      %parallel_loop3A_333 = tpu.vector_load %arg9[%parallel_loop3A_332] {strides = array<i32>} : memref<30720xf32, #tpu.memory_space<vmem>>, vector<16xf32>,
      tpu.vector_store %arg9[%parallel_loop3A_332], %parallel_loop3A_329 {add = true, strides = array<i32>} : memref<30720xf32, #tpu.memory_space<vmem>>, vector<16xf32>,
      %parallel_loop3A_334 = tpu.iota {dimensions = array<i32: 0>} : vector<16xi32>
      %parallel_loop3A_335 = arith.constant 112 : i32
      %parallel_loop3A_336 = vector.broadcast %parallel_loop3A_335 : i32 to vector<16xi32>
      %parallel_loop3A_337 = arith.addi %parallel_loop3A_336, %parallel_loop3A_334 : vector<16xi32>
      %parallel_loop3A_338 = arith.addi %parallel_loop3A_264, %parallel_loop3A_337 : vector<16xi32>
      %parallel_loop3A_339 = tpu.vector_load_idx %arg7[%parallel_loop3A_338] : memref<8192xf32, #tpu.memory_space<vmem>>[vector<16xi32>], vector<16xf32>,
      %parallel_loop3A_340 = arith.constant 112 : i32
      %parallel_loop3A_341 = arith.addi %parallel_loop3A_266, %parallel_loop3A_340 : i32
      %parallel_loop3A_342 = arith.index_cast %parallel_loop3A_341 : i32 to index
      %parallel_loop3A_343 = tpu.vector_load %arg9[%parallel_loop3A_342] {strides = array<i32>} : memref<30720xf32, #tpu.memory_space<vmem>>, vector<16xf32>,
      tpu.vector_store %arg9[%parallel_loop3A_342], %parallel_loop3A_339 {add = true, strides = array<i32>} : memref<30720xf32, #tpu.memory_space<vmem>>, vector<16xf32>,
    } {sc.loop_unroll_factor = 3 : i64, sc.parallel_access}
    %add3A_40 = arith.constant 240 : i32
    %add3A_41 = arith.addi %mul3A_2, %add3A_40 : i32
    %mul3A_42 = arith.constant 128 : i32
    %mul3A_43 = arith.muli %add3A_41, %mul3A_42 : i32
    %dma_start3A_44 = tpu.memref_slice %arg5[%mul3A_43] : memref<12800000xf32, #tpu.memory_space<hbm>> -> memref<30720xf32, #tpu.memory_space<hbm>>
    %dma_start3A_45 = tpu.memref_slice %arg5[%mul3A_43] : memref<12800000xf32, #tpu.memory_space<hbm>> -> memref<30720xf32, #tpu.memory_space<hbm>>
    tpu.enqueue_dma source(%arg9 : memref<30720xf32, #tpu.memory_space<vmem>>) target(%dma_start3A_45 : memref<30720xf32, #tpu.memory_space<hbm>>) target_semaphore(%arg17 : memref<!tpu.dma_semaphore, #tpu.memory_space<semaphore_mem>>)
    %dma_wait3A_46 = tpu.memref_slice %arg5[%mul3A_32] : memref<12800000xf32, #tpu.memory_space<hbm>> -> memref<30720xf32, #tpu.memory_space<hbm>>
    %dma_wait3A_47 = tpu.memref_slice %arg5[%mul3A_32] : memref<12800000xf32, #tpu.memory_space<hbm>> -> memref<30720xf32, #tpu.memory_space<hbm>>
    tpu.wait_dma2 semaphore(%arg16 : memref<!tpu.dma_semaphore, #tpu.memory_space<semaphore_mem>>) src(%arg8 : memref<30720xf32, #tpu.memory_space<vmem>>) dst(%dma_wait3A_47 : memref<30720xf32, #tpu.memory_space<hbm>>)
    %add3A_48 = arith.constant 720 : i32
    %add3A_49 = arith.addi %mul3A_2, %add3A_48 : i32
    %mul3A_50 = arith.constant 128 : i32
    %mul3A_51 = arith.muli %add3A_49, %mul3A_50 : i32
    %dma_start3A_52 = tpu.memref_slice %arg2[%mul3A_51] : memref<12800000xf32, #tpu.memory_space<hbm>> -> memref<30720xf32, #tpu.memory_space<hbm>>
    %dma_start3A_53 = tpu.memref_slice %arg2[%mul3A_51] : memref<12800000xf32, #tpu.memory_space<hbm>> -> memref<30720xf32, #tpu.memory_space<hbm>>
    tpu.enqueue_dma source(%dma_start3A_53 : memref<30720xf32, #tpu.memory_space<hbm>>) target(%arg8 : memref<30720xf32, #tpu.memory_space<vmem>>) target_semaphore(%arg13 : memref<!tpu.dma_semaphore, #tpu.memory_space<semaphore_mem>>)
    %dma_wait3A_54 = tpu.memref_slice %arg2[%mul3A_21] : memref<12800000xf32, #tpu.memory_space<hbm>> -> memref<30720xf32, #tpu.memory_space<hbm>>
    %dma_wait3A_55 = tpu.memref_slice %arg2[%mul3A_21] : memref<12800000xf32, #tpu.memory_space<hbm>> -> memref<30720xf32, #tpu.memory_space<hbm>>
    tpu.wait_dma2 semaphore(%arg15 : memref<!tpu.dma_semaphore, #tpu.memory_space<semaphore_mem>>) src(%dma_wait3A_55 : memref<30720xf32, #tpu.memory_space<hbm>>) dst(%arg10 : memref<30720xf32, #tpu.memory_space<vmem>>)
    %parallel_loop3A_56 = arith.constant 0 : i32
    %parallel_loop3A_57 = arith.constant 240 : i32
    %parallel_loop3A_58 = arith.constant 1 : i32
    scf.for %parallel_loop3A_256 = %parallel_loop3A_56 to %parallel_loop3A_57 step %parallel_loop3A_58  : i32 {
      %parallel_loop3A_257 = arith.constant 480 : i32
      %parallel_loop3A_258 = arith.addi %parallel_loop3A_257, %parallel_loop3A_256 : i32
      %parallel_loop3A_259 = arith.index_cast %parallel_loop3A_258 : i32 to index
      %parallel_loop3A_260 = tpu.vector_load %arg6[%parallel_loop3A_259] {strides = array<i32>} : memref<3136xi32, #tpu.memory_space<vmem>>, vector<16xi32>,
      %parallel_loop3A_261 = arith.constant 0 : i32
      %parallel_loop3A_262 = vector.broadcast %parallel_loop3A_261 : i32 to vector<16x1xi32>
      %parallel_loop3A_263 = vector.shape_cast %parallel_loop3A_262 : vector<16x1xi32> to vector<16xi32>
      %parallel_loop3A_264 = tpu.dynamic_gather %parallel_loop3A_260[%parallel_loop3A_263] in [0] : vector<16xi32>, vector<16xi32> -> vector<16xi32>
      %parallel_loop3A_265 = arith.constant 128 : i32
      %parallel_loop3A_266 = arith.muli %parallel_loop3A_256, %parallel_loop3A_265 : i32
      %parallel_loop3A_267 = tpu.iota {dimensions = array<i32: 0>} : vector<16xi32>
      %parallel_loop3A_268 = arith.addi %parallel_loop3A_264, %parallel_loop3A_267 : vector<16xi32>
      %parallel_loop3A_269 = tpu.vector_load_idx %arg7[%parallel_loop3A_268] : memref<8192xf32, #tpu.memory_space<vmem>>[vector<16xi32>], vector<16xf32>,
      %parallel_loop3A_270 = arith.constant 0 : i32
      %parallel_loop3A_271 = arith.addi %parallel_loop3A_266, %parallel_loop3A_270 : i32
      %parallel_loop3A_272 = arith.index_cast %parallel_loop3A_271 : i32 to index
      %parallel_loop3A_273 = tpu.vector_load %arg10[%parallel_loop3A_272] {strides = array<i32>} : memref<30720xf32, #tpu.memory_space<vmem>>, vector<16xf32>,
      tpu.vector_store %arg10[%parallel_loop3A_272], %parallel_loop3A_269 {add = true, strides = array<i32>} : memref<30720xf32, #tpu.memory_space<vmem>>, vector<16xf32>,
      %parallel_loop3A_274 = tpu.iota {dimensions = array<i32: 0>} : vector<16xi32>
      %parallel_loop3A_275 = arith.constant 16 : i32
      %parallel_loop3A_276 = vector.broadcast %parallel_loop3A_275 : i32 to vector<16xi32>
      %parallel_loop3A_277 = arith.addi %parallel_loop3A_276, %parallel_loop3A_274 : vector<16xi32>
      %parallel_loop3A_278 = arith.addi %parallel_loop3A_264, %parallel_loop3A_277 : vector<16xi32>
      %parallel_loop3A_279 = tpu.vector_load_idx %arg7[%parallel_loop3A_278] : memref<8192xf32, #tpu.memory_space<vmem>>[vector<16xi32>], vector<16xf32>,
      %parallel_loop3A_280 = arith.constant 16 : i32
      %parallel_loop3A_281 = arith.addi %parallel_loop3A_266, %parallel_loop3A_280 : i32
      %parallel_loop3A_282 = arith.index_cast %parallel_loop3A_281 : i32 to index
      %parallel_loop3A_283 = tpu.vector_load %arg10[%parallel_loop3A_282] {strides = array<i32>} : memref<30720xf32, #tpu.memory_space<vmem>>, vector<16xf32>,
      tpu.vector_store %arg10[%parallel_loop3A_282], %parallel_loop3A_279 {add = true, strides = array<i32>} : memref<30720xf32, #tpu.memory_space<vmem>>, vector<16xf32>,
      %parallel_loop3A_284 = tpu.iota {dimensions = array<i32: 0>} : vector<16xi32>
      %parallel_loop3A_285 = arith.constant 32 : i32
      %parallel_loop3A_286 = vector.broadcast %parallel_loop3A_285 : i32 to vector<16xi32>
      %parallel_loop3A_287 = arith.addi %parallel_loop3A_286, %parallel_loop3A_284 : vector<16xi32>
      %parallel_loop3A_288 = arith.addi %parallel_loop3A_264, %parallel_loop3A_287 : vector<16xi32>
      %parallel_loop3A_289 = tpu.vector_load_idx %arg7[%parallel_loop3A_288] : memref<8192xf32, #tpu.memory_space<vmem>>[vector<16xi32>], vector<16xf32>,
      %parallel_loop3A_290 = arith.constant 32 : i32
      %parallel_loop3A_291 = arith.addi %parallel_loop3A_266, %parallel_loop3A_290 : i32
      %parallel_loop3A_292 = arith.index_cast %parallel_loop3A_291 : i32 to index
      %parallel_loop3A_293 = tpu.vector_load %arg10[%parallel_loop3A_292] {strides = array<i32>} : memref<30720xf32, #tpu.memory_space<vmem>>, vector<16xf32>,
      tpu.vector_store %arg10[%parallel_loop3A_292], %parallel_loop3A_289 {add = true, strides = array<i32>} : memref<30720xf32, #tpu.memory_space<vmem>>, vector<16xf32>,
      %parallel_loop3A_294 = tpu.iota {dimensions = array<i32: 0>} : vector<16xi32>
      %parallel_loop3A_295 = arith.constant 48 : i32
      %parallel_loop3A_296 = vector.broadcast %parallel_loop3A_295 : i32 to vector<16xi32>
      %parallel_loop3A_297 = arith.addi %parallel_loop3A_296, %parallel_loop3A_294 : vector<16xi32>
      %parallel_loop3A_298 = arith.addi %parallel_loop3A_264, %parallel_loop3A_297 : vector<16xi32>
      %parallel_loop3A_299 = tpu.vector_load_idx %arg7[%parallel_loop3A_298] : memref<8192xf32, #tpu.memory_space<vmem>>[vector<16xi32>], vector<16xf32>,
      %parallel_loop3A_300 = arith.constant 48 : i32
      %parallel_loop3A_301 = arith.addi %parallel_loop3A_266, %parallel_loop3A_300 : i32
      %parallel_loop3A_302 = arith.index_cast %parallel_loop3A_301 : i32 to index
      %parallel_loop3A_303 = tpu.vector_load %arg10[%parallel_loop3A_302] {strides = array<i32>} : memref<30720xf32, #tpu.memory_space<vmem>>, vector<16xf32>,
      tpu.vector_store %arg10[%parallel_loop3A_302], %parallel_loop3A_299 {add = true, strides = array<i32>} : memref<30720xf32, #tpu.memory_space<vmem>>, vector<16xf32>,
      %parallel_loop3A_304 = tpu.iota {dimensions = array<i32: 0>} : vector<16xi32>
      %parallel_loop3A_305 = arith.constant 64 : i32
      %parallel_loop3A_306 = vector.broadcast %parallel_loop3A_305 : i32 to vector<16xi32>
      %parallel_loop3A_307 = arith.addi %parallel_loop3A_306, %parallel_loop3A_304 : vector<16xi32>
      %parallel_loop3A_308 = arith.addi %parallel_loop3A_264, %parallel_loop3A_307 : vector<16xi32>
      %parallel_loop3A_309 = tpu.vector_load_idx %arg7[%parallel_loop3A_308] : memref<8192xf32, #tpu.memory_space<vmem>>[vector<16xi32>], vector<16xf32>,
      %parallel_loop3A_310 = arith.constant 64 : i32
      %parallel_loop3A_311 = arith.addi %parallel_loop3A_266, %parallel_loop3A_310 : i32
      %parallel_loop3A_312 = arith.index_cast %parallel_loop3A_311 : i32 to index
      %parallel_loop3A_313 = tpu.vector_load %arg10[%parallel_loop3A_312] {strides = array<i32>} : memref<30720xf32, #tpu.memory_space<vmem>>, vector<16xf32>,
      tpu.vector_store %arg10[%parallel_loop3A_312], %parallel_loop3A_309 {add = true, strides = array<i32>} : memref<30720xf32, #tpu.memory_space<vmem>>, vector<16xf32>,
      %parallel_loop3A_314 = tpu.iota {dimensions = array<i32: 0>} : vector<16xi32>
      %parallel_loop3A_315 = arith.constant 80 : i32
      %parallel_loop3A_316 = vector.broadcast %parallel_loop3A_315 : i32 to vector<16xi32>
      %parallel_loop3A_317 = arith.addi %parallel_loop3A_316, %parallel_loop3A_314 : vector<16xi32>
      %parallel_loop3A_318 = arith.addi %parallel_loop3A_264, %parallel_loop3A_317 : vector<16xi32>
      %parallel_loop3A_319 = tpu.vector_load_idx %arg7[%parallel_loop3A_318] : memref<8192xf32, #tpu.memory_space<vmem>>[vector<16xi32>], vector<16xf32>,
      %parallel_loop3A_320 = arith.constant 80 : i32
      %parallel_loop3A_321 = arith.addi %parallel_loop3A_266, %parallel_loop3A_320 : i32
      %parallel_loop3A_322 = arith.index_cast %parallel_loop3A_321 : i32 to index
      %parallel_loop3A_323 = tpu.vector_load %arg10[%parallel_loop3A_322] {strides = array<i32>} : memref<30720xf32, #tpu.memory_space<vmem>>, vector<16xf32>,
      tpu.vector_store %arg10[%parallel_loop3A_322], %parallel_loop3A_319 {add = true, strides = array<i32>} : memref<30720xf32, #tpu.memory_space<vmem>>, vector<16xf32>,
      %parallel_loop3A_324 = tpu.iota {dimensions = array<i32: 0>} : vector<16xi32>
      %parallel_loop3A_325 = arith.constant 96 : i32
      %parallel_loop3A_326 = vector.broadcast %parallel_loop3A_325 : i32 to vector<16xi32>
      %parallel_loop3A_327 = arith.addi %parallel_loop3A_326, %parallel_loop3A_324 : vector<16xi32>
      %parallel_loop3A_328 = arith.addi %parallel_loop3A_264, %parallel_loop3A_327 : vector<16xi32>
      %parallel_loop3A_329 = tpu.vector_load_idx %arg7[%parallel_loop3A_328] : memref<8192xf32, #tpu.memory_space<vmem>>[vector<16xi32>], vector<16xf32>,
      %parallel_loop3A_330 = arith.constant 96 : i32
      %parallel_loop3A_331 = arith.addi %parallel_loop3A_266, %parallel_loop3A_330 : i32
      %parallel_loop3A_332 = arith.index_cast %parallel_loop3A_331 : i32 to index
      %parallel_loop3A_333 = tpu.vector_load %arg10[%parallel_loop3A_332] {strides = array<i32>} : memref<30720xf32, #tpu.memory_space<vmem>>, vector<16xf32>,
      tpu.vector_store %arg10[%parallel_loop3A_332], %parallel_loop3A_329 {add = true, strides = array<i32>} : memref<30720xf32, #tpu.memory_space<vmem>>, vector<16xf32>,
      %parallel_loop3A_334 = tpu.iota {dimensions = array<i32: 0>} : vector<16xi32>
      %parallel_loop3A_335 = arith.constant 112 : i32
      %parallel_loop3A_336 = vector.broadcast %parallel_loop3A_335 : i32 to vector<16xi32>
      %parallel_loop3A_337 = arith.addi %parallel_loop3A_336, %parallel_loop3A_334 : vector<16xi32>
      %parallel_loop3A_338 = arith.addi %parallel_loop3A_264, %parallel_loop3A_337 : vector<16xi32>
      %parallel_loop3A_339 = tpu.vector_load_idx %arg7[%parallel_loop3A_338] : memref<8192xf32, #tpu.memory_space<vmem>>[vector<16xi32>], vector<16xf32>,
      %parallel_loop3A_340 = arith.constant 112 : i32
      %parallel_loop3A_341 = arith.addi %parallel_loop3A_266, %parallel_loop3A_340 : i32
      %parallel_loop3A_342 = arith.index_cast %parallel_loop3A_341 : i32 to index
      %parallel_loop3A_343 = tpu.vector_load %arg10[%parallel_loop3A_342] {strides = array<i32>} : memref<30720xf32, #tpu.memory_space<vmem>>, vector<16xf32>,
      tpu.vector_store %arg10[%parallel_loop3A_342], %parallel_loop3A_339 {add = true, strides = array<i32>} : memref<30720xf32, #tpu.memory_space<vmem>>, vector<16xf32>,
    } {sc.loop_unroll_factor = 3 : i64, sc.parallel_access}
    %add3A_59 = arith.constant 480 : i32
    %add3A_60 = arith.addi %mul3A_2, %add3A_59 : i32
    %mul3A_61 = arith.constant 128 : i32
    %mul3A_62 = arith.muli %add3A_60, %mul3A_61 : i32
    %dma_start3A_63 = tpu.memref_slice %arg5[%mul3A_62] : memref<12800000xf32, #tpu.memory_space<hbm>> -> memref<30720xf32, #tpu.memory_space<hbm>>
    %dma_start3A_64 = tpu.memref_slice %arg5[%mul3A_62] : memref<12800000xf32, #tpu.memory_space<hbm>> -> memref<30720xf32, #tpu.memory_space<hbm>>
    tpu.enqueue_dma source(%arg10 : memref<30720xf32, #tpu.memory_space<vmem>>) target(%dma_start3A_64 : memref<30720xf32, #tpu.memory_space<hbm>>) target_semaphore(%arg18 : memref<!tpu.dma_semaphore, #tpu.memory_space<semaphore_mem>>)
    %dma_wait3A_65 = tpu.memref_slice %arg5[%mul3A_43] : memref<12800000xf32, #tpu.memory_space<hbm>> -> memref<30720xf32, #tpu.memory_space<hbm>>
    %dma_wait3A_66 = tpu.memref_slice %arg5[%mul3A_43] : memref<12800000xf32, #tpu.memory_space<hbm>> -> memref<30720xf32, #tpu.memory_space<hbm>>
    tpu.wait_dma2 semaphore(%arg17 : memref<!tpu.dma_semaphore, #tpu.memory_space<semaphore_mem>>) src(%arg9 : memref<30720xf32, #tpu.memory_space<vmem>>) dst(%dma_wait3A_66 : memref<30720xf32, #tpu.memory_space<hbm>>)
    %add3A_67 = arith.constant 960 : i32
    %add3A_68 = arith.addi %mul3A_2, %add3A_67 : i32
    %mul3A_69 = arith.constant 128 : i32
    %mul3A_70 = arith.muli %add3A_68, %mul3A_69 : i32
    %dma_start3A_71 = tpu.memref_slice %arg2[%mul3A_70] : memref<12800000xf32, #tpu.memory_space<hbm>> -> memref<30720xf32, #tpu.memory_space<hbm>>
    %dma_start3A_72 = tpu.memref_slice %arg2[%mul3A_70] : memref<12800000xf32, #tpu.memory_space<hbm>> -> memref<30720xf32, #tpu.memory_space<hbm>>
    tpu.enqueue_dma source(%dma_start3A_72 : memref<30720xf32, #tpu.memory_space<hbm>>) target(%arg9 : memref<30720xf32, #tpu.memory_space<vmem>>) target_semaphore(%arg14 : memref<!tpu.dma_semaphore, #tpu.memory_space<semaphore_mem>>)
    %dma_wait3A_73 = tpu.memref_slice %arg2[%mul3A_51] : memref<12800000xf32, #tpu.memory_space<hbm>> -> memref<30720xf32, #tpu.memory_space<hbm>>
    %dma_wait3A_74 = tpu.memref_slice %arg2[%mul3A_51] : memref<12800000xf32, #tpu.memory_space<hbm>> -> memref<30720xf32, #tpu.memory_space<hbm>>
    tpu.wait_dma2 semaphore(%arg13 : memref<!tpu.dma_semaphore, #tpu.memory_space<semaphore_mem>>) src(%dma_wait3A_74 : memref<30720xf32, #tpu.memory_space<hbm>>) dst(%arg8 : memref<30720xf32, #tpu.memory_space<vmem>>)
    %parallel_loop3A_75 = arith.constant 0 : i32
    %parallel_loop3A_76 = arith.constant 240 : i32
    %parallel_loop3A_77 = arith.constant 1 : i32
    scf.for %parallel_loop3A_256 = %parallel_loop3A_75 to %parallel_loop3A_76 step %parallel_loop3A_77  : i32 {
      %parallel_loop3A_257 = arith.constant 720 : i32
      %parallel_loop3A_258 = arith.addi %parallel_loop3A_257, %parallel_loop3A_256 : i32
      %parallel_loop3A_259 = arith.index_cast %parallel_loop3A_258 : i32 to index
      %parallel_loop3A_260 = tpu.vector_load %arg6[%parallel_loop3A_259] {strides = array<i32>} : memref<3136xi32, #tpu.memory_space<vmem>>, vector<16xi32>,
      %parallel_loop3A_261 = arith.constant 0 : i32
      %parallel_loop3A_262 = vector.broadcast %parallel_loop3A_261 : i32 to vector<16x1xi32>
      %parallel_loop3A_263 = vector.shape_cast %parallel_loop3A_262 : vector<16x1xi32> to vector<16xi32>
      %parallel_loop3A_264 = tpu.dynamic_gather %parallel_loop3A_260[%parallel_loop3A_263] in [0] : vector<16xi32>, vector<16xi32> -> vector<16xi32>
      %parallel_loop3A_265 = arith.constant 128 : i32
      %parallel_loop3A_266 = arith.muli %parallel_loop3A_256, %parallel_loop3A_265 : i32
      %parallel_loop3A_267 = tpu.iota {dimensions = array<i32: 0>} : vector<16xi32>
      %parallel_loop3A_268 = arith.addi %parallel_loop3A_264, %parallel_loop3A_267 : vector<16xi32>
      %parallel_loop3A_269 = tpu.vector_load_idx %arg7[%parallel_loop3A_268] : memref<8192xf32, #tpu.memory_space<vmem>>[vector<16xi32>], vector<16xf32>,
      %parallel_loop3A_270 = arith.constant 0 : i32
      %parallel_loop3A_271 = arith.addi %parallel_loop3A_266, %parallel_loop3A_270 : i32
      %parallel_loop3A_272 = arith.index_cast %parallel_loop3A_271 : i32 to index
      %parallel_loop3A_273 = tpu.vector_load %arg8[%parallel_loop3A_272] {strides = array<i32>} : memref<30720xf32, #tpu.memory_space<vmem>>, vector<16xf32>,
      tpu.vector_store %arg8[%parallel_loop3A_272], %parallel_loop3A_269 {add = true, strides = array<i32>} : memref<30720xf32, #tpu.memory_space<vmem>>, vector<16xf32>,
      %parallel_loop3A_274 = tpu.iota {dimensions = array<i32: 0>} : vector<16xi32>
      %parallel_loop3A_275 = arith.constant 16 : i32
      %parallel_loop3A_276 = vector.broadcast %parallel_loop3A_275 : i32 to vector<16xi32>
      %parallel_loop3A_277 = arith.addi %parallel_loop3A_276, %parallel_loop3A_274 : vector<16xi32>
      %parallel_loop3A_278 = arith.addi %parallel_loop3A_264, %parallel_loop3A_277 : vector<16xi32>
      %parallel_loop3A_279 = tpu.vector_load_idx %arg7[%parallel_loop3A_278] : memref<8192xf32, #tpu.memory_space<vmem>>[vector<16xi32>], vector<16xf32>,
      %parallel_loop3A_280 = arith.constant 16 : i32
      %parallel_loop3A_281 = arith.addi %parallel_loop3A_266, %parallel_loop3A_280 : i32
      %parallel_loop3A_282 = arith.index_cast %parallel_loop3A_281 : i32 to index
      %parallel_loop3A_283 = tpu.vector_load %arg8[%parallel_loop3A_282] {strides = array<i32>} : memref<30720xf32, #tpu.memory_space<vmem>>, vector<16xf32>,
      tpu.vector_store %arg8[%parallel_loop3A_282], %parallel_loop3A_279 {add = true, strides = array<i32>} : memref<30720xf32, #tpu.memory_space<vmem>>, vector<16xf32>,
      %parallel_loop3A_284 = tpu.iota {dimensions = array<i32: 0>} : vector<16xi32>
      %parallel_loop3A_285 = arith.constant 32 : i32
      %parallel_loop3A_286 = vector.broadcast %parallel_loop3A_285 : i32 to vector<16xi32>
      %parallel_loop3A_287 = arith.addi %parallel_loop3A_286, %parallel_loop3A_284 : vector<16xi32>
      %parallel_loop3A_288 = arith.addi %parallel_loop3A_264, %parallel_loop3A_287 : vector<16xi32>
      %parallel_loop3A_289 = tpu.vector_load_idx %arg7[%parallel_loop3A_288] : memref<8192xf32, #tpu.memory_space<vmem>>[vector<16xi32>], vector<16xf32>,
      %parallel_loop3A_290 = arith.constant 32 : i32
      %parallel_loop3A_291 = arith.addi %parallel_loop3A_266, %parallel_loop3A_290 : i32
      %parallel_loop3A_292 = arith.index_cast %parallel_loop3A_291 : i32 to index
      %parallel_loop3A_293 = tpu.vector_load %arg8[%parallel_loop3A_292] {strides = array<i32>} : memref<30720xf32, #tpu.memory_space<vmem>>, vector<16xf32>,
      tpu.vector_store %arg8[%parallel_loop3A_292], %parallel_loop3A_289 {add = true, strides = array<i32>} : memref<30720xf32, #tpu.memory_space<vmem>>, vector<16xf32>,
      %parallel_loop3A_294 = tpu.iota {dimensions = array<i32: 0>} : vector<16xi32>
      %parallel_loop3A_295 = arith.constant 48 : i32
      %parallel_loop3A_296 = vector.broadcast %parallel_loop3A_295 : i32 to vector<16xi32>
      %parallel_loop3A_297 = arith.addi %parallel_loop3A_296, %parallel_loop3A_294 : vector<16xi32>
      %parallel_loop3A_298 = arith.addi %parallel_loop3A_264, %parallel_loop3A_297 : vector<16xi32>
      %parallel_loop3A_299 = tpu.vector_load_idx %arg7[%parallel_loop3A_298] : memref<8192xf32, #tpu.memory_space<vmem>>[vector<16xi32>], vector<16xf32>,
      %parallel_loop3A_300 = arith.constant 48 : i32
      %parallel_loop3A_301 = arith.addi %parallel_loop3A_266, %parallel_loop3A_300 : i32
      %parallel_loop3A_302 = arith.index_cast %parallel_loop3A_301 : i32 to index
      %parallel_loop3A_303 = tpu.vector_load %arg8[%parallel_loop3A_302] {strides = array<i32>} : memref<30720xf32, #tpu.memory_space<vmem>>, vector<16xf32>,
      tpu.vector_store %arg8[%parallel_loop3A_302], %parallel_loop3A_299 {add = true, strides = array<i32>} : memref<30720xf32, #tpu.memory_space<vmem>>, vector<16xf32>,
      %parallel_loop3A_304 = tpu.iota {dimensions = array<i32: 0>} : vector<16xi32>
      %parallel_loop3A_305 = arith.constant 64 : i32
      %parallel_loop3A_306 = vector.broadcast %parallel_loop3A_305 : i32 to vector<16xi32>
      %parallel_loop3A_307 = arith.addi %parallel_loop3A_306, %parallel_loop3A_304 : vector<16xi32>
      %parallel_loop3A_308 = arith.addi %parallel_loop3A_264, %parallel_loop3A_307 : vector<16xi32>
      %parallel_loop3A_309 = tpu.vector_load_idx %arg7[%parallel_loop3A_308] : memref<8192xf32, #tpu.memory_space<vmem>>[vector<16xi32>], vector<16xf32>,
      %parallel_loop3A_310 = arith.constant 64 : i32
      %parallel_loop3A_311 = arith.addi %parallel_loop3A_266, %parallel_loop3A_310 : i32
      %parallel_loop3A_312 = arith.index_cast %parallel_loop3A_311 : i32 to index
      %parallel_loop3A_313 = tpu.vector_load %arg8[%parallel_loop3A_312] {strides = array<i32>} : memref<30720xf32, #tpu.memory_space<vmem>>, vector<16xf32>,
      tpu.vector_store %arg8[%parallel_loop3A_312], %parallel_loop3A_309 {add = true, strides = array<i32>} : memref<30720xf32, #tpu.memory_space<vmem>>, vector<16xf32>,
      %parallel_loop3A_314 = tpu.iota {dimensions = array<i32: 0>} : vector<16xi32>
      %parallel_loop3A_315 = arith.constant 80 : i32
      %parallel_loop3A_316 = vector.broadcast %parallel_loop3A_315 : i32 to vector<16xi32>
      %parallel_loop3A_317 = arith.addi %parallel_loop3A_316, %parallel_loop3A_314 : vector<16xi32>
      %parallel_loop3A_318 = arith.addi %parallel_loop3A_264, %parallel_loop3A_317 : vector<16xi32>
      %parallel_loop3A_319 = tpu.vector_load_idx %arg7[%parallel_loop3A_318] : memref<8192xf32, #tpu.memory_space<vmem>>[vector<16xi32>], vector<16xf32>,
      %parallel_loop3A_320 = arith.constant 80 : i32
      %parallel_loop3A_321 = arith.addi %parallel_loop3A_266, %parallel_loop3A_320 : i32
      %parallel_loop3A_322 = arith.index_cast %parallel_loop3A_321 : i32 to index
      %parallel_loop3A_323 = tpu.vector_load %arg8[%parallel_loop3A_322] {strides = array<i32>} : memref<30720xf32, #tpu.memory_space<vmem>>, vector<16xf32>,
      tpu.vector_store %arg8[%parallel_loop3A_322], %parallel_loop3A_319 {add = true, strides = array<i32>} : memref<30720xf32, #tpu.memory_space<vmem>>, vector<16xf32>,
      %parallel_loop3A_324 = tpu.iota {dimensions = array<i32: 0>} : vector<16xi32>
      %parallel_loop3A_325 = arith.constant 96 : i32
      %parallel_loop3A_326 = vector.broadcast %parallel_loop3A_325 : i32 to vector<16xi32>
      %parallel_loop3A_327 = arith.addi %parallel_loop3A_326, %parallel_loop3A_324 : vector<16xi32>
      %parallel_loop3A_328 = arith.addi %parallel_loop3A_264, %parallel_loop3A_327 : vector<16xi32>
      %parallel_loop3A_329 = tpu.vector_load_idx %arg7[%parallel_loop3A_328] : memref<8192xf32, #tpu.memory_space<vmem>>[vector<16xi32>], vector<16xf32>,
      %parallel_loop3A_330 = arith.constant 96 : i32
      %parallel_loop3A_331 = arith.addi %parallel_loop3A_266, %parallel_loop3A_330 : i32
      %parallel_loop3A_332 = arith.index_cast %parallel_loop3A_331 : i32 to index
      %parallel_loop3A_333 = tpu.vector_load %arg8[%parallel_loop3A_332] {strides = array<i32>} : memref<30720xf32, #tpu.memory_space<vmem>>, vector<16xf32>,
      tpu.vector_store %arg8[%parallel_loop3A_332], %parallel_loop3A_329 {add = true, strides = array<i32>} : memref<30720xf32, #tpu.memory_space<vmem>>, vector<16xf32>,
      %parallel_loop3A_334 = tpu.iota {dimensions = array<i32: 0>} : vector<16xi32>
      %parallel_loop3A_335 = arith.constant 112 : i32
      %parallel_loop3A_336 = vector.broadcast %parallel_loop3A_335 : i32 to vector<16xi32>
      %parallel_loop3A_337 = arith.addi %parallel_loop3A_336, %parallel_loop3A_334 : vector<16xi32>
      %parallel_loop3A_338 = arith.addi %parallel_loop3A_264, %parallel_loop3A_337 : vector<16xi32>
      %parallel_loop3A_339 = tpu.vector_load_idx %arg7[%parallel_loop3A_338] : memref<8192xf32, #tpu.memory_space<vmem>>[vector<16xi32>], vector<16xf32>,
      %parallel_loop3A_340 = arith.constant 112 : i32
      %parallel_loop3A_341 = arith.addi %parallel_loop3A_266, %parallel_loop3A_340 : i32
      %parallel_loop3A_342 = arith.index_cast %parallel_loop3A_341 : i32 to index
      %parallel_loop3A_343 = tpu.vector_load %arg8[%parallel_loop3A_342] {strides = array<i32>} : memref<30720xf32, #tpu.memory_space<vmem>>, vector<16xf32>,
      tpu.vector_store %arg8[%parallel_loop3A_342], %parallel_loop3A_339 {add = true, strides = array<i32>} : memref<30720xf32, #tpu.memory_space<vmem>>, vector<16xf32>,
    } {sc.loop_unroll_factor = 3 : i64, sc.parallel_access}
    %add3A_78 = arith.constant 720 : i32
    %add3A_79 = arith.addi %mul3A_2, %add3A_78 : i32
    %mul3A_80 = arith.constant 128 : i32
    %mul3A_81 = arith.muli %add3A_79, %mul3A_80 : i32
    %dma_start3A_82 = tpu.memref_slice %arg5[%mul3A_81] : memref<12800000xf32, #tpu.memory_space<hbm>> -> memref<30720xf32, #tpu.memory_space<hbm>>
    %dma_start3A_83 = tpu.memref_slice %arg5[%mul3A_81] : memref<12800000xf32, #tpu.memory_space<hbm>> -> memref<30720xf32, #tpu.memory_space<hbm>>
    tpu.enqueue_dma source(%arg8 : memref<30720xf32, #tpu.memory_space<vmem>>) target(%dma_start3A_83 : memref<30720xf32, #tpu.memory_space<hbm>>) target_semaphore(%arg16 : memref<!tpu.dma_semaphore, #tpu.memory_space<semaphore_mem>>)
    %dma_wait3A_84 = tpu.memref_slice %arg5[%mul3A_62] : memref<12800000xf32, #tpu.memory_space<hbm>> -> memref<30720xf32, #tpu.memory_space<hbm>>
    %dma_wait3A_85 = tpu.memref_slice %arg5[%mul3A_62] : memref<12800000xf32, #tpu.memory_space<hbm>> -> memref<30720xf32, #tpu.memory_space<hbm>>
    tpu.wait_dma2 semaphore(%arg18 : memref<!tpu.dma_semaphore, #tpu.memory_space<semaphore_mem>>) src(%arg10 : memref<30720xf32, #tpu.memory_space<vmem>>) dst(%dma_wait3A_85 : memref<30720xf32, #tpu.memory_space<hbm>>)
    %add3A_86 = arith.constant 1200 : i32
    %add3A_87 = arith.addi %mul3A_2, %add3A_86 : i32
    %mul3A_88 = arith.constant 128 : i32
    %mul3A_89 = arith.muli %add3A_87, %mul3A_88 : i32
    %dma_start3A_90 = tpu.memref_slice %arg2[%mul3A_89] : memref<12800000xf32, #tpu.memory_space<hbm>> -> memref<30720xf32, #tpu.memory_space<hbm>>
    %dma_start3A_91 = tpu.memref_slice %arg2[%mul3A_89] : memref<12800000xf32, #tpu.memory_space<hbm>> -> memref<30720xf32, #tpu.memory_space<hbm>>
    tpu.enqueue_dma source(%dma_start3A_91 : memref<30720xf32, #tpu.memory_space<hbm>>) target(%arg10 : memref<30720xf32, #tpu.memory_space<vmem>>) target_semaphore(%arg15 : memref<!tpu.dma_semaphore, #tpu.memory_space<semaphore_mem>>)
    %dma_wait3A_92 = tpu.memref_slice %arg2[%mul3A_70] : memref<12800000xf32, #tpu.memory_space<hbm>> -> memref<30720xf32, #tpu.memory_space<hbm>>
    %dma_wait3A_93 = tpu.memref_slice %arg2[%mul3A_70] : memref<12800000xf32, #tpu.memory_space<hbm>> -> memref<30720xf32, #tpu.memory_space<hbm>>
    tpu.wait_dma2 semaphore(%arg14 : memref<!tpu.dma_semaphore, #tpu.memory_space<semaphore_mem>>) src(%dma_wait3A_93 : memref<30720xf32, #tpu.memory_space<hbm>>) dst(%arg9 : memref<30720xf32, #tpu.memory_space<vmem>>)
    %parallel_loop3A_94 = arith.constant 0 : i32
    %parallel_loop3A_95 = arith.constant 240 : i32
    %parallel_loop3A_96 = arith.constant 1 : i32
    scf.for %parallel_loop3A_256 = %parallel_loop3A_94 to %parallel_loop3A_95 step %parallel_loop3A_96  : i32 {
      %parallel_loop3A_257 = arith.constant 960 : i32
      %parallel_loop3A_258 = arith.addi %parallel_loop3A_257, %parallel_loop3A_256 : i32
      %parallel_loop3A_259 = arith.index_cast %parallel_loop3A_258 : i32 to index
      %parallel_loop3A_260 = tpu.vector_load %arg6[%parallel_loop3A_259] {strides = array<i32>} : memref<3136xi32, #tpu.memory_space<vmem>>, vector<16xi32>,
      %parallel_loop3A_261 = arith.constant 0 : i32
      %parallel_loop3A_262 = vector.broadcast %parallel_loop3A_261 : i32 to vector<16x1xi32>
      %parallel_loop3A_263 = vector.shape_cast %parallel_loop3A_262 : vector<16x1xi32> to vector<16xi32>
      %parallel_loop3A_264 = tpu.dynamic_gather %parallel_loop3A_260[%parallel_loop3A_263] in [0] : vector<16xi32>, vector<16xi32> -> vector<16xi32>
      %parallel_loop3A_265 = arith.constant 128 : i32
      %parallel_loop3A_266 = arith.muli %parallel_loop3A_256, %parallel_loop3A_265 : i32
      %parallel_loop3A_267 = tpu.iota {dimensions = array<i32: 0>} : vector<16xi32>
      %parallel_loop3A_268 = arith.addi %parallel_loop3A_264, %parallel_loop3A_267 : vector<16xi32>
      %parallel_loop3A_269 = tpu.vector_load_idx %arg7[%parallel_loop3A_268] : memref<8192xf32, #tpu.memory_space<vmem>>[vector<16xi32>], vector<16xf32>,
      %parallel_loop3A_270 = arith.constant 0 : i32
      %parallel_loop3A_271 = arith.addi %parallel_loop3A_266, %parallel_loop3A_270 : i32
      %parallel_loop3A_272 = arith.index_cast %parallel_loop3A_271 : i32 to index
      %parallel_loop3A_273 = tpu.vector_load %arg9[%parallel_loop3A_272] {strides = array<i32>} : memref<30720xf32, #tpu.memory_space<vmem>>, vector<16xf32>,
      tpu.vector_store %arg9[%parallel_loop3A_272], %parallel_loop3A_269 {add = true, strides = array<i32>} : memref<30720xf32, #tpu.memory_space<vmem>>, vector<16xf32>,
      %parallel_loop3A_274 = tpu.iota {dimensions = array<i32: 0>} : vector<16xi32>
      %parallel_loop3A_275 = arith.constant 16 : i32
      %parallel_loop3A_276 = vector.broadcast %parallel_loop3A_275 : i32 to vector<16xi32>
      %parallel_loop3A_277 = arith.addi %parallel_loop3A_276, %parallel_loop3A_274 : vector<16xi32>
      %parallel_loop3A_278 = arith.addi %parallel_loop3A_264, %parallel_loop3A_277 : vector<16xi32>
      %parallel_loop3A_279 = tpu.vector_load_idx %arg7[%parallel_loop3A_278] : memref<8192xf32, #tpu.memory_space<vmem>>[vector<16xi32>], vector<16xf32>,
      %parallel_loop3A_280 = arith.constant 16 : i32
      %parallel_loop3A_281 = arith.addi %parallel_loop3A_266, %parallel_loop3A_280 : i32
      %parallel_loop3A_282 = arith.index_cast %parallel_loop3A_281 : i32 to index
      %parallel_loop3A_283 = tpu.vector_load %arg9[%parallel_loop3A_282] {strides = array<i32>} : memref<30720xf32, #tpu.memory_space<vmem>>, vector<16xf32>,
      tpu.vector_store %arg9[%parallel_loop3A_282], %parallel_loop3A_279 {add = true, strides = array<i32>} : memref<30720xf32, #tpu.memory_space<vmem>>, vector<16xf32>,
      %parallel_loop3A_284 = tpu.iota {dimensions = array<i32: 0>} : vector<16xi32>
      %parallel_loop3A_285 = arith.constant 32 : i32
      %parallel_loop3A_286 = vector.broadcast %parallel_loop3A_285 : i32 to vector<16xi32>
      %parallel_loop3A_287 = arith.addi %parallel_loop3A_286, %parallel_loop3A_284 : vector<16xi32>
      %parallel_loop3A_288 = arith.addi %parallel_loop3A_264, %parallel_loop3A_287 : vector<16xi32>
      %parallel_loop3A_289 = tpu.vector_load_idx %arg7[%parallel_loop3A_288] : memref<8192xf32, #tpu.memory_space<vmem>>[vector<16xi32>], vector<16xf32>,
      %parallel_loop3A_290 = arith.constant 32 : i32
      %parallel_loop3A_291 = arith.addi %parallel_loop3A_266, %parallel_loop3A_290 : i32
      %parallel_loop3A_292 = arith.index_cast %parallel_loop3A_291 : i32 to index
      %parallel_loop3A_293 = tpu.vector_load %arg9[%parallel_loop3A_292] {strides = array<i32>} : memref<30720xf32, #tpu.memory_space<vmem>>, vector<16xf32>,
      tpu.vector_store %arg9[%parallel_loop3A_292], %parallel_loop3A_289 {add = true, strides = array<i32>} : memref<30720xf32, #tpu.memory_space<vmem>>, vector<16xf32>,
      %parallel_loop3A_294 = tpu.iota {dimensions = array<i32: 0>} : vector<16xi32>
      %parallel_loop3A_295 = arith.constant 48 : i32
      %parallel_loop3A_296 = vector.broadcast %parallel_loop3A_295 : i32 to vector<16xi32>
      %parallel_loop3A_297 = arith.addi %parallel_loop3A_296, %parallel_loop3A_294 : vector<16xi32>
      %parallel_loop3A_298 = arith.addi %parallel_loop3A_264, %parallel_loop3A_297 : vector<16xi32>
      %parallel_loop3A_299 = tpu.vector_load_idx %arg7[%parallel_loop3A_298] : memref<8192xf32, #tpu.memory_space<vmem>>[vector<16xi32>], vector<16xf32>,
      %parallel_loop3A_300 = arith.constant 48 : i32
      %parallel_loop3A_301 = arith.addi %parallel_loop3A_266, %parallel_loop3A_300 : i32
      %parallel_loop3A_302 = arith.index_cast %parallel_loop3A_301 : i32 to index
      %parallel_loop3A_303 = tpu.vector_load %arg9[%parallel_loop3A_302] {strides = array<i32>} : memref<30720xf32, #tpu.memory_space<vmem>>, vector<16xf32>,
      tpu.vector_store %arg9[%parallel_loop3A_302], %parallel_loop3A_299 {add = true, strides = array<i32>} : memref<30720xf32, #tpu.memory_space<vmem>>, vector<16xf32>,
      %parallel_loop3A_304 = tpu.iota {dimensions = array<i32: 0>} : vector<16xi32>
      %parallel_loop3A_305 = arith.constant 64 : i32
      %parallel_loop3A_306 = vector.broadcast %parallel_loop3A_305 : i32 to vector<16xi32>
      %parallel_loop3A_307 = arith.addi %parallel_loop3A_306, %parallel_loop3A_304 : vector<16xi32>
      %parallel_loop3A_308 = arith.addi %parallel_loop3A_264, %parallel_loop3A_307 : vector<16xi32>
      %parallel_loop3A_309 = tpu.vector_load_idx %arg7[%parallel_loop3A_308] : memref<8192xf32, #tpu.memory_space<vmem>>[vector<16xi32>], vector<16xf32>,
      %parallel_loop3A_310 = arith.constant 64 : i32
      %parallel_loop3A_311 = arith.addi %parallel_loop3A_266, %parallel_loop3A_310 : i32
      %parallel_loop3A_312 = arith.index_cast %parallel_loop3A_311 : i32 to index
      %parallel_loop3A_313 = tpu.vector_load %arg9[%parallel_loop3A_312] {strides = array<i32>} : memref<30720xf32, #tpu.memory_space<vmem>>, vector<16xf32>,
      tpu.vector_store %arg9[%parallel_loop3A_312], %parallel_loop3A_309 {add = true, strides = array<i32>} : memref<30720xf32, #tpu.memory_space<vmem>>, vector<16xf32>,
      %parallel_loop3A_314 = tpu.iota {dimensions = array<i32: 0>} : vector<16xi32>
      %parallel_loop3A_315 = arith.constant 80 : i32
      %parallel_loop3A_316 = vector.broadcast %parallel_loop3A_315 : i32 to vector<16xi32>
      %parallel_loop3A_317 = arith.addi %parallel_loop3A_316, %parallel_loop3A_314 : vector<16xi32>
      %parallel_loop3A_318 = arith.addi %parallel_loop3A_264, %parallel_loop3A_317 : vector<16xi32>
      %parallel_loop3A_319 = tpu.vector_load_idx %arg7[%parallel_loop3A_318] : memref<8192xf32, #tpu.memory_space<vmem>>[vector<16xi32>], vector<16xf32>,
      %parallel_loop3A_320 = arith.constant 80 : i32
      %parallel_loop3A_321 = arith.addi %parallel_loop3A_266, %parallel_loop3A_320 : i32
      %parallel_loop3A_322 = arith.index_cast %parallel_loop3A_321 : i32 to index
      %parallel_loop3A_323 = tpu.vector_load %arg9[%parallel_loop3A_322] {strides = array<i32>} : memref<30720xf32, #tpu.memory_space<vmem>>, vector<16xf32>,
      tpu.vector_store %arg9[%parallel_loop3A_322], %parallel_loop3A_319 {add = true, strides = array<i32>} : memref<30720xf32, #tpu.memory_space<vmem>>, vector<16xf32>,
      %parallel_loop3A_324 = tpu.iota {dimensions = array<i32: 0>} : vector<16xi32>
      %parallel_loop3A_325 = arith.constant 96 : i32
      %parallel_loop3A_326 = vector.broadcast %parallel_loop3A_325 : i32 to vector<16xi32>
      %parallel_loop3A_327 = arith.addi %parallel_loop3A_326, %parallel_loop3A_324 : vector<16xi32>
      %parallel_loop3A_328 = arith.addi %parallel_loop3A_264, %parallel_loop3A_327 : vector<16xi32>
      %parallel_loop3A_329 = tpu.vector_load_idx %arg7[%parallel_loop3A_328] : memref<8192xf32, #tpu.memory_space<vmem>>[vector<16xi32>], vector<16xf32>,
      %parallel_loop3A_330 = arith.constant 96 : i32
      %parallel_loop3A_331 = arith.addi %parallel_loop3A_266, %parallel_loop3A_330 : i32
      %parallel_loop3A_332 = arith.index_cast %parallel_loop3A_331 : i32 to index
      %parallel_loop3A_333 = tpu.vector_load %arg9[%parallel_loop3A_332] {strides = array<i32>} : memref<30720xf32, #tpu.memory_space<vmem>>, vector<16xf32>,
      tpu.vector_store %arg9[%parallel_loop3A_332], %parallel_loop3A_329 {add = true, strides = array<i32>} : memref<30720xf32, #tpu.memory_space<vmem>>, vector<16xf32>,
      %parallel_loop3A_334 = tpu.iota {dimensions = array<i32: 0>} : vector<16xi32>
      %parallel_loop3A_335 = arith.constant 112 : i32
      %parallel_loop3A_336 = vector.broadcast %parallel_loop3A_335 : i32 to vector<16xi32>
      %parallel_loop3A_337 = arith.addi %parallel_loop3A_336, %parallel_loop3A_334 : vector<16xi32>
      %parallel_loop3A_338 = arith.addi %parallel_loop3A_264, %parallel_loop3A_337 : vector<16xi32>
      %parallel_loop3A_339 = tpu.vector_load_idx %arg7[%parallel_loop3A_338] : memref<8192xf32, #tpu.memory_space<vmem>>[vector<16xi32>], vector<16xf32>,
      %parallel_loop3A_340 = arith.constant 112 : i32
      %parallel_loop3A_341 = arith.addi %parallel_loop3A_266, %parallel_loop3A_340 : i32
      %parallel_loop3A_342 = arith.index_cast %parallel_loop3A_341 : i32 to index
      %parallel_loop3A_343 = tpu.vector_load %arg9[%parallel_loop3A_342] {strides = array<i32>} : memref<30720xf32, #tpu.memory_space<vmem>>, vector<16xf32>,
      tpu.vector_store %arg9[%parallel_loop3A_342], %parallel_loop3A_339 {add = true, strides = array<i32>} : memref<30720xf32, #tpu.memory_space<vmem>>, vector<16xf32>,
    } {sc.loop_unroll_factor = 3 : i64, sc.parallel_access}
    %add3A_97 = arith.constant 960 : i32
    %add3A_98 = arith.addi %mul3A_2, %add3A_97 : i32
    %mul3A_99 = arith.constant 128 : i32
    %mul3A_100 = arith.muli %add3A_98, %mul3A_99 : i32
    %dma_start3A_101 = tpu.memref_slice %arg5[%mul3A_100] : memref<12800000xf32, #tpu.memory_space<hbm>> -> memref<30720xf32, #tpu.memory_space<hbm>>
    %dma_start3A_102 = tpu.memref_slice %arg5[%mul3A_100] : memref<12800000xf32, #tpu.memory_space<hbm>> -> memref<30720xf32, #tpu.memory_space<hbm>>
    tpu.enqueue_dma source(%arg9 : memref<30720xf32, #tpu.memory_space<vmem>>) target(%dma_start3A_102 : memref<30720xf32, #tpu.memory_space<hbm>>) target_semaphore(%arg17 : memref<!tpu.dma_semaphore, #tpu.memory_space<semaphore_mem>>)
    %dma_wait3A_103 = tpu.memref_slice %arg5[%mul3A_81] : memref<12800000xf32, #tpu.memory_space<hbm>> -> memref<30720xf32, #tpu.memory_space<hbm>>
    %dma_wait3A_104 = tpu.memref_slice %arg5[%mul3A_81] : memref<12800000xf32, #tpu.memory_space<hbm>> -> memref<30720xf32, #tpu.memory_space<hbm>>
    tpu.wait_dma2 semaphore(%arg16 : memref<!tpu.dma_semaphore, #tpu.memory_space<semaphore_mem>>) src(%arg8 : memref<30720xf32, #tpu.memory_space<vmem>>) dst(%dma_wait3A_104 : memref<30720xf32, #tpu.memory_space<hbm>>)
    %add3A_105 = arith.constant 1440 : i32
    %add3A_106 = arith.addi %mul3A_2, %add3A_105 : i32
    %mul3A_107 = arith.constant 128 : i32
    %mul3A_108 = arith.muli %add3A_106, %mul3A_107 : i32
    %dma_start3A_109 = tpu.memref_slice %arg2[%mul3A_108] : memref<12800000xf32, #tpu.memory_space<hbm>> -> memref<30720xf32, #tpu.memory_space<hbm>>
    %dma_start3A_110 = tpu.memref_slice %arg2[%mul3A_108] : memref<12800000xf32, #tpu.memory_space<hbm>> -> memref<30720xf32, #tpu.memory_space<hbm>>
    tpu.enqueue_dma source(%dma_start3A_110 : memref<30720xf32, #tpu.memory_space<hbm>>) target(%arg8 : memref<30720xf32, #tpu.memory_space<vmem>>) target_semaphore(%arg13 : memref<!tpu.dma_semaphore, #tpu.memory_space<semaphore_mem>>)
    %dma_wait3A_111 = tpu.memref_slice %arg2[%mul3A_89] : memref<12800000xf32, #tpu.memory_space<hbm>> -> memref<30720xf32, #tpu.memory_space<hbm>>
    %dma_wait3A_112 = tpu.memref_slice %arg2[%mul3A_89] : memref<12800000xf32, #tpu.memory_space<hbm>> -> memref<30720xf32, #tpu.memory_space<hbm>>
    tpu.wait_dma2 semaphore(%arg15 : memref<!tpu.dma_semaphore, #tpu.memory_space<semaphore_mem>>) src(%dma_wait3A_112 : memref<30720xf32, #tpu.memory_space<hbm>>) dst(%arg10 : memref<30720xf32, #tpu.memory_space<vmem>>)
    %parallel_loop3A_113 = arith.constant 0 : i32
    %parallel_loop3A_114 = arith.constant 240 : i32
    %parallel_loop3A_115 = arith.constant 1 : i32
    scf.for %parallel_loop3A_256 = %parallel_loop3A_113 to %parallel_loop3A_114 step %parallel_loop3A_115  : i32 {
      %parallel_loop3A_257 = arith.constant 1200 : i32
      %parallel_loop3A_258 = arith.addi %parallel_loop3A_257, %parallel_loop3A_256 : i32
      %parallel_loop3A_259 = arith.index_cast %parallel_loop3A_258 : i32 to index
      %parallel_loop3A_260 = tpu.vector_load %arg6[%parallel_loop3A_259] {strides = array<i32>} : memref<3136xi32, #tpu.memory_space<vmem>>, vector<16xi32>,
      %parallel_loop3A_261 = arith.constant 0 : i32
      %parallel_loop3A_262 = vector.broadcast %parallel_loop3A_261 : i32 to vector<16x1xi32>
      %parallel_loop3A_263 = vector.shape_cast %parallel_loop3A_262 : vector<16x1xi32> to vector<16xi32>
      %parallel_loop3A_264 = tpu.dynamic_gather %parallel_loop3A_260[%parallel_loop3A_263] in [0] : vector<16xi32>, vector<16xi32> -> vector<16xi32>
      %parallel_loop3A_265 = arith.constant 128 : i32
      %parallel_loop3A_266 = arith.muli %parallel_loop3A_256, %parallel_loop3A_265 : i32
      %parallel_loop3A_267 = tpu.iota {dimensions = array<i32: 0>} : vector<16xi32>
      %parallel_loop3A_268 = arith.addi %parallel_loop3A_264, %parallel_loop3A_267 : vector<16xi32>
      %parallel_loop3A_269 = tpu.vector_load_idx %arg7[%parallel_loop3A_268] : memref<8192xf32, #tpu.memory_space<vmem>>[vector<16xi32>], vector<16xf32>,
      %parallel_loop3A_270 = arith.constant 0 : i32
      %parallel_loop3A_271 = arith.addi %parallel_loop3A_266, %parallel_loop3A_270 : i32
      %parallel_loop3A_272 = arith.index_cast %parallel_loop3A_271 : i32 to index
      %parallel_loop3A_273 = tpu.vector_load %arg10[%parallel_loop3A_272] {strides = array<i32>} : memref<30720xf32, #tpu.memory_space<vmem>>, vector<16xf32>,
      tpu.vector_store %arg10[%parallel_loop3A_272], %parallel_loop3A_269 {add = true, strides = array<i32>} : memref<30720xf32, #tpu.memory_space<vmem>>, vector<16xf32>,
      %parallel_loop3A_274 = tpu.iota {dimensions = array<i32: 0>} : vector<16xi32>
      %parallel_loop3A_275 = arith.constant 16 : i32
      %parallel_loop3A_276 = vector.broadcast %parallel_loop3A_275 : i32 to vector<16xi32>
      %parallel_loop3A_277 = arith.addi %parallel_loop3A_276, %parallel_loop3A_274 : vector<16xi32>
      %parallel_loop3A_278 = arith.addi %parallel_loop3A_264, %parallel_loop3A_277 : vector<16xi32>
      %parallel_loop3A_279 = tpu.vector_load_idx %arg7[%parallel_loop3A_278] : memref<8192xf32, #tpu.memory_space<vmem>>[vector<16xi32>], vector<16xf32>,
      %parallel_loop3A_280 = arith.constant 16 : i32
      %parallel_loop3A_281 = arith.addi %parallel_loop3A_266, %parallel_loop3A_280 : i32
      %parallel_loop3A_282 = arith.index_cast %parallel_loop3A_281 : i32 to index
      %parallel_loop3A_283 = tpu.vector_load %arg10[%parallel_loop3A_282] {strides = array<i32>} : memref<30720xf32, #tpu.memory_space<vmem>>, vector<16xf32>,
      tpu.vector_store %arg10[%parallel_loop3A_282], %parallel_loop3A_279 {add = true, strides = array<i32>} : memref<30720xf32, #tpu.memory_space<vmem>>, vector<16xf32>,
      %parallel_loop3A_284 = tpu.iota {dimensions = array<i32: 0>} : vector<16xi32>
      %parallel_loop3A_285 = arith.constant 32 : i32
      %parallel_loop3A_286 = vector.broadcast %parallel_loop3A_285 : i32 to vector<16xi32>
      %parallel_loop3A_287 = arith.addi %parallel_loop3A_286, %parallel_loop3A_284 : vector<16xi32>
      %parallel_loop3A_288 = arith.addi %parallel_loop3A_264, %parallel_loop3A_287 : vector<16xi32>
      %parallel_loop3A_289 = tpu.vector_load_idx %arg7[%parallel_loop3A_288] : memref<8192xf32, #tpu.memory_space<vmem>>[vector<16xi32>], vector<16xf32>,
      %parallel_loop3A_290 = arith.constant 32 : i32
      %parallel_loop3A_291 = arith.addi %parallel_loop3A_266, %parallel_loop3A_290 : i32
      %parallel_loop3A_292 = arith.index_cast %parallel_loop3A_291 : i32 to index
      %parallel_loop3A_293 = tpu.vector_load %arg10[%parallel_loop3A_292] {strides = array<i32>} : memref<30720xf32, #tpu.memory_space<vmem>>, vector<16xf32>,
      tpu.vector_store %arg10[%parallel_loop3A_292], %parallel_loop3A_289 {add = true, strides = array<i32>} : memref<30720xf32, #tpu.memory_space<vmem>>, vector<16xf32>,
      %parallel_loop3A_294 = tpu.iota {dimensions = array<i32: 0>} : vector<16xi32>
      %parallel_loop3A_295 = arith.constant 48 : i32
      %parallel_loop3A_296 = vector.broadcast %parallel_loop3A_295 : i32 to vector<16xi32>
      %parallel_loop3A_297 = arith.addi %parallel_loop3A_296, %parallel_loop3A_294 : vector<16xi32>
      %parallel_loop3A_298 = arith.addi %parallel_loop3A_264, %parallel_loop3A_297 : vector<16xi32>
      %parallel_loop3A_299 = tpu.vector_load_idx %arg7[%parallel_loop3A_298] : memref<8192xf32, #tpu.memory_space<vmem>>[vector<16xi32>], vector<16xf32>,
      %parallel_loop3A_300 = arith.constant 48 : i32
      %parallel_loop3A_301 = arith.addi %parallel_loop3A_266, %parallel_loop3A_300 : i32
      %parallel_loop3A_302 = arith.index_cast %parallel_loop3A_301 : i32 to index
      %parallel_loop3A_303 = tpu.vector_load %arg10[%parallel_loop3A_302] {strides = array<i32>} : memref<30720xf32, #tpu.memory_space<vmem>>, vector<16xf32>,
      tpu.vector_store %arg10[%parallel_loop3A_302], %parallel_loop3A_299 {add = true, strides = array<i32>} : memref<30720xf32, #tpu.memory_space<vmem>>, vector<16xf32>,
      %parallel_loop3A_304 = tpu.iota {dimensions = array<i32: 0>} : vector<16xi32>
      %parallel_loop3A_305 = arith.constant 64 : i32
      %parallel_loop3A_306 = vector.broadcast %parallel_loop3A_305 : i32 to vector<16xi32>
      %parallel_loop3A_307 = arith.addi %parallel_loop3A_306, %parallel_loop3A_304 : vector<16xi32>
      %parallel_loop3A_308 = arith.addi %parallel_loop3A_264, %parallel_loop3A_307 : vector<16xi32>
      %parallel_loop3A_309 = tpu.vector_load_idx %arg7[%parallel_loop3A_308] : memref<8192xf32, #tpu.memory_space<vmem>>[vector<16xi32>], vector<16xf32>,
      %parallel_loop3A_310 = arith.constant 64 : i32
      %parallel_loop3A_311 = arith.addi %parallel_loop3A_266, %parallel_loop3A_310 : i32
      %parallel_loop3A_312 = arith.index_cast %parallel_loop3A_311 : i32 to index
      %parallel_loop3A_313 = tpu.vector_load %arg10[%parallel_loop3A_312] {strides = array<i32>} : memref<30720xf32, #tpu.memory_space<vmem>>, vector<16xf32>,
      tpu.vector_store %arg10[%parallel_loop3A_312], %parallel_loop3A_309 {add = true, strides = array<i32>} : memref<30720xf32, #tpu.memory_space<vmem>>, vector<16xf32>,
      %parallel_loop3A_314 = tpu.iota {dimensions = array<i32: 0>} : vector<16xi32>
      %parallel_loop3A_315 = arith.constant 80 : i32
      %parallel_loop3A_316 = vector.broadcast %parallel_loop3A_315 : i32 to vector<16xi32>
      %parallel_loop3A_317 = arith.addi %parallel_loop3A_316, %parallel_loop3A_314 : vector<16xi32>
      %parallel_loop3A_318 = arith.addi %parallel_loop3A_264, %parallel_loop3A_317 : vector<16xi32>
      %parallel_loop3A_319 = tpu.vector_load_idx %arg7[%parallel_loop3A_318] : memref<8192xf32, #tpu.memory_space<vmem>>[vector<16xi32>], vector<16xf32>,
      %parallel_loop3A_320 = arith.constant 80 : i32
      %parallel_loop3A_321 = arith.addi %parallel_loop3A_266, %parallel_loop3A_320 : i32
      %parallel_loop3A_322 = arith.index_cast %parallel_loop3A_321 : i32 to index
      %parallel_loop3A_323 = tpu.vector_load %arg10[%parallel_loop3A_322] {strides = array<i32>} : memref<30720xf32, #tpu.memory_space<vmem>>, vector<16xf32>,
      tpu.vector_store %arg10[%parallel_loop3A_322], %parallel_loop3A_319 {add = true, strides = array<i32>} : memref<30720xf32, #tpu.memory_space<vmem>>, vector<16xf32>,
      %parallel_loop3A_324 = tpu.iota {dimensions = array<i32: 0>} : vector<16xi32>
      %parallel_loop3A_325 = arith.constant 96 : i32
      %parallel_loop3A_326 = vector.broadcast %parallel_loop3A_325 : i32 to vector<16xi32>
      %parallel_loop3A_327 = arith.addi %parallel_loop3A_326, %parallel_loop3A_324 : vector<16xi32>
      %parallel_loop3A_328 = arith.addi %parallel_loop3A_264, %parallel_loop3A_327 : vector<16xi32>
      %parallel_loop3A_329 = tpu.vector_load_idx %arg7[%parallel_loop3A_328] : memref<8192xf32, #tpu.memory_space<vmem>>[vector<16xi32>], vector<16xf32>,
      %parallel_loop3A_330 = arith.constant 96 : i32
      %parallel_loop3A_331 = arith.addi %parallel_loop3A_266, %parallel_loop3A_330 : i32
      %parallel_loop3A_332 = arith.index_cast %parallel_loop3A_331 : i32 to index
      %parallel_loop3A_333 = tpu.vector_load %arg10[%parallel_loop3A_332] {strides = array<i32>} : memref<30720xf32, #tpu.memory_space<vmem>>, vector<16xf32>,
      tpu.vector_store %arg10[%parallel_loop3A_332], %parallel_loop3A_329 {add = true, strides = array<i32>} : memref<30720xf32, #tpu.memory_space<vmem>>, vector<16xf32>,
      %parallel_loop3A_334 = tpu.iota {dimensions = array<i32: 0>} : vector<16xi32>
      %parallel_loop3A_335 = arith.constant 112 : i32
      %parallel_loop3A_336 = vector.broadcast %parallel_loop3A_335 : i32 to vector<16xi32>
      %parallel_loop3A_337 = arith.addi %parallel_loop3A_336, %parallel_loop3A_334 : vector<16xi32>
      %parallel_loop3A_338 = arith.addi %parallel_loop3A_264, %parallel_loop3A_337 : vector<16xi32>
      %parallel_loop3A_339 = tpu.vector_load_idx %arg7[%parallel_loop3A_338] : memref<8192xf32, #tpu.memory_space<vmem>>[vector<16xi32>], vector<16xf32>,
      %parallel_loop3A_340 = arith.constant 112 : i32
      %parallel_loop3A_341 = arith.addi %parallel_loop3A_266, %parallel_loop3A_340 : i32
      %parallel_loop3A_342 = arith.index_cast %parallel_loop3A_341 : i32 to index
      %parallel_loop3A_343 = tpu.vector_load %arg10[%parallel_loop3A_342] {strides = array<i32>} : memref<30720xf32, #tpu.memory_space<vmem>>, vector<16xf32>,
      tpu.vector_store %arg10[%parallel_loop3A_342], %parallel_loop3A_339 {add = true, strides = array<i32>} : memref<30720xf32, #tpu.memory_space<vmem>>, vector<16xf32>,
    } {sc.loop_unroll_factor = 3 : i64, sc.parallel_access}
    %add3A_116 = arith.constant 1200 : i32
    %add3A_117 = arith.addi %mul3A_2, %add3A_116 : i32
    %mul3A_118 = arith.constant 128 : i32
    %mul3A_119 = arith.muli %add3A_117, %mul3A_118 : i32
    %dma_start3A_120 = tpu.memref_slice %arg5[%mul3A_119] : memref<12800000xf32, #tpu.memory_space<hbm>> -> memref<30720xf32, #tpu.memory_space<hbm>>
    %dma_start3A_121 = tpu.memref_slice %arg5[%mul3A_119] : memref<12800000xf32, #tpu.memory_space<hbm>> -> memref<30720xf32, #tpu.memory_space<hbm>>
    tpu.enqueue_dma source(%arg10 : memref<30720xf32, #tpu.memory_space<vmem>>) target(%dma_start3A_121 : memref<30720xf32, #tpu.memory_space<hbm>>) target_semaphore(%arg18 : memref<!tpu.dma_semaphore, #tpu.memory_space<semaphore_mem>>)
    %dma_wait3A_122 = tpu.memref_slice %arg5[%mul3A_100] : memref<12800000xf32, #tpu.memory_space<hbm>> -> memref<30720xf32, #tpu.memory_space<hbm>>
    %dma_wait3A_123 = tpu.memref_slice %arg5[%mul3A_100] : memref<12800000xf32, #tpu.memory_space<hbm>> -> memref<30720xf32, #tpu.memory_space<hbm>>
    tpu.wait_dma2 semaphore(%arg17 : memref<!tpu.dma_semaphore, #tpu.memory_space<semaphore_mem>>) src(%arg9 : memref<30720xf32, #tpu.memory_space<vmem>>) dst(%dma_wait3A_123 : memref<30720xf32, #tpu.memory_space<hbm>>)
    %add3A_124 = arith.constant 1680 : i32
    %add3A_125 = arith.addi %mul3A_2, %add3A_124 : i32
    %mul3A_126 = arith.constant 128 : i32
    %mul3A_127 = arith.muli %add3A_125, %mul3A_126 : i32
    %dma_start3A_128 = tpu.memref_slice %arg2[%mul3A_127] : memref<12800000xf32, #tpu.memory_space<hbm>> -> memref<30720xf32, #tpu.memory_space<hbm>>
    %dma_start3A_129 = tpu.memref_slice %arg2[%mul3A_127] : memref<12800000xf32, #tpu.memory_space<hbm>> -> memref<30720xf32, #tpu.memory_space<hbm>>
    tpu.enqueue_dma source(%dma_start3A_129 : memref<30720xf32, #tpu.memory_space<hbm>>) target(%arg9 : memref<30720xf32, #tpu.memory_space<vmem>>) target_semaphore(%arg14 : memref<!tpu.dma_semaphore, #tpu.memory_space<semaphore_mem>>)
    %dma_wait3A_130 = tpu.memref_slice %arg2[%mul3A_108] : memref<12800000xf32, #tpu.memory_space<hbm>> -> memref<30720xf32, #tpu.memory_space<hbm>>
    %dma_wait3A_131 = tpu.memref_slice %arg2[%mul3A_108] : memref<12800000xf32, #tpu.memory_space<hbm>> -> memref<30720xf32, #tpu.memory_space<hbm>>
    tpu.wait_dma2 semaphore(%arg13 : memref<!tpu.dma_semaphore, #tpu.memory_space<semaphore_mem>>) src(%dma_wait3A_131 : memref<30720xf32, #tpu.memory_space<hbm>>) dst(%arg8 : memref<30720xf32, #tpu.memory_space<vmem>>)
    %parallel_loop3A_132 = arith.constant 0 : i32
    %parallel_loop3A_133 = arith.constant 240 : i32
    %parallel_loop3A_134 = arith.constant 1 : i32
    scf.for %parallel_loop3A_256 = %parallel_loop3A_132 to %parallel_loop3A_133 step %parallel_loop3A_134  : i32 {
      %parallel_loop3A_257 = arith.constant 1440 : i32
      %parallel_loop3A_258 = arith.addi %parallel_loop3A_257, %parallel_loop3A_256 : i32
      %parallel_loop3A_259 = arith.index_cast %parallel_loop3A_258 : i32 to index
      %parallel_loop3A_260 = tpu.vector_load %arg6[%parallel_loop3A_259] {strides = array<i32>} : memref<3136xi32, #tpu.memory_space<vmem>>, vector<16xi32>,
      %parallel_loop3A_261 = arith.constant 0 : i32
      %parallel_loop3A_262 = vector.broadcast %parallel_loop3A_261 : i32 to vector<16x1xi32>
      %parallel_loop3A_263 = vector.shape_cast %parallel_loop3A_262 : vector<16x1xi32> to vector<16xi32>
      %parallel_loop3A_264 = tpu.dynamic_gather %parallel_loop3A_260[%parallel_loop3A_263] in [0] : vector<16xi32>, vector<16xi32> -> vector<16xi32>
      %parallel_loop3A_265 = arith.constant 128 : i32
      %parallel_loop3A_266 = arith.muli %parallel_loop3A_256, %parallel_loop3A_265 : i32
      %parallel_loop3A_267 = tpu.iota {dimensions = array<i32: 0>} : vector<16xi32>
      %parallel_loop3A_268 = arith.addi %parallel_loop3A_264, %parallel_loop3A_267 : vector<16xi32>
      %parallel_loop3A_269 = tpu.vector_load_idx %arg7[%parallel_loop3A_268] : memref<8192xf32, #tpu.memory_space<vmem>>[vector<16xi32>], vector<16xf32>,
      %parallel_loop3A_270 = arith.constant 0 : i32
      %parallel_loop3A_271 = arith.addi %parallel_loop3A_266, %parallel_loop3A_270 : i32
      %parallel_loop3A_272 = arith.index_cast %parallel_loop3A_271 : i32 to index
      %parallel_loop3A_273 = tpu.vector_load %arg8[%parallel_loop3A_272] {strides = array<i32>} : memref<30720xf32, #tpu.memory_space<vmem>>, vector<16xf32>,
      tpu.vector_store %arg8[%parallel_loop3A_272], %parallel_loop3A_269 {add = true, strides = array<i32>} : memref<30720xf32, #tpu.memory_space<vmem>>, vector<16xf32>,
      %parallel_loop3A_274 = tpu.iota {dimensions = array<i32: 0>} : vector<16xi32>
      %parallel_loop3A_275 = arith.constant 16 : i32
      %parallel_loop3A_276 = vector.broadcast %parallel_loop3A_275 : i32 to vector<16xi32>
      %parallel_loop3A_277 = arith.addi %parallel_loop3A_276, %parallel_loop3A_274 : vector<16xi32>
      %parallel_loop3A_278 = arith.addi %parallel_loop3A_264, %parallel_loop3A_277 : vector<16xi32>
      %parallel_loop3A_279 = tpu.vector_load_idx %arg7[%parallel_loop3A_278] : memref<8192xf32, #tpu.memory_space<vmem>>[vector<16xi32>], vector<16xf32>,
      %parallel_loop3A_280 = arith.constant 16 : i32
      %parallel_loop3A_281 = arith.addi %parallel_loop3A_266, %parallel_loop3A_280 : i32
      %parallel_loop3A_282 = arith.index_cast %parallel_loop3A_281 : i32 to index
      %parallel_loop3A_283 = tpu.vector_load %arg8[%parallel_loop3A_282] {strides = array<i32>} : memref<30720xf32, #tpu.memory_space<vmem>>, vector<16xf32>,
      tpu.vector_store %arg8[%parallel_loop3A_282], %parallel_loop3A_279 {add = true, strides = array<i32>} : memref<30720xf32, #tpu.memory_space<vmem>>, vector<16xf32>,
      %parallel_loop3A_284 = tpu.iota {dimensions = array<i32: 0>} : vector<16xi32>
      %parallel_loop3A_285 = arith.constant 32 : i32
      %parallel_loop3A_286 = vector.broadcast %parallel_loop3A_285 : i32 to vector<16xi32>
      %parallel_loop3A_287 = arith.addi %parallel_loop3A_286, %parallel_loop3A_284 : vector<16xi32>
      %parallel_loop3A_288 = arith.addi %parallel_loop3A_264, %parallel_loop3A_287 : vector<16xi32>
      %parallel_loop3A_289 = tpu.vector_load_idx %arg7[%parallel_loop3A_288] : memref<8192xf32, #tpu.memory_space<vmem>>[vector<16xi32>], vector<16xf32>,
      %parallel_loop3A_290 = arith.constant 32 : i32
      %parallel_loop3A_291 = arith.addi %parallel_loop3A_266, %parallel_loop3A_290 : i32
      %parallel_loop3A_292 = arith.index_cast %parallel_loop3A_291 : i32 to index
      %parallel_loop3A_293 = tpu.vector_load %arg8[%parallel_loop3A_292] {strides = array<i32>} : memref<30720xf32, #tpu.memory_space<vmem>>, vector<16xf32>,
      tpu.vector_store %arg8[%parallel_loop3A_292], %parallel_loop3A_289 {add = true, strides = array<i32>} : memref<30720xf32, #tpu.memory_space<vmem>>, vector<16xf32>,
      %parallel_loop3A_294 = tpu.iota {dimensions = array<i32: 0>} : vector<16xi32>
      %parallel_loop3A_295 = arith.constant 48 : i32
      %parallel_loop3A_296 = vector.broadcast %parallel_loop3A_295 : i32 to vector<16xi32>
      %parallel_loop3A_297 = arith.addi %parallel_loop3A_296, %parallel_loop3A_294 : vector<16xi32>
      %parallel_loop3A_298 = arith.addi %parallel_loop3A_264, %parallel_loop3A_297 : vector<16xi32>
      %parallel_loop3A_299 = tpu.vector_load_idx %arg7[%parallel_loop3A_298] : memref<8192xf32, #tpu.memory_space<vmem>>[vector<16xi32>], vector<16xf32>,
      %parallel_loop3A_300 = arith.constant 48 : i32
      %parallel_loop3A_301 = arith.addi %parallel_loop3A_266, %parallel_loop3A_300 : i32
      %parallel_loop3A_302 = arith.index_cast %parallel_loop3A_301 : i32 to index
      %parallel_loop3A_303 = tpu.vector_load %arg8[%parallel_loop3A_302] {strides = array<i32>} : memref<30720xf32, #tpu.memory_space<vmem>>, vector<16xf32>,
      tpu.vector_store %arg8[%parallel_loop3A_302], %parallel_loop3A_299 {add = true, strides = array<i32>} : memref<30720xf32, #tpu.memory_space<vmem>>, vector<16xf32>,
      %parallel_loop3A_304 = tpu.iota {dimensions = array<i32: 0>} : vector<16xi32>
      %parallel_loop3A_305 = arith.constant 64 : i32
      %parallel_loop3A_306 = vector.broadcast %parallel_loop3A_305 : i32 to vector<16xi32>
      %parallel_loop3A_307 = arith.addi %parallel_loop3A_306, %parallel_loop3A_304 : vector<16xi32>
      %parallel_loop3A_308 = arith.addi %parallel_loop3A_264, %parallel_loop3A_307 : vector<16xi32>
      %parallel_loop3A_309 = tpu.vector_load_idx %arg7[%parallel_loop3A_308] : memref<8192xf32, #tpu.memory_space<vmem>>[vector<16xi32>], vector<16xf32>,
      %parallel_loop3A_310 = arith.constant 64 : i32
      %parallel_loop3A_311 = arith.addi %parallel_loop3A_266, %parallel_loop3A_310 : i32
      %parallel_loop3A_312 = arith.index_cast %parallel_loop3A_311 : i32 to index
      %parallel_loop3A_313 = tpu.vector_load %arg8[%parallel_loop3A_312] {strides = array<i32>} : memref<30720xf32, #tpu.memory_space<vmem>>, vector<16xf32>,
      tpu.vector_store %arg8[%parallel_loop3A_312], %parallel_loop3A_309 {add = true, strides = array<i32>} : memref<30720xf32, #tpu.memory_space<vmem>>, vector<16xf32>,
      %parallel_loop3A_314 = tpu.iota {dimensions = array<i32: 0>} : vector<16xi32>
      %parallel_loop3A_315 = arith.constant 80 : i32
      %parallel_loop3A_316 = vector.broadcast %parallel_loop3A_315 : i32 to vector<16xi32>
      %parallel_loop3A_317 = arith.addi %parallel_loop3A_316, %parallel_loop3A_314 : vector<16xi32>
      %parallel_loop3A_318 = arith.addi %parallel_loop3A_264, %parallel_loop3A_317 : vector<16xi32>
      %parallel_loop3A_319 = tpu.vector_load_idx %arg7[%parallel_loop3A_318] : memref<8192xf32, #tpu.memory_space<vmem>>[vector<16xi32>], vector<16xf32>,
      %parallel_loop3A_320 = arith.constant 80 : i32
      %parallel_loop3A_321 = arith.addi %parallel_loop3A_266, %parallel_loop3A_320 : i32
      %parallel_loop3A_322 = arith.index_cast %parallel_loop3A_321 : i32 to index
      %parallel_loop3A_323 = tpu.vector_load %arg8[%parallel_loop3A_322] {strides = array<i32>} : memref<30720xf32, #tpu.memory_space<vmem>>, vector<16xf32>,
      tpu.vector_store %arg8[%parallel_loop3A_322], %parallel_loop3A_319 {add = true, strides = array<i32>} : memref<30720xf32, #tpu.memory_space<vmem>>, vector<16xf32>,
      %parallel_loop3A_324 = tpu.iota {dimensions = array<i32: 0>} : vector<16xi32>
      %parallel_loop3A_325 = arith.constant 96 : i32
      %parallel_loop3A_326 = vector.broadcast %parallel_loop3A_325 : i32 to vector<16xi32>
      %parallel_loop3A_327 = arith.addi %parallel_loop3A_326, %parallel_loop3A_324 : vector<16xi32>
      %parallel_loop3A_328 = arith.addi %parallel_loop3A_264, %parallel_loop3A_327 : vector<16xi32>
      %parallel_loop3A_329 = tpu.vector_load_idx %arg7[%parallel_loop3A_328] : memref<8192xf32, #tpu.memory_space<vmem>>[vector<16xi32>], vector<16xf32>,
      %parallel_loop3A_330 = arith.constant 96 : i32
      %parallel_loop3A_331 = arith.addi %parallel_loop3A_266, %parallel_loop3A_330 : i32
      %parallel_loop3A_332 = arith.index_cast %parallel_loop3A_331 : i32 to index
      %parallel_loop3A_333 = tpu.vector_load %arg8[%parallel_loop3A_332] {strides = array<i32>} : memref<30720xf32, #tpu.memory_space<vmem>>, vector<16xf32>,
      tpu.vector_store %arg8[%parallel_loop3A_332], %parallel_loop3A_329 {add = true, strides = array<i32>} : memref<30720xf32, #tpu.memory_space<vmem>>, vector<16xf32>,
      %parallel_loop3A_334 = tpu.iota {dimensions = array<i32: 0>} : vector<16xi32>
      %parallel_loop3A_335 = arith.constant 112 : i32
      %parallel_loop3A_336 = vector.broadcast %parallel_loop3A_335 : i32 to vector<16xi32>
      %parallel_loop3A_337 = arith.addi %parallel_loop3A_336, %parallel_loop3A_334 : vector<16xi32>
      %parallel_loop3A_338 = arith.addi %parallel_loop3A_264, %parallel_loop3A_337 : vector<16xi32>
      %parallel_loop3A_339 = tpu.vector_load_idx %arg7[%parallel_loop3A_338] : memref<8192xf32, #tpu.memory_space<vmem>>[vector<16xi32>], vector<16xf32>,
      %parallel_loop3A_340 = arith.constant 112 : i32
      %parallel_loop3A_341 = arith.addi %parallel_loop3A_266, %parallel_loop3A_340 : i32
      %parallel_loop3A_342 = arith.index_cast %parallel_loop3A_341 : i32 to index
      %parallel_loop3A_343 = tpu.vector_load %arg8[%parallel_loop3A_342] {strides = array<i32>} : memref<30720xf32, #tpu.memory_space<vmem>>, vector<16xf32>,
      tpu.vector_store %arg8[%parallel_loop3A_342], %parallel_loop3A_339 {add = true, strides = array<i32>} : memref<30720xf32, #tpu.memory_space<vmem>>, vector<16xf32>,
    } {sc.loop_unroll_factor = 3 : i64, sc.parallel_access}
    %add3A_135 = arith.constant 1440 : i32
    %add3A_136 = arith.addi %mul3A_2, %add3A_135 : i32
    %mul3A_137 = arith.constant 128 : i32
    %mul3A_138 = arith.muli %add3A_136, %mul3A_137 : i32
    %dma_start3A_139 = tpu.memref_slice %arg5[%mul3A_138] : memref<12800000xf32, #tpu.memory_space<hbm>> -> memref<30720xf32, #tpu.memory_space<hbm>>
    %dma_start3A_140 = tpu.memref_slice %arg5[%mul3A_138] : memref<12800000xf32, #tpu.memory_space<hbm>> -> memref<30720xf32, #tpu.memory_space<hbm>>
    tpu.enqueue_dma source(%arg8 : memref<30720xf32, #tpu.memory_space<vmem>>) target(%dma_start3A_140 : memref<30720xf32, #tpu.memory_space<hbm>>) target_semaphore(%arg16 : memref<!tpu.dma_semaphore, #tpu.memory_space<semaphore_mem>>)
    %dma_wait3A_141 = tpu.memref_slice %arg5[%mul3A_119] : memref<12800000xf32, #tpu.memory_space<hbm>> -> memref<30720xf32, #tpu.memory_space<hbm>>
    %dma_wait3A_142 = tpu.memref_slice %arg5[%mul3A_119] : memref<12800000xf32, #tpu.memory_space<hbm>> -> memref<30720xf32, #tpu.memory_space<hbm>>
    tpu.wait_dma2 semaphore(%arg18 : memref<!tpu.dma_semaphore, #tpu.memory_space<semaphore_mem>>) src(%arg10 : memref<30720xf32, #tpu.memory_space<vmem>>) dst(%dma_wait3A_142 : memref<30720xf32, #tpu.memory_space<hbm>>)
    %add3A_143 = arith.constant 1920 : i32
    %add3A_144 = arith.addi %mul3A_2, %add3A_143 : i32
    %mul3A_145 = arith.constant 128 : i32
    %mul3A_146 = arith.muli %add3A_144, %mul3A_145 : i32
    %dma_start3A_147 = tpu.memref_slice %arg2[%mul3A_146] : memref<12800000xf32, #tpu.memory_space<hbm>> -> memref<30720xf32, #tpu.memory_space<hbm>>
    %dma_start3A_148 = tpu.memref_slice %arg2[%mul3A_146] : memref<12800000xf32, #tpu.memory_space<hbm>> -> memref<30720xf32, #tpu.memory_space<hbm>>
    tpu.enqueue_dma source(%dma_start3A_148 : memref<30720xf32, #tpu.memory_space<hbm>>) target(%arg10 : memref<30720xf32, #tpu.memory_space<vmem>>) target_semaphore(%arg15 : memref<!tpu.dma_semaphore, #tpu.memory_space<semaphore_mem>>)
    %dma_wait3A_149 = tpu.memref_slice %arg2[%mul3A_127] : memref<12800000xf32, #tpu.memory_space<hbm>> -> memref<30720xf32, #tpu.memory_space<hbm>>
    %dma_wait3A_150 = tpu.memref_slice %arg2[%mul3A_127] : memref<12800000xf32, #tpu.memory_space<hbm>> -> memref<30720xf32, #tpu.memory_space<hbm>>
    tpu.wait_dma2 semaphore(%arg14 : memref<!tpu.dma_semaphore, #tpu.memory_space<semaphore_mem>>) src(%dma_wait3A_150 : memref<30720xf32, #tpu.memory_space<hbm>>) dst(%arg9 : memref<30720xf32, #tpu.memory_space<vmem>>)
    %parallel_loop3A_151 = arith.constant 0 : i32
    %parallel_loop3A_152 = arith.constant 240 : i32
    %parallel_loop3A_153 = arith.constant 1 : i32
    scf.for %parallel_loop3A_256 = %parallel_loop3A_151 to %parallel_loop3A_152 step %parallel_loop3A_153  : i32 {
      %parallel_loop3A_257 = arith.constant 1680 : i32
      %parallel_loop3A_258 = arith.addi %parallel_loop3A_257, %parallel_loop3A_256 : i32
      %parallel_loop3A_259 = arith.index_cast %parallel_loop3A_258 : i32 to index
      %parallel_loop3A_260 = tpu.vector_load %arg6[%parallel_loop3A_259] {strides = array<i32>} : memref<3136xi32, #tpu.memory_space<vmem>>, vector<16xi32>,
      %parallel_loop3A_261 = arith.constant 0 : i32
      %parallel_loop3A_262 = vector.broadcast %parallel_loop3A_261 : i32 to vector<16x1xi32>
      %parallel_loop3A_263 = vector.shape_cast %parallel_loop3A_262 : vector<16x1xi32> to vector<16xi32>
      %parallel_loop3A_264 = tpu.dynamic_gather %parallel_loop3A_260[%parallel_loop3A_263] in [0] : vector<16xi32>, vector<16xi32> -> vector<16xi32>
      %parallel_loop3A_265 = arith.constant 128 : i32
      %parallel_loop3A_266 = arith.muli %parallel_loop3A_256, %parallel_loop3A_265 : i32
      %parallel_loop3A_267 = tpu.iota {dimensions = array<i32: 0>} : vector<16xi32>
      %parallel_loop3A_268 = arith.addi %parallel_loop3A_264, %parallel_loop3A_267 : vector<16xi32>
      %parallel_loop3A_269 = tpu.vector_load_idx %arg7[%parallel_loop3A_268] : memref<8192xf32, #tpu.memory_space<vmem>>[vector<16xi32>], vector<16xf32>,
      %parallel_loop3A_270 = arith.constant 0 : i32
      %parallel_loop3A_271 = arith.addi %parallel_loop3A_266, %parallel_loop3A_270 : i32
      %parallel_loop3A_272 = arith.index_cast %parallel_loop3A_271 : i32 to index
      %parallel_loop3A_273 = tpu.vector_load %arg9[%parallel_loop3A_272] {strides = array<i32>} : memref<30720xf32, #tpu.memory_space<vmem>>, vector<16xf32>,
      tpu.vector_store %arg9[%parallel_loop3A_272], %parallel_loop3A_269 {add = true, strides = array<i32>} : memref<30720xf32, #tpu.memory_space<vmem>>, vector<16xf32>,
      %parallel_loop3A_274 = tpu.iota {dimensions = array<i32: 0>} : vector<16xi32>
      %parallel_loop3A_275 = arith.constant 16 : i32
      %parallel_loop3A_276 = vector.broadcast %parallel_loop3A_275 : i32 to vector<16xi32>
      %parallel_loop3A_277 = arith.addi %parallel_loop3A_276, %parallel_loop3A_274 : vector<16xi32>
      %parallel_loop3A_278 = arith.addi %parallel_loop3A_264, %parallel_loop3A_277 : vector<16xi32>
      %parallel_loop3A_279 = tpu.vector_load_idx %arg7[%parallel_loop3A_278] : memref<8192xf32, #tpu.memory_space<vmem>>[vector<16xi32>], vector<16xf32>,
      %parallel_loop3A_280 = arith.constant 16 : i32
      %parallel_loop3A_281 = arith.addi %parallel_loop3A_266, %parallel_loop3A_280 : i32
      %parallel_loop3A_282 = arith.index_cast %parallel_loop3A_281 : i32 to index
      %parallel_loop3A_283 = tpu.vector_load %arg9[%parallel_loop3A_282] {strides = array<i32>} : memref<30720xf32, #tpu.memory_space<vmem>>, vector<16xf32>,
      tpu.vector_store %arg9[%parallel_loop3A_282], %parallel_loop3A_279 {add = true, strides = array<i32>} : memref<30720xf32, #tpu.memory_space<vmem>>, vector<16xf32>,
      %parallel_loop3A_284 = tpu.iota {dimensions = array<i32: 0>} : vector<16xi32>
      %parallel_loop3A_285 = arith.constant 32 : i32
      %parallel_loop3A_286 = vector.broadcast %parallel_loop3A_285 : i32 to vector<16xi32>
      %parallel_loop3A_287 = arith.addi %parallel_loop3A_286, %parallel_loop3A_284 : vector<16xi32>
      %parallel_loop3A_288 = arith.addi %parallel_loop3A_264, %parallel_loop3A_287 : vector<16xi32>
      %parallel_loop3A_289 = tpu.vector_load_idx %arg7[%parallel_loop3A_288] : memref<8192xf32, #tpu.memory_space<vmem>>[vector<16xi32>], vector<16xf32>,
      %parallel_loop3A_290 = arith.constant 32 : i32
      %parallel_loop3A_291 = arith.addi %parallel_loop3A_266, %parallel_loop3A_290 : i32
      %parallel_loop3A_292 = arith.index_cast %parallel_loop3A_291 : i32 to index
      %parallel_loop3A_293 = tpu.vector_load %arg9[%parallel_loop3A_292] {strides = array<i32>} : memref<30720xf32, #tpu.memory_space<vmem>>, vector<16xf32>,
      tpu.vector_store %arg9[%parallel_loop3A_292], %parallel_loop3A_289 {add = true, strides = array<i32>} : memref<30720xf32, #tpu.memory_space<vmem>>, vector<16xf32>,
      %parallel_loop3A_294 = tpu.iota {dimensions = array<i32: 0>} : vector<16xi32>
      %parallel_loop3A_295 = arith.constant 48 : i32
      %parallel_loop3A_296 = vector.broadcast %parallel_loop3A_295 : i32 to vector<16xi32>
      %parallel_loop3A_297 = arith.addi %parallel_loop3A_296, %parallel_loop3A_294 : vector<16xi32>
      %parallel_loop3A_298 = arith.addi %parallel_loop3A_264, %parallel_loop3A_297 : vector<16xi32>
      %parallel_loop3A_299 = tpu.vector_load_idx %arg7[%parallel_loop3A_298] : memref<8192xf32, #tpu.memory_space<vmem>>[vector<16xi32>], vector<16xf32>,
      %parallel_loop3A_300 = arith.constant 48 : i32
      %parallel_loop3A_301 = arith.addi %parallel_loop3A_266, %parallel_loop3A_300 : i32
      %parallel_loop3A_302 = arith.index_cast %parallel_loop3A_301 : i32 to index
      %parallel_loop3A_303 = tpu.vector_load %arg9[%parallel_loop3A_302] {strides = array<i32>} : memref<30720xf32, #tpu.memory_space<vmem>>, vector<16xf32>,
      tpu.vector_store %arg9[%parallel_loop3A_302], %parallel_loop3A_299 {add = true, strides = array<i32>} : memref<30720xf32, #tpu.memory_space<vmem>>, vector<16xf32>,
      %parallel_loop3A_304 = tpu.iota {dimensions = array<i32: 0>} : vector<16xi32>
      %parallel_loop3A_305 = arith.constant 64 : i32
      %parallel_loop3A_306 = vector.broadcast %parallel_loop3A_305 : i32 to vector<16xi32>
      %parallel_loop3A_307 = arith.addi %parallel_loop3A_306, %parallel_loop3A_304 : vector<16xi32>
      %parallel_loop3A_308 = arith.addi %parallel_loop3A_264, %parallel_loop3A_307 : vector<16xi32>
      %parallel_loop3A_309 = tpu.vector_load_idx %arg7[%parallel_loop3A_308] : memref<8192xf32, #tpu.memory_space<vmem>>[vector<16xi32>], vector<16xf32>,
      %parallel_loop3A_310 = arith.constant 64 : i32
      %parallel_loop3A_311 = arith.addi %parallel_loop3A_266, %parallel_loop3A_310 : i32
      %parallel_loop3A_312 = arith.index_cast %parallel_loop3A_311 : i32 to index
      %parallel_loop3A_313 = tpu.vector_load %arg9[%parallel_loop3A_312] {strides = array<i32>} : memref<30720xf32, #tpu.memory_space<vmem>>, vector<16xf32>,
      tpu.vector_store %arg9[%parallel_loop3A_312], %parallel_loop3A_309 {add = true, strides = array<i32>} : memref<30720xf32, #tpu.memory_space<vmem>>, vector<16xf32>,
      %parallel_loop3A_314 = tpu.iota {dimensions = array<i32: 0>} : vector<16xi32>
      %parallel_loop3A_315 = arith.constant 80 : i32
      %parallel_loop3A_316 = vector.broadcast %parallel_loop3A_315 : i32 to vector<16xi32>
      %parallel_loop3A_317 = arith.addi %parallel_loop3A_316, %parallel_loop3A_314 : vector<16xi32>
      %parallel_loop3A_318 = arith.addi %parallel_loop3A_264, %parallel_loop3A_317 : vector<16xi32>
      %parallel_loop3A_319 = tpu.vector_load_idx %arg7[%parallel_loop3A_318] : memref<8192xf32, #tpu.memory_space<vmem>>[vector<16xi32>], vector<16xf32>,
      %parallel_loop3A_320 = arith.constant 80 : i32
      %parallel_loop3A_321 = arith.addi %parallel_loop3A_266, %parallel_loop3A_320 : i32
      %parallel_loop3A_322 = arith.index_cast %parallel_loop3A_321 : i32 to index
      %parallel_loop3A_323 = tpu.vector_load %arg9[%parallel_loop3A_322] {strides = array<i32>} : memref<30720xf32, #tpu.memory_space<vmem>>, vector<16xf32>,
      tpu.vector_store %arg9[%parallel_loop3A_322], %parallel_loop3A_319 {add = true, strides = array<i32>} : memref<30720xf32, #tpu.memory_space<vmem>>, vector<16xf32>,
      %parallel_loop3A_324 = tpu.iota {dimensions = array<i32: 0>} : vector<16xi32>
      %parallel_loop3A_325 = arith.constant 96 : i32
      %parallel_loop3A_326 = vector.broadcast %parallel_loop3A_325 : i32 to vector<16xi32>
      %parallel_loop3A_327 = arith.addi %parallel_loop3A_326, %parallel_loop3A_324 : vector<16xi32>
      %parallel_loop3A_328 = arith.addi %parallel_loop3A_264, %parallel_loop3A_327 : vector<16xi32>
      %parallel_loop3A_329 = tpu.vector_load_idx %arg7[%parallel_loop3A_328] : memref<8192xf32, #tpu.memory_space<vmem>>[vector<16xi32>], vector<16xf32>,
      %parallel_loop3A_330 = arith.constant 96 : i32
      %parallel_loop3A_331 = arith.addi %parallel_loop3A_266, %parallel_loop3A_330 : i32
      %parallel_loop3A_332 = arith.index_cast %parallel_loop3A_331 : i32 to index
      %parallel_loop3A_333 = tpu.vector_load %arg9[%parallel_loop3A_332] {strides = array<i32>} : memref<30720xf32, #tpu.memory_space<vmem>>, vector<16xf32>,
      tpu.vector_store %arg9[%parallel_loop3A_332], %parallel_loop3A_329 {add = true, strides = array<i32>} : memref<30720xf32, #tpu.memory_space<vmem>>, vector<16xf32>,
      %parallel_loop3A_334 = tpu.iota {dimensions = array<i32: 0>} : vector<16xi32>
      %parallel_loop3A_335 = arith.constant 112 : i32
      %parallel_loop3A_336 = vector.broadcast %parallel_loop3A_335 : i32 to vector<16xi32>
      %parallel_loop3A_337 = arith.addi %parallel_loop3A_336, %parallel_loop3A_334 : vector<16xi32>
      %parallel_loop3A_338 = arith.addi %parallel_loop3A_264, %parallel_loop3A_337 : vector<16xi32>
      %parallel_loop3A_339 = tpu.vector_load_idx %arg7[%parallel_loop3A_338] : memref<8192xf32, #tpu.memory_space<vmem>>[vector<16xi32>], vector<16xf32>,
      %parallel_loop3A_340 = arith.constant 112 : i32
      %parallel_loop3A_341 = arith.addi %parallel_loop3A_266, %parallel_loop3A_340 : i32
      %parallel_loop3A_342 = arith.index_cast %parallel_loop3A_341 : i32 to index
      %parallel_loop3A_343 = tpu.vector_load %arg9[%parallel_loop3A_342] {strides = array<i32>} : memref<30720xf32, #tpu.memory_space<vmem>>, vector<16xf32>,
      tpu.vector_store %arg9[%parallel_loop3A_342], %parallel_loop3A_339 {add = true, strides = array<i32>} : memref<30720xf32, #tpu.memory_space<vmem>>, vector<16xf32>,
    } {sc.loop_unroll_factor = 3 : i64, sc.parallel_access}
    %add3A_154 = arith.constant 1680 : i32
    %add3A_155 = arith.addi %mul3A_2, %add3A_154 : i32
    %mul3A_156 = arith.constant 128 : i32
    %mul3A_157 = arith.muli %add3A_155, %mul3A_156 : i32
    %dma_start3A_158 = tpu.memref_slice %arg5[%mul3A_157] : memref<12800000xf32, #tpu.memory_space<hbm>> -> memref<30720xf32, #tpu.memory_space<hbm>>
    %dma_start3A_159 = tpu.memref_slice %arg5[%mul3A_157] : memref<12800000xf32, #tpu.memory_space<hbm>> -> memref<30720xf32, #tpu.memory_space<hbm>>
    tpu.enqueue_dma source(%arg9 : memref<30720xf32, #tpu.memory_space<vmem>>) target(%dma_start3A_159 : memref<30720xf32, #tpu.memory_space<hbm>>) target_semaphore(%arg17 : memref<!tpu.dma_semaphore, #tpu.memory_space<semaphore_mem>>)
    %dma_wait3A_160 = tpu.memref_slice %arg5[%mul3A_138] : memref<12800000xf32, #tpu.memory_space<hbm>> -> memref<30720xf32, #tpu.memory_space<hbm>>
    %dma_wait3A_161 = tpu.memref_slice %arg5[%mul3A_138] : memref<12800000xf32, #tpu.memory_space<hbm>> -> memref<30720xf32, #tpu.memory_space<hbm>>
    tpu.wait_dma2 semaphore(%arg16 : memref<!tpu.dma_semaphore, #tpu.memory_space<semaphore_mem>>) src(%arg8 : memref<30720xf32, #tpu.memory_space<vmem>>) dst(%dma_wait3A_161 : memref<30720xf32, #tpu.memory_space<hbm>>)
    %add3A_162 = arith.constant 2160 : i32
    %add3A_163 = arith.addi %mul3A_2, %add3A_162 : i32
    %mul3A_164 = arith.constant 128 : i32
    %mul3A_165 = arith.muli %add3A_163, %mul3A_164 : i32
    %dma_start3A_166 = tpu.memref_slice %arg2[%mul3A_165] : memref<12800000xf32, #tpu.memory_space<hbm>> -> memref<30720xf32, #tpu.memory_space<hbm>>
    %dma_start3A_167 = tpu.memref_slice %arg2[%mul3A_165] : memref<12800000xf32, #tpu.memory_space<hbm>> -> memref<30720xf32, #tpu.memory_space<hbm>>
    tpu.enqueue_dma source(%dma_start3A_167 : memref<30720xf32, #tpu.memory_space<hbm>>) target(%arg8 : memref<30720xf32, #tpu.memory_space<vmem>>) target_semaphore(%arg13 : memref<!tpu.dma_semaphore, #tpu.memory_space<semaphore_mem>>)
    %dma_wait3A_168 = tpu.memref_slice %arg2[%mul3A_146] : memref<12800000xf32, #tpu.memory_space<hbm>> -> memref<30720xf32, #tpu.memory_space<hbm>>
    %dma_wait3A_169 = tpu.memref_slice %arg2[%mul3A_146] : memref<12800000xf32, #tpu.memory_space<hbm>> -> memref<30720xf32, #tpu.memory_space<hbm>>
    tpu.wait_dma2 semaphore(%arg15 : memref<!tpu.dma_semaphore, #tpu.memory_space<semaphore_mem>>) src(%dma_wait3A_169 : memref<30720xf32, #tpu.memory_space<hbm>>) dst(%arg10 : memref<30720xf32, #tpu.memory_space<vmem>>)
    %parallel_loop3A_170 = arith.constant 0 : i32
    %parallel_loop3A_171 = arith.constant 240 : i32
    %parallel_loop3A_172 = arith.constant 1 : i32
    scf.for %parallel_loop3A_256 = %parallel_loop3A_170 to %parallel_loop3A_171 step %parallel_loop3A_172  : i32 {
      %parallel_loop3A_257 = arith.constant 1920 : i32
      %parallel_loop3A_258 = arith.addi %parallel_loop3A_257, %parallel_loop3A_256 : i32
      %parallel_loop3A_259 = arith.index_cast %parallel_loop3A_258 : i32 to index
      %parallel_loop3A_260 = tpu.vector_load %arg6[%parallel_loop3A_259] {strides = array<i32>} : memref<3136xi32, #tpu.memory_space<vmem>>, vector<16xi32>,
      %parallel_loop3A_261 = arith.constant 0 : i32
      %parallel_loop3A_262 = vector.broadcast %parallel_loop3A_261 : i32 to vector<16x1xi32>
      %parallel_loop3A_263 = vector.shape_cast %parallel_loop3A_262 : vector<16x1xi32> to vector<16xi32>
      %parallel_loop3A_264 = tpu.dynamic_gather %parallel_loop3A_260[%parallel_loop3A_263] in [0] : vector<16xi32>, vector<16xi32> -> vector<16xi32>
      %parallel_loop3A_265 = arith.constant 128 : i32
      %parallel_loop3A_266 = arith.muli %parallel_loop3A_256, %parallel_loop3A_265 : i32
      %parallel_loop3A_267 = tpu.iota {dimensions = array<i32: 0>} : vector<16xi32>
      %parallel_loop3A_268 = arith.addi %parallel_loop3A_264, %parallel_loop3A_267 : vector<16xi32>
      %parallel_loop3A_269 = tpu.vector_load_idx %arg7[%parallel_loop3A_268] : memref<8192xf32, #tpu.memory_space<vmem>>[vector<16xi32>], vector<16xf32>,
      %parallel_loop3A_270 = arith.constant 0 : i32
      %parallel_loop3A_271 = arith.addi %parallel_loop3A_266, %parallel_loop3A_270 : i32
      %parallel_loop3A_272 = arith.index_cast %parallel_loop3A_271 : i32 to index
      %parallel_loop3A_273 = tpu.vector_load %arg10[%parallel_loop3A_272] {strides = array<i32>} : memref<30720xf32, #tpu.memory_space<vmem>>, vector<16xf32>,
      tpu.vector_store %arg10[%parallel_loop3A_272], %parallel_loop3A_269 {add = true, strides = array<i32>} : memref<30720xf32, #tpu.memory_space<vmem>>, vector<16xf32>,
      %parallel_loop3A_274 = tpu.iota {dimensions = array<i32: 0>} : vector<16xi32>
      %parallel_loop3A_275 = arith.constant 16 : i32
      %parallel_loop3A_276 = vector.broadcast %parallel_loop3A_275 : i32 to vector<16xi32>
      %parallel_loop3A_277 = arith.addi %parallel_loop3A_276, %parallel_loop3A_274 : vector<16xi32>
      %parallel_loop3A_278 = arith.addi %parallel_loop3A_264, %parallel_loop3A_277 : vector<16xi32>
      %parallel_loop3A_279 = tpu.vector_load_idx %arg7[%parallel_loop3A_278] : memref<8192xf32, #tpu.memory_space<vmem>>[vector<16xi32>], vector<16xf32>,
      %parallel_loop3A_280 = arith.constant 16 : i32
      %parallel_loop3A_281 = arith.addi %parallel_loop3A_266, %parallel_loop3A_280 : i32
      %parallel_loop3A_282 = arith.index_cast %parallel_loop3A_281 : i32 to index
      %parallel_loop3A_283 = tpu.vector_load %arg10[%parallel_loop3A_282] {strides = array<i32>} : memref<30720xf32, #tpu.memory_space<vmem>>, vector<16xf32>,
      tpu.vector_store %arg10[%parallel_loop3A_282], %parallel_loop3A_279 {add = true, strides = array<i32>} : memref<30720xf32, #tpu.memory_space<vmem>>, vector<16xf32>,
      %parallel_loop3A_284 = tpu.iota {dimensions = array<i32: 0>} : vector<16xi32>
      %parallel_loop3A_285 = arith.constant 32 : i32
      %parallel_loop3A_286 = vector.broadcast %parallel_loop3A_285 : i32 to vector<16xi32>
      %parallel_loop3A_287 = arith.addi %parallel_loop3A_286, %parallel_loop3A_284 : vector<16xi32>
      %parallel_loop3A_288 = arith.addi %parallel_loop3A_264, %parallel_loop3A_287 : vector<16xi32>
      %parallel_loop3A_289 = tpu.vector_load_idx %arg7[%parallel_loop3A_288] : memref<8192xf32, #tpu.memory_space<vmem>>[vector<16xi32>], vector<16xf32>,
      %parallel_loop3A_290 = arith.constant 32 : i32
      %parallel_loop3A_291 = arith.addi %parallel_loop3A_266, %parallel_loop3A_290 : i32
      %parallel_loop3A_292 = arith.index_cast %parallel_loop3A_291 : i32 to index
      %parallel_loop3A_293 = tpu.vector_load %arg10[%parallel_loop3A_292] {strides = array<i32>} : memref<30720xf32, #tpu.memory_space<vmem>>, vector<16xf32>,
      tpu.vector_store %arg10[%parallel_loop3A_292], %parallel_loop3A_289 {add = true, strides = array<i32>} : memref<30720xf32, #tpu.memory_space<vmem>>, vector<16xf32>,
      %parallel_loop3A_294 = tpu.iota {dimensions = array<i32: 0>} : vector<16xi32>
      %parallel_loop3A_295 = arith.constant 48 : i32
      %parallel_loop3A_296 = vector.broadcast %parallel_loop3A_295 : i32 to vector<16xi32>
      %parallel_loop3A_297 = arith.addi %parallel_loop3A_296, %parallel_loop3A_294 : vector<16xi32>
      %parallel_loop3A_298 = arith.addi %parallel_loop3A_264, %parallel_loop3A_297 : vector<16xi32>
      %parallel_loop3A_299 = tpu.vector_load_idx %arg7[%parallel_loop3A_298] : memref<8192xf32, #tpu.memory_space<vmem>>[vector<16xi32>], vector<16xf32>,
      %parallel_loop3A_300 = arith.constant 48 : i32
      %parallel_loop3A_301 = arith.addi %parallel_loop3A_266, %parallel_loop3A_300 : i32
      %parallel_loop3A_302 = arith.index_cast %parallel_loop3A_301 : i32 to index
      %parallel_loop3A_303 = tpu.vector_load %arg10[%parallel_loop3A_302] {strides = array<i32>} : memref<30720xf32, #tpu.memory_space<vmem>>, vector<16xf32>,
      tpu.vector_store %arg10[%parallel_loop3A_302], %parallel_loop3A_299 {add = true, strides = array<i32>} : memref<30720xf32, #tpu.memory_space<vmem>>, vector<16xf32>,
      %parallel_loop3A_304 = tpu.iota {dimensions = array<i32: 0>} : vector<16xi32>
      %parallel_loop3A_305 = arith.constant 64 : i32
      %parallel_loop3A_306 = vector.broadcast %parallel_loop3A_305 : i32 to vector<16xi32>
      %parallel_loop3A_307 = arith.addi %parallel_loop3A_306, %parallel_loop3A_304 : vector<16xi32>
      %parallel_loop3A_308 = arith.addi %parallel_loop3A_264, %parallel_loop3A_307 : vector<16xi32>
      %parallel_loop3A_309 = tpu.vector_load_idx %arg7[%parallel_loop3A_308] : memref<8192xf32, #tpu.memory_space<vmem>>[vector<16xi32>], vector<16xf32>,
      %parallel_loop3A_310 = arith.constant 64 : i32
      %parallel_loop3A_311 = arith.addi %parallel_loop3A_266, %parallel_loop3A_310 : i32
      %parallel_loop3A_312 = arith.index_cast %parallel_loop3A_311 : i32 to index
      %parallel_loop3A_313 = tpu.vector_load %arg10[%parallel_loop3A_312] {strides = array<i32>} : memref<30720xf32, #tpu.memory_space<vmem>>, vector<16xf32>,
      tpu.vector_store %arg10[%parallel_loop3A_312], %parallel_loop3A_309 {add = true, strides = array<i32>} : memref<30720xf32, #tpu.memory_space<vmem>>, vector<16xf32>,
      %parallel_loop3A_314 = tpu.iota {dimensions = array<i32: 0>} : vector<16xi32>
      %parallel_loop3A_315 = arith.constant 80 : i32
      %parallel_loop3A_316 = vector.broadcast %parallel_loop3A_315 : i32 to vector<16xi32>
      %parallel_loop3A_317 = arith.addi %parallel_loop3A_316, %parallel_loop3A_314 : vector<16xi32>
      %parallel_loop3A_318 = arith.addi %parallel_loop3A_264, %parallel_loop3A_317 : vector<16xi32>
      %parallel_loop3A_319 = tpu.vector_load_idx %arg7[%parallel_loop3A_318] : memref<8192xf32, #tpu.memory_space<vmem>>[vector<16xi32>], vector<16xf32>,
      %parallel_loop3A_320 = arith.constant 80 : i32
      %parallel_loop3A_321 = arith.addi %parallel_loop3A_266, %parallel_loop3A_320 : i32
      %parallel_loop3A_322 = arith.index_cast %parallel_loop3A_321 : i32 to index
      %parallel_loop3A_323 = tpu.vector_load %arg10[%parallel_loop3A_322] {strides = array<i32>} : memref<30720xf32, #tpu.memory_space<vmem>>, vector<16xf32>,
      tpu.vector_store %arg10[%parallel_loop3A_322], %parallel_loop3A_319 {add = true, strides = array<i32>} : memref<30720xf32, #tpu.memory_space<vmem>>, vector<16xf32>,
      %parallel_loop3A_324 = tpu.iota {dimensions = array<i32: 0>} : vector<16xi32>
      %parallel_loop3A_325 = arith.constant 96 : i32
      %parallel_loop3A_326 = vector.broadcast %parallel_loop3A_325 : i32 to vector<16xi32>
      %parallel_loop3A_327 = arith.addi %parallel_loop3A_326, %parallel_loop3A_324 : vector<16xi32>
      %parallel_loop3A_328 = arith.addi %parallel_loop3A_264, %parallel_loop3A_327 : vector<16xi32>
      %parallel_loop3A_329 = tpu.vector_load_idx %arg7[%parallel_loop3A_328] : memref<8192xf32, #tpu.memory_space<vmem>>[vector<16xi32>], vector<16xf32>,
      %parallel_loop3A_330 = arith.constant 96 : i32
      %parallel_loop3A_331 = arith.addi %parallel_loop3A_266, %parallel_loop3A_330 : i32
      %parallel_loop3A_332 = arith.index_cast %parallel_loop3A_331 : i32 to index
      %parallel_loop3A_333 = tpu.vector_load %arg10[%parallel_loop3A_332] {strides = array<i32>} : memref<30720xf32, #tpu.memory_space<vmem>>, vector<16xf32>,
      tpu.vector_store %arg10[%parallel_loop3A_332], %parallel_loop3A_329 {add = true, strides = array<i32>} : memref<30720xf32, #tpu.memory_space<vmem>>, vector<16xf32>,
      %parallel_loop3A_334 = tpu.iota {dimensions = array<i32: 0>} : vector<16xi32>
      %parallel_loop3A_335 = arith.constant 112 : i32
      %parallel_loop3A_336 = vector.broadcast %parallel_loop3A_335 : i32 to vector<16xi32>
      %parallel_loop3A_337 = arith.addi %parallel_loop3A_336, %parallel_loop3A_334 : vector<16xi32>
      %parallel_loop3A_338 = arith.addi %parallel_loop3A_264, %parallel_loop3A_337 : vector<16xi32>
      %parallel_loop3A_339 = tpu.vector_load_idx %arg7[%parallel_loop3A_338] : memref<8192xf32, #tpu.memory_space<vmem>>[vector<16xi32>], vector<16xf32>,
      %parallel_loop3A_340 = arith.constant 112 : i32
      %parallel_loop3A_341 = arith.addi %parallel_loop3A_266, %parallel_loop3A_340 : i32
      %parallel_loop3A_342 = arith.index_cast %parallel_loop3A_341 : i32 to index
      %parallel_loop3A_343 = tpu.vector_load %arg10[%parallel_loop3A_342] {strides = array<i32>} : memref<30720xf32, #tpu.memory_space<vmem>>, vector<16xf32>,
      tpu.vector_store %arg10[%parallel_loop3A_342], %parallel_loop3A_339 {add = true, strides = array<i32>} : memref<30720xf32, #tpu.memory_space<vmem>>, vector<16xf32>,
    } {sc.loop_unroll_factor = 3 : i64, sc.parallel_access}
    %add3A_173 = arith.constant 1920 : i32
    %add3A_174 = arith.addi %mul3A_2, %add3A_173 : i32
    %mul3A_175 = arith.constant 128 : i32
    %mul3A_176 = arith.muli %add3A_174, %mul3A_175 : i32
    %dma_start3A_177 = tpu.memref_slice %arg5[%mul3A_176] : memref<12800000xf32, #tpu.memory_space<hbm>> -> memref<30720xf32, #tpu.memory_space<hbm>>
    %dma_start3A_178 = tpu.memref_slice %arg5[%mul3A_176] : memref<12800000xf32, #tpu.memory_space<hbm>> -> memref<30720xf32, #tpu.memory_space<hbm>>
    tpu.enqueue_dma source(%arg10 : memref<30720xf32, #tpu.memory_space<vmem>>) target(%dma_start3A_178 : memref<30720xf32, #tpu.memory_space<hbm>>) target_semaphore(%arg18 : memref<!tpu.dma_semaphore, #tpu.memory_space<semaphore_mem>>)
    %dma_wait3A_179 = tpu.memref_slice %arg5[%mul3A_157] : memref<12800000xf32, #tpu.memory_space<hbm>> -> memref<30720xf32, #tpu.memory_space<hbm>>
    %dma_wait3A_180 = tpu.memref_slice %arg5[%mul3A_157] : memref<12800000xf32, #tpu.memory_space<hbm>> -> memref<30720xf32, #tpu.memory_space<hbm>>
    tpu.wait_dma2 semaphore(%arg17 : memref<!tpu.dma_semaphore, #tpu.memory_space<semaphore_mem>>) src(%arg9 : memref<30720xf32, #tpu.memory_space<vmem>>) dst(%dma_wait3A_180 : memref<30720xf32, #tpu.memory_space<hbm>>)
    %add3A_181 = arith.constant 2400 : i32
    %add3A_182 = arith.addi %mul3A_2, %add3A_181 : i32
    %mul3A_183 = arith.constant 128 : i32
    %mul3A_184 = arith.muli %add3A_182, %mul3A_183 : i32
    %dma_start3A_185 = tpu.memref_slice %arg2[%mul3A_184] : memref<12800000xf32, #tpu.memory_space<hbm>> -> memref<30720xf32, #tpu.memory_space<hbm>>
    %dma_start3A_186 = tpu.memref_slice %arg2[%mul3A_184] : memref<12800000xf32, #tpu.memory_space<hbm>> -> memref<30720xf32, #tpu.memory_space<hbm>>
    tpu.enqueue_dma source(%dma_start3A_186 : memref<30720xf32, #tpu.memory_space<hbm>>) target(%arg9 : memref<30720xf32, #tpu.memory_space<vmem>>) target_semaphore(%arg14 : memref<!tpu.dma_semaphore, #tpu.memory_space<semaphore_mem>>)
    %dma_wait3A_187 = tpu.memref_slice %arg2[%mul3A_165] : memref<12800000xf32, #tpu.memory_space<hbm>> -> memref<30720xf32, #tpu.memory_space<hbm>>
    %dma_wait3A_188 = tpu.memref_slice %arg2[%mul3A_165] : memref<12800000xf32, #tpu.memory_space<hbm>> -> memref<30720xf32, #tpu.memory_space<hbm>>
    tpu.wait_dma2 semaphore(%arg13 : memref<!tpu.dma_semaphore, #tpu.memory_space<semaphore_mem>>) src(%dma_wait3A_188 : memref<30720xf32, #tpu.memory_space<hbm>>) dst(%arg8 : memref<30720xf32, #tpu.memory_space<vmem>>)
    %parallel_loop3A_189 = arith.constant 0 : i32
    %parallel_loop3A_190 = arith.constant 240 : i32
    %parallel_loop3A_191 = arith.constant 1 : i32
    scf.for %parallel_loop3A_256 = %parallel_loop3A_189 to %parallel_loop3A_190 step %parallel_loop3A_191  : i32 {
      %parallel_loop3A_257 = arith.constant 2160 : i32
      %parallel_loop3A_258 = arith.addi %parallel_loop3A_257, %parallel_loop3A_256 : i32
      %parallel_loop3A_259 = arith.index_cast %parallel_loop3A_258 : i32 to index
      %parallel_loop3A_260 = tpu.vector_load %arg6[%parallel_loop3A_259] {strides = array<i32>} : memref<3136xi32, #tpu.memory_space<vmem>>, vector<16xi32>,
      %parallel_loop3A_261 = arith.constant 0 : i32
      %parallel_loop3A_262 = vector.broadcast %parallel_loop3A_261 : i32 to vector<16x1xi32>
      %parallel_loop3A_263 = vector.shape_cast %parallel_loop3A_262 : vector<16x1xi32> to vector<16xi32>
      %parallel_loop3A_264 = tpu.dynamic_gather %parallel_loop3A_260[%parallel_loop3A_263] in [0] : vector<16xi32>, vector<16xi32> -> vector<16xi32>
      %parallel_loop3A_265 = arith.constant 128 : i32
      %parallel_loop3A_266 = arith.muli %parallel_loop3A_256, %parallel_loop3A_265 : i32
      %parallel_loop3A_267 = tpu.iota {dimensions = array<i32: 0>} : vector<16xi32>
      %parallel_loop3A_268 = arith.addi %parallel_loop3A_264, %parallel_loop3A_267 : vector<16xi32>
      %parallel_loop3A_269 = tpu.vector_load_idx %arg7[%parallel_loop3A_268] : memref<8192xf32, #tpu.memory_space<vmem>>[vector<16xi32>], vector<16xf32>,
      %parallel_loop3A_270 = arith.constant 0 : i32
      %parallel_loop3A_271 = arith.addi %parallel_loop3A_266, %parallel_loop3A_270 : i32
      %parallel_loop3A_272 = arith.index_cast %parallel_loop3A_271 : i32 to index
      %parallel_loop3A_273 = tpu.vector_load %arg8[%parallel_loop3A_272] {strides = array<i32>} : memref<30720xf32, #tpu.memory_space<vmem>>, vector<16xf32>,
      tpu.vector_store %arg8[%parallel_loop3A_272], %parallel_loop3A_269 {add = true, strides = array<i32>} : memref<30720xf32, #tpu.memory_space<vmem>>, vector<16xf32>,
      %parallel_loop3A_274 = tpu.iota {dimensions = array<i32: 0>} : vector<16xi32>
      %parallel_loop3A_275 = arith.constant 16 : i32
      %parallel_loop3A_276 = vector.broadcast %parallel_loop3A_275 : i32 to vector<16xi32>
      %parallel_loop3A_277 = arith.addi %parallel_loop3A_276, %parallel_loop3A_274 : vector<16xi32>
      %parallel_loop3A_278 = arith.addi %parallel_loop3A_264, %parallel_loop3A_277 : vector<16xi32>
      %parallel_loop3A_279 = tpu.vector_load_idx %arg7[%parallel_loop3A_278] : memref<8192xf32, #tpu.memory_space<vmem>>[vector<16xi32>], vector<16xf32>,
      %parallel_loop3A_280 = arith.constant 16 : i32
      %parallel_loop3A_281 = arith.addi %parallel_loop3A_266, %parallel_loop3A_280 : i32
      %parallel_loop3A_282 = arith.index_cast %parallel_loop3A_281 : i32 to index
      %parallel_loop3A_283 = tpu.vector_load %arg8[%parallel_loop3A_282] {strides = array<i32>} : memref<30720xf32, #tpu.memory_space<vmem>>, vector<16xf32>,
      tpu.vector_store %arg8[%parallel_loop3A_282], %parallel_loop3A_279 {add = true, strides = array<i32>} : memref<30720xf32, #tpu.memory_space<vmem>>, vector<16xf32>,
      %parallel_loop3A_284 = tpu.iota {dimensions = array<i32: 0>} : vector<16xi32>
      %parallel_loop3A_285 = arith.constant 32 : i32
      %parallel_loop3A_286 = vector.broadcast %parallel_loop3A_285 : i32 to vector<16xi32>
      %parallel_loop3A_287 = arith.addi %parallel_loop3A_286, %parallel_loop3A_284 : vector<16xi32>
      %parallel_loop3A_288 = arith.addi %parallel_loop3A_264, %parallel_loop3A_287 : vector<16xi32>
      %parallel_loop3A_289 = tpu.vector_load_idx %arg7[%parallel_loop3A_288] : memref<8192xf32, #tpu.memory_space<vmem>>[vector<16xi32>], vector<16xf32>,
      %parallel_loop3A_290 = arith.constant 32 : i32
      %parallel_loop3A_291 = arith.addi %parallel_loop3A_266, %parallel_loop3A_290 : i32
      %parallel_loop3A_292 = arith.index_cast %parallel_loop3A_291 : i32 to index
      %parallel_loop3A_293 = tpu.vector_load %arg8[%parallel_loop3A_292] {strides = array<i32>} : memref<30720xf32, #tpu.memory_space<vmem>>, vector<16xf32>,
      tpu.vector_store %arg8[%parallel_loop3A_292], %parallel_loop3A_289 {add = true, strides = array<i32>} : memref<30720xf32, #tpu.memory_space<vmem>>, vector<16xf32>,
      %parallel_loop3A_294 = tpu.iota {dimensions = array<i32: 0>} : vector<16xi32>
      %parallel_loop3A_295 = arith.constant 48 : i32
      %parallel_loop3A_296 = vector.broadcast %parallel_loop3A_295 : i32 to vector<16xi32>
      %parallel_loop3A_297 = arith.addi %parallel_loop3A_296, %parallel_loop3A_294 : vector<16xi32>
      %parallel_loop3A_298 = arith.addi %parallel_loop3A_264, %parallel_loop3A_297 : vector<16xi32>
      %parallel_loop3A_299 = tpu.vector_load_idx %arg7[%parallel_loop3A_298] : memref<8192xf32, #tpu.memory_space<vmem>>[vector<16xi32>], vector<16xf32>,
      %parallel_loop3A_300 = arith.constant 48 : i32
      %parallel_loop3A_301 = arith.addi %parallel_loop3A_266, %parallel_loop3A_300 : i32
      %parallel_loop3A_302 = arith.index_cast %parallel_loop3A_301 : i32 to index
      %parallel_loop3A_303 = tpu.vector_load %arg8[%parallel_loop3A_302] {strides = array<i32>} : memref<30720xf32, #tpu.memory_space<vmem>>, vector<16xf32>,
      tpu.vector_store %arg8[%parallel_loop3A_302], %parallel_loop3A_299 {add = true, strides = array<i32>} : memref<30720xf32, #tpu.memory_space<vmem>>, vector<16xf32>,
      %parallel_loop3A_304 = tpu.iota {dimensions = array<i32: 0>} : vector<16xi32>
      %parallel_loop3A_305 = arith.constant 64 : i32
      %parallel_loop3A_306 = vector.broadcast %parallel_loop3A_305 : i32 to vector<16xi32>
      %parallel_loop3A_307 = arith.addi %parallel_loop3A_306, %parallel_loop3A_304 : vector<16xi32>
      %parallel_loop3A_308 = arith.addi %parallel_loop3A_264, %parallel_loop3A_307 : vector<16xi32>
      %parallel_loop3A_309 = tpu.vector_load_idx %arg7[%parallel_loop3A_308] : memref<8192xf32, #tpu.memory_space<vmem>>[vector<16xi32>], vector<16xf32>,
      %parallel_loop3A_310 = arith.constant 64 : i32
      %parallel_loop3A_311 = arith.addi %parallel_loop3A_266, %parallel_loop3A_310 : i32
      %parallel_loop3A_312 = arith.index_cast %parallel_loop3A_311 : i32 to index
      %parallel_loop3A_313 = tpu.vector_load %arg8[%parallel_loop3A_312] {strides = array<i32>} : memref<30720xf32, #tpu.memory_space<vmem>>, vector<16xf32>,
      tpu.vector_store %arg8[%parallel_loop3A_312], %parallel_loop3A_309 {add = true, strides = array<i32>} : memref<30720xf32, #tpu.memory_space<vmem>>, vector<16xf32>,
      %parallel_loop3A_314 = tpu.iota {dimensions = array<i32: 0>} : vector<16xi32>
      %parallel_loop3A_315 = arith.constant 80 : i32
      %parallel_loop3A_316 = vector.broadcast %parallel_loop3A_315 : i32 to vector<16xi32>
      %parallel_loop3A_317 = arith.addi %parallel_loop3A_316, %parallel_loop3A_314 : vector<16xi32>
      %parallel_loop3A_318 = arith.addi %parallel_loop3A_264, %parallel_loop3A_317 : vector<16xi32>
      %parallel_loop3A_319 = tpu.vector_load_idx %arg7[%parallel_loop3A_318] : memref<8192xf32, #tpu.memory_space<vmem>>[vector<16xi32>], vector<16xf32>,
      %parallel_loop3A_320 = arith.constant 80 : i32
      %parallel_loop3A_321 = arith.addi %parallel_loop3A_266, %parallel_loop3A_320 : i32
      %parallel_loop3A_322 = arith.index_cast %parallel_loop3A_321 : i32 to index
      %parallel_loop3A_323 = tpu.vector_load %arg8[%parallel_loop3A_322] {strides = array<i32>} : memref<30720xf32, #tpu.memory_space<vmem>>, vector<16xf32>,
      tpu.vector_store %arg8[%parallel_loop3A_322], %parallel_loop3A_319 {add = true, strides = array<i32>} : memref<30720xf32, #tpu.memory_space<vmem>>, vector<16xf32>,
      %parallel_loop3A_324 = tpu.iota {dimensions = array<i32: 0>} : vector<16xi32>
      %parallel_loop3A_325 = arith.constant 96 : i32
      %parallel_loop3A_326 = vector.broadcast %parallel_loop3A_325 : i32 to vector<16xi32>
      %parallel_loop3A_327 = arith.addi %parallel_loop3A_326, %parallel_loop3A_324 : vector<16xi32>
      %parallel_loop3A_328 = arith.addi %parallel_loop3A_264, %parallel_loop3A_327 : vector<16xi32>
      %parallel_loop3A_329 = tpu.vector_load_idx %arg7[%parallel_loop3A_328] : memref<8192xf32, #tpu.memory_space<vmem>>[vector<16xi32>], vector<16xf32>,
      %parallel_loop3A_330 = arith.constant 96 : i32
      %parallel_loop3A_331 = arith.addi %parallel_loop3A_266, %parallel_loop3A_330 : i32
      %parallel_loop3A_332 = arith.index_cast %parallel_loop3A_331 : i32 to index
      %parallel_loop3A_333 = tpu.vector_load %arg8[%parallel_loop3A_332] {strides = array<i32>} : memref<30720xf32, #tpu.memory_space<vmem>>, vector<16xf32>,
      tpu.vector_store %arg8[%parallel_loop3A_332], %parallel_loop3A_329 {add = true, strides = array<i32>} : memref<30720xf32, #tpu.memory_space<vmem>>, vector<16xf32>,
      %parallel_loop3A_334 = tpu.iota {dimensions = array<i32: 0>} : vector<16xi32>
      %parallel_loop3A_335 = arith.constant 112 : i32
      %parallel_loop3A_336 = vector.broadcast %parallel_loop3A_335 : i32 to vector<16xi32>
      %parallel_loop3A_337 = arith.addi %parallel_loop3A_336, %parallel_loop3A_334 : vector<16xi32>
      %parallel_loop3A_338 = arith.addi %parallel_loop3A_264, %parallel_loop3A_337 : vector<16xi32>
      %parallel_loop3A_339 = tpu.vector_load_idx %arg7[%parallel_loop3A_338] : memref<8192xf32, #tpu.memory_space<vmem>>[vector<16xi32>], vector<16xf32>,
      %parallel_loop3A_340 = arith.constant 112 : i32
      %parallel_loop3A_341 = arith.addi %parallel_loop3A_266, %parallel_loop3A_340 : i32
      %parallel_loop3A_342 = arith.index_cast %parallel_loop3A_341 : i32 to index
      %parallel_loop3A_343 = tpu.vector_load %arg8[%parallel_loop3A_342] {strides = array<i32>} : memref<30720xf32, #tpu.memory_space<vmem>>, vector<16xf32>,
      tpu.vector_store %arg8[%parallel_loop3A_342], %parallel_loop3A_339 {add = true, strides = array<i32>} : memref<30720xf32, #tpu.memory_space<vmem>>, vector<16xf32>,
    } {sc.loop_unroll_factor = 3 : i64, sc.parallel_access}
    %add3A_192 = arith.constant 2160 : i32
    %add3A_193 = arith.addi %mul3A_2, %add3A_192 : i32
    %mul3A_194 = arith.constant 128 : i32
    %mul3A_195 = arith.muli %add3A_193, %mul3A_194 : i32
    %dma_start3A_196 = tpu.memref_slice %arg5[%mul3A_195] : memref<12800000xf32, #tpu.memory_space<hbm>> -> memref<30720xf32, #tpu.memory_space<hbm>>
    %dma_start3A_197 = tpu.memref_slice %arg5[%mul3A_195] : memref<12800000xf32, #tpu.memory_space<hbm>> -> memref<30720xf32, #tpu.memory_space<hbm>>
    tpu.enqueue_dma source(%arg8 : memref<30720xf32, #tpu.memory_space<vmem>>) target(%dma_start3A_197 : memref<30720xf32, #tpu.memory_space<hbm>>) target_semaphore(%arg16 : memref<!tpu.dma_semaphore, #tpu.memory_space<semaphore_mem>>)
    %dma_wait3A_198 = tpu.memref_slice %arg5[%mul3A_176] : memref<12800000xf32, #tpu.memory_space<hbm>> -> memref<30720xf32, #tpu.memory_space<hbm>>
    %dma_wait3A_199 = tpu.memref_slice %arg5[%mul3A_176] : memref<12800000xf32, #tpu.memory_space<hbm>> -> memref<30720xf32, #tpu.memory_space<hbm>>
    tpu.wait_dma2 semaphore(%arg18 : memref<!tpu.dma_semaphore, #tpu.memory_space<semaphore_mem>>) src(%arg10 : memref<30720xf32, #tpu.memory_space<vmem>>) dst(%dma_wait3A_199 : memref<30720xf32, #tpu.memory_space<hbm>>)
    %add3A_200 = arith.constant 2640 : i32
    %add3A_201 = arith.addi %mul3A_2, %add3A_200 : i32
    %mul3A_202 = arith.constant 128 : i32
    %mul3A_203 = arith.muli %add3A_201, %mul3A_202 : i32
    %dma_start3A_204 = tpu.memref_slice %arg2[%mul3A_203] : memref<12800000xf32, #tpu.memory_space<hbm>> -> memref<30720xf32, #tpu.memory_space<hbm>>
    %dma_start3A_205 = tpu.memref_slice %arg2[%mul3A_203] : memref<12800000xf32, #tpu.memory_space<hbm>> -> memref<30720xf32, #tpu.memory_space<hbm>>
    tpu.enqueue_dma source(%dma_start3A_205 : memref<30720xf32, #tpu.memory_space<hbm>>) target(%arg10 : memref<30720xf32, #tpu.memory_space<vmem>>) target_semaphore(%arg15 : memref<!tpu.dma_semaphore, #tpu.memory_space<semaphore_mem>>)
    %dma_wait3A_206 = tpu.memref_slice %arg2[%mul3A_184] : memref<12800000xf32, #tpu.memory_space<hbm>> -> memref<30720xf32, #tpu.memory_space<hbm>>
    %dma_wait3A_207 = tpu.memref_slice %arg2[%mul3A_184] : memref<12800000xf32, #tpu.memory_space<hbm>> -> memref<30720xf32, #tpu.memory_space<hbm>>
    tpu.wait_dma2 semaphore(%arg14 : memref<!tpu.dma_semaphore, #tpu.memory_space<semaphore_mem>>) src(%dma_wait3A_207 : memref<30720xf32, #tpu.memory_space<hbm>>) dst(%arg9 : memref<30720xf32, #tpu.memory_space<vmem>>)
    %parallel_loop3A_208 = arith.constant 0 : i32
    %parallel_loop3A_209 = arith.constant 240 : i32
    %parallel_loop3A_210 = arith.constant 1 : i32
    scf.for %parallel_loop3A_256 = %parallel_loop3A_208 to %parallel_loop3A_209 step %parallel_loop3A_210  : i32 {
      %parallel_loop3A_257 = arith.constant 2400 : i32
      %parallel_loop3A_258 = arith.addi %parallel_loop3A_257, %parallel_loop3A_256 : i32
      %parallel_loop3A_259 = arith.index_cast %parallel_loop3A_258 : i32 to index
      %parallel_loop3A_260 = tpu.vector_load %arg6[%parallel_loop3A_259] {strides = array<i32>} : memref<3136xi32, #tpu.memory_space<vmem>>, vector<16xi32>,
      %parallel_loop3A_261 = arith.constant 0 : i32
      %parallel_loop3A_262 = vector.broadcast %parallel_loop3A_261 : i32 to vector<16x1xi32>
      %parallel_loop3A_263 = vector.shape_cast %parallel_loop3A_262 : vector<16x1xi32> to vector<16xi32>
      %parallel_loop3A_264 = tpu.dynamic_gather %parallel_loop3A_260[%parallel_loop3A_263] in [0] : vector<16xi32>, vector<16xi32> -> vector<16xi32>
      %parallel_loop3A_265 = arith.constant 128 : i32
      %parallel_loop3A_266 = arith.muli %parallel_loop3A_256, %parallel_loop3A_265 : i32
      %parallel_loop3A_267 = tpu.iota {dimensions = array<i32: 0>} : vector<16xi32>
      %parallel_loop3A_268 = arith.addi %parallel_loop3A_264, %parallel_loop3A_267 : vector<16xi32>
      %parallel_loop3A_269 = tpu.vector_load_idx %arg7[%parallel_loop3A_268] : memref<8192xf32, #tpu.memory_space<vmem>>[vector<16xi32>], vector<16xf32>,
      %parallel_loop3A_270 = arith.constant 0 : i32
      %parallel_loop3A_271 = arith.addi %parallel_loop3A_266, %parallel_loop3A_270 : i32
      %parallel_loop3A_272 = arith.index_cast %parallel_loop3A_271 : i32 to index
      %parallel_loop3A_273 = tpu.vector_load %arg9[%parallel_loop3A_272] {strides = array<i32>} : memref<30720xf32, #tpu.memory_space<vmem>>, vector<16xf32>,
      tpu.vector_store %arg9[%parallel_loop3A_272], %parallel_loop3A_269 {add = true, strides = array<i32>} : memref<30720xf32, #tpu.memory_space<vmem>>, vector<16xf32>,
      %parallel_loop3A_274 = tpu.iota {dimensions = array<i32: 0>} : vector<16xi32>
      %parallel_loop3A_275 = arith.constant 16 : i32
      %parallel_loop3A_276 = vector.broadcast %parallel_loop3A_275 : i32 to vector<16xi32>
      %parallel_loop3A_277 = arith.addi %parallel_loop3A_276, %parallel_loop3A_274 : vector<16xi32>
      %parallel_loop3A_278 = arith.addi %parallel_loop3A_264, %parallel_loop3A_277 : vector<16xi32>
      %parallel_loop3A_279 = tpu.vector_load_idx %arg7[%parallel_loop3A_278] : memref<8192xf32, #tpu.memory_space<vmem>>[vector<16xi32>], vector<16xf32>,
      %parallel_loop3A_280 = arith.constant 16 : i32
      %parallel_loop3A_281 = arith.addi %parallel_loop3A_266, %parallel_loop3A_280 : i32
      %parallel_loop3A_282 = arith.index_cast %parallel_loop3A_281 : i32 to index
      %parallel_loop3A_283 = tpu.vector_load %arg9[%parallel_loop3A_282] {strides = array<i32>} : memref<30720xf32, #tpu.memory_space<vmem>>, vector<16xf32>,
      tpu.vector_store %arg9[%parallel_loop3A_282], %parallel_loop3A_279 {add = true, strides = array<i32>} : memref<30720xf32, #tpu.memory_space<vmem>>, vector<16xf32>,
      %parallel_loop3A_284 = tpu.iota {dimensions = array<i32: 0>} : vector<16xi32>
      %parallel_loop3A_285 = arith.constant 32 : i32
      %parallel_loop3A_286 = vector.broadcast %parallel_loop3A_285 : i32 to vector<16xi32>
      %parallel_loop3A_287 = arith.addi %parallel_loop3A_286, %parallel_loop3A_284 : vector<16xi32>
      %parallel_loop3A_288 = arith.addi %parallel_loop3A_264, %parallel_loop3A_287 : vector<16xi32>
      %parallel_loop3A_289 = tpu.vector_load_idx %arg7[%parallel_loop3A_288] : memref<8192xf32, #tpu.memory_space<vmem>>[vector<16xi32>], vector<16xf32>,
      %parallel_loop3A_290 = arith.constant 32 : i32
      %parallel_loop3A_291 = arith.addi %parallel_loop3A_266, %parallel_loop3A_290 : i32
      %parallel_loop3A_292 = arith.index_cast %parallel_loop3A_291 : i32 to index
      %parallel_loop3A_293 = tpu.vector_load %arg9[%parallel_loop3A_292] {strides = array<i32>} : memref<30720xf32, #tpu.memory_space<vmem>>, vector<16xf32>,
      tpu.vector_store %arg9[%parallel_loop3A_292], %parallel_loop3A_289 {add = true, strides = array<i32>} : memref<30720xf32, #tpu.memory_space<vmem>>, vector<16xf32>,
      %parallel_loop3A_294 = tpu.iota {dimensions = array<i32: 0>} : vector<16xi32>
      %parallel_loop3A_295 = arith.constant 48 : i32
      %parallel_loop3A_296 = vector.broadcast %parallel_loop3A_295 : i32 to vector<16xi32>
      %parallel_loop3A_297 = arith.addi %parallel_loop3A_296, %parallel_loop3A_294 : vector<16xi32>
      %parallel_loop3A_298 = arith.addi %parallel_loop3A_264, %parallel_loop3A_297 : vector<16xi32>
      %parallel_loop3A_299 = tpu.vector_load_idx %arg7[%parallel_loop3A_298] : memref<8192xf32, #tpu.memory_space<vmem>>[vector<16xi32>], vector<16xf32>,
      %parallel_loop3A_300 = arith.constant 48 : i32
      %parallel_loop3A_301 = arith.addi %parallel_loop3A_266, %parallel_loop3A_300 : i32
      %parallel_loop3A_302 = arith.index_cast %parallel_loop3A_301 : i32 to index
      %parallel_loop3A_303 = tpu.vector_load %arg9[%parallel_loop3A_302] {strides = array<i32>} : memref<30720xf32, #tpu.memory_space<vmem>>, vector<16xf32>,
      tpu.vector_store %arg9[%parallel_loop3A_302], %parallel_loop3A_299 {add = true, strides = array<i32>} : memref<30720xf32, #tpu.memory_space<vmem>>, vector<16xf32>,
      %parallel_loop3A_304 = tpu.iota {dimensions = array<i32: 0>} : vector<16xi32>
      %parallel_loop3A_305 = arith.constant 64 : i32
      %parallel_loop3A_306 = vector.broadcast %parallel_loop3A_305 : i32 to vector<16xi32>
      %parallel_loop3A_307 = arith.addi %parallel_loop3A_306, %parallel_loop3A_304 : vector<16xi32>
      %parallel_loop3A_308 = arith.addi %parallel_loop3A_264, %parallel_loop3A_307 : vector<16xi32>
      %parallel_loop3A_309 = tpu.vector_load_idx %arg7[%parallel_loop3A_308] : memref<8192xf32, #tpu.memory_space<vmem>>[vector<16xi32>], vector<16xf32>,
      %parallel_loop3A_310 = arith.constant 64 : i32
      %parallel_loop3A_311 = arith.addi %parallel_loop3A_266, %parallel_loop3A_310 : i32
      %parallel_loop3A_312 = arith.index_cast %parallel_loop3A_311 : i32 to index
      %parallel_loop3A_313 = tpu.vector_load %arg9[%parallel_loop3A_312] {strides = array<i32>} : memref<30720xf32, #tpu.memory_space<vmem>>, vector<16xf32>,
      tpu.vector_store %arg9[%parallel_loop3A_312], %parallel_loop3A_309 {add = true, strides = array<i32>} : memref<30720xf32, #tpu.memory_space<vmem>>, vector<16xf32>,
      %parallel_loop3A_314 = tpu.iota {dimensions = array<i32: 0>} : vector<16xi32>
      %parallel_loop3A_315 = arith.constant 80 : i32
      %parallel_loop3A_316 = vector.broadcast %parallel_loop3A_315 : i32 to vector<16xi32>
      %parallel_loop3A_317 = arith.addi %parallel_loop3A_316, %parallel_loop3A_314 : vector<16xi32>
      %parallel_loop3A_318 = arith.addi %parallel_loop3A_264, %parallel_loop3A_317 : vector<16xi32>
      %parallel_loop3A_319 = tpu.vector_load_idx %arg7[%parallel_loop3A_318] : memref<8192xf32, #tpu.memory_space<vmem>>[vector<16xi32>], vector<16xf32>,
      %parallel_loop3A_320 = arith.constant 80 : i32
      %parallel_loop3A_321 = arith.addi %parallel_loop3A_266, %parallel_loop3A_320 : i32
      %parallel_loop3A_322 = arith.index_cast %parallel_loop3A_321 : i32 to index
      %parallel_loop3A_323 = tpu.vector_load %arg9[%parallel_loop3A_322] {strides = array<i32>} : memref<30720xf32, #tpu.memory_space<vmem>>, vector<16xf32>,
      tpu.vector_store %arg9[%parallel_loop3A_322], %parallel_loop3A_319 {add = true, strides = array<i32>} : memref<30720xf32, #tpu.memory_space<vmem>>, vector<16xf32>,
      %parallel_loop3A_324 = tpu.iota {dimensions = array<i32: 0>} : vector<16xi32>
      %parallel_loop3A_325 = arith.constant 96 : i32
      %parallel_loop3A_326 = vector.broadcast %parallel_loop3A_325 : i32 to vector<16xi32>
      %parallel_loop3A_327 = arith.addi %parallel_loop3A_326, %parallel_loop3A_324 : vector<16xi32>
      %parallel_loop3A_328 = arith.addi %parallel_loop3A_264, %parallel_loop3A_327 : vector<16xi32>
      %parallel_loop3A_329 = tpu.vector_load_idx %arg7[%parallel_loop3A_328] : memref<8192xf32, #tpu.memory_space<vmem>>[vector<16xi32>], vector<16xf32>,
      %parallel_loop3A_330 = arith.constant 96 : i32
      %parallel_loop3A_331 = arith.addi %parallel_loop3A_266, %parallel_loop3A_330 : i32
      %parallel_loop3A_332 = arith.index_cast %parallel_loop3A_331 : i32 to index
      %parallel_loop3A_333 = tpu.vector_load %arg9[%parallel_loop3A_332] {strides = array<i32>} : memref<30720xf32, #tpu.memory_space<vmem>>, vector<16xf32>,
      tpu.vector_store %arg9[%parallel_loop3A_332], %parallel_loop3A_329 {add = true, strides = array<i32>} : memref<30720xf32, #tpu.memory_space<vmem>>, vector<16xf32>,
      %parallel_loop3A_334 = tpu.iota {dimensions = array<i32: 0>} : vector<16xi32>
      %parallel_loop3A_335 = arith.constant 112 : i32
      %parallel_loop3A_336 = vector.broadcast %parallel_loop3A_335 : i32 to vector<16xi32>
      %parallel_loop3A_337 = arith.addi %parallel_loop3A_336, %parallel_loop3A_334 : vector<16xi32>
      %parallel_loop3A_338 = arith.addi %parallel_loop3A_264, %parallel_loop3A_337 : vector<16xi32>
      %parallel_loop3A_339 = tpu.vector_load_idx %arg7[%parallel_loop3A_338] : memref<8192xf32, #tpu.memory_space<vmem>>[vector<16xi32>], vector<16xf32>,
      %parallel_loop3A_340 = arith.constant 112 : i32
      %parallel_loop3A_341 = arith.addi %parallel_loop3A_266, %parallel_loop3A_340 : i32
      %parallel_loop3A_342 = arith.index_cast %parallel_loop3A_341 : i32 to index
      %parallel_loop3A_343 = tpu.vector_load %arg9[%parallel_loop3A_342] {strides = array<i32>} : memref<30720xf32, #tpu.memory_space<vmem>>, vector<16xf32>,
      tpu.vector_store %arg9[%parallel_loop3A_342], %parallel_loop3A_339 {add = true, strides = array<i32>} : memref<30720xf32, #tpu.memory_space<vmem>>, vector<16xf32>,
    } {sc.loop_unroll_factor = 3 : i64, sc.parallel_access}
    %add3A_211 = arith.constant 2400 : i32
    %add3A_212 = arith.addi %mul3A_2, %add3A_211 : i32
    %mul3A_213 = arith.constant 128 : i32
    %mul3A_214 = arith.muli %add3A_212, %mul3A_213 : i32
    %dma_start3A_215 = tpu.memref_slice %arg5[%mul3A_214] : memref<12800000xf32, #tpu.memory_space<hbm>> -> memref<30720xf32, #tpu.memory_space<hbm>>
    %dma_start3A_216 = tpu.memref_slice %arg5[%mul3A_214] : memref<12800000xf32, #tpu.memory_space<hbm>> -> memref<30720xf32, #tpu.memory_space<hbm>>
    tpu.enqueue_dma source(%arg9 : memref<30720xf32, #tpu.memory_space<vmem>>) target(%dma_start3A_216 : memref<30720xf32, #tpu.memory_space<hbm>>) target_semaphore(%arg17 : memref<!tpu.dma_semaphore, #tpu.memory_space<semaphore_mem>>)
    %dma_wait3A_217 = tpu.memref_slice %arg5[%mul3A_195] : memref<12800000xf32, #tpu.memory_space<hbm>> -> memref<30720xf32, #tpu.memory_space<hbm>>
    %dma_wait3A_218 = tpu.memref_slice %arg5[%mul3A_195] : memref<12800000xf32, #tpu.memory_space<hbm>> -> memref<30720xf32, #tpu.memory_space<hbm>>
    tpu.wait_dma2 semaphore(%arg16 : memref<!tpu.dma_semaphore, #tpu.memory_space<semaphore_mem>>) src(%arg8 : memref<30720xf32, #tpu.memory_space<vmem>>) dst(%dma_wait3A_218 : memref<30720xf32, #tpu.memory_space<hbm>>)
    %add3A_219 = arith.constant 2880 : i32
    %add3A_220 = arith.addi %mul3A_2, %add3A_219 : i32
    %mul3A_221 = arith.constant 128 : i32
    %mul3A_222 = arith.muli %add3A_220, %mul3A_221 : i32
    %dma_start3A_223 = tpu.memref_slice %arg2[%mul3A_222] : memref<12800000xf32, #tpu.memory_space<hbm>> -> memref<30720xf32, #tpu.memory_space<hbm>>
    %dma_start3A_224 = tpu.memref_slice %arg2[%mul3A_222] : memref<12800000xf32, #tpu.memory_space<hbm>> -> memref<30720xf32, #tpu.memory_space<hbm>>
    tpu.enqueue_dma source(%dma_start3A_224 : memref<30720xf32, #tpu.memory_space<hbm>>) target(%arg8 : memref<30720xf32, #tpu.memory_space<vmem>>) target_semaphore(%arg13 : memref<!tpu.dma_semaphore, #tpu.memory_space<semaphore_mem>>)
    %dma_wait3A_225 = tpu.memref_slice %arg2[%mul3A_203] : memref<12800000xf32, #tpu.memory_space<hbm>> -> memref<30720xf32, #tpu.memory_space<hbm>>
    %dma_wait3A_226 = tpu.memref_slice %arg2[%mul3A_203] : memref<12800000xf32, #tpu.memory_space<hbm>> -> memref<30720xf32, #tpu.memory_space<hbm>>
    tpu.wait_dma2 semaphore(%arg15 : memref<!tpu.dma_semaphore, #tpu.memory_space<semaphore_mem>>) src(%dma_wait3A_226 : memref<30720xf32, #tpu.memory_space<hbm>>) dst(%arg10 : memref<30720xf32, #tpu.memory_space<vmem>>)
    %parallel_loop3A_227 = arith.constant 0 : i32
    %parallel_loop3A_228 = arith.constant 240 : i32
    %parallel_loop3A_229 = arith.constant 1 : i32
    scf.for %parallel_loop3A_256 = %parallel_loop3A_227 to %parallel_loop3A_228 step %parallel_loop3A_229  : i32 {
      %parallel_loop3A_257 = arith.constant 2640 : i32
      %parallel_loop3A_258 = arith.addi %parallel_loop3A_257, %parallel_loop3A_256 : i32
      %parallel_loop3A_259 = arith.index_cast %parallel_loop3A_258 : i32 to index
      %parallel_loop3A_260 = tpu.vector_load %arg6[%parallel_loop3A_259] {strides = array<i32>} : memref<3136xi32, #tpu.memory_space<vmem>>, vector<16xi32>,
      %parallel_loop3A_261 = arith.constant 0 : i32
      %parallel_loop3A_262 = vector.broadcast %parallel_loop3A_261 : i32 to vector<16x1xi32>
      %parallel_loop3A_263 = vector.shape_cast %parallel_loop3A_262 : vector<16x1xi32> to vector<16xi32>
      %parallel_loop3A_264 = tpu.dynamic_gather %parallel_loop3A_260[%parallel_loop3A_263] in [0] : vector<16xi32>, vector<16xi32> -> vector<16xi32>
      %parallel_loop3A_265 = arith.constant 128 : i32
      %parallel_loop3A_266 = arith.muli %parallel_loop3A_256, %parallel_loop3A_265 : i32
      %parallel_loop3A_267 = tpu.iota {dimensions = array<i32: 0>} : vector<16xi32>
      %parallel_loop3A_268 = arith.addi %parallel_loop3A_264, %parallel_loop3A_267 : vector<16xi32>
      %parallel_loop3A_269 = tpu.vector_load_idx %arg7[%parallel_loop3A_268] : memref<8192xf32, #tpu.memory_space<vmem>>[vector<16xi32>], vector<16xf32>,
      %parallel_loop3A_270 = arith.constant 0 : i32
      %parallel_loop3A_271 = arith.addi %parallel_loop3A_266, %parallel_loop3A_270 : i32
      %parallel_loop3A_272 = arith.index_cast %parallel_loop3A_271 : i32 to index
      %parallel_loop3A_273 = tpu.vector_load %arg10[%parallel_loop3A_272] {strides = array<i32>} : memref<30720xf32, #tpu.memory_space<vmem>>, vector<16xf32>,
      tpu.vector_store %arg10[%parallel_loop3A_272], %parallel_loop3A_269 {add = true, strides = array<i32>} : memref<30720xf32, #tpu.memory_space<vmem>>, vector<16xf32>,
      %parallel_loop3A_274 = tpu.iota {dimensions = array<i32: 0>} : vector<16xi32>
      %parallel_loop3A_275 = arith.constant 16 : i32
      %parallel_loop3A_276 = vector.broadcast %parallel_loop3A_275 : i32 to vector<16xi32>
      %parallel_loop3A_277 = arith.addi %parallel_loop3A_276, %parallel_loop3A_274 : vector<16xi32>
      %parallel_loop3A_278 = arith.addi %parallel_loop3A_264, %parallel_loop3A_277 : vector<16xi32>
      %parallel_loop3A_279 = tpu.vector_load_idx %arg7[%parallel_loop3A_278] : memref<8192xf32, #tpu.memory_space<vmem>>[vector<16xi32>], vector<16xf32>,
      %parallel_loop3A_280 = arith.constant 16 : i32
      %parallel_loop3A_281 = arith.addi %parallel_loop3A_266, %parallel_loop3A_280 : i32
      %parallel_loop3A_282 = arith.index_cast %parallel_loop3A_281 : i32 to index
      %parallel_loop3A_283 = tpu.vector_load %arg10[%parallel_loop3A_282] {strides = array<i32>} : memref<30720xf32, #tpu.memory_space<vmem>>, vector<16xf32>,
      tpu.vector_store %arg10[%parallel_loop3A_282], %parallel_loop3A_279 {add = true, strides = array<i32>} : memref<30720xf32, #tpu.memory_space<vmem>>, vector<16xf32>,
      %parallel_loop3A_284 = tpu.iota {dimensions = array<i32: 0>} : vector<16xi32>
      %parallel_loop3A_285 = arith.constant 32 : i32
      %parallel_loop3A_286 = vector.broadcast %parallel_loop3A_285 : i32 to vector<16xi32>
      %parallel_loop3A_287 = arith.addi %parallel_loop3A_286, %parallel_loop3A_284 : vector<16xi32>
      %parallel_loop3A_288 = arith.addi %parallel_loop3A_264, %parallel_loop3A_287 : vector<16xi32>
      %parallel_loop3A_289 = tpu.vector_load_idx %arg7[%parallel_loop3A_288] : memref<8192xf32, #tpu.memory_space<vmem>>[vector<16xi32>], vector<16xf32>,
      %parallel_loop3A_290 = arith.constant 32 : i32
      %parallel_loop3A_291 = arith.addi %parallel_loop3A_266, %parallel_loop3A_290 : i32
      %parallel_loop3A_292 = arith.index_cast %parallel_loop3A_291 : i32 to index
      %parallel_loop3A_293 = tpu.vector_load %arg10[%parallel_loop3A_292] {strides = array<i32>} : memref<30720xf32, #tpu.memory_space<vmem>>, vector<16xf32>,
      tpu.vector_store %arg10[%parallel_loop3A_292], %parallel_loop3A_289 {add = true, strides = array<i32>} : memref<30720xf32, #tpu.memory_space<vmem>>, vector<16xf32>,
      %parallel_loop3A_294 = tpu.iota {dimensions = array<i32: 0>} : vector<16xi32>
      %parallel_loop3A_295 = arith.constant 48 : i32
      %parallel_loop3A_296 = vector.broadcast %parallel_loop3A_295 : i32 to vector<16xi32>
      %parallel_loop3A_297 = arith.addi %parallel_loop3A_296, %parallel_loop3A_294 : vector<16xi32>
      %parallel_loop3A_298 = arith.addi %parallel_loop3A_264, %parallel_loop3A_297 : vector<16xi32>
      %parallel_loop3A_299 = tpu.vector_load_idx %arg7[%parallel_loop3A_298] : memref<8192xf32, #tpu.memory_space<vmem>>[vector<16xi32>], vector<16xf32>,
      %parallel_loop3A_300 = arith.constant 48 : i32
      %parallel_loop3A_301 = arith.addi %parallel_loop3A_266, %parallel_loop3A_300 : i32
      %parallel_loop3A_302 = arith.index_cast %parallel_loop3A_301 : i32 to index
      %parallel_loop3A_303 = tpu.vector_load %arg10[%parallel_loop3A_302] {strides = array<i32>} : memref<30720xf32, #tpu.memory_space<vmem>>, vector<16xf32>,
      tpu.vector_store %arg10[%parallel_loop3A_302], %parallel_loop3A_299 {add = true, strides = array<i32>} : memref<30720xf32, #tpu.memory_space<vmem>>, vector<16xf32>,
      %parallel_loop3A_304 = tpu.iota {dimensions = array<i32: 0>} : vector<16xi32>
      %parallel_loop3A_305 = arith.constant 64 : i32
      %parallel_loop3A_306 = vector.broadcast %parallel_loop3A_305 : i32 to vector<16xi32>
      %parallel_loop3A_307 = arith.addi %parallel_loop3A_306, %parallel_loop3A_304 : vector<16xi32>
      %parallel_loop3A_308 = arith.addi %parallel_loop3A_264, %parallel_loop3A_307 : vector<16xi32>
      %parallel_loop3A_309 = tpu.vector_load_idx %arg7[%parallel_loop3A_308] : memref<8192xf32, #tpu.memory_space<vmem>>[vector<16xi32>], vector<16xf32>,
      %parallel_loop3A_310 = arith.constant 64 : i32
      %parallel_loop3A_311 = arith.addi %parallel_loop3A_266, %parallel_loop3A_310 : i32
      %parallel_loop3A_312 = arith.index_cast %parallel_loop3A_311 : i32 to index
      %parallel_loop3A_313 = tpu.vector_load %arg10[%parallel_loop3A_312] {strides = array<i32>} : memref<30720xf32, #tpu.memory_space<vmem>>, vector<16xf32>,
      tpu.vector_store %arg10[%parallel_loop3A_312], %parallel_loop3A_309 {add = true, strides = array<i32>} : memref<30720xf32, #tpu.memory_space<vmem>>, vector<16xf32>,
      %parallel_loop3A_314 = tpu.iota {dimensions = array<i32: 0>} : vector<16xi32>
      %parallel_loop3A_315 = arith.constant 80 : i32
      %parallel_loop3A_316 = vector.broadcast %parallel_loop3A_315 : i32 to vector<16xi32>
      %parallel_loop3A_317 = arith.addi %parallel_loop3A_316, %parallel_loop3A_314 : vector<16xi32>
      %parallel_loop3A_318 = arith.addi %parallel_loop3A_264, %parallel_loop3A_317 : vector<16xi32>
      %parallel_loop3A_319 = tpu.vector_load_idx %arg7[%parallel_loop3A_318] : memref<8192xf32, #tpu.memory_space<vmem>>[vector<16xi32>], vector<16xf32>,
      %parallel_loop3A_320 = arith.constant 80 : i32
      %parallel_loop3A_321 = arith.addi %parallel_loop3A_266, %parallel_loop3A_320 : i32
      %parallel_loop3A_322 = arith.index_cast %parallel_loop3A_321 : i32 to index
      %parallel_loop3A_323 = tpu.vector_load %arg10[%parallel_loop3A_322] {strides = array<i32>} : memref<30720xf32, #tpu.memory_space<vmem>>, vector<16xf32>,
      tpu.vector_store %arg10[%parallel_loop3A_322], %parallel_loop3A_319 {add = true, strides = array<i32>} : memref<30720xf32, #tpu.memory_space<vmem>>, vector<16xf32>,
      %parallel_loop3A_324 = tpu.iota {dimensions = array<i32: 0>} : vector<16xi32>
      %parallel_loop3A_325 = arith.constant 96 : i32
      %parallel_loop3A_326 = vector.broadcast %parallel_loop3A_325 : i32 to vector<16xi32>
      %parallel_loop3A_327 = arith.addi %parallel_loop3A_326, %parallel_loop3A_324 : vector<16xi32>
      %parallel_loop3A_328 = arith.addi %parallel_loop3A_264, %parallel_loop3A_327 : vector<16xi32>
      %parallel_loop3A_329 = tpu.vector_load_idx %arg7[%parallel_loop3A_328] : memref<8192xf32, #tpu.memory_space<vmem>>[vector<16xi32>], vector<16xf32>,
      %parallel_loop3A_330 = arith.constant 96 : i32
      %parallel_loop3A_331 = arith.addi %parallel_loop3A_266, %parallel_loop3A_330 : i32
      %parallel_loop3A_332 = arith.index_cast %parallel_loop3A_331 : i32 to index
      %parallel_loop3A_333 = tpu.vector_load %arg10[%parallel_loop3A_332] {strides = array<i32>} : memref<30720xf32, #tpu.memory_space<vmem>>, vector<16xf32>,
      tpu.vector_store %arg10[%parallel_loop3A_332], %parallel_loop3A_329 {add = true, strides = array<i32>} : memref<30720xf32, #tpu.memory_space<vmem>>, vector<16xf32>,
      %parallel_loop3A_334 = tpu.iota {dimensions = array<i32: 0>} : vector<16xi32>
      %parallel_loop3A_335 = arith.constant 112 : i32
      %parallel_loop3A_336 = vector.broadcast %parallel_loop3A_335 : i32 to vector<16xi32>
      %parallel_loop3A_337 = arith.addi %parallel_loop3A_336, %parallel_loop3A_334 : vector<16xi32>
      %parallel_loop3A_338 = arith.addi %parallel_loop3A_264, %parallel_loop3A_337 : vector<16xi32>
      %parallel_loop3A_339 = tpu.vector_load_idx %arg7[%parallel_loop3A_338] : memref<8192xf32, #tpu.memory_space<vmem>>[vector<16xi32>], vector<16xf32>,
      %parallel_loop3A_340 = arith.constant 112 : i32
      %parallel_loop3A_341 = arith.addi %parallel_loop3A_266, %parallel_loop3A_340 : i32
      %parallel_loop3A_342 = arith.index_cast %parallel_loop3A_341 : i32 to index
      %parallel_loop3A_343 = tpu.vector_load %arg10[%parallel_loop3A_342] {strides = array<i32>} : memref<30720xf32, #tpu.memory_space<vmem>>, vector<16xf32>,
      tpu.vector_store %arg10[%parallel_loop3A_342], %parallel_loop3A_339 {add = true, strides = array<i32>} : memref<30720xf32, #tpu.memory_space<vmem>>, vector<16xf32>,
    } {sc.loop_unroll_factor = 3 : i64, sc.parallel_access}
    %add3A_230 = arith.constant 2640 : i32
    %add3A_231 = arith.addi %mul3A_2, %add3A_230 : i32
    %mul3A_232 = arith.constant 128 : i32
    %mul3A_233 = arith.muli %add3A_231, %mul3A_232 : i32
    %dma_start3A_234 = tpu.memref_slice %arg5[%mul3A_233] : memref<12800000xf32, #tpu.memory_space<hbm>> -> memref<30720xf32, #tpu.memory_space<hbm>>
    %dma_start3A_235 = tpu.memref_slice %arg5[%mul3A_233] : memref<12800000xf32, #tpu.memory_space<hbm>> -> memref<30720xf32, #tpu.memory_space<hbm>>
    tpu.enqueue_dma source(%arg10 : memref<30720xf32, #tpu.memory_space<vmem>>) target(%dma_start3A_235 : memref<30720xf32, #tpu.memory_space<hbm>>) target_semaphore(%arg18 : memref<!tpu.dma_semaphore, #tpu.memory_space<semaphore_mem>>)
    %dma_wait3A_236 = tpu.memref_slice %arg2[%mul3A_222] : memref<12800000xf32, #tpu.memory_space<hbm>> -> memref<30720xf32, #tpu.memory_space<hbm>>
    %dma_wait3A_237 = tpu.memref_slice %arg2[%mul3A_222] : memref<12800000xf32, #tpu.memory_space<hbm>> -> memref<30720xf32, #tpu.memory_space<hbm>>
    tpu.wait_dma2 semaphore(%arg13 : memref<!tpu.dma_semaphore, #tpu.memory_space<semaphore_mem>>) src(%dma_wait3A_237 : memref<30720xf32, #tpu.memory_space<hbm>>) dst(%arg8 : memref<30720xf32, #tpu.memory_space<vmem>>)
    %parallel_loop3A_238 = arith.constant 0 : i32
    %parallel_loop3A_239 = arith.constant 240 : i32
    %parallel_loop3A_240 = arith.constant 1 : i32
    scf.for %parallel_loop3A_256 = %parallel_loop3A_238 to %parallel_loop3A_239 step %parallel_loop3A_240  : i32 {
      %parallel_loop3A_257 = arith.constant 2880 : i32
      %parallel_loop3A_258 = arith.addi %parallel_loop3A_257, %parallel_loop3A_256 : i32
      %parallel_loop3A_259 = arith.index_cast %parallel_loop3A_258 : i32 to index
      %parallel_loop3A_260 = tpu.vector_load %arg6[%parallel_loop3A_259] {strides = array<i32>} : memref<3136xi32, #tpu.memory_space<vmem>>, vector<16xi32>,
      %parallel_loop3A_261 = arith.constant 0 : i32
      %parallel_loop3A_262 = vector.broadcast %parallel_loop3A_261 : i32 to vector<16x1xi32>
      %parallel_loop3A_263 = vector.shape_cast %parallel_loop3A_262 : vector<16x1xi32> to vector<16xi32>
      %parallel_loop3A_264 = tpu.dynamic_gather %parallel_loop3A_260[%parallel_loop3A_263] in [0] : vector<16xi32>, vector<16xi32> -> vector<16xi32>
      %parallel_loop3A_265 = arith.constant 128 : i32
      %parallel_loop3A_266 = arith.muli %parallel_loop3A_256, %parallel_loop3A_265 : i32
      %parallel_loop3A_267 = tpu.iota {dimensions = array<i32: 0>} : vector<16xi32>
      %parallel_loop3A_268 = arith.addi %parallel_loop3A_264, %parallel_loop3A_267 : vector<16xi32>
      %parallel_loop3A_269 = tpu.vector_load_idx %arg7[%parallel_loop3A_268] : memref<8192xf32, #tpu.memory_space<vmem>>[vector<16xi32>], vector<16xf32>,
      %parallel_loop3A_270 = arith.constant 0 : i32
      %parallel_loop3A_271 = arith.addi %parallel_loop3A_266, %parallel_loop3A_270 : i32
      %parallel_loop3A_272 = arith.index_cast %parallel_loop3A_271 : i32 to index
      %parallel_loop3A_273 = tpu.vector_load %arg8[%parallel_loop3A_272] {strides = array<i32>} : memref<30720xf32, #tpu.memory_space<vmem>>, vector<16xf32>,
      tpu.vector_store %arg8[%parallel_loop3A_272], %parallel_loop3A_269 {add = true, strides = array<i32>} : memref<30720xf32, #tpu.memory_space<vmem>>, vector<16xf32>,
      %parallel_loop3A_274 = tpu.iota {dimensions = array<i32: 0>} : vector<16xi32>
      %parallel_loop3A_275 = arith.constant 16 : i32
      %parallel_loop3A_276 = vector.broadcast %parallel_loop3A_275 : i32 to vector<16xi32>
      %parallel_loop3A_277 = arith.addi %parallel_loop3A_276, %parallel_loop3A_274 : vector<16xi32>
      %parallel_loop3A_278 = arith.addi %parallel_loop3A_264, %parallel_loop3A_277 : vector<16xi32>
      %parallel_loop3A_279 = tpu.vector_load_idx %arg7[%parallel_loop3A_278] : memref<8192xf32, #tpu.memory_space<vmem>>[vector<16xi32>], vector<16xf32>,
      %parallel_loop3A_280 = arith.constant 16 : i32
      %parallel_loop3A_281 = arith.addi %parallel_loop3A_266, %parallel_loop3A_280 : i32
      %parallel_loop3A_282 = arith.index_cast %parallel_loop3A_281 : i32 to index
      %parallel_loop3A_283 = tpu.vector_load %arg8[%parallel_loop3A_282] {strides = array<i32>} : memref<30720xf32, #tpu.memory_space<vmem>>, vector<16xf32>,
      tpu.vector_store %arg8[%parallel_loop3A_282], %parallel_loop3A_279 {add = true, strides = array<i32>} : memref<30720xf32, #tpu.memory_space<vmem>>, vector<16xf32>,
      %parallel_loop3A_284 = tpu.iota {dimensions = array<i32: 0>} : vector<16xi32>
      %parallel_loop3A_285 = arith.constant 32 : i32
      %parallel_loop3A_286 = vector.broadcast %parallel_loop3A_285 : i32 to vector<16xi32>
      %parallel_loop3A_287 = arith.addi %parallel_loop3A_286, %parallel_loop3A_284 : vector<16xi32>
      %parallel_loop3A_288 = arith.addi %parallel_loop3A_264, %parallel_loop3A_287 : vector<16xi32>
      %parallel_loop3A_289 = tpu.vector_load_idx %arg7[%parallel_loop3A_288] : memref<8192xf32, #tpu.memory_space<vmem>>[vector<16xi32>], vector<16xf32>,
      %parallel_loop3A_290 = arith.constant 32 : i32
      %parallel_loop3A_291 = arith.addi %parallel_loop3A_266, %parallel_loop3A_290 : i32
      %parallel_loop3A_292 = arith.index_cast %parallel_loop3A_291 : i32 to index
      %parallel_loop3A_293 = tpu.vector_load %arg8[%parallel_loop3A_292] {strides = array<i32>} : memref<30720xf32, #tpu.memory_space<vmem>>, vector<16xf32>,
      tpu.vector_store %arg8[%parallel_loop3A_292], %parallel_loop3A_289 {add = true, strides = array<i32>} : memref<30720xf32, #tpu.memory_space<vmem>>, vector<16xf32>,
      %parallel_loop3A_294 = tpu.iota {dimensions = array<i32: 0>} : vector<16xi32>
      %parallel_loop3A_295 = arith.constant 48 : i32
      %parallel_loop3A_296 = vector.broadcast %parallel_loop3A_295 : i32 to vector<16xi32>
      %parallel_loop3A_297 = arith.addi %parallel_loop3A_296, %parallel_loop3A_294 : vector<16xi32>
      %parallel_loop3A_298 = arith.addi %parallel_loop3A_264, %parallel_loop3A_297 : vector<16xi32>
      %parallel_loop3A_299 = tpu.vector_load_idx %arg7[%parallel_loop3A_298] : memref<8192xf32, #tpu.memory_space<vmem>>[vector<16xi32>], vector<16xf32>,
      %parallel_loop3A_300 = arith.constant 48 : i32
      %parallel_loop3A_301 = arith.addi %parallel_loop3A_266, %parallel_loop3A_300 : i32
      %parallel_loop3A_302 = arith.index_cast %parallel_loop3A_301 : i32 to index
      %parallel_loop3A_303 = tpu.vector_load %arg8[%parallel_loop3A_302] {strides = array<i32>} : memref<30720xf32, #tpu.memory_space<vmem>>, vector<16xf32>,
      tpu.vector_store %arg8[%parallel_loop3A_302], %parallel_loop3A_299 {add = true, strides = array<i32>} : memref<30720xf32, #tpu.memory_space<vmem>>, vector<16xf32>,
      %parallel_loop3A_304 = tpu.iota {dimensions = array<i32: 0>} : vector<16xi32>
      %parallel_loop3A_305 = arith.constant 64 : i32
      %parallel_loop3A_306 = vector.broadcast %parallel_loop3A_305 : i32 to vector<16xi32>
      %parallel_loop3A_307 = arith.addi %parallel_loop3A_306, %parallel_loop3A_304 : vector<16xi32>
      %parallel_loop3A_308 = arith.addi %parallel_loop3A_264, %parallel_loop3A_307 : vector<16xi32>
      %parallel_loop3A_309 = tpu.vector_load_idx %arg7[%parallel_loop3A_308] : memref<8192xf32, #tpu.memory_space<vmem>>[vector<16xi32>], vector<16xf32>,
      %parallel_loop3A_310 = arith.constant 64 : i32
      %parallel_loop3A_311 = arith.addi %parallel_loop3A_266, %parallel_loop3A_310 : i32
      %parallel_loop3A_312 = arith.index_cast %parallel_loop3A_311 : i32 to index
      %parallel_loop3A_313 = tpu.vector_load %arg8[%parallel_loop3A_312] {strides = array<i32>} : memref<30720xf32, #tpu.memory_space<vmem>>, vector<16xf32>,
      tpu.vector_store %arg8[%parallel_loop3A_312], %parallel_loop3A_309 {add = true, strides = array<i32>} : memref<30720xf32, #tpu.memory_space<vmem>>, vector<16xf32>,
      %parallel_loop3A_314 = tpu.iota {dimensions = array<i32: 0>} : vector<16xi32>
      %parallel_loop3A_315 = arith.constant 80 : i32
      %parallel_loop3A_316 = vector.broadcast %parallel_loop3A_315 : i32 to vector<16xi32>
      %parallel_loop3A_317 = arith.addi %parallel_loop3A_316, %parallel_loop3A_314 : vector<16xi32>
      %parallel_loop3A_318 = arith.addi %parallel_loop3A_264, %parallel_loop3A_317 : vector<16xi32>
      %parallel_loop3A_319 = tpu.vector_load_idx %arg7[%parallel_loop3A_318] : memref<8192xf32, #tpu.memory_space<vmem>>[vector<16xi32>], vector<16xf32>,
      %parallel_loop3A_320 = arith.constant 80 : i32
      %parallel_loop3A_321 = arith.addi %parallel_loop3A_266, %parallel_loop3A_320 : i32
      %parallel_loop3A_322 = arith.index_cast %parallel_loop3A_321 : i32 to index
      %parallel_loop3A_323 = tpu.vector_load %arg8[%parallel_loop3A_322] {strides = array<i32>} : memref<30720xf32, #tpu.memory_space<vmem>>, vector<16xf32>,
      tpu.vector_store %arg8[%parallel_loop3A_322], %parallel_loop3A_319 {add = true, strides = array<i32>} : memref<30720xf32, #tpu.memory_space<vmem>>, vector<16xf32>,
      %parallel_loop3A_324 = tpu.iota {dimensions = array<i32: 0>} : vector<16xi32>
      %parallel_loop3A_325 = arith.constant 96 : i32
      %parallel_loop3A_326 = vector.broadcast %parallel_loop3A_325 : i32 to vector<16xi32>
      %parallel_loop3A_327 = arith.addi %parallel_loop3A_326, %parallel_loop3A_324 : vector<16xi32>
      %parallel_loop3A_328 = arith.addi %parallel_loop3A_264, %parallel_loop3A_327 : vector<16xi32>
      %parallel_loop3A_329 = tpu.vector_load_idx %arg7[%parallel_loop3A_328] : memref<8192xf32, #tpu.memory_space<vmem>>[vector<16xi32>], vector<16xf32>,
      %parallel_loop3A_330 = arith.constant 96 : i32
      %parallel_loop3A_331 = arith.addi %parallel_loop3A_266, %parallel_loop3A_330 : i32
      %parallel_loop3A_332 = arith.index_cast %parallel_loop3A_331 : i32 to index
      %parallel_loop3A_333 = tpu.vector_load %arg8[%parallel_loop3A_332] {strides = array<i32>} : memref<30720xf32, #tpu.memory_space<vmem>>, vector<16xf32>,
      tpu.vector_store %arg8[%parallel_loop3A_332], %parallel_loop3A_329 {add = true, strides = array<i32>} : memref<30720xf32, #tpu.memory_space<vmem>>, vector<16xf32>,
      %parallel_loop3A_334 = tpu.iota {dimensions = array<i32: 0>} : vector<16xi32>
      %parallel_loop3A_335 = arith.constant 112 : i32
      %parallel_loop3A_336 = vector.broadcast %parallel_loop3A_335 : i32 to vector<16xi32>
      %parallel_loop3A_337 = arith.addi %parallel_loop3A_336, %parallel_loop3A_334 : vector<16xi32>
      %parallel_loop3A_338 = arith.addi %parallel_loop3A_264, %parallel_loop3A_337 : vector<16xi32>
      %parallel_loop3A_339 = tpu.vector_load_idx %arg7[%parallel_loop3A_338] : memref<8192xf32, #tpu.memory_space<vmem>>[vector<16xi32>], vector<16xf32>,
      %parallel_loop3A_340 = arith.constant 112 : i32
      %parallel_loop3A_341 = arith.addi %parallel_loop3A_266, %parallel_loop3A_340 : i32
      %parallel_loop3A_342 = arith.index_cast %parallel_loop3A_341 : i32 to index
      %parallel_loop3A_343 = tpu.vector_load %arg8[%parallel_loop3A_342] {strides = array<i32>} : memref<30720xf32, #tpu.memory_space<vmem>>, vector<16xf32>,
      tpu.vector_store %arg8[%parallel_loop3A_342], %parallel_loop3A_339 {add = true, strides = array<i32>} : memref<30720xf32, #tpu.memory_space<vmem>>, vector<16xf32>,
    } {sc.loop_unroll_factor = 3 : i64, sc.parallel_access}
    %add3A_241 = arith.constant 2880 : i32
    %add3A_242 = arith.addi %mul3A_2, %add3A_241 : i32
    %mul3A_243 = arith.constant 128 : i32
    %mul3A_244 = arith.muli %add3A_242, %mul3A_243 : i32
    %dma_start3A_245 = tpu.memref_slice %arg5[%mul3A_244] : memref<12800000xf32, #tpu.memory_space<hbm>> -> memref<30720xf32, #tpu.memory_space<hbm>>
    %dma_start3A_246 = tpu.memref_slice %arg5[%mul3A_244] : memref<12800000xf32, #tpu.memory_space<hbm>> -> memref<30720xf32, #tpu.memory_space<hbm>>
    tpu.enqueue_dma source(%arg8 : memref<30720xf32, #tpu.memory_space<vmem>>) target(%dma_start3A_246 : memref<30720xf32, #tpu.memory_space<hbm>>) target_semaphore(%arg16 : memref<!tpu.dma_semaphore, #tpu.memory_space<semaphore_mem>>)
    %convert_element_type3A_247 = arith.extui %lt3A_24 : i1 to i32
    %cond3A_248 = arith.constant 0 : i32
    %cond3A_249 = arith.cmpi ne, %convert_element_type3A_247, %cond3A_248 : i32
    scf.if %cond3A_249 {
      %sub3A = arith.constant 8 : i32
      %sub3A_256 = arith.subi %add3A_6, %sub3A : i32
      %dma_wait3A_257 = tpu.memref_slice %arg3[%sub3A_256] : memref<100000xi32, #tpu.memory_space<hbm>> -> memref<16xi32, #tpu.memory_space<hbm>>
      %dma_wait3A_258 = tpu.memref_slice %arg3[%sub3A_256] : memref<100000xi32, #tpu.memory_space<hbm>> -> memref<16xi32, #tpu.memory_space<hbm>>
      tpu.wait_dma2 semaphore(%arg19 : memref<!tpu.dma_semaphore, #tpu.memory_space<semaphore_mem>>) src(%dma_wait3A_258 : memref<16xi32, #tpu.memory_space<hbm>>) dst(%arg11 : memref<16xi32, #tpu.memory_space<vmem>>)
      %mul3A_259 = arith.constant 128 : i32
      %mul3A_260 = arith.muli %add3A_6, %mul3A_259 : i32
      %dma_wait3A_261 = tpu.memref_slice %arg2[%mul3A_260] : memref<12800000xf32, #tpu.memory_space<hbm>> -> memref<1024xf32, #tpu.memory_space<hbm>>
      %dma_wait3A_262 = tpu.memref_slice %arg2[%mul3A_260] : memref<12800000xf32, #tpu.memory_space<hbm>> -> memref<1024xf32, #tpu.memory_space<hbm>>
      tpu.wait_dma2 semaphore(%arg20 : memref<!tpu.dma_semaphore, #tpu.memory_space<semaphore_mem>>) src(%dma_wait3A_262 : memref<1024xf32, #tpu.memory_space<hbm>>) dst(%arg12 : memref<1024xf32, #tpu.memory_space<vmem>>)
      %get3A = arith.constant 0 : index
      %get3A_263 = tpu.vector_load %arg11[%get3A] {strides = array<i32>} : memref<16xi32, #tpu.memory_space<vmem>>, vector<16xi32>,
      %broadcast_in_dim3A = arith.constant 8 : i32
      %broadcast_in_dim3A_264 = vector.broadcast %broadcast_in_dim3A : i32 to vector<16x1xi32>
      %gather3A = vector.shape_cast %broadcast_in_dim3A_264 : vector<16x1xi32> to vector<16xi32>
      %gather3A_265 = tpu.dynamic_gather %get3A_263[%gather3A] in [0] : vector<16xi32>, vector<16xi32> -> vector<16xi32>
      %iota3A = tpu.iota {dimensions = array<i32: 0>} : vector<16xi32>
      %add3A_266 = arith.addi %gather3A_265, %iota3A : vector<16xi32>
      %gather3A_267 = tpu.vector_load_idx %arg7[%add3A_266] : memref<8192xf32, #tpu.memory_space<vmem>>[vector<16xi32>], vector<16xf32>,
      %swap3A = arith.constant 0 : index
      %swap3A_268 = tpu.vector_load %arg12[%swap3A] {strides = array<i32>} : memref<1024xf32, #tpu.memory_space<vmem>>, vector<16xf32>,
      tpu.vector_store %arg12[%swap3A], %gather3A_267 {add = true, strides = array<i32>} : memref<1024xf32, #tpu.memory_space<vmem>>, vector<16xf32>,
      %iota3A_269 = tpu.iota {dimensions = array<i32: 0>} : vector<16xi32>
      %add3A_270 = arith.constant 16 : i32
      %add3A_271 = vector.broadcast %add3A_270 : i32 to vector<16xi32>
      %add3A_272 = arith.addi %add3A_271, %iota3A_269 : vector<16xi32>
      %add3A_273 = arith.addi %gather3A_265, %add3A_272 : vector<16xi32>
      %gather3A_274 = tpu.vector_load_idx %arg7[%add3A_273] : memref<8192xf32, #tpu.memory_space<vmem>>[vector<16xi32>], vector<16xf32>,
      %swap3A_275 = arith.constant 16 : index
      %swap3A_276 = tpu.vector_load %arg12[%swap3A_275] {strides = array<i32>} : memref<1024xf32, #tpu.memory_space<vmem>>, vector<16xf32>,
      tpu.vector_store %arg12[%swap3A_275], %gather3A_274 {add = true, strides = array<i32>} : memref<1024xf32, #tpu.memory_space<vmem>>, vector<16xf32>,
      %iota3A_277 = tpu.iota {dimensions = array<i32: 0>} : vector<16xi32>
      %add3A_278 = arith.constant 32 : i32
      %add3A_279 = vector.broadcast %add3A_278 : i32 to vector<16xi32>
      %add3A_280 = arith.addi %add3A_279, %iota3A_277 : vector<16xi32>
      %add3A_281 = arith.addi %gather3A_265, %add3A_280 : vector<16xi32>
      %gather3A_282 = tpu.vector_load_idx %arg7[%add3A_281] : memref<8192xf32, #tpu.memory_space<vmem>>[vector<16xi32>], vector<16xf32>,
      %swap3A_283 = arith.constant 32 : index
      %swap3A_284 = tpu.vector_load %arg12[%swap3A_283] {strides = array<i32>} : memref<1024xf32, #tpu.memory_space<vmem>>, vector<16xf32>,
      tpu.vector_store %arg12[%swap3A_283], %gather3A_282 {add = true, strides = array<i32>} : memref<1024xf32, #tpu.memory_space<vmem>>, vector<16xf32>,
      %iota3A_285 = tpu.iota {dimensions = array<i32: 0>} : vector<16xi32>
      %add3A_286 = arith.constant 48 : i32
      %add3A_287 = vector.broadcast %add3A_286 : i32 to vector<16xi32>
      %add3A_288 = arith.addi %add3A_287, %iota3A_285 : vector<16xi32>
      %add3A_289 = arith.addi %gather3A_265, %add3A_288 : vector<16xi32>
      %gather3A_290 = tpu.vector_load_idx %arg7[%add3A_289] : memref<8192xf32, #tpu.memory_space<vmem>>[vector<16xi32>], vector<16xf32>,
      %swap3A_291 = arith.constant 48 : index
      %swap3A_292 = tpu.vector_load %arg12[%swap3A_291] {strides = array<i32>} : memref<1024xf32, #tpu.memory_space<vmem>>, vector<16xf32>,
      tpu.vector_store %arg12[%swap3A_291], %gather3A_290 {add = true, strides = array<i32>} : memref<1024xf32, #tpu.memory_space<vmem>>, vector<16xf32>,
      %iota3A_293 = tpu.iota {dimensions = array<i32: 0>} : vector<16xi32>
      %add3A_294 = arith.constant 64 : i32
      %add3A_295 = vector.broadcast %add3A_294 : i32 to vector<16xi32>
      %add3A_296 = arith.addi %add3A_295, %iota3A_293 : vector<16xi32>
      %add3A_297 = arith.addi %gather3A_265, %add3A_296 : vector<16xi32>
      %gather3A_298 = tpu.vector_load_idx %arg7[%add3A_297] : memref<8192xf32, #tpu.memory_space<vmem>>[vector<16xi32>], vector<16xf32>,
      %swap3A_299 = arith.constant 64 : index
      %swap3A_300 = tpu.vector_load %arg12[%swap3A_299] {strides = array<i32>} : memref<1024xf32, #tpu.memory_space<vmem>>, vector<16xf32>,
      tpu.vector_store %arg12[%swap3A_299], %gather3A_298 {add = true, strides = array<i32>} : memref<1024xf32, #tpu.memory_space<vmem>>, vector<16xf32>,
      %iota3A_301 = tpu.iota {dimensions = array<i32: 0>} : vector<16xi32>
      %add3A_302 = arith.constant 80 : i32
      %add3A_303 = vector.broadcast %add3A_302 : i32 to vector<16xi32>
      %add3A_304 = arith.addi %add3A_303, %iota3A_301 : vector<16xi32>
      %add3A_305 = arith.addi %gather3A_265, %add3A_304 : vector<16xi32>
      %gather3A_306 = tpu.vector_load_idx %arg7[%add3A_305] : memref<8192xf32, #tpu.memory_space<vmem>>[vector<16xi32>], vector<16xf32>,
      %swap3A_307 = arith.constant 80 : index
      %swap3A_308 = tpu.vector_load %arg12[%swap3A_307] {strides = array<i32>} : memref<1024xf32, #tpu.memory_space<vmem>>, vector<16xf32>,
      tpu.vector_store %arg12[%swap3A_307], %gather3A_306 {add = true, strides = array<i32>} : memref<1024xf32, #tpu.memory_space<vmem>>, vector<16xf32>,
      %iota3A_309 = tpu.iota {dimensions = array<i32: 0>} : vector<16xi32>
      %add3A_310 = arith.constant 96 : i32
      %add3A_311 = vector.broadcast %add3A_310 : i32 to vector<16xi32>
      %add3A_312 = arith.addi %add3A_311, %iota3A_309 : vector<16xi32>
      %add3A_313 = arith.addi %gather3A_265, %add3A_312 : vector<16xi32>
      %gather3A_314 = tpu.vector_load_idx %arg7[%add3A_313] : memref<8192xf32, #tpu.memory_space<vmem>>[vector<16xi32>], vector<16xf32>,
      %swap3A_315 = arith.constant 96 : index
      %swap3A_316 = tpu.vector_load %arg12[%swap3A_315] {strides = array<i32>} : memref<1024xf32, #tpu.memory_space<vmem>>, vector<16xf32>,
      tpu.vector_store %arg12[%swap3A_315], %gather3A_314 {add = true, strides = array<i32>} : memref<1024xf32, #tpu.memory_space<vmem>>, vector<16xf32>,
      %iota3A_317 = tpu.iota {dimensions = array<i32: 0>} : vector<16xi32>
      %add3A_318 = arith.constant 112 : i32
      %add3A_319 = vector.broadcast %add3A_318 : i32 to vector<16xi32>
      %add3A_320 = arith.addi %add3A_319, %iota3A_317 : vector<16xi32>
      %add3A_321 = arith.addi %gather3A_265, %add3A_320 : vector<16xi32>
      %gather3A_322 = tpu.vector_load_idx %arg7[%add3A_321] : memref<8192xf32, #tpu.memory_space<vmem>>[vector<16xi32>], vector<16xf32>,
      %swap3A_323 = arith.constant 112 : index
      %swap3A_324 = tpu.vector_load %arg12[%swap3A_323] {strides = array<i32>} : memref<1024xf32, #tpu.memory_space<vmem>>, vector<16xf32>,
      tpu.vector_store %arg12[%swap3A_323], %gather3A_322 {add = true, strides = array<i32>} : memref<1024xf32, #tpu.memory_space<vmem>>, vector<16xf32>,
      %broadcast_in_dim3A_325 = arith.constant 9 : i32
      %broadcast_in_dim3A_326 = vector.broadcast %broadcast_in_dim3A_325 : i32 to vector<16x1xi32>
      %gather3A_327 = vector.shape_cast %broadcast_in_dim3A_326 : vector<16x1xi32> to vector<16xi32>
      %gather3A_328 = tpu.dynamic_gather %get3A_263[%gather3A_327] in [0] : vector<16xi32>, vector<16xi32> -> vector<16xi32>
      %iota3A_329 = tpu.iota {dimensions = array<i32: 0>} : vector<16xi32>
      %add3A_330 = arith.addi %gather3A_328, %iota3A_329 : vector<16xi32>
      %gather3A_331 = tpu.vector_load_idx %arg7[%add3A_330] : memref<8192xf32, #tpu.memory_space<vmem>>[vector<16xi32>], vector<16xf32>,
      %swap3A_332 = arith.constant 128 : index
      %swap3A_333 = tpu.vector_load %arg12[%swap3A_332] {strides = array<i32>} : memref<1024xf32, #tpu.memory_space<vmem>>, vector<16xf32>,
      tpu.vector_store %arg12[%swap3A_332], %gather3A_331 {add = true, strides = array<i32>} : memref<1024xf32, #tpu.memory_space<vmem>>, vector<16xf32>,
      %iota3A_334 = tpu.iota {dimensions = array<i32: 0>} : vector<16xi32>
      %add3A_335 = arith.constant 16 : i32
      %add3A_336 = vector.broadcast %add3A_335 : i32 to vector<16xi32>
      %add3A_337 = arith.addi %add3A_336, %iota3A_334 : vector<16xi32>
      %add3A_338 = arith.addi %gather3A_328, %add3A_337 : vector<16xi32>
      %gather3A_339 = tpu.vector_load_idx %arg7[%add3A_338] : memref<8192xf32, #tpu.memory_space<vmem>>[vector<16xi32>], vector<16xf32>,
      %swap3A_340 = arith.constant 144 : index
      %swap3A_341 = tpu.vector_load %arg12[%swap3A_340] {strides = array<i32>} : memref<1024xf32, #tpu.memory_space<vmem>>, vector<16xf32>,
      tpu.vector_store %arg12[%swap3A_340], %gather3A_339 {add = true, strides = array<i32>} : memref<1024xf32, #tpu.memory_space<vmem>>, vector<16xf32>,
      %iota3A_342 = tpu.iota {dimensions = array<i32: 0>} : vector<16xi32>
      %add3A_343 = arith.constant 32 : i32
      %add3A_344 = vector.broadcast %add3A_343 : i32 to vector<16xi32>
      %add3A_345 = arith.addi %add3A_344, %iota3A_342 : vector<16xi32>
      %add3A_346 = arith.addi %gather3A_328, %add3A_345 : vector<16xi32>
      %gather3A_347 = tpu.vector_load_idx %arg7[%add3A_346] : memref<8192xf32, #tpu.memory_space<vmem>>[vector<16xi32>], vector<16xf32>,
      %swap3A_348 = arith.constant 160 : index
      %swap3A_349 = tpu.vector_load %arg12[%swap3A_348] {strides = array<i32>} : memref<1024xf32, #tpu.memory_space<vmem>>, vector<16xf32>,
      tpu.vector_store %arg12[%swap3A_348], %gather3A_347 {add = true, strides = array<i32>} : memref<1024xf32, #tpu.memory_space<vmem>>, vector<16xf32>,
      %iota3A_350 = tpu.iota {dimensions = array<i32: 0>} : vector<16xi32>
      %add3A_351 = arith.constant 48 : i32
      %add3A_352 = vector.broadcast %add3A_351 : i32 to vector<16xi32>
      %add3A_353 = arith.addi %add3A_352, %iota3A_350 : vector<16xi32>
      %add3A_354 = arith.addi %gather3A_328, %add3A_353 : vector<16xi32>
      %gather3A_355 = tpu.vector_load_idx %arg7[%add3A_354] : memref<8192xf32, #tpu.memory_space<vmem>>[vector<16xi32>], vector<16xf32>,
      %swap3A_356 = arith.constant 176 : index
      %swap3A_357 = tpu.vector_load %arg12[%swap3A_356] {strides = array<i32>} : memref<1024xf32, #tpu.memory_space<vmem>>, vector<16xf32>,
      tpu.vector_store %arg12[%swap3A_356], %gather3A_355 {add = true, strides = array<i32>} : memref<1024xf32, #tpu.memory_space<vmem>>, vector<16xf32>,
      %iota3A_358 = tpu.iota {dimensions = array<i32: 0>} : vector<16xi32>
      %add3A_359 = arith.constant 64 : i32
      %add3A_360 = vector.broadcast %add3A_359 : i32 to vector<16xi32>
      %add3A_361 = arith.addi %add3A_360, %iota3A_358 : vector<16xi32>
      %add3A_362 = arith.addi %gather3A_328, %add3A_361 : vector<16xi32>
      %gather3A_363 = tpu.vector_load_idx %arg7[%add3A_362] : memref<8192xf32, #tpu.memory_space<vmem>>[vector<16xi32>], vector<16xf32>,
      %swap3A_364 = arith.constant 192 : index
      %swap3A_365 = tpu.vector_load %arg12[%swap3A_364] {strides = array<i32>} : memref<1024xf32, #tpu.memory_space<vmem>>, vector<16xf32>,
      tpu.vector_store %arg12[%swap3A_364], %gather3A_363 {add = true, strides = array<i32>} : memref<1024xf32, #tpu.memory_space<vmem>>, vector<16xf32>,
      %iota3A_366 = tpu.iota {dimensions = array<i32: 0>} : vector<16xi32>
      %add3A_367 = arith.constant 80 : i32
      %add3A_368 = vector.broadcast %add3A_367 : i32 to vector<16xi32>
      %add3A_369 = arith.addi %add3A_368, %iota3A_366 : vector<16xi32>
      %add3A_370 = arith.addi %gather3A_328, %add3A_369 : vector<16xi32>
      %gather3A_371 = tpu.vector_load_idx %arg7[%add3A_370] : memref<8192xf32, #tpu.memory_space<vmem>>[vector<16xi32>], vector<16xf32>,
      %swap3A_372 = arith.constant 208 : index
      %swap3A_373 = tpu.vector_load %arg12[%swap3A_372] {strides = array<i32>} : memref<1024xf32, #tpu.memory_space<vmem>>, vector<16xf32>,
      tpu.vector_store %arg12[%swap3A_372], %gather3A_371 {add = true, strides = array<i32>} : memref<1024xf32, #tpu.memory_space<vmem>>, vector<16xf32>,
      %iota3A_374 = tpu.iota {dimensions = array<i32: 0>} : vector<16xi32>
      %add3A_375 = arith.constant 96 : i32
      %add3A_376 = vector.broadcast %add3A_375 : i32 to vector<16xi32>
      %add3A_377 = arith.addi %add3A_376, %iota3A_374 : vector<16xi32>
      %add3A_378 = arith.addi %gather3A_328, %add3A_377 : vector<16xi32>
      %gather3A_379 = tpu.vector_load_idx %arg7[%add3A_378] : memref<8192xf32, #tpu.memory_space<vmem>>[vector<16xi32>], vector<16xf32>,
      %swap3A_380 = arith.constant 224 : index
      %swap3A_381 = tpu.vector_load %arg12[%swap3A_380] {strides = array<i32>} : memref<1024xf32, #tpu.memory_space<vmem>>, vector<16xf32>,
      tpu.vector_store %arg12[%swap3A_380], %gather3A_379 {add = true, strides = array<i32>} : memref<1024xf32, #tpu.memory_space<vmem>>, vector<16xf32>,
      %iota3A_382 = tpu.iota {dimensions = array<i32: 0>} : vector<16xi32>
      %add3A_383 = arith.constant 112 : i32
      %add3A_384 = vector.broadcast %add3A_383 : i32 to vector<16xi32>
      %add3A_385 = arith.addi %add3A_384, %iota3A_382 : vector<16xi32>
      %add3A_386 = arith.addi %gather3A_328, %add3A_385 : vector<16xi32>
      %gather3A_387 = tpu.vector_load_idx %arg7[%add3A_386] : memref<8192xf32, #tpu.memory_space<vmem>>[vector<16xi32>], vector<16xf32>,
      %swap3A_388 = arith.constant 240 : index
      %swap3A_389 = tpu.vector_load %arg12[%swap3A_388] {strides = array<i32>} : memref<1024xf32, #tpu.memory_space<vmem>>, vector<16xf32>,
      tpu.vector_store %arg12[%swap3A_388], %gather3A_387 {add = true, strides = array<i32>} : memref<1024xf32, #tpu.memory_space<vmem>>, vector<16xf32>,
      %broadcast_in_dim3A_390 = arith.constant 10 : i32
      %broadcast_in_dim3A_391 = vector.broadcast %broadcast_in_dim3A_390 : i32 to vector<16x1xi32>
      %gather3A_392 = vector.shape_cast %broadcast_in_dim3A_391 : vector<16x1xi32> to vector<16xi32>
      %gather3A_393 = tpu.dynamic_gather %get3A_263[%gather3A_392] in [0] : vector<16xi32>, vector<16xi32> -> vector<16xi32>
      %iota3A_394 = tpu.iota {dimensions = array<i32: 0>} : vector<16xi32>
      %add3A_395 = arith.addi %gather3A_393, %iota3A_394 : vector<16xi32>
      %gather3A_396 = tpu.vector_load_idx %arg7[%add3A_395] : memref<8192xf32, #tpu.memory_space<vmem>>[vector<16xi32>], vector<16xf32>,
      %swap3A_397 = arith.constant 256 : index
      %swap3A_398 = tpu.vector_load %arg12[%swap3A_397] {strides = array<i32>} : memref<1024xf32, #tpu.memory_space<vmem>>, vector<16xf32>,
      tpu.vector_store %arg12[%swap3A_397], %gather3A_396 {add = true, strides = array<i32>} : memref<1024xf32, #tpu.memory_space<vmem>>, vector<16xf32>,
      %iota3A_399 = tpu.iota {dimensions = array<i32: 0>} : vector<16xi32>
      %add3A_400 = arith.constant 16 : i32
      %add3A_401 = vector.broadcast %add3A_400 : i32 to vector<16xi32>
      %add3A_402 = arith.addi %add3A_401, %iota3A_399 : vector<16xi32>
      %add3A_403 = arith.addi %gather3A_393, %add3A_402 : vector<16xi32>
      %gather3A_404 = tpu.vector_load_idx %arg7[%add3A_403] : memref<8192xf32, #tpu.memory_space<vmem>>[vector<16xi32>], vector<16xf32>,
      %swap3A_405 = arith.constant 272 : index
      %swap3A_406 = tpu.vector_load %arg12[%swap3A_405] {strides = array<i32>} : memref<1024xf32, #tpu.memory_space<vmem>>, vector<16xf32>,
      tpu.vector_store %arg12[%swap3A_405], %gather3A_404 {add = true, strides = array<i32>} : memref<1024xf32, #tpu.memory_space<vmem>>, vector<16xf32>,
      %iota3A_407 = tpu.iota {dimensions = array<i32: 0>} : vector<16xi32>
      %add3A_408 = arith.constant 32 : i32
      %add3A_409 = vector.broadcast %add3A_408 : i32 to vector<16xi32>
      %add3A_410 = arith.addi %add3A_409, %iota3A_407 : vector<16xi32>
      %add3A_411 = arith.addi %gather3A_393, %add3A_410 : vector<16xi32>
      %gather3A_412 = tpu.vector_load_idx %arg7[%add3A_411] : memref<8192xf32, #tpu.memory_space<vmem>>[vector<16xi32>], vector<16xf32>,
      %swap3A_413 = arith.constant 288 : index
      %swap3A_414 = tpu.vector_load %arg12[%swap3A_413] {strides = array<i32>} : memref<1024xf32, #tpu.memory_space<vmem>>, vector<16xf32>,
      tpu.vector_store %arg12[%swap3A_413], %gather3A_412 {add = true, strides = array<i32>} : memref<1024xf32, #tpu.memory_space<vmem>>, vector<16xf32>,
      %iota3A_415 = tpu.iota {dimensions = array<i32: 0>} : vector<16xi32>
      %add3A_416 = arith.constant 48 : i32
      %add3A_417 = vector.broadcast %add3A_416 : i32 to vector<16xi32>
      %add3A_418 = arith.addi %add3A_417, %iota3A_415 : vector<16xi32>
      %add3A_419 = arith.addi %gather3A_393, %add3A_418 : vector<16xi32>
      %gather3A_420 = tpu.vector_load_idx %arg7[%add3A_419] : memref<8192xf32, #tpu.memory_space<vmem>>[vector<16xi32>], vector<16xf32>,
      %swap3A_421 = arith.constant 304 : index
      %swap3A_422 = tpu.vector_load %arg12[%swap3A_421] {strides = array<i32>} : memref<1024xf32, #tpu.memory_space<vmem>>, vector<16xf32>,
      tpu.vector_store %arg12[%swap3A_421], %gather3A_420 {add = true, strides = array<i32>} : memref<1024xf32, #tpu.memory_space<vmem>>, vector<16xf32>,
      %iota3A_423 = tpu.iota {dimensions = array<i32: 0>} : vector<16xi32>
      %add3A_424 = arith.constant 64 : i32
      %add3A_425 = vector.broadcast %add3A_424 : i32 to vector<16xi32>
      %add3A_426 = arith.addi %add3A_425, %iota3A_423 : vector<16xi32>
      %add3A_427 = arith.addi %gather3A_393, %add3A_426 : vector<16xi32>
      %gather3A_428 = tpu.vector_load_idx %arg7[%add3A_427] : memref<8192xf32, #tpu.memory_space<vmem>>[vector<16xi32>], vector<16xf32>,
      %swap3A_429 = arith.constant 320 : index
      %swap3A_430 = tpu.vector_load %arg12[%swap3A_429] {strides = array<i32>} : memref<1024xf32, #tpu.memory_space<vmem>>, vector<16xf32>,
      tpu.vector_store %arg12[%swap3A_429], %gather3A_428 {add = true, strides = array<i32>} : memref<1024xf32, #tpu.memory_space<vmem>>, vector<16xf32>,
      %iota3A_431 = tpu.iota {dimensions = array<i32: 0>} : vector<16xi32>
      %add3A_432 = arith.constant 80 : i32
      %add3A_433 = vector.broadcast %add3A_432 : i32 to vector<16xi32>
      %add3A_434 = arith.addi %add3A_433, %iota3A_431 : vector<16xi32>
      %add3A_435 = arith.addi %gather3A_393, %add3A_434 : vector<16xi32>
      %gather3A_436 = tpu.vector_load_idx %arg7[%add3A_435] : memref<8192xf32, #tpu.memory_space<vmem>>[vector<16xi32>], vector<16xf32>,
      %swap3A_437 = arith.constant 336 : index
      %swap3A_438 = tpu.vector_load %arg12[%swap3A_437] {strides = array<i32>} : memref<1024xf32, #tpu.memory_space<vmem>>, vector<16xf32>,
      tpu.vector_store %arg12[%swap3A_437], %gather3A_436 {add = true, strides = array<i32>} : memref<1024xf32, #tpu.memory_space<vmem>>, vector<16xf32>,
      %iota3A_439 = tpu.iota {dimensions = array<i32: 0>} : vector<16xi32>
      %add3A_440 = arith.constant 96 : i32
      %add3A_441 = vector.broadcast %add3A_440 : i32 to vector<16xi32>
      %add3A_442 = arith.addi %add3A_441, %iota3A_439 : vector<16xi32>
      %add3A_443 = arith.addi %gather3A_393, %add3A_442 : vector<16xi32>
      %gather3A_444 = tpu.vector_load_idx %arg7[%add3A_443] : memref<8192xf32, #tpu.memory_space<vmem>>[vector<16xi32>], vector<16xf32>,
      %swap3A_445 = arith.constant 352 : index
      %swap3A_446 = tpu.vector_load %arg12[%swap3A_445] {strides = array<i32>} : memref<1024xf32, #tpu.memory_space<vmem>>, vector<16xf32>,
      tpu.vector_store %arg12[%swap3A_445], %gather3A_444 {add = true, strides = array<i32>} : memref<1024xf32, #tpu.memory_space<vmem>>, vector<16xf32>,
      %iota3A_447 = tpu.iota {dimensions = array<i32: 0>} : vector<16xi32>
      %add3A_448 = arith.constant 112 : i32
      %add3A_449 = vector.broadcast %add3A_448 : i32 to vector<16xi32>
      %add3A_450 = arith.addi %add3A_449, %iota3A_447 : vector<16xi32>
      %add3A_451 = arith.addi %gather3A_393, %add3A_450 : vector<16xi32>
      %gather3A_452 = tpu.vector_load_idx %arg7[%add3A_451] : memref<8192xf32, #tpu.memory_space<vmem>>[vector<16xi32>], vector<16xf32>,
      %swap3A_453 = arith.constant 368 : index
      %swap3A_454 = tpu.vector_load %arg12[%swap3A_453] {strides = array<i32>} : memref<1024xf32, #tpu.memory_space<vmem>>, vector<16xf32>,
      tpu.vector_store %arg12[%swap3A_453], %gather3A_452 {add = true, strides = array<i32>} : memref<1024xf32, #tpu.memory_space<vmem>>, vector<16xf32>,
      %broadcast_in_dim3A_455 = arith.constant 11 : i32
      %broadcast_in_dim3A_456 = vector.broadcast %broadcast_in_dim3A_455 : i32 to vector<16x1xi32>
      %gather3A_457 = vector.shape_cast %broadcast_in_dim3A_456 : vector<16x1xi32> to vector<16xi32>
      %gather3A_458 = tpu.dynamic_gather %get3A_263[%gather3A_457] in [0] : vector<16xi32>, vector<16xi32> -> vector<16xi32>
      %iota3A_459 = tpu.iota {dimensions = array<i32: 0>} : vector<16xi32>
      %add3A_460 = arith.addi %gather3A_458, %iota3A_459 : vector<16xi32>
      %gather3A_461 = tpu.vector_load_idx %arg7[%add3A_460] : memref<8192xf32, #tpu.memory_space<vmem>>[vector<16xi32>], vector<16xf32>,
      %swap3A_462 = arith.constant 384 : index
      %swap3A_463 = tpu.vector_load %arg12[%swap3A_462] {strides = array<i32>} : memref<1024xf32, #tpu.memory_space<vmem>>, vector<16xf32>,
      tpu.vector_store %arg12[%swap3A_462], %gather3A_461 {add = true, strides = array<i32>} : memref<1024xf32, #tpu.memory_space<vmem>>, vector<16xf32>,
      %iota3A_464 = tpu.iota {dimensions = array<i32: 0>} : vector<16xi32>
      %add3A_465 = arith.constant 16 : i32
      %add3A_466 = vector.broadcast %add3A_465 : i32 to vector<16xi32>
      %add3A_467 = arith.addi %add3A_466, %iota3A_464 : vector<16xi32>
      %add3A_468 = arith.addi %gather3A_458, %add3A_467 : vector<16xi32>
      %gather3A_469 = tpu.vector_load_idx %arg7[%add3A_468] : memref<8192xf32, #tpu.memory_space<vmem>>[vector<16xi32>], vector<16xf32>,
      %swap3A_470 = arith.constant 400 : index
      %swap3A_471 = tpu.vector_load %arg12[%swap3A_470] {strides = array<i32>} : memref<1024xf32, #tpu.memory_space<vmem>>, vector<16xf32>,
      tpu.vector_store %arg12[%swap3A_470], %gather3A_469 {add = true, strides = array<i32>} : memref<1024xf32, #tpu.memory_space<vmem>>, vector<16xf32>,
      %iota3A_472 = tpu.iota {dimensions = array<i32: 0>} : vector<16xi32>
      %add3A_473 = arith.constant 32 : i32
      %add3A_474 = vector.broadcast %add3A_473 : i32 to vector<16xi32>
      %add3A_475 = arith.addi %add3A_474, %iota3A_472 : vector<16xi32>
      %add3A_476 = arith.addi %gather3A_458, %add3A_475 : vector<16xi32>
      %gather3A_477 = tpu.vector_load_idx %arg7[%add3A_476] : memref<8192xf32, #tpu.memory_space<vmem>>[vector<16xi32>], vector<16xf32>,
      %swap3A_478 = arith.constant 416 : index
      %swap3A_479 = tpu.vector_load %arg12[%swap3A_478] {strides = array<i32>} : memref<1024xf32, #tpu.memory_space<vmem>>, vector<16xf32>,
      tpu.vector_store %arg12[%swap3A_478], %gather3A_477 {add = true, strides = array<i32>} : memref<1024xf32, #tpu.memory_space<vmem>>, vector<16xf32>,
      %iota3A_480 = tpu.iota {dimensions = array<i32: 0>} : vector<16xi32>
      %add3A_481 = arith.constant 48 : i32
      %add3A_482 = vector.broadcast %add3A_481 : i32 to vector<16xi32>
      %add3A_483 = arith.addi %add3A_482, %iota3A_480 : vector<16xi32>
      %add3A_484 = arith.addi %gather3A_458, %add3A_483 : vector<16xi32>
      %gather3A_485 = tpu.vector_load_idx %arg7[%add3A_484] : memref<8192xf32, #tpu.memory_space<vmem>>[vector<16xi32>], vector<16xf32>,
      %swap3A_486 = arith.constant 432 : index
      %swap3A_487 = tpu.vector_load %arg12[%swap3A_486] {strides = array<i32>} : memref<1024xf32, #tpu.memory_space<vmem>>, vector<16xf32>,
      tpu.vector_store %arg12[%swap3A_486], %gather3A_485 {add = true, strides = array<i32>} : memref<1024xf32, #tpu.memory_space<vmem>>, vector<16xf32>,
      %iota3A_488 = tpu.iota {dimensions = array<i32: 0>} : vector<16xi32>
      %add3A_489 = arith.constant 64 : i32
      %add3A_490 = vector.broadcast %add3A_489 : i32 to vector<16xi32>
      %add3A_491 = arith.addi %add3A_490, %iota3A_488 : vector<16xi32>
      %add3A_492 = arith.addi %gather3A_458, %add3A_491 : vector<16xi32>
      %gather3A_493 = tpu.vector_load_idx %arg7[%add3A_492] : memref<8192xf32, #tpu.memory_space<vmem>>[vector<16xi32>], vector<16xf32>,
      %swap3A_494 = arith.constant 448 : index
      %swap3A_495 = tpu.vector_load %arg12[%swap3A_494] {strides = array<i32>} : memref<1024xf32, #tpu.memory_space<vmem>>, vector<16xf32>,
      tpu.vector_store %arg12[%swap3A_494], %gather3A_493 {add = true, strides = array<i32>} : memref<1024xf32, #tpu.memory_space<vmem>>, vector<16xf32>,
      %iota3A_496 = tpu.iota {dimensions = array<i32: 0>} : vector<16xi32>
      %add3A_497 = arith.constant 80 : i32
      %add3A_498 = vector.broadcast %add3A_497 : i32 to vector<16xi32>
      %add3A_499 = arith.addi %add3A_498, %iota3A_496 : vector<16xi32>
      %add3A_500 = arith.addi %gather3A_458, %add3A_499 : vector<16xi32>
      %gather3A_501 = tpu.vector_load_idx %arg7[%add3A_500] : memref<8192xf32, #tpu.memory_space<vmem>>[vector<16xi32>], vector<16xf32>,
      %swap3A_502 = arith.constant 464 : index
      %swap3A_503 = tpu.vector_load %arg12[%swap3A_502] {strides = array<i32>} : memref<1024xf32, #tpu.memory_space<vmem>>, vector<16xf32>,
      tpu.vector_store %arg12[%swap3A_502], %gather3A_501 {add = true, strides = array<i32>} : memref<1024xf32, #tpu.memory_space<vmem>>, vector<16xf32>,
      %iota3A_504 = tpu.iota {dimensions = array<i32: 0>} : vector<16xi32>
      %add3A_505 = arith.constant 96 : i32
      %add3A_506 = vector.broadcast %add3A_505 : i32 to vector<16xi32>
      %add3A_507 = arith.addi %add3A_506, %iota3A_504 : vector<16xi32>
      %add3A_508 = arith.addi %gather3A_458, %add3A_507 : vector<16xi32>
      %gather3A_509 = tpu.vector_load_idx %arg7[%add3A_508] : memref<8192xf32, #tpu.memory_space<vmem>>[vector<16xi32>], vector<16xf32>,
      %swap3A_510 = arith.constant 480 : index
      %swap3A_511 = tpu.vector_load %arg12[%swap3A_510] {strides = array<i32>} : memref<1024xf32, #tpu.memory_space<vmem>>, vector<16xf32>,
      tpu.vector_store %arg12[%swap3A_510], %gather3A_509 {add = true, strides = array<i32>} : memref<1024xf32, #tpu.memory_space<vmem>>, vector<16xf32>,
      %iota3A_512 = tpu.iota {dimensions = array<i32: 0>} : vector<16xi32>
      %add3A_513 = arith.constant 112 : i32
      %add3A_514 = vector.broadcast %add3A_513 : i32 to vector<16xi32>
      %add3A_515 = arith.addi %add3A_514, %iota3A_512 : vector<16xi32>
      %add3A_516 = arith.addi %gather3A_458, %add3A_515 : vector<16xi32>
      %gather3A_517 = tpu.vector_load_idx %arg7[%add3A_516] : memref<8192xf32, #tpu.memory_space<vmem>>[vector<16xi32>], vector<16xf32>,
      %swap3A_518 = arith.constant 496 : index
      %swap3A_519 = tpu.vector_load %arg12[%swap3A_518] {strides = array<i32>} : memref<1024xf32, #tpu.memory_space<vmem>>, vector<16xf32>,
      tpu.vector_store %arg12[%swap3A_518], %gather3A_517 {add = true, strides = array<i32>} : memref<1024xf32, #tpu.memory_space<vmem>>, vector<16xf32>,
      %broadcast_in_dim3A_520 = arith.constant 12 : i32
      %broadcast_in_dim3A_521 = vector.broadcast %broadcast_in_dim3A_520 : i32 to vector<16x1xi32>
      %gather3A_522 = vector.shape_cast %broadcast_in_dim3A_521 : vector<16x1xi32> to vector<16xi32>
      %gather3A_523 = tpu.dynamic_gather %get3A_263[%gather3A_522] in [0] : vector<16xi32>, vector<16xi32> -> vector<16xi32>
      %iota3A_524 = tpu.iota {dimensions = array<i32: 0>} : vector<16xi32>
      %add3A_525 = arith.addi %gather3A_523, %iota3A_524 : vector<16xi32>
      %gather3A_526 = tpu.vector_load_idx %arg7[%add3A_525] : memref<8192xf32, #tpu.memory_space<vmem>>[vector<16xi32>], vector<16xf32>,
      %swap3A_527 = arith.constant 512 : index
      %swap3A_528 = tpu.vector_load %arg12[%swap3A_527] {strides = array<i32>} : memref<1024xf32, #tpu.memory_space<vmem>>, vector<16xf32>,
      tpu.vector_store %arg12[%swap3A_527], %gather3A_526 {add = true, strides = array<i32>} : memref<1024xf32, #tpu.memory_space<vmem>>, vector<16xf32>,
      %iota3A_529 = tpu.iota {dimensions = array<i32: 0>} : vector<16xi32>
      %add3A_530 = arith.constant 16 : i32
      %add3A_531 = vector.broadcast %add3A_530 : i32 to vector<16xi32>
      %add3A_532 = arith.addi %add3A_531, %iota3A_529 : vector<16xi32>
      %add3A_533 = arith.addi %gather3A_523, %add3A_532 : vector<16xi32>
      %gather3A_534 = tpu.vector_load_idx %arg7[%add3A_533] : memref<8192xf32, #tpu.memory_space<vmem>>[vector<16xi32>], vector<16xf32>,
      %swap3A_535 = arith.constant 528 : index
      %swap3A_536 = tpu.vector_load %arg12[%swap3A_535] {strides = array<i32>} : memref<1024xf32, #tpu.memory_space<vmem>>, vector<16xf32>,
      tpu.vector_store %arg12[%swap3A_535], %gather3A_534 {add = true, strides = array<i32>} : memref<1024xf32, #tpu.memory_space<vmem>>, vector<16xf32>,
      %iota3A_537 = tpu.iota {dimensions = array<i32: 0>} : vector<16xi32>
      %add3A_538 = arith.constant 32 : i32
      %add3A_539 = vector.broadcast %add3A_538 : i32 to vector<16xi32>
      %add3A_540 = arith.addi %add3A_539, %iota3A_537 : vector<16xi32>
      %add3A_541 = arith.addi %gather3A_523, %add3A_540 : vector<16xi32>
      %gather3A_542 = tpu.vector_load_idx %arg7[%add3A_541] : memref<8192xf32, #tpu.memory_space<vmem>>[vector<16xi32>], vector<16xf32>,
      %swap3A_543 = arith.constant 544 : index
      %swap3A_544 = tpu.vector_load %arg12[%swap3A_543] {strides = array<i32>} : memref<1024xf32, #tpu.memory_space<vmem>>, vector<16xf32>,
      tpu.vector_store %arg12[%swap3A_543], %gather3A_542 {add = true, strides = array<i32>} : memref<1024xf32, #tpu.memory_space<vmem>>, vector<16xf32>,
      %iota3A_545 = tpu.iota {dimensions = array<i32: 0>} : vector<16xi32>
      %add3A_546 = arith.constant 48 : i32
      %add3A_547 = vector.broadcast %add3A_546 : i32 to vector<16xi32>
      %add3A_548 = arith.addi %add3A_547, %iota3A_545 : vector<16xi32>
      %add3A_549 = arith.addi %gather3A_523, %add3A_548 : vector<16xi32>
      %gather3A_550 = tpu.vector_load_idx %arg7[%add3A_549] : memref<8192xf32, #tpu.memory_space<vmem>>[vector<16xi32>], vector<16xf32>,
      %swap3A_551 = arith.constant 560 : index
      %swap3A_552 = tpu.vector_load %arg12[%swap3A_551] {strides = array<i32>} : memref<1024xf32, #tpu.memory_space<vmem>>, vector<16xf32>,
      tpu.vector_store %arg12[%swap3A_551], %gather3A_550 {add = true, strides = array<i32>} : memref<1024xf32, #tpu.memory_space<vmem>>, vector<16xf32>,
      %iota3A_553 = tpu.iota {dimensions = array<i32: 0>} : vector<16xi32>
      %add3A_554 = arith.constant 64 : i32
      %add3A_555 = vector.broadcast %add3A_554 : i32 to vector<16xi32>
      %add3A_556 = arith.addi %add3A_555, %iota3A_553 : vector<16xi32>
      %add3A_557 = arith.addi %gather3A_523, %add3A_556 : vector<16xi32>
      %gather3A_558 = tpu.vector_load_idx %arg7[%add3A_557] : memref<8192xf32, #tpu.memory_space<vmem>>[vector<16xi32>], vector<16xf32>,
      %swap3A_559 = arith.constant 576 : index
      %swap3A_560 = tpu.vector_load %arg12[%swap3A_559] {strides = array<i32>} : memref<1024xf32, #tpu.memory_space<vmem>>, vector<16xf32>,
      tpu.vector_store %arg12[%swap3A_559], %gather3A_558 {add = true, strides = array<i32>} : memref<1024xf32, #tpu.memory_space<vmem>>, vector<16xf32>,
      %iota3A_561 = tpu.iota {dimensions = array<i32: 0>} : vector<16xi32>
      %add3A_562 = arith.constant 80 : i32
      %add3A_563 = vector.broadcast %add3A_562 : i32 to vector<16xi32>
      %add3A_564 = arith.addi %add3A_563, %iota3A_561 : vector<16xi32>
      %add3A_565 = arith.addi %gather3A_523, %add3A_564 : vector<16xi32>
      %gather3A_566 = tpu.vector_load_idx %arg7[%add3A_565] : memref<8192xf32, #tpu.memory_space<vmem>>[vector<16xi32>], vector<16xf32>,
      %swap3A_567 = arith.constant 592 : index
      %swap3A_568 = tpu.vector_load %arg12[%swap3A_567] {strides = array<i32>} : memref<1024xf32, #tpu.memory_space<vmem>>, vector<16xf32>,
      tpu.vector_store %arg12[%swap3A_567], %gather3A_566 {add = true, strides = array<i32>} : memref<1024xf32, #tpu.memory_space<vmem>>, vector<16xf32>,
      %iota3A_569 = tpu.iota {dimensions = array<i32: 0>} : vector<16xi32>
      %add3A_570 = arith.constant 96 : i32
      %add3A_571 = vector.broadcast %add3A_570 : i32 to vector<16xi32>
      %add3A_572 = arith.addi %add3A_571, %iota3A_569 : vector<16xi32>
      %add3A_573 = arith.addi %gather3A_523, %add3A_572 : vector<16xi32>
      %gather3A_574 = tpu.vector_load_idx %arg7[%add3A_573] : memref<8192xf32, #tpu.memory_space<vmem>>[vector<16xi32>], vector<16xf32>,
      %swap3A_575 = arith.constant 608 : index
      %swap3A_576 = tpu.vector_load %arg12[%swap3A_575] {strides = array<i32>} : memref<1024xf32, #tpu.memory_space<vmem>>, vector<16xf32>,
      tpu.vector_store %arg12[%swap3A_575], %gather3A_574 {add = true, strides = array<i32>} : memref<1024xf32, #tpu.memory_space<vmem>>, vector<16xf32>,
      %iota3A_577 = tpu.iota {dimensions = array<i32: 0>} : vector<16xi32>
      %add3A_578 = arith.constant 112 : i32
      %add3A_579 = vector.broadcast %add3A_578 : i32 to vector<16xi32>
      %add3A_580 = arith.addi %add3A_579, %iota3A_577 : vector<16xi32>
      %add3A_581 = arith.addi %gather3A_523, %add3A_580 : vector<16xi32>
      %gather3A_582 = tpu.vector_load_idx %arg7[%add3A_581] : memref<8192xf32, #tpu.memory_space<vmem>>[vector<16xi32>], vector<16xf32>,
      %swap3A_583 = arith.constant 624 : index
      %swap3A_584 = tpu.vector_load %arg12[%swap3A_583] {strides = array<i32>} : memref<1024xf32, #tpu.memory_space<vmem>>, vector<16xf32>,
      tpu.vector_store %arg12[%swap3A_583], %gather3A_582 {add = true, strides = array<i32>} : memref<1024xf32, #tpu.memory_space<vmem>>, vector<16xf32>,
      %broadcast_in_dim3A_585 = arith.constant 13 : i32
      %broadcast_in_dim3A_586 = vector.broadcast %broadcast_in_dim3A_585 : i32 to vector<16x1xi32>
      %gather3A_587 = vector.shape_cast %broadcast_in_dim3A_586 : vector<16x1xi32> to vector<16xi32>
      %gather3A_588 = tpu.dynamic_gather %get3A_263[%gather3A_587] in [0] : vector<16xi32>, vector<16xi32> -> vector<16xi32>
      %iota3A_589 = tpu.iota {dimensions = array<i32: 0>} : vector<16xi32>
      %add3A_590 = arith.addi %gather3A_588, %iota3A_589 : vector<16xi32>
      %gather3A_591 = tpu.vector_load_idx %arg7[%add3A_590] : memref<8192xf32, #tpu.memory_space<vmem>>[vector<16xi32>], vector<16xf32>,
      %swap3A_592 = arith.constant 640 : index
      %swap3A_593 = tpu.vector_load %arg12[%swap3A_592] {strides = array<i32>} : memref<1024xf32, #tpu.memory_space<vmem>>, vector<16xf32>,
      tpu.vector_store %arg12[%swap3A_592], %gather3A_591 {add = true, strides = array<i32>} : memref<1024xf32, #tpu.memory_space<vmem>>, vector<16xf32>,
      %iota3A_594 = tpu.iota {dimensions = array<i32: 0>} : vector<16xi32>
      %add3A_595 = arith.constant 16 : i32
      %add3A_596 = vector.broadcast %add3A_595 : i32 to vector<16xi32>
      %add3A_597 = arith.addi %add3A_596, %iota3A_594 : vector<16xi32>
      %add3A_598 = arith.addi %gather3A_588, %add3A_597 : vector<16xi32>
      %gather3A_599 = tpu.vector_load_idx %arg7[%add3A_598] : memref<8192xf32, #tpu.memory_space<vmem>>[vector<16xi32>], vector<16xf32>,
      %swap3A_600 = arith.constant 656 : index
      %swap3A_601 = tpu.vector_load %arg12[%swap3A_600] {strides = array<i32>} : memref<1024xf32, #tpu.memory_space<vmem>>, vector<16xf32>,
      tpu.vector_store %arg12[%swap3A_600], %gather3A_599 {add = true, strides = array<i32>} : memref<1024xf32, #tpu.memory_space<vmem>>, vector<16xf32>,
      %iota3A_602 = tpu.iota {dimensions = array<i32: 0>} : vector<16xi32>
      %add3A_603 = arith.constant 32 : i32
      %add3A_604 = vector.broadcast %add3A_603 : i32 to vector<16xi32>
      %add3A_605 = arith.addi %add3A_604, %iota3A_602 : vector<16xi32>
      %add3A_606 = arith.addi %gather3A_588, %add3A_605 : vector<16xi32>
      %gather3A_607 = tpu.vector_load_idx %arg7[%add3A_606] : memref<8192xf32, #tpu.memory_space<vmem>>[vector<16xi32>], vector<16xf32>,
      %swap3A_608 = arith.constant 672 : index
      %swap3A_609 = tpu.vector_load %arg12[%swap3A_608] {strides = array<i32>} : memref<1024xf32, #tpu.memory_space<vmem>>, vector<16xf32>,
      tpu.vector_store %arg12[%swap3A_608], %gather3A_607 {add = true, strides = array<i32>} : memref<1024xf32, #tpu.memory_space<vmem>>, vector<16xf32>,
      %iota3A_610 = tpu.iota {dimensions = array<i32: 0>} : vector<16xi32>
      %add3A_611 = arith.constant 48 : i32
      %add3A_612 = vector.broadcast %add3A_611 : i32 to vector<16xi32>
      %add3A_613 = arith.addi %add3A_612, %iota3A_610 : vector<16xi32>
      %add3A_614 = arith.addi %gather3A_588, %add3A_613 : vector<16xi32>
      %gather3A_615 = tpu.vector_load_idx %arg7[%add3A_614] : memref<8192xf32, #tpu.memory_space<vmem>>[vector<16xi32>], vector<16xf32>,
      %swap3A_616 = arith.constant 688 : index
      %swap3A_617 = tpu.vector_load %arg12[%swap3A_616] {strides = array<i32>} : memref<1024xf32, #tpu.memory_space<vmem>>, vector<16xf32>,
      tpu.vector_store %arg12[%swap3A_616], %gather3A_615 {add = true, strides = array<i32>} : memref<1024xf32, #tpu.memory_space<vmem>>, vector<16xf32>,
      %iota3A_618 = tpu.iota {dimensions = array<i32: 0>} : vector<16xi32>
      %add3A_619 = arith.constant 64 : i32
      %add3A_620 = vector.broadcast %add3A_619 : i32 to vector<16xi32>
      %add3A_621 = arith.addi %add3A_620, %iota3A_618 : vector<16xi32>
      %add3A_622 = arith.addi %gather3A_588, %add3A_621 : vector<16xi32>
      %gather3A_623 = tpu.vector_load_idx %arg7[%add3A_622] : memref<8192xf32, #tpu.memory_space<vmem>>[vector<16xi32>], vector<16xf32>,
      %swap3A_624 = arith.constant 704 : index
      %swap3A_625 = tpu.vector_load %arg12[%swap3A_624] {strides = array<i32>} : memref<1024xf32, #tpu.memory_space<vmem>>, vector<16xf32>,
      tpu.vector_store %arg12[%swap3A_624], %gather3A_623 {add = true, strides = array<i32>} : memref<1024xf32, #tpu.memory_space<vmem>>, vector<16xf32>,
      %iota3A_626 = tpu.iota {dimensions = array<i32: 0>} : vector<16xi32>
      %add3A_627 = arith.constant 80 : i32
      %add3A_628 = vector.broadcast %add3A_627 : i32 to vector<16xi32>
      %add3A_629 = arith.addi %add3A_628, %iota3A_626 : vector<16xi32>
      %add3A_630 = arith.addi %gather3A_588, %add3A_629 : vector<16xi32>
      %gather3A_631 = tpu.vector_load_idx %arg7[%add3A_630] : memref<8192xf32, #tpu.memory_space<vmem>>[vector<16xi32>], vector<16xf32>,
      %swap3A_632 = arith.constant 720 : index
      %swap3A_633 = tpu.vector_load %arg12[%swap3A_632] {strides = array<i32>} : memref<1024xf32, #tpu.memory_space<vmem>>, vector<16xf32>,
      tpu.vector_store %arg12[%swap3A_632], %gather3A_631 {add = true, strides = array<i32>} : memref<1024xf32, #tpu.memory_space<vmem>>, vector<16xf32>,
      %iota3A_634 = tpu.iota {dimensions = array<i32: 0>} : vector<16xi32>
      %add3A_635 = arith.constant 96 : i32
      %add3A_636 = vector.broadcast %add3A_635 : i32 to vector<16xi32>
      %add3A_637 = arith.addi %add3A_636, %iota3A_634 : vector<16xi32>
      %add3A_638 = arith.addi %gather3A_588, %add3A_637 : vector<16xi32>
      %gather3A_639 = tpu.vector_load_idx %arg7[%add3A_638] : memref<8192xf32, #tpu.memory_space<vmem>>[vector<16xi32>], vector<16xf32>,
      %swap3A_640 = arith.constant 736 : index
      %swap3A_641 = tpu.vector_load %arg12[%swap3A_640] {strides = array<i32>} : memref<1024xf32, #tpu.memory_space<vmem>>, vector<16xf32>,
      tpu.vector_store %arg12[%swap3A_640], %gather3A_639 {add = true, strides = array<i32>} : memref<1024xf32, #tpu.memory_space<vmem>>, vector<16xf32>,
      %iota3A_642 = tpu.iota {dimensions = array<i32: 0>} : vector<16xi32>
      %add3A_643 = arith.constant 112 : i32
      %add3A_644 = vector.broadcast %add3A_643 : i32 to vector<16xi32>
      %add3A_645 = arith.addi %add3A_644, %iota3A_642 : vector<16xi32>
      %add3A_646 = arith.addi %gather3A_588, %add3A_645 : vector<16xi32>
      %gather3A_647 = tpu.vector_load_idx %arg7[%add3A_646] : memref<8192xf32, #tpu.memory_space<vmem>>[vector<16xi32>], vector<16xf32>,
      %swap3A_648 = arith.constant 752 : index
      %swap3A_649 = tpu.vector_load %arg12[%swap3A_648] {strides = array<i32>} : memref<1024xf32, #tpu.memory_space<vmem>>, vector<16xf32>,
      tpu.vector_store %arg12[%swap3A_648], %gather3A_647 {add = true, strides = array<i32>} : memref<1024xf32, #tpu.memory_space<vmem>>, vector<16xf32>,
      %broadcast_in_dim3A_650 = arith.constant 14 : i32
      %broadcast_in_dim3A_651 = vector.broadcast %broadcast_in_dim3A_650 : i32 to vector<16x1xi32>
      %gather3A_652 = vector.shape_cast %broadcast_in_dim3A_651 : vector<16x1xi32> to vector<16xi32>
      %gather3A_653 = tpu.dynamic_gather %get3A_263[%gather3A_652] in [0] : vector<16xi32>, vector<16xi32> -> vector<16xi32>
      %iota3A_654 = tpu.iota {dimensions = array<i32: 0>} : vector<16xi32>
      %add3A_655 = arith.addi %gather3A_653, %iota3A_654 : vector<16xi32>
      %gather3A_656 = tpu.vector_load_idx %arg7[%add3A_655] : memref<8192xf32, #tpu.memory_space<vmem>>[vector<16xi32>], vector<16xf32>,
      %swap3A_657 = arith.constant 768 : index
      %swap3A_658 = tpu.vector_load %arg12[%swap3A_657] {strides = array<i32>} : memref<1024xf32, #tpu.memory_space<vmem>>, vector<16xf32>,
      tpu.vector_store %arg12[%swap3A_657], %gather3A_656 {add = true, strides = array<i32>} : memref<1024xf32, #tpu.memory_space<vmem>>, vector<16xf32>,
      %iota3A_659 = tpu.iota {dimensions = array<i32: 0>} : vector<16xi32>
      %add3A_660 = arith.constant 16 : i32
      %add3A_661 = vector.broadcast %add3A_660 : i32 to vector<16xi32>
      %add3A_662 = arith.addi %add3A_661, %iota3A_659 : vector<16xi32>
      %add3A_663 = arith.addi %gather3A_653, %add3A_662 : vector<16xi32>
      %gather3A_664 = tpu.vector_load_idx %arg7[%add3A_663] : memref<8192xf32, #tpu.memory_space<vmem>>[vector<16xi32>], vector<16xf32>,
      %swap3A_665 = arith.constant 784 : index
      %swap3A_666 = tpu.vector_load %arg12[%swap3A_665] {strides = array<i32>} : memref<1024xf32, #tpu.memory_space<vmem>>, vector<16xf32>,
      tpu.vector_store %arg12[%swap3A_665], %gather3A_664 {add = true, strides = array<i32>} : memref<1024xf32, #tpu.memory_space<vmem>>, vector<16xf32>,
      %iota3A_667 = tpu.iota {dimensions = array<i32: 0>} : vector<16xi32>
      %add3A_668 = arith.constant 32 : i32
      %add3A_669 = vector.broadcast %add3A_668 : i32 to vector<16xi32>
      %add3A_670 = arith.addi %add3A_669, %iota3A_667 : vector<16xi32>
      %add3A_671 = arith.addi %gather3A_653, %add3A_670 : vector<16xi32>
      %gather3A_672 = tpu.vector_load_idx %arg7[%add3A_671] : memref<8192xf32, #tpu.memory_space<vmem>>[vector<16xi32>], vector<16xf32>,
      %swap3A_673 = arith.constant 800 : index
      %swap3A_674 = tpu.vector_load %arg12[%swap3A_673] {strides = array<i32>} : memref<1024xf32, #tpu.memory_space<vmem>>, vector<16xf32>,
      tpu.vector_store %arg12[%swap3A_673], %gather3A_672 {add = true, strides = array<i32>} : memref<1024xf32, #tpu.memory_space<vmem>>, vector<16xf32>,
      %iota3A_675 = tpu.iota {dimensions = array<i32: 0>} : vector<16xi32>
      %add3A_676 = arith.constant 48 : i32
      %add3A_677 = vector.broadcast %add3A_676 : i32 to vector<16xi32>
      %add3A_678 = arith.addi %add3A_677, %iota3A_675 : vector<16xi32>
      %add3A_679 = arith.addi %gather3A_653, %add3A_678 : vector<16xi32>
      %gather3A_680 = tpu.vector_load_idx %arg7[%add3A_679] : memref<8192xf32, #tpu.memory_space<vmem>>[vector<16xi32>], vector<16xf32>,
      %swap3A_681 = arith.constant 816 : index
      %swap3A_682 = tpu.vector_load %arg12[%swap3A_681] {strides = array<i32>} : memref<1024xf32, #tpu.memory_space<vmem>>, vector<16xf32>,
      tpu.vector_store %arg12[%swap3A_681], %gather3A_680 {add = true, strides = array<i32>} : memref<1024xf32, #tpu.memory_space<vmem>>, vector<16xf32>,
      %iota3A_683 = tpu.iota {dimensions = array<i32: 0>} : vector<16xi32>
      %add3A_684 = arith.constant 64 : i32
      %add3A_685 = vector.broadcast %add3A_684 : i32 to vector<16xi32>
      %add3A_686 = arith.addi %add3A_685, %iota3A_683 : vector<16xi32>
      %add3A_687 = arith.addi %gather3A_653, %add3A_686 : vector<16xi32>
      %gather3A_688 = tpu.vector_load_idx %arg7[%add3A_687] : memref<8192xf32, #tpu.memory_space<vmem>>[vector<16xi32>], vector<16xf32>,
      %swap3A_689 = arith.constant 832 : index
      %swap3A_690 = tpu.vector_load %arg12[%swap3A_689] {strides = array<i32>} : memref<1024xf32, #tpu.memory_space<vmem>>, vector<16xf32>,
      tpu.vector_store %arg12[%swap3A_689], %gather3A_688 {add = true, strides = array<i32>} : memref<1024xf32, #tpu.memory_space<vmem>>, vector<16xf32>,
      %iota3A_691 = tpu.iota {dimensions = array<i32: 0>} : vector<16xi32>
      %add3A_692 = arith.constant 80 : i32
      %add3A_693 = vector.broadcast %add3A_692 : i32 to vector<16xi32>
      %add3A_694 = arith.addi %add3A_693, %iota3A_691 : vector<16xi32>
      %add3A_695 = arith.addi %gather3A_653, %add3A_694 : vector<16xi32>
      %gather3A_696 = tpu.vector_load_idx %arg7[%add3A_695] : memref<8192xf32, #tpu.memory_space<vmem>>[vector<16xi32>], vector<16xf32>,
      %swap3A_697 = arith.constant 848 : index
      %swap3A_698 = tpu.vector_load %arg12[%swap3A_697] {strides = array<i32>} : memref<1024xf32, #tpu.memory_space<vmem>>, vector<16xf32>,
      tpu.vector_store %arg12[%swap3A_697], %gather3A_696 {add = true, strides = array<i32>} : memref<1024xf32, #tpu.memory_space<vmem>>, vector<16xf32>,
      %iota3A_699 = tpu.iota {dimensions = array<i32: 0>} : vector<16xi32>
      %add3A_700 = arith.constant 96 : i32
      %add3A_701 = vector.broadcast %add3A_700 : i32 to vector<16xi32>
      %add3A_702 = arith.addi %add3A_701, %iota3A_699 : vector<16xi32>
      %add3A_703 = arith.addi %gather3A_653, %add3A_702 : vector<16xi32>
      %gather3A_704 = tpu.vector_load_idx %arg7[%add3A_703] : memref<8192xf32, #tpu.memory_space<vmem>>[vector<16xi32>], vector<16xf32>,
      %swap3A_705 = arith.constant 864 : index
      %swap3A_706 = tpu.vector_load %arg12[%swap3A_705] {strides = array<i32>} : memref<1024xf32, #tpu.memory_space<vmem>>, vector<16xf32>,
      tpu.vector_store %arg12[%swap3A_705], %gather3A_704 {add = true, strides = array<i32>} : memref<1024xf32, #tpu.memory_space<vmem>>, vector<16xf32>,
      %iota3A_707 = tpu.iota {dimensions = array<i32: 0>} : vector<16xi32>
      %add3A_708 = arith.constant 112 : i32
      %add3A_709 = vector.broadcast %add3A_708 : i32 to vector<16xi32>
      %add3A_710 = arith.addi %add3A_709, %iota3A_707 : vector<16xi32>
      %add3A_711 = arith.addi %gather3A_653, %add3A_710 : vector<16xi32>
      %gather3A_712 = tpu.vector_load_idx %arg7[%add3A_711] : memref<8192xf32, #tpu.memory_space<vmem>>[vector<16xi32>], vector<16xf32>,
      %swap3A_713 = arith.constant 880 : index
      %swap3A_714 = tpu.vector_load %arg12[%swap3A_713] {strides = array<i32>} : memref<1024xf32, #tpu.memory_space<vmem>>, vector<16xf32>,
      tpu.vector_store %arg12[%swap3A_713], %gather3A_712 {add = true, strides = array<i32>} : memref<1024xf32, #tpu.memory_space<vmem>>, vector<16xf32>,
      %broadcast_in_dim3A_715 = arith.constant 15 : i32
      %broadcast_in_dim3A_716 = vector.broadcast %broadcast_in_dim3A_715 : i32 to vector<16x1xi32>
      %gather3A_717 = vector.shape_cast %broadcast_in_dim3A_716 : vector<16x1xi32> to vector<16xi32>
      %gather3A_718 = tpu.dynamic_gather %get3A_263[%gather3A_717] in [0] : vector<16xi32>, vector<16xi32> -> vector<16xi32>
      %iota3A_719 = tpu.iota {dimensions = array<i32: 0>} : vector<16xi32>
      %add3A_720 = arith.addi %gather3A_718, %iota3A_719 : vector<16xi32>
      %gather3A_721 = tpu.vector_load_idx %arg7[%add3A_720] : memref<8192xf32, #tpu.memory_space<vmem>>[vector<16xi32>], vector<16xf32>,
      %swap3A_722 = arith.constant 896 : index
      %swap3A_723 = tpu.vector_load %arg12[%swap3A_722] {strides = array<i32>} : memref<1024xf32, #tpu.memory_space<vmem>>, vector<16xf32>,
      tpu.vector_store %arg12[%swap3A_722], %gather3A_721 {add = true, strides = array<i32>} : memref<1024xf32, #tpu.memory_space<vmem>>, vector<16xf32>,
      %iota3A_724 = tpu.iota {dimensions = array<i32: 0>} : vector<16xi32>
      %add3A_725 = arith.constant 16 : i32
      %add3A_726 = vector.broadcast %add3A_725 : i32 to vector<16xi32>
      %add3A_727 = arith.addi %add3A_726, %iota3A_724 : vector<16xi32>
      %add3A_728 = arith.addi %gather3A_718, %add3A_727 : vector<16xi32>
      %gather3A_729 = tpu.vector_load_idx %arg7[%add3A_728] : memref<8192xf32, #tpu.memory_space<vmem>>[vector<16xi32>], vector<16xf32>,
      %swap3A_730 = arith.constant 912 : index
      %swap3A_731 = tpu.vector_load %arg12[%swap3A_730] {strides = array<i32>} : memref<1024xf32, #tpu.memory_space<vmem>>, vector<16xf32>,
      tpu.vector_store %arg12[%swap3A_730], %gather3A_729 {add = true, strides = array<i32>} : memref<1024xf32, #tpu.memory_space<vmem>>, vector<16xf32>,
      %iota3A_732 = tpu.iota {dimensions = array<i32: 0>} : vector<16xi32>
      %add3A_733 = arith.constant 32 : i32
      %add3A_734 = vector.broadcast %add3A_733 : i32 to vector<16xi32>
      %add3A_735 = arith.addi %add3A_734, %iota3A_732 : vector<16xi32>
      %add3A_736 = arith.addi %gather3A_718, %add3A_735 : vector<16xi32>
      %gather3A_737 = tpu.vector_load_idx %arg7[%add3A_736] : memref<8192xf32, #tpu.memory_space<vmem>>[vector<16xi32>], vector<16xf32>,
      %swap3A_738 = arith.constant 928 : index
      %swap3A_739 = tpu.vector_load %arg12[%swap3A_738] {strides = array<i32>} : memref<1024xf32, #tpu.memory_space<vmem>>, vector<16xf32>,
      tpu.vector_store %arg12[%swap3A_738], %gather3A_737 {add = true, strides = array<i32>} : memref<1024xf32, #tpu.memory_space<vmem>>, vector<16xf32>,
      %iota3A_740 = tpu.iota {dimensions = array<i32: 0>} : vector<16xi32>
      %add3A_741 = arith.constant 48 : i32
      %add3A_742 = vector.broadcast %add3A_741 : i32 to vector<16xi32>
      %add3A_743 = arith.addi %add3A_742, %iota3A_740 : vector<16xi32>
      %add3A_744 = arith.addi %gather3A_718, %add3A_743 : vector<16xi32>
      %gather3A_745 = tpu.vector_load_idx %arg7[%add3A_744] : memref<8192xf32, #tpu.memory_space<vmem>>[vector<16xi32>], vector<16xf32>,
      %swap3A_746 = arith.constant 944 : index
      %swap3A_747 = tpu.vector_load %arg12[%swap3A_746] {strides = array<i32>} : memref<1024xf32, #tpu.memory_space<vmem>>, vector<16xf32>,
      tpu.vector_store %arg12[%swap3A_746], %gather3A_745 {add = true, strides = array<i32>} : memref<1024xf32, #tpu.memory_space<vmem>>, vector<16xf32>,
      %iota3A_748 = tpu.iota {dimensions = array<i32: 0>} : vector<16xi32>
      %add3A_749 = arith.constant 64 : i32
      %add3A_750 = vector.broadcast %add3A_749 : i32 to vector<16xi32>
      %add3A_751 = arith.addi %add3A_750, %iota3A_748 : vector<16xi32>
      %add3A_752 = arith.addi %gather3A_718, %add3A_751 : vector<16xi32>
      %gather3A_753 = tpu.vector_load_idx %arg7[%add3A_752] : memref<8192xf32, #tpu.memory_space<vmem>>[vector<16xi32>], vector<16xf32>,
      %swap3A_754 = arith.constant 960 : index
      %swap3A_755 = tpu.vector_load %arg12[%swap3A_754] {strides = array<i32>} : memref<1024xf32, #tpu.memory_space<vmem>>, vector<16xf32>,
      tpu.vector_store %arg12[%swap3A_754], %gather3A_753 {add = true, strides = array<i32>} : memref<1024xf32, #tpu.memory_space<vmem>>, vector<16xf32>,
      %iota3A_756 = tpu.iota {dimensions = array<i32: 0>} : vector<16xi32>
      %add3A_757 = arith.constant 80 : i32
      %add3A_758 = vector.broadcast %add3A_757 : i32 to vector<16xi32>
      %add3A_759 = arith.addi %add3A_758, %iota3A_756 : vector<16xi32>
      %add3A_760 = arith.addi %gather3A_718, %add3A_759 : vector<16xi32>
      %gather3A_761 = tpu.vector_load_idx %arg7[%add3A_760] : memref<8192xf32, #tpu.memory_space<vmem>>[vector<16xi32>], vector<16xf32>,
      %swap3A_762 = arith.constant 976 : index
      %swap3A_763 = tpu.vector_load %arg12[%swap3A_762] {strides = array<i32>} : memref<1024xf32, #tpu.memory_space<vmem>>, vector<16xf32>,
      tpu.vector_store %arg12[%swap3A_762], %gather3A_761 {add = true, strides = array<i32>} : memref<1024xf32, #tpu.memory_space<vmem>>, vector<16xf32>,
      %iota3A_764 = tpu.iota {dimensions = array<i32: 0>} : vector<16xi32>
      %add3A_765 = arith.constant 96 : i32
      %add3A_766 = vector.broadcast %add3A_765 : i32 to vector<16xi32>
      %add3A_767 = arith.addi %add3A_766, %iota3A_764 : vector<16xi32>
      %add3A_768 = arith.addi %gather3A_718, %add3A_767 : vector<16xi32>
      %gather3A_769 = tpu.vector_load_idx %arg7[%add3A_768] : memref<8192xf32, #tpu.memory_space<vmem>>[vector<16xi32>], vector<16xf32>,
      %swap3A_770 = arith.constant 992 : index
      %swap3A_771 = tpu.vector_load %arg12[%swap3A_770] {strides = array<i32>} : memref<1024xf32, #tpu.memory_space<vmem>>, vector<16xf32>,
      tpu.vector_store %arg12[%swap3A_770], %gather3A_769 {add = true, strides = array<i32>} : memref<1024xf32, #tpu.memory_space<vmem>>, vector<16xf32>,
      %iota3A_772 = tpu.iota {dimensions = array<i32: 0>} : vector<16xi32>
      %add3A_773 = arith.constant 112 : i32
      %add3A_774 = vector.broadcast %add3A_773 : i32 to vector<16xi32>
      %add3A_775 = arith.addi %add3A_774, %iota3A_772 : vector<16xi32>
      %add3A_776 = arith.addi %gather3A_718, %add3A_775 : vector<16xi32>
      %gather3A_777 = tpu.vector_load_idx %arg7[%add3A_776] : memref<8192xf32, #tpu.memory_space<vmem>>[vector<16xi32>], vector<16xf32>,
      %swap3A_778 = arith.constant 1008 : index
      %swap3A_779 = tpu.vector_load %arg12[%swap3A_778] {strides = array<i32>} : memref<1024xf32, #tpu.memory_space<vmem>>, vector<16xf32>,
      tpu.vector_store %arg12[%swap3A_778], %gather3A_777 {add = true, strides = array<i32>} : memref<1024xf32, #tpu.memory_space<vmem>>, vector<16xf32>,
      %mul3A_780 = arith.constant 128 : i32
      %mul3A_781 = arith.muli %add3A_6, %mul3A_780 : i32
      "tpu.region"() ({
        %run_scoped3A = tpu.sem_alloc : memref<!tpu.dma_semaphore, #tpu.memory_space<semaphore_mem>>
        %dma_start3A_782 = tpu.memref_slice %arg5[%mul3A_781] : memref<12800000xf32, #tpu.memory_space<hbm>> -> memref<1024xf32, #tpu.memory_space<hbm>>
        %dma_start3A_783 = tpu.memref_slice %arg5[%mul3A_781] : memref<12800000xf32, #tpu.memory_space<hbm>> -> memref<1024xf32, #tpu.memory_space<hbm>>
        tpu.enqueue_dma source(%arg12 : memref<1024xf32, #tpu.memory_space<vmem>>) target(%dma_start3A_783 : memref<1024xf32, #tpu.memory_space<hbm>>) target_semaphore(%run_scoped3A : memref<!tpu.dma_semaphore, #tpu.memory_space<semaphore_mem>>)
        %dma_wait3A_784 = tpu.memref_slice %arg5[%mul3A_781] : memref<12800000xf32, #tpu.memory_space<hbm>> -> memref<1024xf32, #tpu.memory_space<hbm>>
        %dma_wait3A_785 = tpu.memref_slice %arg5[%mul3A_781] : memref<12800000xf32, #tpu.memory_space<hbm>> -> memref<1024xf32, #tpu.memory_space<hbm>>
        tpu.wait_dma2 semaphore(%run_scoped3A : memref<!tpu.dma_semaphore, #tpu.memory_space<semaphore_mem>>) src(%arg12 : memref<1024xf32, #tpu.memory_space<vmem>>) dst(%dma_wait3A_785 : memref<1024xf32, #tpu.memory_space<hbm>>)
        tpu.yield
      }) : () -> ()
    } else {
    }
    %dma_wait3A_250 = tpu.memref_slice %arg5[%mul3A_214] : memref<12800000xf32, #tpu.memory_space<hbm>> -> memref<30720xf32, #tpu.memory_space<hbm>>
    %dma_wait3A_251 = tpu.memref_slice %arg5[%mul3A_214] : memref<12800000xf32, #tpu.memory_space<hbm>> -> memref<30720xf32, #tpu.memory_space<hbm>>
    tpu.wait_dma2 semaphore(%arg17 : memref<!tpu.dma_semaphore, #tpu.memory_space<semaphore_mem>>) src(%arg9 : memref<30720xf32, #tpu.memory_space<vmem>>) dst(%dma_wait3A_251 : memref<30720xf32, #tpu.memory_space<hbm>>)
    %dma_wait3A_252 = tpu.memref_slice %arg5[%mul3A_233] : memref<12800000xf32, #tpu.memory_space<hbm>> -> memref<30720xf32, #tpu.memory_space<hbm>>
    %dma_wait3A_253 = tpu.memref_slice %arg5[%mul3A_233] : memref<12800000xf32, #tpu.memory_space<hbm>> -> memref<30720xf32, #tpu.memory_space<hbm>>
    tpu.wait_dma2 semaphore(%arg18 : memref<!tpu.dma_semaphore, #tpu.memory_space<semaphore_mem>>) src(%arg10 : memref<30720xf32, #tpu.memory_space<vmem>>) dst(%dma_wait3A_253 : memref<30720xf32, #tpu.memory_space<hbm>>)
    %dma_wait3A_254 = tpu.memref_slice %arg5[%mul3A_244] : memref<12800000xf32, #tpu.memory_space<hbm>> -> memref<30720xf32, #tpu.memory_space<hbm>>
    %dma_wait3A_255 = tpu.memref_slice %arg5[%mul3A_244] : memref<12800000xf32, #tpu.memory_space<hbm>> -> memref<30720xf32, #tpu.memory_space<hbm>>
    tpu.wait_dma2 semaphore(%arg16 : memref<!tpu.dma_semaphore, #tpu.memory_space<semaphore_mem>>) src(%arg8 : memref<30720xf32, #tpu.memory_space<vmem>>) dst(%dma_wait3A_255 : memref<30720xf32, #tpu.memory_space<hbm>>)
    return
  }
}

</mosaic_0001>

<sc_bundles>
// kernel: _sc_add_embed.3.cloned.1.call-start
scs
__scs_entry_jumppad:
0x0: {  	(pc) =	sbr.rel $0x88, $3  }
0x1: {  	(tag) =	ssettag $0x0;
	lr =	simm.s32 $0x1  }
0x2: {  	[smem:$0x3F9E] =	sst lr;
	_ =	strace $0xD0000000  }
0x3: {  	_ = 	snop  }
0x4: {  	_ = 	snop  }
0x5: {  	_ = 	snop  }
0x6: {  	_ = 	snop  }
0x7: {  	_ = 	snop  }
__scs_overlays_trampoline_lowered:
0x8: {  	[smem:$0x3FAD] =	sst s0  }
0x9: {  	[smem:$0x3FAE] =	sst s1  }
0xa: {  	[smem:$0x3FAF] =	sst s2  }
0xb: {  	[smem:$0x3FB0] =	sst s3  }
0xc: {  	[smem:$0x3FB1] =	sst s4  }
0xd: {  	[smem:$0x3FB2] =	sst s5  }
0xe: {  	[smem:$0x3FB3] =	sst s6  }
0xf: {  	[smem:$0x3FB4] =	sst s7  }
0x10: {  	[smem:$0x3FB5] =	sst s8  }
0x11: {  	[smem:$0x3FB6] =	sst s9;
	s0 =	simm.s32 @!p0 $0x0  }
0x12: {  	s1 =	sld [smem:$0x3F9C];
	s0 =	simm.s32 @p0 $0x1  }
0x13: {  	[smem:$0x3FB7] =	sst s0;
	s0 =	simm.s32 @!p1 $0x0  }
0x14: {  	s2 =	sld [smem:$0x3F9B];
	s0 =	simm.s32 @p1 $0x1  }
0x15: {  	[smem:$0x3FB8] =	sst s0;
	s0 =	simm.s32 @!p2 $0x0  }
0x16: {  	s3 =	sld [smem:$0x3FDB];
	s0 =	simm.s32 @p2 $0x1  }
0x17: {  	s4 =	simm.s32 $0x1BF5;
	[smem:$0x3FBA] =	sst s0  }
0x18: {  	s0 =	sld [smem:$0x3F9D];
	_ =	swait.ge [sflag:s4], $0x0  }
0x19: {  	s7 =	sld [smem:$0x3F9E]  }
0x1a: {  	s8 =	sadd.s32 $0xFFFFE003, lr  }
0x1b: {  	s9 =	sadd.s32 $0xFFFFFEF7, lr;
	s5 =	simm.s32 $0xFFFFFFFF;
	p2 =	slt.u32 s8, $0xFFFFF086  }
0x1c: {  	p1 =	slt.u32 s9, $0xF7A;
	s5 =	simm.s32 @!p2 $0x0  }
0x1d: {  	s5 =	simm.s32 @p1 $0x1;
	p0 =	seq.s32 s7, s2  }
0x1e: {  	s7 =	smul.u32 @!p0 $0xF7A, s2;
	p2 =	seq.s32 @!p0 s5, $0x0  }
0x1f: {  	s9 =	smul.u32 $0xF7A, s1;
	s8 =	simm.s32 @!p0 $0x1BF5;
	p2 =	por !p2, p0  }
0x20: {  	[sflag:s8] =	ssyncset.s32 @!p0 $0xFFFFF086;
	s6 =	sadd.s32 @!p0 s3, s7;
	s7 =	simm.s32 @!p0 $0x108  }
0x21: {  	s3 =	sadd.s32 s3, s9;
	s6 =	sadd.s32 @!p0 $0x88, s6;
	s7 =	simm.s32 @p2 $0x1082  }
0x22: {  	[simem:s7], [sflag:s8] =	dma.local @!p0 [hbm:s6], $0xF7A  }
0x23: {  	s9 =	sor.u32 $0xD0000000, s2;
	s6 =	simm.s32 $0x108;
	_ =	swait.ge @!p0 [sflag:s8], $0x0  }
0x24: {  	s3 =	sadd.s32 $0x88, s3;
	s6 =	simm.s32 @!p1 $0x1082;
	[sflag:s4] =	ssyncset.s32 $0xFFFFF086  }
0x25: {  	[simem:s6], [sflag:s4] =	dma.local [hbm:s3], $0xF7A  }
0x26: {  	[smem:$0x3F9E] =	sst s1;
	(tag) =	ssettag s2;
	_ =	strace s9  }
0x27: {  	s1 =	sld [smem:$0x3FAE]  }
0x28: {  	s2 =	sld [smem:$0x3FAF]  }
0x29: {  	s4 =	sld [smem:$0x3FB1]  }
0x2a: {  	p0 =	seq.s32 s5, $0x0;
	s5 =	sld [smem:$0x3FB2]  }
0x2b: {  	s6 =	sld [smem:$0x3FB3]  }
0x2c: {  	s7 =	sld [smem:$0x3FB4]  }
0x2d: {  	s3 =	simm.s32 $0x108;
	s8 =	sld [smem:$0x3FB5]  }
0x2e: {  	s3 =	simm.s32 @!p0 $0x1082;
	s9 =	sld [smem:$0x3FB6]  }
0x2f: {  	lr =	sadd.s32 s0, s3;
	s0 =	sld [smem:$0x3FAD]  }
0x30: {  	s3 =	sld [smem:$0x3FB0]  }
0x31: {  	[smem:$0x3FB9] =	sst s10  }
0x32: {  	s10 =	sld [smem:$0x3FB7];
	_ =	sdelay $0x3  }
0x33: {  	p0 =	seq.s32 s10, $0x1;
	s10 =	sld [smem:$0x3FB9];
	_ =	sdelay $0x3  }
0x34: {  	[smem:$0x3FB9] =	sst s10  }
0x35: {  	s10 =	sld [smem:$0x3FB8];
	_ =	sdelay $0x3  }
0x36: {  	p1 =	seq.s32 s10, $0x1;
	s10 =	sld [smem:$0x3FB9];
	_ =	sdelay $0x3  }
0x37: {  	[smem:$0x3FB9] =	sst s10  }
0x38: {  	s10 =	sld [smem:$0x3FBA]  }
0x39: {  	_ = 	snop;
	(pc) =	sbr.ind lr, $3  }
0x3a: {  	_ = 	snop  }
0x3b: {  	_ = 	snop  }
0x3c: {  	p2 =	seq.s32 s10, $0x1;
	s10 =	sld [smem:$0x3FB9]  }
0x3d: {  	_ =	shalt  }
0x3e: {  	_ =	shalt  }
0x3f: {  	_ =	shalt  }
0x40: {  	_ =	shalt  }
0x41: {  	_ =	shalt  }
0x42: {  	_ =	shalt  }
0x43: {  	_ =	shalt  }
0x44: {  	_ =	shalt  }
0x45: {  	_ =	shalt  }
0x46: {  	_ =	shalt  }
0x47: {  	_ =	shalt  }
0x48: {  	_ =	shalt  }
0x49: {  	_ =	shalt  }
0x4a: {  	_ =	shalt  }
0x4b: {  	_ =	shalt  }
0x4c: {  	_ =	shalt  }
0x4d: {  	_ =	shalt  }
0x4e: {  	_ =	shalt  }
0x4f: {  	_ =	shalt  }
0x50: {  	_ =	shalt  }
0x51: {  	_ =	shalt  }
0x52: {  	_ =	shalt  }
0x53: {  	_ =	shalt  }
0x54: {  	_ =	shalt  }
0x55: {  	_ =	shalt  }
0x56: {  	_ =	shalt  }
0x57: {  	_ =	shalt  }
0x58: {  	_ =	shalt  }
0x59: {  	_ =	shalt  }
0x5a: {  	_ =	shalt  }
0x5b: {  	_ =	shalt  }
0x5c: {  	_ =	shalt  }
0x5d: {  	_ =	shalt  }
0x5e: {  	_ =	shalt  }
0x5f: {  	_ =	shalt  }
0x60: {  	_ =	shalt  }
0x61: {  	_ =	shalt  }
0x62: {  	_ =	shalt  }
0x63: {  	_ =	shalt  }
0x64: {  	_ =	shalt  }
0x65: {  	_ =	shalt  }
0x66: {  	_ =	shalt  }
0x67: {  	_ =	shalt  }
0x68: {  	_ =	shalt  }
0x69: {  	_ =	shalt  }
0x6a: {  	_ =	shalt  }
0x6b: {  	_ =	shalt  }
0x6c: {  	_ =	shalt  }
0x6d: {  	_ =	shalt  }
0x6e: {  	_ =	shalt  }
0x6f: {  	_ =	shalt  }
0x70: {  	_ =	shalt  }
0x71: {  	_ =	shalt  }
0x72: {  	_ =	shalt  }
0x73: {  	_ =	shalt  }
0x74: {  	_ =	shalt  }
0x75: {  	_ =	shalt  }
0x76: {  	_ =	shalt  }
0x77: {  	_ =	shalt  }
0x78: {  	_ =	shalt  }
0x79: {  	_ =	shalt  }
0x7a: {  	_ =	shalt  }
0x7b: {  	_ =	shalt  }
0x7c: {  	_ =	shalt  }
0x7d: {  	_ =	shalt  }
0x7e: {  	_ =	shalt  }
0x7f: {  	_ =	shalt  }
0x80: {  	_ =	shalt  }
0x81: {  	_ =	shalt  }
0x82: {  	_ =	shalt  }
0x83: {  	_ =	shalt  }
0x84: {  	_ =	shalt  }
0x85: {  	_ =	shalt  }
0x86: {  	_ =	shalt  }
0x87: {  	_ =	shalt  }
.Lfunc_end0:
.L_simem_size_0:
called_computation_lowered:
.L_overlay_start_0:
0x88: {  	s2 =	sld [smem:$0x3FD9]  }
0x89: {  	s3 =	sld [smem:$0x3FFE];
	_ =	sdelay $0x1  }
0x8a: {  	s1 =	srdreg.scid  }
0x8b: {  	s0 =	sand.u32 $0x1, s1  }
0x8c: {  	s18 =	sshll.u32 s0, $0xA;
	s2 =	sadd.s32 s3, s2  }
0x8d: {  	s2 =	sadd.s32 s2, s18  }
0x8e: {  	[smem:$0x3FC5] =	sst s2  }
0x8f: {  	_ = 	snop  }
0x90: {  	s2 =	sld [smem:$0x3FC9]  }
0x91: {  	s19 =	sld [smem:$0x3FC8]  }
0x92: {  	s4 =	sld [smem:$0x3FC7]  }
0x93: {  	s5 =	sld [smem:$0x3FD0];
	(tm) =	ssettm $0x1  }
0x94: {  	s6 =	sld [smem:$0x3FFB];
	_ =	sdelay $0x3  }
0x95: {  	_ =	strace s6  }
0x96: {  	s6 =	sld [smem:$0x3FFC];
	_ =	sdelay $0x3  }
0x97: {  	_ =	strace s6  }
0x98: {  	s6 =	sld [smem:$0x3FFD];
	_ =	sdelay $0x3  }
0x99: {  	_ =	strace s6  }
0x9a: {  	_ =	strace $0x8FFFFFFF  }
0x9b: {  	s20 =	sld [smem:$0x3FDB];
	_ =	sdelay $0x1  }
0x9c: {  	s7 =	simm.s32 $_scs_section_size  }
0x9d: {  	s8 =	simm.s32 $_size__tile_overlayer_lowered;
	s9 =	simm.s32 $_tile_overlayer_lowered  }
0x9e: {  	s23 =	simm.s32 $0x1BFF;
	s22 =	sshll.u32 s9, $0x1;
	s6 =	sadd.s32 s7, s20  }
0x9f: {  	s10 =	simm.s32 $0x0;
	s21 =	sshll.u32 s8, $0x1;
	s8 =	sadd.s32 s22, s6  }
0xa0: {  	[timem:s10], [sflag:s23] =	dma.local [hbm:s8], s21  }
0xa1: {  	_ =	swait.ge [sflag:s23], s21  }
0xa2: {  	s7 =	ssub.s32 $0x0, s21;
	[sflag:s23] =	ssyncset.done $0x0  }
0xa3: {  	[sflag:s23] =	ssyncadd.s32 s7;
	_ =	sdelay $0x1  }
0xa4: {  	s24 =	simm.s32 $0x1B8B  }
0xa5: {  	_ =	swait.ge [sflag:s24], $0x1  }
0xa6: {  	[sflag:s24] =	ssyncset.done $0x0  }
0xa7: {  	s25 =	simm.s32 $0x1B8E;
	[sflag:s24] =	ssyncadd.s32 $0xFFFFFFFF  }
0xa8: {  	s26 =	simm.s32 $execute0_lowered;
	[smem:$0x3FD2] =	sst s25  }
0xa9: {  	s7 =	sshll.u32 s26, $0x1;
	_ =	strace $0x80000046;
	[dreg:$0x1] =	wrdreg $0xFFFFFFFF  }
0xaa: {  	s28 =	simm.s32 $_size_execute0_lowered;
	s6 =	sadd.s32 s6, s7;
	[dreg:$0x0] =	wrdreg $0x0  }
0xab: {  	s7 =	sshll.u32 s28, $0x1;
	[dreg:$0x2] =	wrdreg s6  }
0xac: {  	[dreg:$0x3] =	wrdreg s7  }
0xad: {  	[dreg:$0x4] =	wrdreg $0xC0  }
0xae: {  	_ =	task [dreg:s10], $0x5FFFF  }
0xaf: {  	[dreg:$0x1] =	wrdreg $0xFFFFFFFF  }
0xb0: {  	[dreg:$0x0] =	wrdreg $0x60  }
0xb1: {  	[dreg:$0x2] =	wrdreg s2  }
0xb2: {  	[dreg:$0x3] =	wrdreg s19  }
0xb3: {  	[dreg:$0x4] =	wrdreg s4  }
0xb4: {  	[dreg:$0x5] =	wrdreg s5  }
0xb5: {  	[dreg:$0x6] =	wrdreg $0x9  }
0xb6: {  	_ =	task.clear_ibuf [dreg:s10], $0x7FFFF;
	_ =	strace $0x90000046  }
0xb7: {  	s29 =	simm.s32 $0x9;
	_ =	strace $0x80000048  }
0xb8: {  	_ =	swait.ge [sflag:s29], $0x1  }
0xb9: {  	[sflag:s29] =	ssyncadd.s32 $0xFFFFFFFF  }
0xba: {  	_ =	strace $0x90000048  }
0xbb: {  	_ =	sfence  }
0xbc: {  	s30 =	sld [smem:$0x0];
	_ =	sdelay $0x2  }
0xbd: {  	s31 =	sshll.u32 s1, $0xD;
	s1 =	sshrl.u32 s1, $0x2  }
0xbe: {  	s3 =	sand.u32 $0x4000, s31;
	s1 =	sadd.s32 s1, s30  }
0xbf: {  	s0 =	sor.u32 s3, s0;
	s1 =	sshll.u32 s1, $0x11  }
0xc0: {  	s0 =	sor.u32 s1, s0  }
0xc1: {  	s0 =	sadd.s32 $0x8F2B, s0  }
0xc2: {  	[sflag:s0] =	ssyncadd.remote.s32 $0x1  }
0xc3: {  	_ =	sfence.sel $0xFFFF  }
0xc4: {  	[dreg:$0x0] =	wrdreg $0xFFFFFFFF;
	(pc) =	sbr.abs _section_cstart, $3  }
0xc5: {  	[dreg:$0x1] =	wrdreg $0xFFFFFFFF  }
0xc6: {  	_ =	task.clear_ibuf [dreg:s10], $0x2FFFF;
	_ =	strace $0x9FFFFFFF  }
0xc7: {  	(tm) =	ssettm $0x7FFFFFFF  }
tec
execute0_lowered:
.L_overlay_start_1:
0x0: {  	(tag) =	ssettag $0x1  }
0x1: {  	s0 =	srdreg.scid;
	s2 =	rddreg [dreg:$0x0]  }
0x2: {  	s12 =	stileid.u32;
	s3 =	rddreg [dreg:$0x1]  }
0x3: {  	s5 =	rddreg [dreg:$0x3];
	s0 =	sand.u32 $0x1, s0;
	s1 =	sshll.u32 s12, $0x1  }
0x4: {  	p0 =	sgt.u32 s12, $0x9;
	s12 =	simm.s32 $0x6;
	s4 =	sor.u32 s0, s1  }
0x5: {  	s0 =	ssub.s32 $0x2, s0;
	s1 =	simm.s32 $0x0;
	s6 =	smul.u32 $0xC300, s4  }
0x6: {  	s7 =	sshrl.u32 s0, $0x1;
	s8 =	smul.u32 $0x61800, s4;
	[smem:$0x7FF] =	sst s1  }
0x7: {  	s14 =	sshll.u32 s4, $0x7;
	s11 =	smul.u32 $0x186, s4;
	s4 =	sadd.s32 s4, s3  }
0x8: {  	s0 =	ssub.s32 s0, s7;
	s7 =	sor.u32 $0x186000, s14;
	s9 =	sadd.s32 s2, s6  }
0x9: {  	s8 =	sshrl.u32 s8, $0x3;
	s3 =	sadd.s32 s3, s11;
	[dreg:$0x5] =	wrdreg s9  }
0xa: {  	s17 =	sadd.s32 s5, s6;
	s15 =	sadd.s32 $0xF00, s8;
	[dreg:$0x8] =	wrdreg s3  }
0xb: {  	s10 =	sadd.s32 $0x1E00, s8;
	[dreg:$0x9] =	wrdreg s17;
	s13 =	sadd.s32 s2, s15  }
0xc: {  	s28 =	sadd.s32 s2, s7;
	s16 =	sadd.s32 s2, s10;
	[dreg:$0x6] =	wrdreg s13  }
0xd: {  	s18 =	sadd.s32 $0x2D00, s8;
	s19 =	sadd.s32 s5, s15;
	[dreg:$0x7] =	wrdreg s16  }
0xe: {  	s0 =	smax.u32 s0, $0x1;
	s20 =	sadd.s32 s2, s18;
	[dreg:$0xa] =	wrdreg s19  }
0xf: {  	s21 =	sadd.s32 $0x3C00, s8;
	s22 =	sadd.s32 s5, s10;
	[dreg:$0xb] =	wrdreg s20  }
0x10: {  	s24 =	sadd.s32 $0x4B00, s8;
	s23 =	sadd.s32 s2, s21;
	[dreg:$0xc] =	wrdreg s22  }
0x11: {  	s26 =	sadd.s32 $0x5A00, s8;
	s3 =	sadd.s32 s5, s18;
	[dreg:$0xd] =	wrdreg s23  }
0x12: {  	s11 =	sadd.s32 $0x6900, s8;
	s25 =	sadd.s32 s2, s24;
	[dreg:$0xe] =	wrdreg s3  }
0x13: {  	s14 =	sadd.s32 $0x7800, s8;
	s6 =	sadd.s32 s5, s21;
	[dreg:$0xf] =	wrdreg s25  }
0x14: {  	s17 =	sadd.s32 $0x8700, s8;
	s10 =	sadd.s32 s2, s26;
	[dreg:$0x10] =	wrdreg s6  }
0x15: {  	s9 =	sadd.s32 s5, s24;
	s15 =	sadd.s32 s5, s11;
	[dreg:$0x11] =	wrdreg s10  }
0x16: {  	s18 =	sadd.s32 $0x9600, s8;
	s21 =	sadd.s32 s2, s17;
	[dreg:$0x12] =	wrdreg s9  }
0x17: {  	s13 =	sadd.s32 s2, s11;
	s3 =	sadd.s32 s5, s26;
	[dreg:$0x15] =	wrdreg s15  }
0x18: {  	s16 =	sadd.s32 s2, s14;
	s20 =	sadd.s32 s5, s14;
	s22 =	sadd.s32 s5, s17  }
0x19: {  	s23 =	sadd.s32 s2, s18;
	s24 =	sadd.s32 s5, s18;
	s19 =	sadd.s32 $0xA500, s8  }
0x1a: {  	s25 =	sadd.s32 $0xB400, s8;
	s26 =	sadd.s32 s5, s7;
	s6 =	simm.s32 $0x9  }
0x1b: {  	s7 =	simm.s32 $0x2;
	s8 =	simm.s32 $0x4;
	[dreg:$0x13] =	wrdreg s13  }
0x1c: {  	v0 =	vimm.s32 $0x0;
	v1 =	vlaneseq.u32;
	s9 =	simm.s32 $0x3;
	s10 =	simm.s32 $0x5;
	[dreg:$0x14] =	wrdreg s3  }
.Ltmp0:
0x1d: {  	v9 =	vimm.s32 $0x8;
	v10 =	vimm.s32 $0x9;
	v11 =	vimm.s32 $0xA;
	s11 =	simm.s32 $0x1;
	[dreg:$0x16] =	wrdreg s16;
	(pc) =	sbr.rel .LBB2_1-.Ltmp0, $4  }
0x1e: {  	v12 =	vimm.s32 $0xB;
	v13 =	vimm.s32 $0xC;
	v14 =	vimm.s32 $0xD;
	s29 =	sadd.s32 s2, s19;
	s30 =	sadd.s32 s2, s25;
	s31 =	sadd.s32 s5, s19  }
0x1f: {  	v15 =	vimm.s32 $0xE;
	v16 =	vimm.s32 $0xF;
	v2 =	vor.u32 $0x10, v1;
	s25 =	sadd.s32 s5, s25;
	[dreg:$0x17] =	wrdreg s26;
	s26 =	sadd.s32 $0x30BF, s4  }
0x20: {  	v3 =	vor.u32 $0x20, v1;
	v4 =	vor.u32 $0x30, v1;
	v5 =	vor.u32 $0x40, v1;
	s2 =	simm.s32 $0x2C80;
	s3 =	simm.s32 $0xA480;
	s4 =	simm.s32 $0x11C80  }
0x21: {  	v6 =	vor.u32 $0x50, v1;
	v7 =	vor.u32 $0x60, v1;
	v8 =	vor.u32 $0x70, v1;
	s5 =	simm.s32 $0xC80;
	s13 =	simm.s32 $0x0;
	_ =	strace $0x80000047  }
.LBB2_29:
0x22: {  	_ =	swait.ge [sflag:s10], $0x7800  }
0x23: {  	[sflag:s10] =	ssyncset.done $0x0  }
0x24: {  	s13 =	sadd.s32 $0x1, s13;
	[sflag:s10] =	ssyncadd.s32 $0xFFFF8800  }
0x25: {  	p1 =	sne.s32 s13, s0;
	_ =	swait.ge [sflag:s12], $0x7800  }
.Ltmp1:
0x26: {  	[sflag:s12] =	ssyncset.done $0x0;
	(pc) =	sbr.rel @!p1 .LBB2_30-.Ltmp1, $4  }
0x27: {  	[sflag:s12] =	ssyncadd.s32 $0xFFFF8800  }
0x28: {  	_ =	swait.ge [sflag:s8], $0x7800  }
0x29: {  	[sflag:s8] =	ssyncset.done $0x0  }
0x2a: {  	[sflag:s8] =	ssyncadd.s32 $0xFFFF8800  }
.LBB2_1:
0x2b: {  	s14 =	rddreg [dreg:$0x5]  }
0x2c: {  	[tilespmem:s2], [sflag:$0x1] =	stream.linear.gather [hbm4b:s14+s1], $0x7800, $0x38;
	[tilespmem:$0x19900] =	vst v63  }
0x2d: {  	s15 =	rddreg [dreg:$0x6]  }
0x2e: {  	[tilespmem:s3], [sflag:$0x2] =	stream.linear.gather [hbm4b:s15+s1], $0x7800, $0x38;
	[tilespmem:$0x19900] =	vst v63  }
0x2f: {  	s16 =	rddreg [dreg:$0x7]  }
0x30: {  	[tilespmem:s4], [sflag:$0x3] =	stream.linear.gather [hbm4b:s16+s1], $0x7800, $0x38;
	[tilespmem:$0x19900] =	vst v63  }
0x31: {  	s14 =	simm.s32 @!p0 $0x0;
	s15 =	simm.s32 @!p0 $0x19480  }
0x32: {  	[tilespmem:s15], [sflag:$0x7] =	stream.linear.gather @!p0 [hbm4b:s26+s14], $0x10, $0x38;
	[tilespmem:$0x19900] =	vst v63  }
0x33: {  	s15 =	simm.s32 @!p0 $0x19500  }
0x34: {  	[tilespmem:s15], [sflag:$0x8] =	stream.linear.gather @!p0 [hbm4b:s28+s14], $0x400, $0x38;
	[tilespmem:$0x19900] =	vst v63  }
0x35: {  	s17 =	rddreg [dreg:$0x2]  }
0x36: {  	[tilespmem:s5], [sflag:$0x9] =	stream.linear.gather [hbm4b:s17+s1], $0x2000, $0x38;
	[tilespmem:$0x19900] =	vst v63  }
0x37: {  	_ =	swait.ge [sflag:s6], $0x2000  }
0x38: {  	[sflag:s6] =	ssyncset.done $0x0  }
0x39: {  	s18 =	rddreg [dreg:$0x8];
	[sflag:s6] =	ssyncadd.s32 $0xFFFFE000  }
0x3a: {  	[tilespmem:s1], [sflag:$0x9] =	stream.linear.gather [hbm4b:s18+s1], $0xC30, $0x38;
	[tilespmem:$0x19900] =	vst v63  }
0x3b: {  	_ =	swait.ge [sflag:s6], $0xC30  }
0x3c: {  	[sflag:s6] =	ssyncset.done $0x0  }
0x3d: {  	[sflag:s6] =	ssyncadd.s32 $0xFFFFF3D0  }
0x3e: {  	_ =	swait.ge [sflag:s11], $0x7800  }
0x3f: {  	[sflag:s11] =	ssyncset.done $0x0  }
0x40: {  	[sflag:s11] =	ssyncadd.s32 $0xFFFF8800  }
0x41: {  	v17 =	vld [tilespmem:s11+$0x1]  }
0x42: {  	v18 =	vld [tilespmem:s11+$0x0];
	_ =	sdelay $0x2  }
0x43: {  	v19 =	vld [tilespmem:s11+$0xFFFFFFFF]  }
0x44: {  	v20 =	vperm.xlane v17, v0  }
0x45: {  	v18 =	vperm.xlane v18, v0  }
0x46: {  	v17 =	vadd.s32 v1, v20  }
0x47: {  	v21 =	vadd.s32 v1, v18  }
0x48: {  	v19 =	vperm.xlane v19, v0;
	_ =	sdelay $0x1  }
0x49: {  	v22 =	vadd.s32 v1, v19  }
0x4a: {  	v17 =	vld.idx.msk [tilespmem:v17+s5+$0x0], $0xffff  }
0x4b: {  	v21 =	vld.idx.msk [tilespmem:v21+s5+$0x0], $0xffff  }
0x4c: {  	v23 =	vadd.s32 v2, v20  }
0x4d: {  	v24 =	vadd.s32 v2, v18  }
0x4e: {  	s14 =	simm.s32 $0x2DF0;
	v22 =	vld.idx.msk [tilespmem:v22+s5+$0x0], $0xffff  }
0x4f: {  	[tilespmem:s14+$0xFFFFFF90] =	vst.add.f32.msk $0xffff, v17  }
0x50: {  	v25 =	vadd.s32 v2, v19;
	[tilespmem:s14+$0xFFFFFF10] =	vst.add.f32.msk $0xffff, v21  }
0x51: {  	v17 =	vld.idx.msk [tilespmem:v23+s5+$0x0], $0xffff  }
0x52: {  	v23 =	vld.idx.msk [tilespmem:v24+s5+$0x0], $0xffff  }
0x53: {  	v21 =	vadd.s32 v3, v20  }
0x54: {  	[tilespmem:s14+$0xFFFFFE90] =	vst.add.f32.msk $0xffff, v22;
	v24 =	vadd.s32 v3, v18  }
0x55: {  	v22 =	vld.idx.msk [tilespmem:v25+s5+$0x0], $0xffff  }
0x56: {  	[tilespmem:s14+$0xFFFFFFA0] =	vst.add.f32.msk $0xffff, v17  }
0x57: {  	v25 =	vadd.s32 v3, v19;
	[tilespmem:s14+$0xFFFFFF20] =	vst.add.f32.msk $0xffff, v23  }
0x58: {  	v17 =	vld.idx.msk [tilespmem:v21+s5+$0x0], $0xffff  }
0x59: {  	v23 =	vld.idx.msk [tilespmem:v24+s5+$0x0], $0xffff  }
0x5a: {  	v21 =	vadd.s32 v4, v20  }
0x5b: {  	[tilespmem:s14+$0xFFFFFEA0] =	vst.add.f32.msk $0xffff, v22;
	v24 =	vadd.s32 v4, v18  }
0x5c: {  	v22 =	vld.idx.msk [tilespmem:v25+s5+$0x0], $0xffff  }
0x5d: {  	[tilespmem:s14+$0xFFFFFFB0] =	vst.add.f32.msk $0xffff, v17  }
0x5e: {  	v25 =	vadd.s32 v4, v19;
	[tilespmem:s14+$0xFFFFFF30] =	vst.add.f32.msk $0xffff, v23  }
0x5f: {  	v17 =	vld.idx.msk [tilespmem:v21+s5+$0x0], $0xffff  }
0x60: {  	v23 =	vld.idx.msk [tilespmem:v24+s5+$0x0], $0xffff  }
0x61: {  	v21 =	vadd.s32 v5, v20  }
0x62: {  	[tilespmem:s14+$0xFFFFFEB0] =	vst.add.f32.msk $0xffff, v22;
	v24 =	vadd.s32 v5, v18  }
0x63: {  	v22 =	vld.idx.msk [tilespmem:v25+s5+$0x0], $0xffff  }
0x64: {  	v25 =	vadd.s32 v5, v19;
	[tilespmem:s14+$0xFFFFFFC0] =	vst.add.f32.msk $0xffff, v17  }
0x65: {  	[tilespmem:s14+$0xFFFFFF40] =	vst.add.f32.msk $0xffff, v23  }
0x66: {  	v17 =	vld.idx.msk [tilespmem:v21+s5+$0x0], $0xffff  }
0x67: {  	v23 =	vld.idx.msk [tilespmem:v24+s5+$0x0], $0xffff  }
0x68: {  	[tilespmem:s14+$0xFFFFFEC0] =	vst.add.f32.msk $0xffff, v22;
	v21 =	vadd.s32 v6, v20  }
0x69: {  	s19 =	simm.s32 $0x4;
	v22 =	vld.idx.msk [tilespmem:v25+s5+$0x0], $0xffff;
	v24 =	vadd.s32 v6, v18  }
0x6a: {  	v25 =	vld [tilespmem:s19+$0x0]  }
0x6b: {  	[tilespmem:s14+$0xFFFFFFD0] =	vst.add.f32.msk $0xffff, v17  }
0x6c: {  	[tilespmem:s14+$0xFFFFFF50] =	vst.add.f32.msk $0xffff, v23  }
0x6d: {  	v17 =	vld.idx.msk [tilespmem:v21+s5+$0x0], $0xffff  }
0x6e: {  	v24 =	vld.idx.msk [tilespmem:v24+s5+$0x0], $0xffff  }
0x6f: {  	v26 =	vadd.s32 v6, v19;
	v23 =	vld [tilespmem:s19+$0x1]  }
0x70: {  	v28 =	vld [tilespmem:s19+$0xFFFFFFFF];
	v21 =	vadd.s32 v7, v20  }
0x71: {  	v27 =	vadd.s32 v7, v18;
	[tilespmem:s14+$0xFFFFFED0] =	vst.add.f32.msk $0xffff, v22;
	v22 =	vperm.xlane v25, v0  }
0x72: {  	[tilespmem:s14+$0xFFFFFFE0] =	vst.add.f32.msk $0xffff, v17  }
0x73: {  	[tilespmem:s14+$0xFFFFFF60] =	vst.add.f32.msk $0xffff, v24;
	v24 =	vadd.s32 v1, v22  }
0x74: {  	v17 =	vperm.xlane v23, v0;
	v23 =	vld.idx.msk [tilespmem:v26+s5+$0x0], $0xffff  }
0x75: {  	v21 =	vld.idx.msk [tilespmem:v21+s5+$0x0], $0xffff  }
0x76: {  	v26 =	vld.idx.msk [tilespmem:v27+s5+$0x0], $0xffff;
	v27 =	vadd.s32 v7, v19  }
0x77: {  	v20 =	vadd.s32 v8, v20  }
0x78: {  	v24 =	vld.idx.msk [tilespmem:v24+s5+$0x0], $0xffff  }
0x79: {  	v25 =	vadd.s32 v1, v17;
	[tilespmem:s14+$0xFFFFFEE0] =	vst.add.f32.msk $0xffff, v23  }
0x7a: {  	[tilespmem:s14+$0xFFFFFFF0] =	vst.add.f32.msk $0xffff, v21  }
0x7b: {  	v28 =	vperm.xlane v28, v0;
	v23 =	vld.idx.msk [tilespmem:v27+s5+$0x0], $0xffff;
	v27 =	vadd.s32 v2, v22  }
0x7c: {  	v20 =	vld.idx.msk [tilespmem:v20+s5+$0x0], $0xffff  }
0x7d: {  	v21 =	vadd.s32 v1, v28  }
0x7e: {  	s15 =	simm.s32 $0x2F70;
	v25 =	vld.idx.msk [tilespmem:v25+s5+$0x0], $0xffff  }
0x7f: {  	[tilespmem:s15+$0xFFFFFF10] =	vst.add.f32.msk $0xffff, v24  }
0x80: {  	v29 =	vadd.s32 v2, v17;
	v24 =	vld.idx.msk [tilespmem:v27+s5+$0x0], $0xffff  }
0x81: {  	[tilespmem:s14+$0x0] =	vst.add.f32.msk $0xffff, v20  }
0x82: {  	v20 =	vld.idx.msk [tilespmem:v21+s5+$0x0], $0xffff  }
0x83: {  	[tilespmem:s14+$0xFFFFFEF0] =	vst.add.f32.msk $0xffff, v23;
	v23 =	vadd.s32 v3, v22  }
0x84: {  	[tilespmem:s15+$0xFFFFFF90] =	vst.add.f32.msk $0xffff, v25;
	v21 =	vadd.s32 v2, v28  }
0x85: {  	v25 =	vld.idx.msk [tilespmem:v29+s5+$0x0], $0xffff  }
0x86: {  	[tilespmem:s15+$0xFFFFFF20] =	vst.add.f32.msk $0xffff, v24  }
0x87: {  	v27 =	vadd.s32 v3, v17;
	[tilespmem:s15+$0xFFFFFE90] =	vst.add.f32.msk $0xffff, v20  }
0x88: {  	v23 =	vld.idx.msk [tilespmem:v23+s5+$0x0], $0xffff  }
0x89: {  	v20 =	vld.idx.msk [tilespmem:v21+s5+$0x0], $0xffff  }
0x8a: {  	[tilespmem:s14+$0xFFFFFF70] =	vst.add.f32.msk $0xffff, v26;
	v26 =	vadd.s32 v4, v22  }
0x8b: {  	[tilespmem:s15+$0xFFFFFFA0] =	vst.add.f32.msk $0xffff, v25;
	v21 =	vadd.s32 v3, v28  }
0x8c: {  	v19 =	vadd.s32 v8, v19;
	v25 =	vld.idx.msk [tilespmem:v27+s5+$0x0], $0xffff  }
0x8d: {  	[tilespmem:s15+$0xFFFFFF30] =	vst.add.f32.msk $0xffff, v23  }
0x8e: {  	v24 =	vadd.s32 v4, v17;
	[tilespmem:s15+$0xFFFFFEA0] =	vst.add.f32.msk $0xffff, v20  }
0x8f: {  	v23 =	vld.idx.msk [tilespmem:v26+s5+$0x0], $0xffff  }
0x90: {  	v20 =	vld.idx.msk [tilespmem:v21+s5+$0x0], $0xffff  }
0x91: {  	v29 =	vld.idx.msk [tilespmem:v19+s5+$0x0], $0xffff;
	v19 =	vadd.s32 v5, v22  }
0x92: {  	[tilespmem:s15+$0xFFFFFFB0] =	vst.add.f32.msk $0xffff, v25;
	v21 =	vadd.s32 v4, v28  }
0x93: {  	v24 =	vld.idx.msk [tilespmem:v24+s5+$0x0], $0xffff  }
0x94: {  	v25 =	vadd.s32 v5, v17;
	[tilespmem:s15+$0xFFFFFF40] =	vst.add.f32.msk $0xffff, v23  }
0x95: {  	[tilespmem:s15+$0xFFFFFEB0] =	vst.add.f32.msk $0xffff, v20  }
0x96: {  	v18 =	vadd.s32 v8, v18;
	v19 =	vld.idx.msk [tilespmem:v19+s5+$0x0], $0xffff  }
0x97: {  	v20 =	vld.idx.msk [tilespmem:v21+s5+$0x0], $0xffff  }
0x98: {  	[tilespmem:s15+$0xFFFFFFC0] =	vst.add.f32.msk $0xffff, v24  }
0x99: {  	v25 =	vld.idx.msk [tilespmem:v25+s5+$0x0], $0xffff  }
0x9a: {  	[tilespmem:s14+$0xFFFFFF00] =	vst.add.f32.msk $0xffff, v29;
	v26 =	vadd.s32 v6, v17  }
0x9b: {  	v27 =	vadd.s32 v6, v22;
	v23 =	vld.idx.msk [tilespmem:v18+s5+$0x0], $0xffff  }
0x9c: {  	v21 =	vadd.s32 v5, v28;
	[tilespmem:s15+$0xFFFFFF50] =	vst.add.f32.msk $0xffff, v19  }
0x9d: {  	[tilespmem:s15+$0xFFFFFEC0] =	vst.add.f32.msk $0xffff, v20  }
0x9e: {  	[tilespmem:s15+$0xFFFFFFD0] =	vst.add.f32.msk $0xffff, v25  }
0x9f: {  	v26 =	vld.idx.msk [tilespmem:v26+s5+$0x0], $0xffff  }
0xa0: {  	v18 =	vadd.s32 v8, v22;
	v19 =	vadd.s32 v8, v28;
	v25 =	vld.idx.msk [tilespmem:v27+s5+$0x0], $0xffff;
	v27 =	vadd.s32 v7, v17  }
0xa1: {  	s16 =	simm.s32 $0x3;
	s17 =	simm.s32 $0x7;
	v20 =	vadd.s32 v7, v28;
	v24 =	vld.idx.msk [tilespmem:v21+s5+$0x0], $0xffff;
	v21 =	vadd.s32 v7, v22;
	v22 =	vadd.s32 v6, v28  }
.LBB2_2:
0xa2: {  	v28 =	vld [tilespmem:s17+$0x1];
	s16 =	sadd.s32 $0x3, s16  }
0xa3: {  	v29 =	vld [tilespmem:s17+$0x0];
	p1 =	slt.u32 s16, $0xED  }
0xa4: {  	[tilespmem:s15+$0xFFFFFFE0] =	vst.add.f32.msk $0xffff, v26  }
0xa5: {  	v26 =	vld.idx.msk [tilespmem:v27+s5+$0x0], $0xffff  }
0xa6: {  	v27 =	vld [tilespmem:s17+$0xFFFFFFFF]  }
0xa7: {  	[tilespmem:s15+$0xFFFFFED0] =	vst.add.f32.msk $0xffff, v24;
	v24 =	vadd.s32 v8, v17;
	v17 =	vperm.xlane v28, v0  }
0xa8: {  	v28 =	vperm.xlane v29, v0;
	v29 =	vld.idx.msk [tilespmem:v22+s5+$0x0], $0xffff  }
0xa9: {  	v30 =	vadd.s32 v1, v17;
	[tilespmem:s15+$0xFFFFFF60] =	vst.add.f32.msk $0xffff, v25  }
0xaa: {  	v25 =	vadd.s32 v1, v28;
	v31 =	vadd.s32 v2, v28;
	v32 =	vadd.s32 v3, v28;
	v33 =	vld.idx.msk [tilespmem:v21+s5+$0x0], $0xffff  }
0xab: {  	v34 =	vadd.s32 v4, v28;
	v35 =	vadd.s32 v5, v28;
	v27 =	vperm.xlane v27, v0;
	[tilespmem:s15+$0xFFFFFFF0] =	vst.add.f32.msk $0xffff, v26  }
0xac: {  	v36 =	vadd.s32 v6, v28;
	v21 =	vadd.s32 v7, v28;
	v26 =	vadd.s32 v8, v28;
	v24 =	vld.idx.msk [tilespmem:v24+s5+$0x0], $0xffff  }
0xad: {  	v28 =	vadd.s32 v1, v27;
	v37 =	vadd.s32 v2, v27;
	v38 =	vadd.s32 v3, v27;
	[tilespmem:s14+$0xFFFFFF80] =	vst.add.f32.msk $0xffff, v23;
	s14 =	smov.u32 s15  }
0xae: {  	v23 =	vadd.s32 v4, v27;
	v39 =	vadd.s32 v5, v27;
	v22 =	vadd.s32 v6, v27;
	v30 =	vld.idx.msk [tilespmem:v30+s5+$0x0], $0xffff  }
0xaf: {  	v40 =	vadd.s32 v7, v27;
	v27 =	vadd.s32 v8, v27;
	v25 =	vld.idx.msk [tilespmem:v25+s5+$0x0], $0xffff  }
0xb0: {  	v41 =	vadd.s32 v2, v17;
	[tilespmem:s15+$0xFFFFFEE0] =	vst.add.f32.msk $0xffff, v29  }
0xb1: {  	v29 =	vld.idx.msk [tilespmem:v20+s5+$0x0], $0xffff;
	v20 =	vmov v40  }
0xb2: {  	[tilespmem:s15+$0x0] =	vst.add.f32.msk $0xffff, v24  }
0xb3: {  	s15 =	sadd.s32 $0x180, s15;
	v24 =	vld.idx.msk [tilespmem:v28+s5+$0x0], $0xffff  }
0xb4: {  	[tilespmem:s15+$0xFFFFFF90] =	vst.add.f32.msk $0xffff, v30  }
0xb5: {  	v28 =	vld.idx.msk [tilespmem:v41+s5+$0x0], $0xffff  }
0xb6: {  	[tilespmem:s15+$0xFFFFFF10] =	vst.add.f32.msk $0xffff, v25  }
0xb7: {  	v30 =	vadd.s32 v3, v17;
	v25 =	vld.idx.msk [tilespmem:v31+s5+$0x0], $0xffff  }
0xb8: {  	[tilespmem:s14+$0xFFFFFEF0] =	vst.add.f32.msk $0xffff, v29  }
0xb9: {  	[tilespmem:s15+$0xFFFFFE90] =	vst.add.f32.msk $0xffff, v24  }
0xba: {  	v24 =	vld.idx.msk [tilespmem:v37+s5+$0x0], $0xffff  }
0xbb: {  	[tilespmem:s15+$0xFFFFFFA0] =	vst.add.f32.msk $0xffff, v28  }
0xbc: {  	v28 =	vld.idx.msk [tilespmem:v30+s5+$0x0], $0xffff  }
0xbd: {  	[tilespmem:s15+$0xFFFFFF20] =	vst.add.f32.msk $0xffff, v25  }
0xbe: {  	v29 =	vadd.s32 v4, v17;
	v25 =	vld.idx.msk [tilespmem:v32+s5+$0x0], $0xffff  }
0xbf: {  	[tilespmem:s14+$0xFFFFFF70] =	vst.add.f32.msk $0xffff, v33  }
0xc0: {  	[tilespmem:s15+$0xFFFFFEA0] =	vst.add.f32.msk $0xffff, v24  }
0xc1: {  	v24 =	vld.idx.msk [tilespmem:v38+s5+$0x0], $0xffff  }
0xc2: {  	[tilespmem:s15+$0xFFFFFFB0] =	vst.add.f32.msk $0xffff, v28  }
0xc3: {  	v28 =	vld.idx.msk [tilespmem:v29+s5+$0x0], $0xffff  }
0xc4: {  	[tilespmem:s15+$0xFFFFFF30] =	vst.add.f32.msk $0xffff, v25  }
0xc5: {  	v29 =	vadd.s32 v5, v17;
	v25 =	vld.idx.msk [tilespmem:v34+s5+$0x0], $0xffff  }
0xc6: {  	v30 =	vld.idx.msk [tilespmem:v19+s5+$0x0], $0xffff;
	v19 =	vmov v27  }
0xc7: {  	[tilespmem:s15+$0xFFFFFEB0] =	vst.add.f32.msk $0xffff, v24  }
0xc8: {  	v24 =	vld.idx.msk [tilespmem:v23+s5+$0x0], $0xffff  }
0xc9: {  	[tilespmem:s15+$0xFFFFFFC0] =	vst.add.f32.msk $0xffff, v28  }
0xca: {  	v27 =	vld.idx.msk [tilespmem:v29+s5+$0x0], $0xffff  }
0xcb: {  	[tilespmem:s15+$0xFFFFFF40] =	vst.add.f32.msk $0xffff, v25  }
0xcc: {  	v28 =	vadd.s32 v6, v17;
	v25 =	vld.idx.msk [tilespmem:v35+s5+$0x0], $0xffff  }
0xcd: {  	v23 =	vld.idx.msk [tilespmem:v18+s5+$0x0], $0xffff;
	v18 =	vmov v26  }
0xce: {  	[tilespmem:s15+$0xFFFFFEC0] =	vst.add.f32.msk $0xffff, v24  }
0xcf: {  	v24 =	vld.idx.msk [tilespmem:v39+s5+$0x0], $0xffff  }
.Ltmp2:
0xd0: {  	[tilespmem:s15+$0xFFFFFFD0] =	vst.add.f32.msk $0xffff, v27;
	(pc) =	sbr.rel @p1 .LBB2_2-.Ltmp2, $4  }
0xd1: {  	v26 =	vld.idx.msk [tilespmem:v28+s5+$0x0], $0xffff  }
0xd2: {  	[tilespmem:s15+$0xFFFFFF50] =	vst.add.f32.msk $0xffff, v25  }
0xd3: {  	v27 =	vadd.s32 v7, v17;
	v25 =	vld.idx.msk [tilespmem:v36+s5+$0x0], $0xffff  }
0xd4: {  	s17 =	sadd.s32 $0x3, s17;
	[tilespmem:s14+$0xFFFFFF00] =	vst.add.f32.msk $0xffff, v30  }
0xd5: {  	_ =	sdelay $0x2  }
0xd6: {  	[tilespmem:s15+$0xFFFFFED0] =	vst.add.f32.msk $0xffff, v24  }
0xd7: {  	v22 =	vld.idx.msk [tilespmem:v22+s5+$0x0], $0xffff  }
0xd8: {  	[tilespmem:s15+$0xFFFFFFE0] =	vst.add.f32.msk $0xffff, v26  }
0xd9: {  	v24 =	vld.idx.msk [tilespmem:v27+s5+$0x0], $0xffff  }
0xda: {  	v17 =	vadd.s32 v8, v17;
	[tilespmem:s15+$0xFFFFFF60] =	vst.add.f32.msk $0xffff, v25  }
0xdb: {  	v21 =	vld.idx.msk [tilespmem:v21+s5+$0x0], $0xffff  }
0xdc: {  	[tilespmem:s15+$0xFFFFFEE0] =	vst.add.f32.msk $0xffff, v22  }
0xdd: {  	v20 =	vld.idx.msk [tilespmem:v20+s5+$0x0], $0xffff  }
0xde: {  	[tilespmem:s15+$0xFFFFFFF0] =	vst.add.f32.msk $0xffff, v24  }
0xdf: {  	v17 =	vld.idx.msk [tilespmem:v17+s5+$0x0], $0xffff  }
0xe0: {  	[tilespmem:s15+$0xFFFFFF70] =	vst.add.f32.msk $0xffff, v21  }
0xe1: {  	v18 =	vld.idx.msk [tilespmem:v18+s5+$0x0], $0xffff  }
0xe2: {  	[tilespmem:s15+$0xFFFFFEF0] =	vst.add.f32.msk $0xffff, v20  }
0xe3: {  	v19 =	vld.idx.msk [tilespmem:v19+s5+$0x0], $0xffff;
	_ =	sdelay $0x1  }
0xe4: {  	[tilespmem:s14+$0xFFFFFF80] =	vst.add.f32.msk $0xffff, v23  }
0xe5: {  	[tilespmem:s15+$0x0] =	vst.add.f32.msk $0xffff, v17  }
0xe6: {  	[tilespmem:s15+$0xFFFFFF80] =	vst.add.f32.msk $0xffff, v18  }
0xe7: {  	[tilespmem:s15+$0xFFFFFF00] =	vst.add.f32.msk $0xffff, v19  }
0xe8: {  	s14 =	rddreg [dreg:$0x9]  }
0xe9: {  	[hbm4b:s14+s1] =	stream.linear.scatter [tilespmem:s2], [sflag:$0x4], $0x7800, $0x38;
	[tilespmem:$0x19900] =	vst v63  }
0xea: {  	_ =	swait.ge [sflag:s7], $0x7800  }
0xeb: {  	[sflag:s7] =	ssyncset.done $0x0  }
0xec: {  	s18 =	simm.s32 $0xF2;
	[sflag:s7] =	ssyncadd.s32 $0xFFFF8800  }
0xed: {  	v17 =	vld [tilespmem:s18+$0x0]  }
0xee: {  	v18 =	vld [tilespmem:s18+$0xFFFFFFFF];
	_ =	sdelay $0x2  }
0xef: {  	v19 =	vld [tilespmem:s18+$0xFFFFFFFE]  }
0xf0: {  	v20 =	vperm.xlane v17, v0  }
0xf1: {  	v18 =	vperm.xlane v18, v0  }
0xf2: {  	v17 =	vadd.s32 v1, v20  }
0xf3: {  	v21 =	vadd.s32 v1, v18  }
0xf4: {  	v19 =	vperm.xlane v19, v0;
	_ =	sdelay $0x1  }
0xf5: {  	v22 =	vadd.s32 v1, v19  }
0xf6: {  	v17 =	vld.idx.msk [tilespmem:v17+s5+$0x0], $0xffff  }
0xf7: {  	v21 =	vld.idx.msk [tilespmem:v21+s5+$0x0], $0xffff  }
0xf8: {  	v23 =	vadd.s32 v2, v20  }
0xf9: {  	v24 =	vadd.s32 v2, v18  }
0xfa: {  	s14 =	simm.s32 $0xA5F0;
	v22 =	vld.idx.msk [tilespmem:v22+s5+$0x0], $0xffff  }
0xfb: {  	[tilespmem:s14+$0xFFFFFF90] =	vst.add.f32.msk $0xffff, v17  }
0xfc: {  	v25 =	vadd.s32 v2, v19;
	[tilespmem:s14+$0xFFFFFF10] =	vst.add.f32.msk $0xffff, v21  }
0xfd: {  	v17 =	vld.idx.msk [tilespmem:v23+s5+$0x0], $0xffff  }
0xfe: {  	v23 =	vld.idx.msk [tilespmem:v24+s5+$0x0], $0xffff  }
0xff: {  	v21 =	vadd.s32 v3, v20  }
0x100: {  	[tilespmem:s14+$0xFFFFFE90] =	vst.add.f32.msk $0xffff, v22;
	v24 =	vadd.s32 v3, v18  }
0x101: {  	v22 =	vld.idx.msk [tilespmem:v25+s5+$0x0], $0xffff  }
0x102: {  	[tilespmem:s14+$0xFFFFFFA0] =	vst.add.f32.msk $0xffff, v17  }
0x103: {  	v25 =	vadd.s32 v3, v19;
	[tilespmem:s14+$0xFFFFFF20] =	vst.add.f32.msk $0xffff, v23  }
0x104: {  	v17 =	vld.idx.msk [tilespmem:v21+s5+$0x0], $0xffff  }
0x105: {  	v23 =	vld.idx.msk [tilespmem:v24+s5+$0x0], $0xffff  }
0x106: {  	v21 =	vadd.s32 v4, v20  }
0x107: {  	[tilespmem:s14+$0xFFFFFEA0] =	vst.add.f32.msk $0xffff, v22;
	v24 =	vadd.s32 v4, v18  }
0x108: {  	v22 =	vld.idx.msk [tilespmem:v25+s5+$0x0], $0xffff  }
0x109: {  	[tilespmem:s14+$0xFFFFFFB0] =	vst.add.f32.msk $0xffff, v17  }
0x10a: {  	v25 =	vadd.s32 v4, v19;
	[tilespmem:s14+$0xFFFFFF30] =	vst.add.f32.msk $0xffff, v23  }
0x10b: {  	v17 =	vld.idx.msk [tilespmem:v21+s5+$0x0], $0xffff  }
0x10c: {  	v23 =	vld.idx.msk [tilespmem:v24+s5+$0x0], $0xffff  }
0x10d: {  	v21 =	vadd.s32 v5, v20  }
0x10e: {  	[tilespmem:s14+$0xFFFFFEB0] =	vst.add.f32.msk $0xffff, v22;
	v24 =	vadd.s32 v5, v18  }
0x10f: {  	v22 =	vld.idx.msk [tilespmem:v25+s5+$0x0], $0xffff  }
0x110: {  	v25 =	vadd.s32 v5, v19;
	[tilespmem:s14+$0xFFFFFFC0] =	vst.add.f32.msk $0xffff, v17  }
0x111: {  	[tilespmem:s14+$0xFFFFFF40] =	vst.add.f32.msk $0xffff, v23  }
0x112: {  	v17 =	vld.idx.msk [tilespmem:v21+s5+$0x0], $0xffff  }
0x113: {  	v23 =	vld.idx.msk [tilespmem:v24+s5+$0x0], $0xffff  }
0x114: {  	[tilespmem:s14+$0xFFFFFEC0] =	vst.add.f32.msk $0xffff, v22;
	v21 =	vadd.s32 v6, v20  }
0x115: {  	s19 =	simm.s32 $0xF5;
	v22 =	vld.idx.msk [tilespmem:v25+s5+$0x0], $0xffff;
	v24 =	vadd.s32 v6, v18  }
0x116: {  	v25 =	vld [tilespmem:s19+$0xFFFFFFFF]  }
0x117: {  	[tilespmem:s14+$0xFFFFFFD0] =	vst.add.f32.msk $0xffff, v17  }
0x118: {  	[tilespmem:s14+$0xFFFFFF50] =	vst.add.f32.msk $0xffff, v23  }
0x119: {  	v17 =	vld.idx.msk [tilespmem:v21+s5+$0x0], $0xffff  }
0x11a: {  	v24 =	vld.idx.msk [tilespmem:v24+s5+$0x0], $0xffff  }
0x11b: {  	v26 =	vadd.s32 v6, v19;
	v23 =	vld [tilespmem:s19+$0x0]  }
0x11c: {  	v28 =	vld [tilespmem:s19+$0xFFFFFFFE];
	v21 =	vadd.s32 v7, v20  }
0x11d: {  	v27 =	vadd.s32 v7, v18;
	[tilespmem:s14+$0xFFFFFED0] =	vst.add.f32.msk $0xffff, v22;
	v22 =	vperm.xlane v25, v0  }
0x11e: {  	[tilespmem:s14+$0xFFFFFFE0] =	vst.add.f32.msk $0xffff, v17  }
0x11f: {  	[tilespmem:s14+$0xFFFFFF60] =	vst.add.f32.msk $0xffff, v24;
	v24 =	vadd.s32 v1, v22  }
0x120: {  	v17 =	vperm.xlane v23, v0;
	v23 =	vld.idx.msk [tilespmem:v26+s5+$0x0], $0xffff  }
0x121: {  	v21 =	vld.idx.msk [tilespmem:v21+s5+$0x0], $0xffff  }
0x122: {  	v26 =	vld.idx.msk [tilespmem:v27+s5+$0x0], $0xffff;
	v27 =	vadd.s32 v7, v19  }
0x123: {  	v20 =	vadd.s32 v8, v20  }
0x124: {  	v24 =	vld.idx.msk [tilespmem:v24+s5+$0x0], $0xffff  }
0x125: {  	v25 =	vadd.s32 v1, v17;
	[tilespmem:s14+$0xFFFFFEE0] =	vst.add.f32.msk $0xffff, v23  }
0x126: {  	[tilespmem:s14+$0xFFFFFFF0] =	vst.add.f32.msk $0xffff, v21  }
0x127: {  	v28 =	vperm.xlane v28, v0;
	v23 =	vld.idx.msk [tilespmem:v27+s5+$0x0], $0xffff;
	v27 =	vadd.s32 v2, v22  }
0x128: {  	v20 =	vld.idx.msk [tilespmem:v20+s5+$0x0], $0xffff  }
0x129: {  	v21 =	vadd.s32 v1, v28  }
0x12a: {  	s15 =	simm.s32 $0xA770;
	v25 =	vld.idx.msk [tilespmem:v25+s5+$0x0], $0xffff  }
0x12b: {  	[tilespmem:s15+$0xFFFFFF10] =	vst.add.f32.msk $0xffff, v24  }
0x12c: {  	v29 =	vadd.s32 v2, v17;
	v24 =	vld.idx.msk [tilespmem:v27+s5+$0x0], $0xffff  }
0x12d: {  	[tilespmem:s14+$0x0] =	vst.add.f32.msk $0xffff, v20  }
0x12e: {  	v20 =	vld.idx.msk [tilespmem:v21+s5+$0x0], $0xffff  }
0x12f: {  	[tilespmem:s14+$0xFFFFFEF0] =	vst.add.f32.msk $0xffff, v23;
	v23 =	vadd.s32 v3, v22  }
0x130: {  	[tilespmem:s15+$0xFFFFFF90] =	vst.add.f32.msk $0xffff, v25;
	v21 =	vadd.s32 v2, v28  }
0x131: {  	v25 =	vld.idx.msk [tilespmem:v29+s5+$0x0], $0xffff  }
0x132: {  	[tilespmem:s15+$0xFFFFFF20] =	vst.add.f32.msk $0xffff, v24  }
0x133: {  	v27 =	vadd.s32 v3, v17;
	[tilespmem:s15+$0xFFFFFE90] =	vst.add.f32.msk $0xffff, v20  }
0x134: {  	v23 =	vld.idx.msk [tilespmem:v23+s5+$0x0], $0xffff  }
0x135: {  	v20 =	vld.idx.msk [tilespmem:v21+s5+$0x0], $0xffff  }
0x136: {  	[tilespmem:s14+$0xFFFFFF70] =	vst.add.f32.msk $0xffff, v26;
	v26 =	vadd.s32 v4, v22  }
0x137: {  	[tilespmem:s15+$0xFFFFFFA0] =	vst.add.f32.msk $0xffff, v25;
	v21 =	vadd.s32 v3, v28  }
0x138: {  	v19 =	vadd.s32 v8, v19;
	v25 =	vld.idx.msk [tilespmem:v27+s5+$0x0], $0xffff  }
0x139: {  	[tilespmem:s15+$0xFFFFFF30] =	vst.add.f32.msk $0xffff, v23  }
0x13a: {  	v24 =	vadd.s32 v4, v17;
	[tilespmem:s15+$0xFFFFFEA0] =	vst.add.f32.msk $0xffff, v20  }
0x13b: {  	v23 =	vld.idx.msk [tilespmem:v26+s5+$0x0], $0xffff  }
0x13c: {  	v20 =	vld.idx.msk [tilespmem:v21+s5+$0x0], $0xffff  }
0x13d: {  	v29 =	vld.idx.msk [tilespmem:v19+s5+$0x0], $0xffff;
	v19 =	vadd.s32 v5, v22  }
0x13e: {  	[tilespmem:s15+$0xFFFFFFB0] =	vst.add.f32.msk $0xffff, v25;
	v21 =	vadd.s32 v4, v28  }
0x13f: {  	v24 =	vld.idx.msk [tilespmem:v24+s5+$0x0], $0xffff  }
0x140: {  	v25 =	vadd.s32 v5, v17;
	[tilespmem:s15+$0xFFFFFF40] =	vst.add.f32.msk $0xffff, v23  }
0x141: {  	[tilespmem:s15+$0xFFFFFEB0] =	vst.add.f32.msk $0xffff, v20  }
0x142: {  	v18 =	vadd.s32 v8, v18;
	v19 =	vld.idx.msk [tilespmem:v19+s5+$0x0], $0xffff  }
0x143: {  	v20 =	vld.idx.msk [tilespmem:v21+s5+$0x0], $0xffff  }
0x144: {  	[tilespmem:s15+$0xFFFFFFC0] =	vst.add.f32.msk $0xffff, v24  }
0x145: {  	v25 =	vld.idx.msk [tilespmem:v25+s5+$0x0], $0xffff  }
0x146: {  	[tilespmem:s14+$0xFFFFFF00] =	vst.add.f32.msk $0xffff, v29;
	v26 =	vadd.s32 v6, v17  }
0x147: {  	v27 =	vadd.s32 v6, v22;
	v23 =	vld.idx.msk [tilespmem:v18+s5+$0x0], $0xffff  }
0x148: {  	v21 =	vadd.s32 v5, v28;
	[tilespmem:s15+$0xFFFFFF50] =	vst.add.f32.msk $0xffff, v19  }
0x149: {  	[tilespmem:s15+$0xFFFFFEC0] =	vst.add.f32.msk $0xffff, v20  }
0x14a: {  	[tilespmem:s15+$0xFFFFFFD0] =	vst.add.f32.msk $0xffff, v25  }
0x14b: {  	v26 =	vld.idx.msk [tilespmem:v26+s5+$0x0], $0xffff  }
0x14c: {  	v18 =	vadd.s32 v8, v22;
	v19 =	vadd.s32 v8, v28;
	v25 =	vld.idx.msk [tilespmem:v27+s5+$0x0], $0xffff;
	v27 =	vadd.s32 v7, v17  }
0x14d: {  	s16 =	simm.s32 $0x3;
	s17 =	simm.s32 $0xF8;
	v20 =	vadd.s32 v7, v28;
	v24 =	vld.idx.msk [tilespmem:v21+s5+$0x0], $0xffff;
	v21 =	vadd.s32 v7, v22;
	v22 =	vadd.s32 v6, v28  }
.LBB2_4:
0x14e: {  	v28 =	vld [tilespmem:s17+$0x0];
	s16 =	sadd.s32 $0x3, s16  }
0x14f: {  	v29 =	vld [tilespmem:s17+$0xFFFFFFFF];
	p1 =	slt.u32 s16, $0xED  }
0x150: {  	[tilespmem:s15+$0xFFFFFFE0] =	vst.add.f32.msk $0xffff, v26  }
0x151: {  	v26 =	vld.idx.msk [tilespmem:v27+s5+$0x0], $0xffff  }
0x152: {  	v27 =	vld [tilespmem:s17+$0xFFFFFFFE]  }
0x153: {  	[tilespmem:s15+$0xFFFFFED0] =	vst.add.f32.msk $0xffff, v24;
	v24 =	vadd.s32 v8, v17;
	v17 =	vperm.xlane v28, v0  }
0x154: {  	v28 =	vperm.xlane v29, v0;
	v29 =	vld.idx.msk [tilespmem:v22+s5+$0x0], $0xffff  }
0x155: {  	v30 =	vadd.s32 v1, v17;
	[tilespmem:s15+$0xFFFFFF60] =	vst.add.f32.msk $0xffff, v25  }
0x156: {  	v25 =	vadd.s32 v1, v28;
	v31 =	vadd.s32 v2, v28;
	v32 =	vadd.s32 v3, v28;
	v33 =	vld.idx.msk [tilespmem:v21+s5+$0x0], $0xffff  }
0x157: {  	v34 =	vadd.s32 v4, v28;
	v35 =	vadd.s32 v5, v28;
	v27 =	vperm.xlane v27, v0;
	[tilespmem:s15+$0xFFFFFFF0] =	vst.add.f32.msk $0xffff, v26  }
0x158: {  	v36 =	vadd.s32 v6, v28;
	v21 =	vadd.s32 v7, v28;
	v26 =	vadd.s32 v8, v28;
	v24 =	vld.idx.msk [tilespmem:v24+s5+$0x0], $0xffff  }
0x159: {  	v28 =	vadd.s32 v1, v27;
	v37 =	vadd.s32 v2, v27;
	v38 =	vadd.s32 v3, v27;
	[tilespmem:s14+$0xFFFFFF80] =	vst.add.f32.msk $0xffff, v23;
	s14 =	smov.u32 s15  }
0x15a: {  	v23 =	vadd.s32 v4, v27;
	v39 =	vadd.s32 v5, v27;
	v22 =	vadd.s32 v6, v27;
	v30 =	vld.idx.msk [tilespmem:v30+s5+$0x0], $0xffff  }
0x15b: {  	v40 =	vadd.s32 v7, v27;
	v27 =	vadd.s32 v8, v27;
	v25 =	vld.idx.msk [tilespmem:v25+s5+$0x0], $0xffff  }
0x15c: {  	v41 =	vadd.s32 v2, v17;
	[tilespmem:s15+$0xFFFFFEE0] =	vst.add.f32.msk $0xffff, v29  }
0x15d: {  	v29 =	vld.idx.msk [tilespmem:v20+s5+$0x0], $0xffff;
	v20 =	vmov v40  }
0x15e: {  	[tilespmem:s15+$0x0] =	vst.add.f32.msk $0xffff, v24  }
0x15f: {  	s15 =	sadd.s32 $0x180, s15;
	v24 =	vld.idx.msk [tilespmem:v28+s5+$0x0], $0xffff  }
0x160: {  	[tilespmem:s15+$0xFFFFFF90] =	vst.add.f32.msk $0xffff, v30  }
0x161: {  	v28 =	vld.idx.msk [tilespmem:v41+s5+$0x0], $0xffff  }
0x162: {  	[tilespmem:s15+$0xFFFFFF10] =	vst.add.f32.msk $0xffff, v25  }
0x163: {  	v30 =	vadd.s32 v3, v17;
	v25 =	vld.idx.msk [tilespmem:v31+s5+$0x0], $0xffff  }
0x164: {  	[tilespmem:s14+$0xFFFFFEF0] =	vst.add.f32.msk $0xffff, v29  }
0x165: {  	[tilespmem:s15+$0xFFFFFE90] =	vst.add.f32.msk $0xffff, v24  }
0x166: {  	v24 =	vld.idx.msk [tilespmem:v37+s5+$0x0], $0xffff  }
0x167: {  	[tilespmem:s15+$0xFFFFFFA0] =	vst.add.f32.msk $0xffff, v28  }
0x168: {  	v28 =	vld.idx.msk [tilespmem:v30+s5+$0x0], $0xffff  }
0x169: {  	[tilespmem:s15+$0xFFFFFF20] =	vst.add.f32.msk $0xffff, v25  }
0x16a: {  	v29 =	vadd.s32 v4, v17;
	v25 =	vld.idx.msk [tilespmem:v32+s5+$0x0], $0xffff  }
0x16b: {  	[tilespmem:s14+$0xFFFFFF70] =	vst.add.f32.msk $0xffff, v33  }
0x16c: {  	[tilespmem:s15+$0xFFFFFEA0] =	vst.add.f32.msk $0xffff, v24  }
0x16d: {  	v24 =	vld.idx.msk [tilespmem:v38+s5+$0x0], $0xffff  }
0x16e: {  	[tilespmem:s15+$0xFFFFFFB0] =	vst.add.f32.msk $0xffff, v28  }
0x16f: {  	v28 =	vld.idx.msk [tilespmem:v29+s5+$0x0], $0xffff  }
0x170: {  	[tilespmem:s15+$0xFFFFFF30] =	vst.add.f32.msk $0xffff, v25  }
0x171: {  	v29 =	vadd.s32 v5, v17;
	v25 =	vld.idx.msk [tilespmem:v34+s5+$0x0], $0xffff  }
0x172: {  	v30 =	vld.idx.msk [tilespmem:v19+s5+$0x0], $0xffff;
	v19 =	vmov v27  }
0x173: {  	[tilespmem:s15+$0xFFFFFEB0] =	vst.add.f32.msk $0xffff, v24  }
0x174: {  	v24 =	vld.idx.msk [tilespmem:v23+s5+$0x0], $0xffff  }
0x175: {  	[tilespmem:s15+$0xFFFFFFC0] =	vst.add.f32.msk $0xffff, v28  }
0x176: {  	v27 =	vld.idx.msk [tilespmem:v29+s5+$0x0], $0xffff  }
0x177: {  	[tilespmem:s15+$0xFFFFFF40] =	vst.add.f32.msk $0xffff, v25  }
0x178: {  	v28 =	vadd.s32 v6, v17;
	v25 =	vld.idx.msk [tilespmem:v35+s5+$0x0], $0xffff  }
0x179: {  	v23 =	vld.idx.msk [tilespmem:v18+s5+$0x0], $0xffff;
	v18 =	vmov v26  }
0x17a: {  	[tilespmem:s15+$0xFFFFFEC0] =	vst.add.f32.msk $0xffff, v24  }
0x17b: {  	v24 =	vld.idx.msk [tilespmem:v39+s5+$0x0], $0xffff  }
.Ltmp3:
0x17c: {  	[tilespmem:s15+$0xFFFFFFD0] =	vst.add.f32.msk $0xffff, v27;
	(pc) =	sbr.rel @p1 .LBB2_4-.Ltmp3, $4  }
0x17d: {  	v26 =	vld.idx.msk [tilespmem:v28+s5+$0x0], $0xffff  }
0x17e: {  	[tilespmem:s15+$0xFFFFFF50] =	vst.add.f32.msk $0xffff, v25  }
0x17f: {  	v27 =	vadd.s32 v7, v17;
	v25 =	vld.idx.msk [tilespmem:v36+s5+$0x0], $0xffff  }
0x180: {  	s17 =	sadd.s32 $0x3, s17;
	[tilespmem:s14+$0xFFFFFF00] =	vst.add.f32.msk $0xffff, v30  }
0x181: {  	_ =	sdelay $0x2  }
0x182: {  	[tilespmem:s15+$0xFFFFFED0] =	vst.add.f32.msk $0xffff, v24  }
0x183: {  	v22 =	vld.idx.msk [tilespmem:v22+s5+$0x0], $0xffff  }
0x184: {  	[tilespmem:s15+$0xFFFFFFE0] =	vst.add.f32.msk $0xffff, v26  }
0x185: {  	v24 =	vld.idx.msk [tilespmem:v27+s5+$0x0], $0xffff  }
0x186: {  	v17 =	vadd.s32 v8, v17;
	[tilespmem:s15+$0xFFFFFF60] =	vst.add.f32.msk $0xffff, v25  }
0x187: {  	v21 =	vld.idx.msk [tilespmem:v21+s5+$0x0], $0xffff  }
0x188: {  	[tilespmem:s15+$0xFFFFFEE0] =	vst.add.f32.msk $0xffff, v22  }
0x189: {  	v20 =	vld.idx.msk [tilespmem:v20+s5+$0x0], $0xffff  }
0x18a: {  	[tilespmem:s15+$0xFFFFFFF0] =	vst.add.f32.msk $0xffff, v24  }
0x18b: {  	v17 =	vld.idx.msk [tilespmem:v17+s5+$0x0], $0xffff  }
0x18c: {  	[tilespmem:s15+$0xFFFFFF70] =	vst.add.f32.msk $0xffff, v21  }
0x18d: {  	v18 =	vld.idx.msk [tilespmem:v18+s5+$0x0], $0xffff  }
0x18e: {  	[tilespmem:s15+$0xFFFFFEF0] =	vst.add.f32.msk $0xffff, v20  }
0x18f: {  	v19 =	vld.idx.msk [tilespmem:v19+s5+$0x0], $0xffff;
	_ =	sdelay $0x1  }
0x190: {  	[tilespmem:s14+$0xFFFFFF80] =	vst.add.f32.msk $0xffff, v23  }
0x191: {  	[tilespmem:s15+$0x0] =	vst.add.f32.msk $0xffff, v17  }
0x192: {  	[tilespmem:s15+$0xFFFFFF80] =	vst.add.f32.msk $0xffff, v18  }
0x193: {  	[tilespmem:s15+$0xFFFFFF00] =	vst.add.f32.msk $0xffff, v19  }
0x194: {  	s14 =	rddreg [dreg:$0xa]  }
0x195: {  	[hbm4b:s14+s1] =	stream.linear.scatter [tilespmem:s3], [sflag:$0x5], $0x7800, $0x38;
	[tilespmem:$0x19900] =	vst v63  }
0x196: {  	_ =	swait.ge [sflag:s8], $0x7800  }
0x197: {  	[sflag:s8] =	ssyncset.done $0x0  }
0x198: {  	s17 =	rddreg [dreg:$0xb];
	[sflag:s8] =	ssyncadd.s32 $0xFFFF8800  }
0x199: {  	[tilespmem:s2], [sflag:$0x1] =	stream.linear.gather [hbm4b:s17+s1], $0x7800, $0x38;
	[tilespmem:$0x19900] =	vst v63  }
0x19a: {  	_ =	swait.ge [sflag:s9], $0x7800  }
0x19b: {  	[sflag:s9] =	ssyncset.done $0x0  }
0x19c: {  	s18 =	simm.s32 $0x1E2;
	[sflag:s9] =	ssyncadd.s32 $0xFFFF8800  }
0x19d: {  	v17 =	vld [tilespmem:s18+$0x0]  }
0x19e: {  	v18 =	vld [tilespmem:s18+$0xFFFFFFFF];
	_ =	sdelay $0x2  }
0x19f: {  	v19 =	vld [tilespmem:s18+$0xFFFFFFFE]  }
0x1a0: {  	v20 =	vperm.xlane v17, v0  }
0x1a1: {  	v18 =	vperm.xlane v18, v0  }
0x1a2: {  	v17 =	vadd.s32 v1, v20  }
0x1a3: {  	v21 =	vadd.s32 v1, v18  }
0x1a4: {  	v19 =	vperm.xlane v19, v0;
	_ =	sdelay $0x1  }
0x1a5: {  	v22 =	vadd.s32 v1, v19  }
0x1a6: {  	v17 =	vld.idx.msk [tilespmem:v17+s5+$0x0], $0xffff  }
0x1a7: {  	v21 =	vld.idx.msk [tilespmem:v21+s5+$0x0], $0xffff  }
0x1a8: {  	v23 =	vadd.s32 v2, v20  }
0x1a9: {  	v24 =	vadd.s32 v2, v18  }
0x1aa: {  	s14 =	simm.s32 $0x11DF0;
	v22 =	vld.idx.msk [tilespmem:v22+s5+$0x0], $0xffff  }
0x1ab: {  	[tilespmem:s14+$0xFFFFFF90] =	vst.add.f32.msk $0xffff, v17  }
0x1ac: {  	v25 =	vadd.s32 v2, v19;
	[tilespmem:s14+$0xFFFFFF10] =	vst.add.f32.msk $0xffff, v21  }
0x1ad: {  	v17 =	vld.idx.msk [tilespmem:v23+s5+$0x0], $0xffff  }
0x1ae: {  	v23 =	vld.idx.msk [tilespmem:v24+s5+$0x0], $0xffff  }
0x1af: {  	v21 =	vadd.s32 v3, v20  }
0x1b0: {  	[tilespmem:s14+$0xFFFFFE90] =	vst.add.f32.msk $0xffff, v22;
	v24 =	vadd.s32 v3, v18  }
0x1b1: {  	v22 =	vld.idx.msk [tilespmem:v25+s5+$0x0], $0xffff  }
0x1b2: {  	[tilespmem:s14+$0xFFFFFFA0] =	vst.add.f32.msk $0xffff, v17  }
0x1b3: {  	v25 =	vadd.s32 v3, v19;
	[tilespmem:s14+$0xFFFFFF20] =	vst.add.f32.msk $0xffff, v23  }
0x1b4: {  	v17 =	vld.idx.msk [tilespmem:v21+s5+$0x0], $0xffff  }
0x1b5: {  	v23 =	vld.idx.msk [tilespmem:v24+s5+$0x0], $0xffff  }
0x1b6: {  	v21 =	vadd.s32 v4, v20  }
0x1b7: {  	[tilespmem:s14+$0xFFFFFEA0] =	vst.add.f32.msk $0xffff, v22;
	v24 =	vadd.s32 v4, v18  }
0x1b8: {  	v22 =	vld.idx.msk [tilespmem:v25+s5+$0x0], $0xffff  }
0x1b9: {  	[tilespmem:s14+$0xFFFFFFB0] =	vst.add.f32.msk $0xffff, v17  }
0x1ba: {  	v25 =	vadd.s32 v4, v19;
	[tilespmem:s14+$0xFFFFFF30] =	vst.add.f32.msk $0xffff, v23  }
0x1bb: {  	v17 =	vld.idx.msk [tilespmem:v21+s5+$0x0], $0xffff  }
0x1bc: {  	v23 =	vld.idx.msk [tilespmem:v24+s5+$0x0], $0xffff  }
0x1bd: {  	v21 =	vadd.s32 v5, v20  }
0x1be: {  	[tilespmem:s14+$0xFFFFFEB0] =	vst.add.f32.msk $0xffff, v22;
	v24 =	vadd.s32 v5, v18  }
0x1bf: {  	v22 =	vld.idx.msk [tilespmem:v25+s5+$0x0], $0xffff  }
0x1c0: {  	v25 =	vadd.s32 v5, v19;
	[tilespmem:s14+$0xFFFFFFC0] =	vst.add.f32.msk $0xffff, v17  }
0x1c1: {  	[tilespmem:s14+$0xFFFFFF40] =	vst.add.f32.msk $0xffff, v23  }
0x1c2: {  	v17 =	vld.idx.msk [tilespmem:v21+s5+$0x0], $0xffff  }
0x1c3: {  	v23 =	vld.idx.msk [tilespmem:v24+s5+$0x0], $0xffff  }
0x1c4: {  	[tilespmem:s14+$0xFFFFFEC0] =	vst.add.f32.msk $0xffff, v22;
	v21 =	vadd.s32 v6, v20  }
0x1c5: {  	s19 =	simm.s32 $0x1E5;
	v22 =	vld.idx.msk [tilespmem:v25+s5+$0x0], $0xffff;
	v24 =	vadd.s32 v6, v18  }
0x1c6: {  	v25 =	vld [tilespmem:s19+$0xFFFFFFFF]  }
0x1c7: {  	[tilespmem:s14+$0xFFFFFFD0] =	vst.add.f32.msk $0xffff, v17  }
0x1c8: {  	[tilespmem:s14+$0xFFFFFF50] =	vst.add.f32.msk $0xffff, v23  }
0x1c9: {  	v17 =	vld.idx.msk [tilespmem:v21+s5+$0x0], $0xffff  }
0x1ca: {  	v24 =	vld.idx.msk [tilespmem:v24+s5+$0x0], $0xffff  }
0x1cb: {  	v26 =	vadd.s32 v6, v19;
	v23 =	vld [tilespmem:s19+$0x0]  }
0x1cc: {  	v28 =	vld [tilespmem:s19+$0xFFFFFFFE];
	v21 =	vadd.s32 v7, v20  }
0x1cd: {  	v27 =	vadd.s32 v7, v18;
	[tilespmem:s14+$0xFFFFFED0] =	vst.add.f32.msk $0xffff, v22;
	v22 =	vperm.xlane v25, v0  }
0x1ce: {  	[tilespmem:s14+$0xFFFFFFE0] =	vst.add.f32.msk $0xffff, v17  }
0x1cf: {  	[tilespmem:s14+$0xFFFFFF60] =	vst.add.f32.msk $0xffff, v24;
	v24 =	vadd.s32 v1, v22  }
0x1d0: {  	v17 =	vperm.xlane v23, v0;
	v23 =	vld.idx.msk [tilespmem:v26+s5+$0x0], $0xffff  }
0x1d1: {  	v21 =	vld.idx.msk [tilespmem:v21+s5+$0x0], $0xffff  }
0x1d2: {  	v26 =	vld.idx.msk [tilespmem:v27+s5+$0x0], $0xffff;
	v27 =	vadd.s32 v7, v19  }
0x1d3: {  	v20 =	vadd.s32 v8, v20  }
0x1d4: {  	v24 =	vld.idx.msk [tilespmem:v24+s5+$0x0], $0xffff  }
0x1d5: {  	v25 =	vadd.s32 v1, v17;
	[tilespmem:s14+$0xFFFFFEE0] =	vst.add.f32.msk $0xffff, v23  }
0x1d6: {  	[tilespmem:s14+$0xFFFFFFF0] =	vst.add.f32.msk $0xffff, v21  }
0x1d7: {  	v28 =	vperm.xlane v28, v0;
	v23 =	vld.idx.msk [tilespmem:v27+s5+$0x0], $0xffff;
	v27 =	vadd.s32 v2, v22  }
0x1d8: {  	v20 =	vld.idx.msk [tilespmem:v20+s5+$0x0], $0xffff  }
0x1d9: {  	v21 =	vadd.s32 v1, v28  }
0x1da: {  	s15 =	simm.s32 $0x11F70;
	v25 =	vld.idx.msk [tilespmem:v25+s5+$0x0], $0xffff  }
0x1db: {  	[tilespmem:s15+$0xFFFFFF10] =	vst.add.f32.msk $0xffff, v24  }
0x1dc: {  	v29 =	vadd.s32 v2, v17;
	v24 =	vld.idx.msk [tilespmem:v27+s5+$0x0], $0xffff  }
0x1dd: {  	[tilespmem:s14+$0x0] =	vst.add.f32.msk $0xffff, v20  }
0x1de: {  	v20 =	vld.idx.msk [tilespmem:v21+s5+$0x0], $0xffff  }
0x1df: {  	[tilespmem:s14+$0xFFFFFEF0] =	vst.add.f32.msk $0xffff, v23;
	v23 =	vadd.s32 v3, v22  }
0x1e0: {  	[tilespmem:s15+$0xFFFFFF90] =	vst.add.f32.msk $0xffff, v25;
	v21 =	vadd.s32 v2, v28  }
0x1e1: {  	v25 =	vld.idx.msk [tilespmem:v29+s5+$0x0], $0xffff  }
0x1e2: {  	[tilespmem:s15+$0xFFFFFF20] =	vst.add.f32.msk $0xffff, v24  }
0x1e3: {  	v27 =	vadd.s32 v3, v17;
	[tilespmem:s15+$0xFFFFFE90] =	vst.add.f32.msk $0xffff, v20  }
0x1e4: {  	v23 =	vld.idx.msk [tilespmem:v23+s5+$0x0], $0xffff  }
0x1e5: {  	v20 =	vld.idx.msk [tilespmem:v21+s5+$0x0], $0xffff  }
0x1e6: {  	[tilespmem:s14+$0xFFFFFF70] =	vst.add.f32.msk $0xffff, v26;
	v26 =	vadd.s32 v4, v22  }
0x1e7: {  	[tilespmem:s15+$0xFFFFFFA0] =	vst.add.f32.msk $0xffff, v25;
	v21 =	vadd.s32 v3, v28  }
0x1e8: {  	v19 =	vadd.s32 v8, v19;
	v25 =	vld.idx.msk [tilespmem:v27+s5+$0x0], $0xffff  }
0x1e9: {  	[tilespmem:s15+$0xFFFFFF30] =	vst.add.f32.msk $0xffff, v23  }
0x1ea: {  	v24 =	vadd.s32 v4, v17;
	[tilespmem:s15+$0xFFFFFEA0] =	vst.add.f32.msk $0xffff, v20  }
0x1eb: {  	v23 =	vld.idx.msk [tilespmem:v26+s5+$0x0], $0xffff  }
0x1ec: {  	v20 =	vld.idx.msk [tilespmem:v21+s5+$0x0], $0xffff  }
0x1ed: {  	v29 =	vld.idx.msk [tilespmem:v19+s5+$0x0], $0xffff;
	v19 =	vadd.s32 v5, v22  }
0x1ee: {  	[tilespmem:s15+$0xFFFFFFB0] =	vst.add.f32.msk $0xffff, v25;
	v21 =	vadd.s32 v4, v28  }
0x1ef: {  	v24 =	vld.idx.msk [tilespmem:v24+s5+$0x0], $0xffff  }
0x1f0: {  	v25 =	vadd.s32 v5, v17;
	[tilespmem:s15+$0xFFFFFF40] =	vst.add.f32.msk $0xffff, v23  }
0x1f1: {  	[tilespmem:s15+$0xFFFFFEB0] =	vst.add.f32.msk $0xffff, v20  }
0x1f2: {  	v18 =	vadd.s32 v8, v18;
	v19 =	vld.idx.msk [tilespmem:v19+s5+$0x0], $0xffff  }
0x1f3: {  	v20 =	vld.idx.msk [tilespmem:v21+s5+$0x0], $0xffff  }
0x1f4: {  	[tilespmem:s15+$0xFFFFFFC0] =	vst.add.f32.msk $0xffff, v24  }
0x1f5: {  	v25 =	vld.idx.msk [tilespmem:v25+s5+$0x0], $0xffff  }
0x1f6: {  	[tilespmem:s14+$0xFFFFFF00] =	vst.add.f32.msk $0xffff, v29;
	v26 =	vadd.s32 v6, v17  }
0x1f7: {  	v27 =	vadd.s32 v6, v22;
	v23 =	vld.idx.msk [tilespmem:v18+s5+$0x0], $0xffff  }
0x1f8: {  	v21 =	vadd.s32 v5, v28;
	[tilespmem:s15+$0xFFFFFF50] =	vst.add.f32.msk $0xffff, v19  }
0x1f9: {  	[tilespmem:s15+$0xFFFFFEC0] =	vst.add.f32.msk $0xffff, v20  }
0x1fa: {  	[tilespmem:s15+$0xFFFFFFD0] =	vst.add.f32.msk $0xffff, v25  }
0x1fb: {  	v26 =	vld.idx.msk [tilespmem:v26+s5+$0x0], $0xffff  }
0x1fc: {  	v18 =	vadd.s32 v8, v22;
	v19 =	vadd.s32 v8, v28;
	v25 =	vld.idx.msk [tilespmem:v27+s5+$0x0], $0xffff;
	v27 =	vadd.s32 v7, v17  }
0x1fd: {  	s16 =	simm.s32 $0x3;
	s17 =	simm.s32 $0x1E8;
	v20 =	vadd.s32 v7, v28;
	v24 =	vld.idx.msk [tilespmem:v21+s5+$0x0], $0xffff;
	v21 =	vadd.s32 v7, v22;
	v22 =	vadd.s32 v6, v28  }
.LBB2_6:
0x1fe: {  	v28 =	vld [tilespmem:s17+$0x0];
	s16 =	sadd.s32 $0x3, s16  }
0x1ff: {  	v29 =	vld [tilespmem:s17+$0xFFFFFFFF];
	p1 =	slt.u32 s16, $0xED  }
0x200: {  	[tilespmem:s15+$0xFFFFFFE0] =	vst.add.f32.msk $0xffff, v26  }
0x201: {  	v26 =	vld.idx.msk [tilespmem:v27+s5+$0x0], $0xffff  }
0x202: {  	v27 =	vld [tilespmem:s17+$0xFFFFFFFE]  }
0x203: {  	[tilespmem:s15+$0xFFFFFED0] =	vst.add.f32.msk $0xffff, v24;
	v24 =	vadd.s32 v8, v17;
	v17 =	vperm.xlane v28, v0  }
0x204: {  	v28 =	vperm.xlane v29, v0;
	v29 =	vld.idx.msk [tilespmem:v22+s5+$0x0], $0xffff  }
0x205: {  	v30 =	vadd.s32 v1, v17;
	[tilespmem:s15+$0xFFFFFF60] =	vst.add.f32.msk $0xffff, v25  }
0x206: {  	v25 =	vadd.s32 v1, v28;
	v31 =	vadd.s32 v2, v28;
	v32 =	vadd.s32 v3, v28;
	v33 =	vld.idx.msk [tilespmem:v21+s5+$0x0], $0xffff  }
0x207: {  	v34 =	vadd.s32 v4, v28;
	v35 =	vadd.s32 v5, v28;
	v27 =	vperm.xlane v27, v0;
	[tilespmem:s15+$0xFFFFFFF0] =	vst.add.f32.msk $0xffff, v26  }
0x208: {  	v36 =	vadd.s32 v6, v28;
	v21 =	vadd.s32 v7, v28;
	v26 =	vadd.s32 v8, v28;
	v24 =	vld.idx.msk [tilespmem:v24+s5+$0x0], $0xffff  }
0x209: {  	v28 =	vadd.s32 v1, v27;
	v37 =	vadd.s32 v2, v27;
	v38 =	vadd.s32 v3, v27;
	[tilespmem:s14+$0xFFFFFF80] =	vst.add.f32.msk $0xffff, v23;
	s14 =	smov.u32 s15  }
0x20a: {  	v23 =	vadd.s32 v4, v27;
	v39 =	vadd.s32 v5, v27;
	v22 =	vadd.s32 v6, v27;
	v30 =	vld.idx.msk [tilespmem:v30+s5+$0x0], $0xffff  }
0x20b: {  	v40 =	vadd.s32 v7, v27;
	v27 =	vadd.s32 v8, v27;
	v25 =	vld.idx.msk [tilespmem:v25+s5+$0x0], $0xffff  }
0x20c: {  	v41 =	vadd.s32 v2, v17;
	[tilespmem:s15+$0xFFFFFEE0] =	vst.add.f32.msk $0xffff, v29  }
0x20d: {  	v29 =	vld.idx.msk [tilespmem:v20+s5+$0x0], $0xffff;
	v20 =	vmov v40  }
0x20e: {  	[tilespmem:s15+$0x0] =	vst.add.f32.msk $0xffff, v24  }
0x20f: {  	s15 =	sadd.s32 $0x180, s15;
	v24 =	vld.idx.msk [tilespmem:v28+s5+$0x0], $0xffff  }
0x210: {  	[tilespmem:s15+$0xFFFFFF90] =	vst.add.f32.msk $0xffff, v30  }
0x211: {  	v28 =	vld.idx.msk [tilespmem:v41+s5+$0x0], $0xffff  }
0x212: {  	[tilespmem:s15+$0xFFFFFF10] =	vst.add.f32.msk $0xffff, v25  }
0x213: {  	v30 =	vadd.s32 v3, v17;
	v25 =	vld.idx.msk [tilespmem:v31+s5+$0x0], $0xffff  }
0x214: {  	[tilespmem:s14+$0xFFFFFEF0] =	vst.add.f32.msk $0xffff, v29  }
0x215: {  	[tilespmem:s15+$0xFFFFFE90] =	vst.add.f32.msk $0xffff, v24  }
0x216: {  	v24 =	vld.idx.msk [tilespmem:v37+s5+$0x0], $0xffff  }
0x217: {  	[tilespmem:s15+$0xFFFFFFA0] =	vst.add.f32.msk $0xffff, v28  }
0x218: {  	v28 =	vld.idx.msk [tilespmem:v30+s5+$0x0], $0xffff  }
0x219: {  	[tilespmem:s15+$0xFFFFFF20] =	vst.add.f32.msk $0xffff, v25  }
0x21a: {  	v29 =	vadd.s32 v4, v17;
	v25 =	vld.idx.msk [tilespmem:v32+s5+$0x0], $0xffff  }
0x21b: {  	[tilespmem:s14+$0xFFFFFF70] =	vst.add.f32.msk $0xffff, v33  }
0x21c: {  	[tilespmem:s15+$0xFFFFFEA0] =	vst.add.f32.msk $0xffff, v24  }
0x21d: {  	v24 =	vld.idx.msk [tilespmem:v38+s5+$0x0], $0xffff  }
0x21e: {  	[tilespmem:s15+$0xFFFFFFB0] =	vst.add.f32.msk $0xffff, v28  }
0x21f: {  	v28 =	vld.idx.msk [tilespmem:v29+s5+$0x0], $0xffff  }
0x220: {  	[tilespmem:s15+$0xFFFFFF30] =	vst.add.f32.msk $0xffff, v25  }
0x221: {  	v29 =	vadd.s32 v5, v17;
	v25 =	vld.idx.msk [tilespmem:v34+s5+$0x0], $0xffff  }
0x222: {  	v30 =	vld.idx.msk [tilespmem:v19+s5+$0x0], $0xffff;
	v19 =	vmov v27  }
0x223: {  	[tilespmem:s15+$0xFFFFFEB0] =	vst.add.f32.msk $0xffff, v24  }
0x224: {  	v24 =	vld.idx.msk [tilespmem:v23+s5+$0x0], $0xffff  }
0x225: {  	[tilespmem:s15+$0xFFFFFFC0] =	vst.add.f32.msk $0xffff, v28  }
0x226: {  	v27 =	vld.idx.msk [tilespmem:v29+s5+$0x0], $0xffff  }
0x227: {  	[tilespmem:s15+$0xFFFFFF40] =	vst.add.f32.msk $0xffff, v25  }
0x228: {  	v28 =	vadd.s32 v6, v17;
	v25 =	vld.idx.msk [tilespmem:v35+s5+$0x0], $0xffff  }
0x229: {  	v23 =	vld.idx.msk [tilespmem:v18+s5+$0x0], $0xffff;
	v18 =	vmov v26  }
0x22a: {  	[tilespmem:s15+$0xFFFFFEC0] =	vst.add.f32.msk $0xffff, v24  }
0x22b: {  	v24 =	vld.idx.msk [tilespmem:v39+s5+$0x0], $0xffff  }
.Ltmp4:
0x22c: {  	[tilespmem:s15+$0xFFFFFFD0] =	vst.add.f32.msk $0xffff, v27;
	(pc) =	sbr.rel @p1 .LBB2_6-.Ltmp4, $4  }
0x22d: {  	v26 =	vld.idx.msk [tilespmem:v28+s5+$0x0], $0xffff  }
0x22e: {  	[tilespmem:s15+$0xFFFFFF50] =	vst.add.f32.msk $0xffff, v25  }
0x22f: {  	v27 =	vadd.s32 v7, v17;
	v25 =	vld.idx.msk [tilespmem:v36+s5+$0x0], $0xffff  }
0x230: {  	s17 =	sadd.s32 $0x3, s17;
	[tilespmem:s14+$0xFFFFFF00] =	vst.add.f32.msk $0xffff, v30  }
0x231: {  	_ =	sdelay $0x2  }
0x232: {  	[tilespmem:s15+$0xFFFFFED0] =	vst.add.f32.msk $0xffff, v24  }
0x233: {  	v22 =	vld.idx.msk [tilespmem:v22+s5+$0x0], $0xffff  }
0x234: {  	[tilespmem:s15+$0xFFFFFFE0] =	vst.add.f32.msk $0xffff, v26  }
0x235: {  	v24 =	vld.idx.msk [tilespmem:v27+s5+$0x0], $0xffff  }
0x236: {  	v17 =	vadd.s32 v8, v17;
	[tilespmem:s15+$0xFFFFFF60] =	vst.add.f32.msk $0xffff, v25  }
0x237: {  	v21 =	vld.idx.msk [tilespmem:v21+s5+$0x0], $0xffff  }
0x238: {  	[tilespmem:s15+$0xFFFFFEE0] =	vst.add.f32.msk $0xffff, v22  }
0x239: {  	v20 =	vld.idx.msk [tilespmem:v20+s5+$0x0], $0xffff  }
0x23a: {  	[tilespmem:s15+$0xFFFFFFF0] =	vst.add.f32.msk $0xffff, v24  }
0x23b: {  	v17 =	vld.idx.msk [tilespmem:v17+s5+$0x0], $0xffff  }
0x23c: {  	[tilespmem:s15+$0xFFFFFF70] =	vst.add.f32.msk $0xffff, v21  }
0x23d: {  	v18 =	vld.idx.msk [tilespmem:v18+s5+$0x0], $0xffff  }
0x23e: {  	[tilespmem:s15+$0xFFFFFEF0] =	vst.add.f32.msk $0xffff, v20  }
0x23f: {  	v19 =	vld.idx.msk [tilespmem:v19+s5+$0x0], $0xffff;
	_ =	sdelay $0x1  }
0x240: {  	[tilespmem:s14+$0xFFFFFF80] =	vst.add.f32.msk $0xffff, v23  }
0x241: {  	[tilespmem:s15+$0x0] =	vst.add.f32.msk $0xffff, v17  }
0x242: {  	[tilespmem:s15+$0xFFFFFF80] =	vst.add.f32.msk $0xffff, v18  }
0x243: {  	[tilespmem:s15+$0xFFFFFF00] =	vst.add.f32.msk $0xffff, v19  }
0x244: {  	s14 =	rddreg [dreg:$0xc]  }
0x245: {  	[hbm4b:s14+s1] =	stream.linear.scatter [tilespmem:s4], [sflag:$0x6], $0x7800, $0x38;
	[tilespmem:$0x19900] =	vst v63  }
0x246: {  	_ =	swait.ge [sflag:s10], $0x7800  }
0x247: {  	[sflag:s10] =	ssyncset.done $0x0  }
0x248: {  	s17 =	rddreg [dreg:$0xd];
	[sflag:s10] =	ssyncadd.s32 $0xFFFF8800  }
0x249: {  	[tilespmem:s3], [sflag:$0x2] =	stream.linear.gather [hbm4b:s17+s1], $0x7800, $0x38;
	[tilespmem:$0x19900] =	vst v63  }
0x24a: {  	_ =	swait.ge [sflag:s11], $0x7800  }
0x24b: {  	[sflag:s11] =	ssyncset.done $0x0  }
0x24c: {  	s18 =	simm.s32 $0x2D2;
	[sflag:s11] =	ssyncadd.s32 $0xFFFF8800  }
0x24d: {  	v17 =	vld [tilespmem:s18+$0x0]  }
0x24e: {  	v18 =	vld [tilespmem:s18+$0xFFFFFFFF];
	_ =	sdelay $0x2  }
0x24f: {  	v19 =	vld [tilespmem:s18+$0xFFFFFFFE]  }
0x250: {  	v20 =	vperm.xlane v17, v0  }
0x251: {  	v18 =	vperm.xlane v18, v0  }
0x252: {  	v17 =	vadd.s32 v1, v20  }
0x253: {  	v21 =	vadd.s32 v1, v18  }
0x254: {  	v19 =	vperm.xlane v19, v0;
	_ =	sdelay $0x1  }
0x255: {  	v22 =	vadd.s32 v1, v19  }
0x256: {  	v17 =	vld.idx.msk [tilespmem:v17+s5+$0x0], $0xffff  }
0x257: {  	v21 =	vld.idx.msk [tilespmem:v21+s5+$0x0], $0xffff  }
0x258: {  	v23 =	vadd.s32 v2, v20  }
0x259: {  	v24 =	vadd.s32 v2, v18  }
0x25a: {  	s14 =	simm.s32 $0x2DF0;
	v22 =	vld.idx.msk [tilespmem:v22+s5+$0x0], $0xffff  }
0x25b: {  	[tilespmem:s14+$0xFFFFFF90] =	vst.add.f32.msk $0xffff, v17  }
0x25c: {  	v25 =	vadd.s32 v2, v19;
	[tilespmem:s14+$0xFFFFFF10] =	vst.add.f32.msk $0xffff, v21  }
0x25d: {  	v17 =	vld.idx.msk [tilespmem:v23+s5+$0x0], $0xffff  }
0x25e: {  	v23 =	vld.idx.msk [tilespmem:v24+s5+$0x0], $0xffff  }
0x25f: {  	v21 =	vadd.s32 v3, v20  }
0x260: {  	[tilespmem:s14+$0xFFFFFE90] =	vst.add.f32.msk $0xffff, v22;
	v24 =	vadd.s32 v3, v18  }
0x261: {  	v22 =	vld.idx.msk [tilespmem:v25+s5+$0x0], $0xffff  }
0x262: {  	[tilespmem:s14+$0xFFFFFFA0] =	vst.add.f32.msk $0xffff, v17  }
0x263: {  	v25 =	vadd.s32 v3, v19;
	[tilespmem:s14+$0xFFFFFF20] =	vst.add.f32.msk $0xffff, v23  }
0x264: {  	v17 =	vld.idx.msk [tilespmem:v21+s5+$0x0], $0xffff  }
0x265: {  	v23 =	vld.idx.msk [tilespmem:v24+s5+$0x0], $0xffff  }
0x266: {  	v21 =	vadd.s32 v4, v20  }
0x267: {  	[tilespmem:s14+$0xFFFFFEA0] =	vst.add.f32.msk $0xffff, v22;
	v24 =	vadd.s32 v4, v18  }
0x268: {  	v22 =	vld.idx.msk [tilespmem:v25+s5+$0x0], $0xffff  }
0x269: {  	[tilespmem:s14+$0xFFFFFFB0] =	vst.add.f32.msk $0xffff, v17  }
0x26a: {  	v25 =	vadd.s32 v4, v19;
	[tilespmem:s14+$0xFFFFFF30] =	vst.add.f32.msk $0xffff, v23  }
0x26b: {  	v17 =	vld.idx.msk [tilespmem:v21+s5+$0x0], $0xffff  }
0x26c: {  	v23 =	vld.idx.msk [tilespmem:v24+s5+$0x0], $0xffff  }
0x26d: {  	v21 =	vadd.s32 v5, v20  }
0x26e: {  	[tilespmem:s14+$0xFFFFFEB0] =	vst.add.f32.msk $0xffff, v22;
	v24 =	vadd.s32 v5, v18  }
0x26f: {  	v22 =	vld.idx.msk [tilespmem:v25+s5+$0x0], $0xffff  }
0x270: {  	v25 =	vadd.s32 v5, v19;
	[tilespmem:s14+$0xFFFFFFC0] =	vst.add.f32.msk $0xffff, v17  }
0x271: {  	[tilespmem:s14+$0xFFFFFF40] =	vst.add.f32.msk $0xffff, v23  }
0x272: {  	v17 =	vld.idx.msk [tilespmem:v21+s5+$0x0], $0xffff  }
0x273: {  	v23 =	vld.idx.msk [tilespmem:v24+s5+$0x0], $0xffff  }
0x274: {  	[tilespmem:s14+$0xFFFFFEC0] =	vst.add.f32.msk $0xffff, v22;
	v21 =	vadd.s32 v6, v20  }
0x275: {  	s19 =	simm.s32 $0x2D5;
	v22 =	vld.idx.msk [tilespmem:v25+s5+$0x0], $0xffff;
	v24 =	vadd.s32 v6, v18  }
0x276: {  	v25 =	vld [tilespmem:s19+$0xFFFFFFFF]  }
0x277: {  	[tilespmem:s14+$0xFFFFFFD0] =	vst.add.f32.msk $0xffff, v17  }
0x278: {  	[tilespmem:s14+$0xFFFFFF50] =	vst.add.f32.msk $0xffff, v23  }
0x279: {  	v17 =	vld.idx.msk [tilespmem:v21+s5+$0x0], $0xffff  }
0x27a: {  	v24 =	vld.idx.msk [tilespmem:v24+s5+$0x0], $0xffff  }
0x27b: {  	v26 =	vadd.s32 v6, v19;
	v23 =	vld [tilespmem:s19+$0x0]  }
0x27c: {  	v28 =	vld [tilespmem:s19+$0xFFFFFFFE];
	v21 =	vadd.s32 v7, v20  }
0x27d: {  	v27 =	vadd.s32 v7, v18;
	[tilespmem:s14+$0xFFFFFED0] =	vst.add.f32.msk $0xffff, v22;
	v22 =	vperm.xlane v25, v0  }
0x27e: {  	[tilespmem:s14+$0xFFFFFFE0] =	vst.add.f32.msk $0xffff, v17  }
0x27f: {  	[tilespmem:s14+$0xFFFFFF60] =	vst.add.f32.msk $0xffff, v24;
	v24 =	vadd.s32 v1, v22  }
0x280: {  	v17 =	vperm.xlane v23, v0;
	v23 =	vld.idx.msk [tilespmem:v26+s5+$0x0], $0xffff  }
0x281: {  	v21 =	vld.idx.msk [tilespmem:v21+s5+$0x0], $0xffff  }
0x282: {  	v26 =	vld.idx.msk [tilespmem:v27+s5+$0x0], $0xffff;
	v27 =	vadd.s32 v7, v19  }
0x283: {  	v20 =	vadd.s32 v8, v20  }
0x284: {  	v24 =	vld.idx.msk [tilespmem:v24+s5+$0x0], $0xffff  }
0x285: {  	v25 =	vadd.s32 v1, v17;
	[tilespmem:s14+$0xFFFFFEE0] =	vst.add.f32.msk $0xffff, v23  }
0x286: {  	[tilespmem:s14+$0xFFFFFFF0] =	vst.add.f32.msk $0xffff, v21  }
0x287: {  	v28 =	vperm.xlane v28, v0;
	v23 =	vld.idx.msk [tilespmem:v27+s5+$0x0], $0xffff;
	v27 =	vadd.s32 v2, v22  }
0x288: {  	v20 =	vld.idx.msk [tilespmem:v20+s5+$0x0], $0xffff  }
0x289: {  	v21 =	vadd.s32 v1, v28  }
0x28a: {  	s15 =	simm.s32 $0x2F70;
	v25 =	vld.idx.msk [tilespmem:v25+s5+$0x0], $0xffff  }
0x28b: {  	[tilespmem:s15+$0xFFFFFF10] =	vst.add.f32.msk $0xffff, v24  }
0x28c: {  	v29 =	vadd.s32 v2, v17;
	v24 =	vld.idx.msk [tilespmem:v27+s5+$0x0], $0xffff  }
0x28d: {  	[tilespmem:s14+$0x0] =	vst.add.f32.msk $0xffff, v20  }
0x28e: {  	v20 =	vld.idx.msk [tilespmem:v21+s5+$0x0], $0xffff  }
0x28f: {  	[tilespmem:s14+$0xFFFFFEF0] =	vst.add.f32.msk $0xffff, v23;
	v23 =	vadd.s32 v3, v22  }
0x290: {  	[tilespmem:s15+$0xFFFFFF90] =	vst.add.f32.msk $0xffff, v25;
	v21 =	vadd.s32 v2, v28  }
0x291: {  	v25 =	vld.idx.msk [tilespmem:v29+s5+$0x0], $0xffff  }
0x292: {  	[tilespmem:s15+$0xFFFFFF20] =	vst.add.f32.msk $0xffff, v24  }
0x293: {  	v27 =	vadd.s32 v3, v17;
	[tilespmem:s15+$0xFFFFFE90] =	vst.add.f32.msk $0xffff, v20  }
0x294: {  	v23 =	vld.idx.msk [tilespmem:v23+s5+$0x0], $0xffff  }
0x295: {  	v20 =	vld.idx.msk [tilespmem:v21+s5+$0x0], $0xffff  }
0x296: {  	[tilespmem:s14+$0xFFFFFF70] =	vst.add.f32.msk $0xffff, v26;
	v26 =	vadd.s32 v4, v22  }
0x297: {  	[tilespmem:s15+$0xFFFFFFA0] =	vst.add.f32.msk $0xffff, v25;
	v21 =	vadd.s32 v3, v28  }
0x298: {  	v19 =	vadd.s32 v8, v19;
	v25 =	vld.idx.msk [tilespmem:v27+s5+$0x0], $0xffff  }
0x299: {  	[tilespmem:s15+$0xFFFFFF30] =	vst.add.f32.msk $0xffff, v23  }
0x29a: {  	v24 =	vadd.s32 v4, v17;
	[tilespmem:s15+$0xFFFFFEA0] =	vst.add.f32.msk $0xffff, v20  }
0x29b: {  	v23 =	vld.idx.msk [tilespmem:v26+s5+$0x0], $0xffff  }
0x29c: {  	v20 =	vld.idx.msk [tilespmem:v21+s5+$0x0], $0xffff  }
0x29d: {  	v29 =	vld.idx.msk [tilespmem:v19+s5+$0x0], $0xffff;
	v19 =	vadd.s32 v5, v22  }
0x29e: {  	[tilespmem:s15+$0xFFFFFFB0] =	vst.add.f32.msk $0xffff, v25;
	v21 =	vadd.s32 v4, v28  }
0x29f: {  	v24 =	vld.idx.msk [tilespmem:v24+s5+$0x0], $0xffff  }
0x2a0: {  	v25 =	vadd.s32 v5, v17;
	[tilespmem:s15+$0xFFFFFF40] =	vst.add.f32.msk $0xffff, v23  }
0x2a1: {  	[tilespmem:s15+$0xFFFFFEB0] =	vst.add.f32.msk $0xffff, v20  }
0x2a2: {  	v18 =	vadd.s32 v8, v18;
	v19 =	vld.idx.msk [tilespmem:v19+s5+$0x0], $0xffff  }
0x2a3: {  	v20 =	vld.idx.msk [tilespmem:v21+s5+$0x0], $0xffff  }
0x2a4: {  	[tilespmem:s15+$0xFFFFFFC0] =	vst.add.f32.msk $0xffff, v24  }
0x2a5: {  	v25 =	vld.idx.msk [tilespmem:v25+s5+$0x0], $0xffff  }
0x2a6: {  	[tilespmem:s14+$0xFFFFFF00] =	vst.add.f32.msk $0xffff, v29;
	v26 =	vadd.s32 v6, v17  }
0x2a7: {  	v27 =	vadd.s32 v6, v22;
	v23 =	vld.idx.msk [tilespmem:v18+s5+$0x0], $0xffff  }
0x2a8: {  	v21 =	vadd.s32 v5, v28;
	[tilespmem:s15+$0xFFFFFF50] =	vst.add.f32.msk $0xffff, v19  }
0x2a9: {  	[tilespmem:s15+$0xFFFFFEC0] =	vst.add.f32.msk $0xffff, v20  }
0x2aa: {  	[tilespmem:s15+$0xFFFFFFD0] =	vst.add.f32.msk $0xffff, v25  }
0x2ab: {  	v26 =	vld.idx.msk [tilespmem:v26+s5+$0x0], $0xffff  }
0x2ac: {  	v18 =	vadd.s32 v8, v22;
	v19 =	vadd.s32 v8, v28;
	v25 =	vld.idx.msk [tilespmem:v27+s5+$0x0], $0xffff;
	v27 =	vadd.s32 v7, v17  }
0x2ad: {  	s16 =	simm.s32 $0x3;
	s17 =	simm.s32 $0x2D8;
	v20 =	vadd.s32 v7, v28;
	v24 =	vld.idx.msk [tilespmem:v21+s5+$0x0], $0xffff;
	v21 =	vadd.s32 v7, v22;
	v22 =	vadd.s32 v6, v28  }
.LBB2_8:
0x2ae: {  	v28 =	vld [tilespmem:s17+$0x0];
	s16 =	sadd.s32 $0x3, s16  }
0x2af: {  	v29 =	vld [tilespmem:s17+$0xFFFFFFFF];
	p1 =	slt.u32 s16, $0xED  }
0x2b0: {  	[tilespmem:s15+$0xFFFFFFE0] =	vst.add.f32.msk $0xffff, v26  }
0x2b1: {  	v26 =	vld.idx.msk [tilespmem:v27+s5+$0x0], $0xffff  }
0x2b2: {  	v27 =	vld [tilespmem:s17+$0xFFFFFFFE]  }
0x2b3: {  	[tilespmem:s15+$0xFFFFFED0] =	vst.add.f32.msk $0xffff, v24;
	v24 =	vadd.s32 v8, v17;
	v17 =	vperm.xlane v28, v0  }
0x2b4: {  	v28 =	vperm.xlane v29, v0;
	v29 =	vld.idx.msk [tilespmem:v22+s5+$0x0], $0xffff  }
0x2b5: {  	v30 =	vadd.s32 v1, v17;
	[tilespmem:s15+$0xFFFFFF60] =	vst.add.f32.msk $0xffff, v25  }
0x2b6: {  	v25 =	vadd.s32 v1, v28;
	v31 =	vadd.s32 v2, v28;
	v32 =	vadd.s32 v3, v28;
	v33 =	vld.idx.msk [tilespmem:v21+s5+$0x0], $0xffff  }
0x2b7: {  	v34 =	vadd.s32 v4, v28;
	v35 =	vadd.s32 v5, v28;
	v27 =	vperm.xlane v27, v0;
	[tilespmem:s15+$0xFFFFFFF0] =	vst.add.f32.msk $0xffff, v26  }
0x2b8: {  	v36 =	vadd.s32 v6, v28;
	v21 =	vadd.s32 v7, v28;
	v26 =	vadd.s32 v8, v28;
	v24 =	vld.idx.msk [tilespmem:v24+s5+$0x0], $0xffff  }
0x2b9: {  	v28 =	vadd.s32 v1, v27;
	v37 =	vadd.s32 v2, v27;
	v38 =	vadd.s32 v3, v27;
	[tilespmem:s14+$0xFFFFFF80] =	vst.add.f32.msk $0xffff, v23;
	s14 =	smov.u32 s15  }
0x2ba: {  	v23 =	vadd.s32 v4, v27;
	v39 =	vadd.s32 v5, v27;
	v22 =	vadd.s32 v6, v27;
	v30 =	vld.idx.msk [tilespmem:v30+s5+$0x0], $0xffff  }
0x2bb: {  	v40 =	vadd.s32 v7, v27;
	v27 =	vadd.s32 v8, v27;
	v25 =	vld.idx.msk [tilespmem:v25+s5+$0x0], $0xffff  }
0x2bc: {  	v41 =	vadd.s32 v2, v17;
	[tilespmem:s15+$0xFFFFFEE0] =	vst.add.f32.msk $0xffff, v29  }
0x2bd: {  	v29 =	vld.idx.msk [tilespmem:v20+s5+$0x0], $0xffff;
	v20 =	vmov v40  }
0x2be: {  	[tilespmem:s15+$0x0] =	vst.add.f32.msk $0xffff, v24  }
0x2bf: {  	s15 =	sadd.s32 $0x180, s15;
	v24 =	vld.idx.msk [tilespmem:v28+s5+$0x0], $0xffff  }
0x2c0: {  	[tilespmem:s15+$0xFFFFFF90] =	vst.add.f32.msk $0xffff, v30  }
0x2c1: {  	v28 =	vld.idx.msk [tilespmem:v41+s5+$0x0], $0xffff  }
0x2c2: {  	[tilespmem:s15+$0xFFFFFF10] =	vst.add.f32.msk $0xffff, v25  }
0x2c3: {  	v30 =	vadd.s32 v3, v17;
	v25 =	vld.idx.msk [tilespmem:v31+s5+$0x0], $0xffff  }
0x2c4: {  	[tilespmem:s14+$0xFFFFFEF0] =	vst.add.f32.msk $0xffff, v29  }
0x2c5: {  	[tilespmem:s15+$0xFFFFFE90] =	vst.add.f32.msk $0xffff, v24  }
0x2c6: {  	v24 =	vld.idx.msk [tilespmem:v37+s5+$0x0], $0xffff  }
0x2c7: {  	[tilespmem:s15+$0xFFFFFFA0] =	vst.add.f32.msk $0xffff, v28  }
0x2c8: {  	v28 =	vld.idx.msk [tilespmem:v30+s5+$0x0], $0xffff  }
0x2c9: {  	[tilespmem:s15+$0xFFFFFF20] =	vst.add.f32.msk $0xffff, v25  }
0x2ca: {  	v29 =	vadd.s32 v4, v17;
	v25 =	vld.idx.msk [tilespmem:v32+s5+$0x0], $0xffff  }
0x2cb: {  	[tilespmem:s14+$0xFFFFFF70] =	vst.add.f32.msk $0xffff, v33  }
0x2cc: {  	[tilespmem:s15+$0xFFFFFEA0] =	vst.add.f32.msk $0xffff, v24  }
0x2cd: {  	v24 =	vld.idx.msk [tilespmem:v38+s5+$0x0], $0xffff  }
0x2ce: {  	[tilespmem:s15+$0xFFFFFFB0] =	vst.add.f32.msk $0xffff, v28  }
0x2cf: {  	v28 =	vld.idx.msk [tilespmem:v29+s5+$0x0], $0xffff  }
0x2d0: {  	[tilespmem:s15+$0xFFFFFF30] =	vst.add.f32.msk $0xffff, v25  }
0x2d1: {  	v29 =	vadd.s32 v5, v17;
	v25 =	vld.idx.msk [tilespmem:v34+s5+$0x0], $0xffff  }
0x2d2: {  	v30 =	vld.idx.msk [tilespmem:v19+s5+$0x0], $0xffff;
	v19 =	vmov v27  }
0x2d3: {  	[tilespmem:s15+$0xFFFFFEB0] =	vst.add.f32.msk $0xffff, v24  }
0x2d4: {  	v24 =	vld.idx.msk [tilespmem:v23+s5+$0x0], $0xffff  }
0x2d5: {  	[tilespmem:s15+$0xFFFFFFC0] =	vst.add.f32.msk $0xffff, v28  }
0x2d6: {  	v27 =	vld.idx.msk [tilespmem:v29+s5+$0x0], $0xffff  }
0x2d7: {  	[tilespmem:s15+$0xFFFFFF40] =	vst.add.f32.msk $0xffff, v25  }
0x2d8: {  	v28 =	vadd.s32 v6, v17;
	v25 =	vld.idx.msk [tilespmem:v35+s5+$0x0], $0xffff  }
0x2d9: {  	v23 =	vld.idx.msk [tilespmem:v18+s5+$0x0], $0xffff;
	v18 =	vmov v26  }
0x2da: {  	[tilespmem:s15+$0xFFFFFEC0] =	vst.add.f32.msk $0xffff, v24  }
0x2db: {  	v24 =	vld.idx.msk [tilespmem:v39+s5+$0x0], $0xffff  }
.Ltmp5:
0x2dc: {  	[tilespmem:s15+$0xFFFFFFD0] =	vst.add.f32.msk $0xffff, v27;
	(pc) =	sbr.rel @p1 .LBB2_8-.Ltmp5, $4  }
0x2dd: {  	v26 =	vld.idx.msk [tilespmem:v28+s5+$0x0], $0xffff  }
0x2de: {  	[tilespmem:s15+$0xFFFFFF50] =	vst.add.f32.msk $0xffff, v25  }
0x2df: {  	v27 =	vadd.s32 v7, v17;
	v25 =	vld.idx.msk [tilespmem:v36+s5+$0x0], $0xffff  }
0x2e0: {  	s17 =	sadd.s32 $0x3, s17;
	[tilespmem:s14+$0xFFFFFF00] =	vst.add.f32.msk $0xffff, v30  }
0x2e1: {  	_ =	sdelay $0x2  }
0x2e2: {  	[tilespmem:s15+$0xFFFFFED0] =	vst.add.f32.msk $0xffff, v24  }
0x2e3: {  	v22 =	vld.idx.msk [tilespmem:v22+s5+$0x0], $0xffff  }
0x2e4: {  	[tilespmem:s15+$0xFFFFFFE0] =	vst.add.f32.msk $0xffff, v26  }
0x2e5: {  	v24 =	vld.idx.msk [tilespmem:v27+s5+$0x0], $0xffff  }
0x2e6: {  	v17 =	vadd.s32 v8, v17;
	[tilespmem:s15+$0xFFFFFF60] =	vst.add.f32.msk $0xffff, v25  }
0x2e7: {  	v21 =	vld.idx.msk [tilespmem:v21+s5+$0x0], $0xffff  }
0x2e8: {  	[tilespmem:s15+$0xFFFFFEE0] =	vst.add.f32.msk $0xffff, v22  }
0x2e9: {  	v20 =	vld.idx.msk [tilespmem:v20+s5+$0x0], $0xffff  }
0x2ea: {  	[tilespmem:s15+$0xFFFFFFF0] =	vst.add.f32.msk $0xffff, v24  }
0x2eb: {  	v17 =	vld.idx.msk [tilespmem:v17+s5+$0x0], $0xffff  }
0x2ec: {  	[tilespmem:s15+$0xFFFFFF70] =	vst.add.f32.msk $0xffff, v21  }
0x2ed: {  	v18 =	vld.idx.msk [tilespmem:v18+s5+$0x0], $0xffff  }
0x2ee: {  	[tilespmem:s15+$0xFFFFFEF0] =	vst.add.f32.msk $0xffff, v20  }
0x2ef: {  	v19 =	vld.idx.msk [tilespmem:v19+s5+$0x0], $0xffff;
	_ =	sdelay $0x1  }
0x2f0: {  	[tilespmem:s14+$0xFFFFFF80] =	vst.add.f32.msk $0xffff, v23  }
0x2f1: {  	[tilespmem:s15+$0x0] =	vst.add.f32.msk $0xffff, v17  }
0x2f2: {  	[tilespmem:s15+$0xFFFFFF80] =	vst.add.f32.msk $0xffff, v18  }
0x2f3: {  	[tilespmem:s15+$0xFFFFFF00] =	vst.add.f32.msk $0xffff, v19  }
0x2f4: {  	s14 =	rddreg [dreg:$0xe]  }
0x2f5: {  	[hbm4b:s14+s1] =	stream.linear.scatter [tilespmem:s2], [sflag:$0x4], $0x7800, $0x38;
	[tilespmem:$0x19900] =	vst v63  }
0x2f6: {  	_ =	swait.ge [sflag:s12], $0x7800  }
0x2f7: {  	[sflag:s12] =	ssyncset.done $0x0  }
0x2f8: {  	s17 =	rddreg [dreg:$0xf];
	[sflag:s12] =	ssyncadd.s32 $0xFFFF8800  }
0x2f9: {  	[tilespmem:s4], [sflag:$0x3] =	stream.linear.gather [hbm4b:s17+s1], $0x7800, $0x38;
	[tilespmem:$0x19900] =	vst v63  }
0x2fa: {  	_ =	swait.ge [sflag:s7], $0x7800  }
0x2fb: {  	[sflag:s7] =	ssyncset.done $0x0  }
0x2fc: {  	s18 =	simm.s32 $0x3C2;
	[sflag:s7] =	ssyncadd.s32 $0xFFFF8800  }
0x2fd: {  	v17 =	vld [tilespmem:s18+$0x0]  }
0x2fe: {  	v18 =	vld [tilespmem:s18+$0xFFFFFFFF];
	_ =	sdelay $0x2  }
0x2ff: {  	v19 =	vld [tilespmem:s18+$0xFFFFFFFE]  }
0x300: {  	v20 =	vperm.xlane v17, v0  }
0x301: {  	v18 =	vperm.xlane v18, v0  }
0x302: {  	v17 =	vadd.s32 v1, v20  }
0x303: {  	v21 =	vadd.s32 v1, v18  }
0x304: {  	v19 =	vperm.xlane v19, v0;
	_ =	sdelay $0x1  }
0x305: {  	v22 =	vadd.s32 v1, v19  }
0x306: {  	v17 =	vld.idx.msk [tilespmem:v17+s5+$0x0], $0xffff  }
0x307: {  	v21 =	vld.idx.msk [tilespmem:v21+s5+$0x0], $0xffff  }
0x308: {  	v23 =	vadd.s32 v2, v20  }
0x309: {  	v24 =	vadd.s32 v2, v18  }
0x30a: {  	s14 =	simm.s32 $0xA5F0;
	v22 =	vld.idx.msk [tilespmem:v22+s5+$0x0], $0xffff  }
0x30b: {  	[tilespmem:s14+$0xFFFFFF90] =	vst.add.f32.msk $0xffff, v17  }
0x30c: {  	v25 =	vadd.s32 v2, v19;
	[tilespmem:s14+$0xFFFFFF10] =	vst.add.f32.msk $0xffff, v21  }
0x30d: {  	v17 =	vld.idx.msk [tilespmem:v23+s5+$0x0], $0xffff  }
0x30e: {  	v23 =	vld.idx.msk [tilespmem:v24+s5+$0x0], $0xffff  }
0x30f: {  	v21 =	vadd.s32 v3, v20  }
0x310: {  	[tilespmem:s14+$0xFFFFFE90] =	vst.add.f32.msk $0xffff, v22;
	v24 =	vadd.s32 v3, v18  }
0x311: {  	v22 =	vld.idx.msk [tilespmem:v25+s5+$0x0], $0xffff  }
0x312: {  	[tilespmem:s14+$0xFFFFFFA0] =	vst.add.f32.msk $0xffff, v17  }
0x313: {  	v25 =	vadd.s32 v3, v19;
	[tilespmem:s14+$0xFFFFFF20] =	vst.add.f32.msk $0xffff, v23  }
0x314: {  	v17 =	vld.idx.msk [tilespmem:v21+s5+$0x0], $0xffff  }
0x315: {  	v23 =	vld.idx.msk [tilespmem:v24+s5+$0x0], $0xffff  }
0x316: {  	v21 =	vadd.s32 v4, v20  }
0x317: {  	[tilespmem:s14+$0xFFFFFEA0] =	vst.add.f32.msk $0xffff, v22;
	v24 =	vadd.s32 v4, v18  }
0x318: {  	v22 =	vld.idx.msk [tilespmem:v25+s5+$0x0], $0xffff  }
0x319: {  	[tilespmem:s14+$0xFFFFFFB0] =	vst.add.f32.msk $0xffff, v17  }
0x31a: {  	v25 =	vadd.s32 v4, v19;
	[tilespmem:s14+$0xFFFFFF30] =	vst.add.f32.msk $0xffff, v23  }
0x31b: {  	v17 =	vld.idx.msk [tilespmem:v21+s5+$0x0], $0xffff  }
0x31c: {  	v23 =	vld.idx.msk [tilespmem:v24+s5+$0x0], $0xffff  }
0x31d: {  	v21 =	vadd.s32 v5, v20  }
0x31e: {  	[tilespmem:s14+$0xFFFFFEB0] =	vst.add.f32.msk $0xffff, v22;
	v24 =	vadd.s32 v5, v18  }
0x31f: {  	v22 =	vld.idx.msk [tilespmem:v25+s5+$0x0], $0xffff  }
0x320: {  	v25 =	vadd.s32 v5, v19;
	[tilespmem:s14+$0xFFFFFFC0] =	vst.add.f32.msk $0xffff, v17  }
0x321: {  	[tilespmem:s14+$0xFFFFFF40] =	vst.add.f32.msk $0xffff, v23  }
0x322: {  	v17 =	vld.idx.msk [tilespmem:v21+s5+$0x0], $0xffff  }
0x323: {  	v23 =	vld.idx.msk [tilespmem:v24+s5+$0x0], $0xffff  }
0x324: {  	[tilespmem:s14+$0xFFFFFEC0] =	vst.add.f32.msk $0xffff, v22;
	v21 =	vadd.s32 v6, v20  }
0x325: {  	s19 =	simm.s32 $0x3C5;
	v22 =	vld.idx.msk [tilespmem:v25+s5+$0x0], $0xffff;
	v24 =	vadd.s32 v6, v18  }
0x326: {  	v25 =	vld [tilespmem:s19+$0xFFFFFFFF]  }
0x327: {  	[tilespmem:s14+$0xFFFFFFD0] =	vst.add.f32.msk $0xffff, v17  }
0x328: {  	[tilespmem:s14+$0xFFFFFF50] =	vst.add.f32.msk $0xffff, v23  }
0x329: {  	v17 =	vld.idx.msk [tilespmem:v21+s5+$0x0], $0xffff  }
0x32a: {  	v24 =	vld.idx.msk [tilespmem:v24+s5+$0x0], $0xffff  }
0x32b: {  	v26 =	vadd.s32 v6, v19;
	v23 =	vld [tilespmem:s19+$0x0]  }
0x32c: {  	v28 =	vld [tilespmem:s19+$0xFFFFFFFE];
	v21 =	vadd.s32 v7, v20  }
0x32d: {  	v27 =	vadd.s32 v7, v18;
	[tilespmem:s14+$0xFFFFFED0] =	vst.add.f32.msk $0xffff, v22;
	v22 =	vperm.xlane v25, v0  }
0x32e: {  	[tilespmem:s14+$0xFFFFFFE0] =	vst.add.f32.msk $0xffff, v17  }
0x32f: {  	[tilespmem:s14+$0xFFFFFF60] =	vst.add.f32.msk $0xffff, v24;
	v24 =	vadd.s32 v1, v22  }
0x330: {  	v17 =	vperm.xlane v23, v0;
	v23 =	vld.idx.msk [tilespmem:v26+s5+$0x0], $0xffff  }
0x331: {  	v21 =	vld.idx.msk [tilespmem:v21+s5+$0x0], $0xffff  }
0x332: {  	v26 =	vld.idx.msk [tilespmem:v27+s5+$0x0], $0xffff;
	v27 =	vadd.s32 v7, v19  }
0x333: {  	v20 =	vadd.s32 v8, v20  }
0x334: {  	v24 =	vld.idx.msk [tilespmem:v24+s5+$0x0], $0xffff  }
0x335: {  	v25 =	vadd.s32 v1, v17;
	[tilespmem:s14+$0xFFFFFEE0] =	vst.add.f32.msk $0xffff, v23  }
0x336: {  	[tilespmem:s14+$0xFFFFFFF0] =	vst.add.f32.msk $0xffff, v21  }
0x337: {  	v28 =	vperm.xlane v28, v0;
	v23 =	vld.idx.msk [tilespmem:v27+s5+$0x0], $0xffff;
	v27 =	vadd.s32 v2, v22  }
0x338: {  	v20 =	vld.idx.msk [tilespmem:v20+s5+$0x0], $0xffff  }
0x339: {  	v21 =	vadd.s32 v1, v28  }
0x33a: {  	s15 =	simm.s32 $0xA770;
	v25 =	vld.idx.msk [tilespmem:v25+s5+$0x0], $0xffff  }
0x33b: {  	[tilespmem:s15+$0xFFFFFF10] =	vst.add.f32.msk $0xffff, v24  }
0x33c: {  	v29 =	vadd.s32 v2, v17;
	v24 =	vld.idx.msk [tilespmem:v27+s5+$0x0], $0xffff  }
0x33d: {  	[tilespmem:s14+$0x0] =	vst.add.f32.msk $0xffff, v20  }
0x33e: {  	v20 =	vld.idx.msk [tilespmem:v21+s5+$0x0], $0xffff  }
0x33f: {  	[tilespmem:s14+$0xFFFFFEF0] =	vst.add.f32.msk $0xffff, v23;
	v23 =	vadd.s32 v3, v22  }
0x340: {  	[tilespmem:s15+$0xFFFFFF90] =	vst.add.f32.msk $0xffff, v25;
	v21 =	vadd.s32 v2, v28  }
0x341: {  	v25 =	vld.idx.msk [tilespmem:v29+s5+$0x0], $0xffff  }
0x342: {  	[tilespmem:s15+$0xFFFFFF20] =	vst.add.f32.msk $0xffff, v24  }
0x343: {  	v27 =	vadd.s32 v3, v17;
	[tilespmem:s15+$0xFFFFFE90] =	vst.add.f32.msk $0xffff, v20  }
0x344: {  	v23 =	vld.idx.msk [tilespmem:v23+s5+$0x0], $0xffff  }
0x345: {  	v20 =	vld.idx.msk [tilespmem:v21+s5+$0x0], $0xffff  }
0x346: {  	[tilespmem:s14+$0xFFFFFF70] =	vst.add.f32.msk $0xffff, v26;
	v26 =	vadd.s32 v4, v22  }
0x347: {  	[tilespmem:s15+$0xFFFFFFA0] =	vst.add.f32.msk $0xffff, v25;
	v21 =	vadd.s32 v3, v28  }
0x348: {  	v19 =	vadd.s32 v8, v19;
	v25 =	vld.idx.msk [tilespmem:v27+s5+$0x0], $0xffff  }
0x349: {  	[tilespmem:s15+$0xFFFFFF30] =	vst.add.f32.msk $0xffff, v23  }
0x34a: {  	v24 =	vadd.s32 v4, v17;
	[tilespmem:s15+$0xFFFFFEA0] =	vst.add.f32.msk $0xffff, v20  }
0x34b: {  	v23 =	vld.idx.msk [tilespmem:v26+s5+$0x0], $0xffff  }
0x34c: {  	v20 =	vld.idx.msk [tilespmem:v21+s5+$0x0], $0xffff  }
0x34d: {  	v29 =	vld.idx.msk [tilespmem:v19+s5+$0x0], $0xffff;
	v19 =	vadd.s32 v5, v22  }
0x34e: {  	[tilespmem:s15+$0xFFFFFFB0] =	vst.add.f32.msk $0xffff, v25;
	v21 =	vadd.s32 v4, v28  }
0x34f: {  	v24 =	vld.idx.msk [tilespmem:v24+s5+$0x0], $0xffff  }
0x350: {  	v25 =	vadd.s32 v5, v17;
	[tilespmem:s15+$0xFFFFFF40] =	vst.add.f32.msk $0xffff, v23  }
0x351: {  	[tilespmem:s15+$0xFFFFFEB0] =	vst.add.f32.msk $0xffff, v20  }
0x352: {  	v18 =	vadd.s32 v8, v18;
	v19 =	vld.idx.msk [tilespmem:v19+s5+$0x0], $0xffff  }
0x353: {  	v20 =	vld.idx.msk [tilespmem:v21+s5+$0x0], $0xffff  }
0x354: {  	[tilespmem:s15+$0xFFFFFFC0] =	vst.add.f32.msk $0xffff, v24  }
0x355: {  	v25 =	vld.idx.msk [tilespmem:v25+s5+$0x0], $0xffff  }
0x356: {  	[tilespmem:s14+$0xFFFFFF00] =	vst.add.f32.msk $0xffff, v29;
	v26 =	vadd.s32 v6, v17  }
0x357: {  	v27 =	vadd.s32 v6, v22;
	v23 =	vld.idx.msk [tilespmem:v18+s5+$0x0], $0xffff  }
0x358: {  	v21 =	vadd.s32 v5, v28;
	[tilespmem:s15+$0xFFFFFF50] =	vst.add.f32.msk $0xffff, v19  }
0x359: {  	[tilespmem:s15+$0xFFFFFEC0] =	vst.add.f32.msk $0xffff, v20  }
0x35a: {  	[tilespmem:s15+$0xFFFFFFD0] =	vst.add.f32.msk $0xffff, v25  }
0x35b: {  	v26 =	vld.idx.msk [tilespmem:v26+s5+$0x0], $0xffff  }
0x35c: {  	v18 =	vadd.s32 v8, v22;
	v19 =	vadd.s32 v8, v28;
	v25 =	vld.idx.msk [tilespmem:v27+s5+$0x0], $0xffff;
	v27 =	vadd.s32 v7, v17  }
0x35d: {  	s16 =	simm.s32 $0x3;
	s17 =	simm.s32 $0x3C8;
	v20 =	vadd.s32 v7, v28;
	v24 =	vld.idx.msk [tilespmem:v21+s5+$0x0], $0xffff;
	v21 =	vadd.s32 v7, v22;
	v22 =	vadd.s32 v6, v28  }
.LBB2_10:
0x35e: {  	v28 =	vld [tilespmem:s17+$0x0];
	s16 =	sadd.s32 $0x3, s16  }
0x35f: {  	v29 =	vld [tilespmem:s17+$0xFFFFFFFF];
	p1 =	slt.u32 s16, $0xED  }
0x360: {  	[tilespmem:s15+$0xFFFFFFE0] =	vst.add.f32.msk $0xffff, v26  }
0x361: {  	v26 =	vld.idx.msk [tilespmem:v27+s5+$0x0], $0xffff  }
0x362: {  	v27 =	vld [tilespmem:s17+$0xFFFFFFFE]  }
0x363: {  	[tilespmem:s15+$0xFFFFFED0] =	vst.add.f32.msk $0xffff, v24;
	v24 =	vadd.s32 v8, v17;
	v17 =	vperm.xlane v28, v0  }
0x364: {  	v28 =	vperm.xlane v29, v0;
	v29 =	vld.idx.msk [tilespmem:v22+s5+$0x0], $0xffff  }
0x365: {  	v30 =	vadd.s32 v1, v17;
	[tilespmem:s15+$0xFFFFFF60] =	vst.add.f32.msk $0xffff, v25  }
0x366: {  	v25 =	vadd.s32 v1, v28;
	v31 =	vadd.s32 v2, v28;
	v32 =	vadd.s32 v3, v28;
	v33 =	vld.idx.msk [tilespmem:v21+s5+$0x0], $0xffff  }
0x367: {  	v34 =	vadd.s32 v4, v28;
	v35 =	vadd.s32 v5, v28;
	v27 =	vperm.xlane v27, v0;
	[tilespmem:s15+$0xFFFFFFF0] =	vst.add.f32.msk $0xffff, v26  }
0x368: {  	v36 =	vadd.s32 v6, v28;
	v21 =	vadd.s32 v7, v28;
	v26 =	vadd.s32 v8, v28;
	v24 =	vld.idx.msk [tilespmem:v24+s5+$0x0], $0xffff  }
0x369: {  	v28 =	vadd.s32 v1, v27;
	v37 =	vadd.s32 v2, v27;
	v38 =	vadd.s32 v3, v27;
	[tilespmem:s14+$0xFFFFFF80] =	vst.add.f32.msk $0xffff, v23;
	s14 =	smov.u32 s15  }
0x36a: {  	v23 =	vadd.s32 v4, v27;
	v39 =	vadd.s32 v5, v27;
	v22 =	vadd.s32 v6, v27;
	v30 =	vld.idx.msk [tilespmem:v30+s5+$0x0], $0xffff  }
0x36b: {  	v40 =	vadd.s32 v7, v27;
	v27 =	vadd.s32 v8, v27;
	v25 =	vld.idx.msk [tilespmem:v25+s5+$0x0], $0xffff  }
0x36c: {  	v41 =	vadd.s32 v2, v17;
	[tilespmem:s15+$0xFFFFFEE0] =	vst.add.f32.msk $0xffff, v29  }
0x36d: {  	v29 =	vld.idx.msk [tilespmem:v20+s5+$0x0], $0xffff;
	v20 =	vmov v40  }
0x36e: {  	[tilespmem:s15+$0x0] =	vst.add.f32.msk $0xffff, v24  }
0x36f: {  	s15 =	sadd.s32 $0x180, s15;
	v24 =	vld.idx.msk [tilespmem:v28+s5+$0x0], $0xffff  }
0x370: {  	[tilespmem:s15+$0xFFFFFF90] =	vst.add.f32.msk $0xffff, v30  }
0x371: {  	v28 =	vld.idx.msk [tilespmem:v41+s5+$0x0], $0xffff  }
0x372: {  	[tilespmem:s15+$0xFFFFFF10] =	vst.add.f32.msk $0xffff, v25  }
0x373: {  	v30 =	vadd.s32 v3, v17;
	v25 =	vld.idx.msk [tilespmem:v31+s5+$0x0], $0xffff  }
0x374: {  	[tilespmem:s14+$0xFFFFFEF0] =	vst.add.f32.msk $0xffff, v29  }
0x375: {  	[tilespmem:s15+$0xFFFFFE90] =	vst.add.f32.msk $0xffff, v24  }
0x376: {  	v24 =	vld.idx.msk [tilespmem:v37+s5+$0x0], $0xffff  }
0x377: {  	[tilespmem:s15+$0xFFFFFFA0] =	vst.add.f32.msk $0xffff, v28  }
0x378: {  	v28 =	vld.idx.msk [tilespmem:v30+s5+$0x0], $0xffff  }
0x379: {  	[tilespmem:s15+$0xFFFFFF20] =	vst.add.f32.msk $0xffff, v25  }
0x37a: {  	v29 =	vadd.s32 v4, v17;
	v25 =	vld.idx.msk [tilespmem:v32+s5+$0x0], $0xffff  }
0x37b: {  	[tilespmem:s14+$0xFFFFFF70] =	vst.add.f32.msk $0xffff, v33  }
0x37c: {  	[tilespmem:s15+$0xFFFFFEA0] =	vst.add.f32.msk $0xffff, v24  }
0x37d: {  	v24 =	vld.idx.msk [tilespmem:v38+s5+$0x0], $0xffff  }
0x37e: {  	[tilespmem:s15+$0xFFFFFFB0] =	vst.add.f32.msk $0xffff, v28  }
0x37f: {  	v28 =	vld.idx.msk [tilespmem:v29+s5+$0x0], $0xffff  }
0x380: {  	[tilespmem:s15+$0xFFFFFF30] =	vst.add.f32.msk $0xffff, v25  }
0x381: {  	v29 =	vadd.s32 v5, v17;
	v25 =	vld.idx.msk [tilespmem:v34+s5+$0x0], $0xffff  }
0x382: {  	v30 =	vld.idx.msk [tilespmem:v19+s5+$0x0], $0xffff;
	v19 =	vmov v27  }
0x383: {  	[tilespmem:s15+$0xFFFFFEB0] =	vst.add.f32.msk $0xffff, v24  }
0x384: {  	v24 =	vld.idx.msk [tilespmem:v23+s5+$0x0], $0xffff  }
0x385: {  	[tilespmem:s15+$0xFFFFFFC0] =	vst.add.f32.msk $0xffff, v28  }
0x386: {  	v27 =	vld.idx.msk [tilespmem:v29+s5+$0x0], $0xffff  }
0x387: {  	[tilespmem:s15+$0xFFFFFF40] =	vst.add.f32.msk $0xffff, v25  }
0x388: {  	v28 =	vadd.s32 v6, v17;
	v25 =	vld.idx.msk [tilespmem:v35+s5+$0x0], $0xffff  }
0x389: {  	v23 =	vld.idx.msk [tilespmem:v18+s5+$0x0], $0xffff;
	v18 =	vmov v26  }
0x38a: {  	[tilespmem:s15+$0xFFFFFEC0] =	vst.add.f32.msk $0xffff, v24  }
0x38b: {  	v24 =	vld.idx.msk [tilespmem:v39+s5+$0x0], $0xffff  }
.Ltmp6:
0x38c: {  	[tilespmem:s15+$0xFFFFFFD0] =	vst.add.f32.msk $0xffff, v27;
	(pc) =	sbr.rel @p1 .LBB2_10-.Ltmp6, $4  }
0x38d: {  	v26 =	vld.idx.msk [tilespmem:v28+s5+$0x0], $0xffff  }
0x38e: {  	[tilespmem:s15+$0xFFFFFF50] =	vst.add.f32.msk $0xffff, v25  }
0x38f: {  	v27 =	vadd.s32 v7, v17;
	v25 =	vld.idx.msk [tilespmem:v36+s5+$0x0], $0xffff  }
0x390: {  	s17 =	sadd.s32 $0x3, s17;
	[tilespmem:s14+$0xFFFFFF00] =	vst.add.f32.msk $0xffff, v30  }
0x391: {  	_ =	sdelay $0x2  }
0x392: {  	[tilespmem:s15+$0xFFFFFED0] =	vst.add.f32.msk $0xffff, v24  }
0x393: {  	v22 =	vld.idx.msk [tilespmem:v22+s5+$0x0], $0xffff  }
0x394: {  	[tilespmem:s15+$0xFFFFFFE0] =	vst.add.f32.msk $0xffff, v26  }
0x395: {  	v24 =	vld.idx.msk [tilespmem:v27+s5+$0x0], $0xffff  }
0x396: {  	v17 =	vadd.s32 v8, v17;
	[tilespmem:s15+$0xFFFFFF60] =	vst.add.f32.msk $0xffff, v25  }
0x397: {  	v21 =	vld.idx.msk [tilespmem:v21+s5+$0x0], $0xffff  }
0x398: {  	[tilespmem:s15+$0xFFFFFEE0] =	vst.add.f32.msk $0xffff, v22  }
0x399: {  	v20 =	vld.idx.msk [tilespmem:v20+s5+$0x0], $0xffff  }
0x39a: {  	[tilespmem:s15+$0xFFFFFFF0] =	vst.add.f32.msk $0xffff, v24  }
0x39b: {  	v17 =	vld.idx.msk [tilespmem:v17+s5+$0x0], $0xffff  }
0x39c: {  	[tilespmem:s15+$0xFFFFFF70] =	vst.add.f32.msk $0xffff, v21  }
0x39d: {  	v18 =	vld.idx.msk [tilespmem:v18+s5+$0x0], $0xffff  }
0x39e: {  	[tilespmem:s15+$0xFFFFFEF0] =	vst.add.f32.msk $0xffff, v20  }
0x39f: {  	v19 =	vld.idx.msk [tilespmem:v19+s5+$0x0], $0xffff;
	_ =	sdelay $0x1  }
0x3a0: {  	[tilespmem:s14+$0xFFFFFF80] =	vst.add.f32.msk $0xffff, v23  }
0x3a1: {  	[tilespmem:s15+$0x0] =	vst.add.f32.msk $0xffff, v17  }
0x3a2: {  	[tilespmem:s15+$0xFFFFFF80] =	vst.add.f32.msk $0xffff, v18  }
0x3a3: {  	[tilespmem:s15+$0xFFFFFF00] =	vst.add.f32.msk $0xffff, v19  }
0x3a4: {  	s14 =	rddreg [dreg:$0x10]  }
0x3a5: {  	[hbm4b:s14+s1] =	stream.linear.scatter [tilespmem:s3], [sflag:$0x5], $0x7800, $0x38;
	[tilespmem:$0x19900] =	vst v63  }
0x3a6: {  	_ =	swait.ge [sflag:s8], $0x7800  }
0x3a7: {  	[sflag:s8] =	ssyncset.done $0x0  }
0x3a8: {  	s17 =	rddreg [dreg:$0x11];
	[sflag:s8] =	ssyncadd.s32 $0xFFFF8800  }
0x3a9: {  	[tilespmem:s2], [sflag:$0x1] =	stream.linear.gather [hbm4b:s17+s1], $0x7800, $0x38;
	[tilespmem:$0x19900] =	vst v63  }
0x3aa: {  	_ =	swait.ge [sflag:s9], $0x7800  }
0x3ab: {  	[sflag:s9] =	ssyncset.done $0x0  }
0x3ac: {  	s18 =	simm.s32 $0x4B2;
	[sflag:s9] =	ssyncadd.s32 $0xFFFF8800  }
0x3ad: {  	v17 =	vld [tilespmem:s18+$0x0]  }
0x3ae: {  	v18 =	vld [tilespmem:s18+$0xFFFFFFFF];
	_ =	sdelay $0x2  }
0x3af: {  	v19 =	vld [tilespmem:s18+$0xFFFFFFFE]  }
0x3b0: {  	v20 =	vperm.xlane v17, v0  }
0x3b1: {  	v18 =	vperm.xlane v18, v0  }
0x3b2: {  	v17 =	vadd.s32 v1, v20  }
0x3b3: {  	v21 =	vadd.s32 v1, v18  }
0x3b4: {  	v19 =	vperm.xlane v19, v0;
	_ =	sdelay $0x1  }
0x3b5: {  	v22 =	vadd.s32 v1, v19  }
0x3b6: {  	v17 =	vld.idx.msk [tilespmem:v17+s5+$0x0], $0xffff  }
0x3b7: {  	v21 =	vld.idx.msk [tilespmem:v21+s5+$0x0], $0xffff  }
0x3b8: {  	v23 =	vadd.s32 v2, v20  }
0x3b9: {  	v24 =	vadd.s32 v2, v18  }
0x3ba: {  	s14 =	simm.s32 $0x11DF0;
	v22 =	vld.idx.msk [tilespmem:v22+s5+$0x0], $0xffff  }
0x3bb: {  	[tilespmem:s14+$0xFFFFFF90] =	vst.add.f32.msk $0xffff, v17  }
0x3bc: {  	v25 =	vadd.s32 v2, v19;
	[tilespmem:s14+$0xFFFFFF10] =	vst.add.f32.msk $0xffff, v21  }
0x3bd: {  	v17 =	vld.idx.msk [tilespmem:v23+s5+$0x0], $0xffff  }
0x3be: {  	v23 =	vld.idx.msk [tilespmem:v24+s5+$0x0], $0xffff  }
0x3bf: {  	v21 =	vadd.s32 v3, v20  }
0x3c0: {  	[tilespmem:s14+$0xFFFFFE90] =	vst.add.f32.msk $0xffff, v22;
	v24 =	vadd.s32 v3, v18  }
0x3c1: {  	v22 =	vld.idx.msk [tilespmem:v25+s5+$0x0], $0xffff  }
0x3c2: {  	[tilespmem:s14+$0xFFFFFFA0] =	vst.add.f32.msk $0xffff, v17  }
0x3c3: {  	v25 =	vadd.s32 v3, v19;
	[tilespmem:s14+$0xFFFFFF20] =	vst.add.f32.msk $0xffff, v23  }
0x3c4: {  	v17 =	vld.idx.msk [tilespmem:v21+s5+$0x0], $0xffff  }
0x3c5: {  	v23 =	vld.idx.msk [tilespmem:v24+s5+$0x0], $0xffff  }
0x3c6: {  	v21 =	vadd.s32 v4, v20  }
0x3c7: {  	[tilespmem:s14+$0xFFFFFEA0] =	vst.add.f32.msk $0xffff, v22;
	v24 =	vadd.s32 v4, v18  }
0x3c8: {  	v22 =	vld.idx.msk [tilespmem:v25+s5+$0x0], $0xffff  }
0x3c9: {  	[tilespmem:s14+$0xFFFFFFB0] =	vst.add.f32.msk $0xffff, v17  }
0x3ca: {  	v25 =	vadd.s32 v4, v19;
	[tilespmem:s14+$0xFFFFFF30] =	vst.add.f32.msk $0xffff, v23  }
0x3cb: {  	v17 =	vld.idx.msk [tilespmem:v21+s5+$0x0], $0xffff  }
0x3cc: {  	v23 =	vld.idx.msk [tilespmem:v24+s5+$0x0], $0xffff  }
0x3cd: {  	v21 =	vadd.s32 v5, v20  }
0x3ce: {  	[tilespmem:s14+$0xFFFFFEB0] =	vst.add.f32.msk $0xffff, v22;
	v24 =	vadd.s32 v5, v18  }
0x3cf: {  	v22 =	vld.idx.msk [tilespmem:v25+s5+$0x0], $0xffff  }
0x3d0: {  	v25 =	vadd.s32 v5, v19;
	[tilespmem:s14+$0xFFFFFFC0] =	vst.add.f32.msk $0xffff, v17  }
0x3d1: {  	[tilespmem:s14+$0xFFFFFF40] =	vst.add.f32.msk $0xffff, v23  }
0x3d2: {  	v17 =	vld.idx.msk [tilespmem:v21+s5+$0x0], $0xffff  }
0x3d3: {  	v23 =	vld.idx.msk [tilespmem:v24+s5+$0x0], $0xffff  }
0x3d4: {  	[tilespmem:s14+$0xFFFFFEC0] =	vst.add.f32.msk $0xffff, v22;
	v21 =	vadd.s32 v6, v20  }
0x3d5: {  	s19 =	simm.s32 $0x4B5;
	v22 =	vld.idx.msk [tilespmem:v25+s5+$0x0], $0xffff;
	v24 =	vadd.s32 v6, v18  }
0x3d6: {  	v25 =	vld [tilespmem:s19+$0xFFFFFFFF]  }
0x3d7: {  	[tilespmem:s14+$0xFFFFFFD0] =	vst.add.f32.msk $0xffff, v17  }
0x3d8: {  	[tilespmem:s14+$0xFFFFFF50] =	vst.add.f32.msk $0xffff, v23  }
0x3d9: {  	v17 =	vld.idx.msk [tilespmem:v21+s5+$0x0], $0xffff  }
0x3da: {  	v24 =	vld.idx.msk [tilespmem:v24+s5+$0x0], $0xffff  }
0x3db: {  	v26 =	vadd.s32 v6, v19;
	v23 =	vld [tilespmem:s19+$0x0]  }
0x3dc: {  	v28 =	vld [tilespmem:s19+$0xFFFFFFFE];
	v21 =	vadd.s32 v7, v20  }
0x3dd: {  	v27 =	vadd.s32 v7, v18;
	[tilespmem:s14+$0xFFFFFED0] =	vst.add.f32.msk $0xffff, v22;
	v22 =	vperm.xlane v25, v0  }
0x3de: {  	[tilespmem:s14+$0xFFFFFFE0] =	vst.add.f32.msk $0xffff, v17  }
0x3df: {  	[tilespmem:s14+$0xFFFFFF60] =	vst.add.f32.msk $0xffff, v24;
	v24 =	vadd.s32 v1, v22  }
0x3e0: {  	v17 =	vperm.xlane v23, v0;
	v23 =	vld.idx.msk [tilespmem:v26+s5+$0x0], $0xffff  }
0x3e1: {  	v21 =	vld.idx.msk [tilespmem:v21+s5+$0x0], $0xffff  }
0x3e2: {  	v26 =	vld.idx.msk [tilespmem:v27+s5+$0x0], $0xffff;
	v27 =	vadd.s32 v7, v19  }
0x3e3: {  	v20 =	vadd.s32 v8, v20  }
0x3e4: {  	v24 =	vld.idx.msk [tilespmem:v24+s5+$0x0], $0xffff  }
0x3e5: {  	v25 =	vadd.s32 v1, v17;
	[tilespmem:s14+$0xFFFFFEE0] =	vst.add.f32.msk $0xffff, v23  }
0x3e6: {  	[tilespmem:s14+$0xFFFFFFF0] =	vst.add.f32.msk $0xffff, v21  }
0x3e7: {  	v28 =	vperm.xlane v28, v0;
	v23 =	vld.idx.msk [tilespmem:v27+s5+$0x0], $0xffff;
	v27 =	vadd.s32 v2, v22  }
0x3e8: {  	v20 =	vld.idx.msk [tilespmem:v20+s5+$0x0], $0xffff  }
0x3e9: {  	v21 =	vadd.s32 v1, v28  }
0x3ea: {  	s15 =	simm.s32 $0x11F70;
	v25 =	vld.idx.msk [tilespmem:v25+s5+$0x0], $0xffff  }
0x3eb: {  	[tilespmem:s15+$0xFFFFFF10] =	vst.add.f32.msk $0xffff, v24  }
0x3ec: {  	v29 =	vadd.s32 v2, v17;
	v24 =	vld.idx.msk [tilespmem:v27+s5+$0x0], $0xffff  }
0x3ed: {  	[tilespmem:s14+$0x0] =	vst.add.f32.msk $0xffff, v20  }
0x3ee: {  	v20 =	vld.idx.msk [tilespmem:v21+s5+$0x0], $0xffff  }
0x3ef: {  	[tilespmem:s14+$0xFFFFFEF0] =	vst.add.f32.msk $0xffff, v23;
	v23 =	vadd.s32 v3, v22  }
0x3f0: {  	[tilespmem:s15+$0xFFFFFF90] =	vst.add.f32.msk $0xffff, v25;
	v21 =	vadd.s32 v2, v28  }
0x3f1: {  	v25 =	vld.idx.msk [tilespmem:v29+s5+$0x0], $0xffff  }
0x3f2: {  	[tilespmem:s15+$0xFFFFFF20] =	vst.add.f32.msk $0xffff, v24  }
0x3f3: {  	v27 =	vadd.s32 v3, v17;
	[tilespmem:s15+$0xFFFFFE90] =	vst.add.f32.msk $0xffff, v20  }
0x3f4: {  	v23 =	vld.idx.msk [tilespmem:v23+s5+$0x0], $0xffff  }
0x3f5: {  	v20 =	vld.idx.msk [tilespmem:v21+s5+$0x0], $0xffff  }
0x3f6: {  	[tilespmem:s14+$0xFFFFFF70] =	vst.add.f32.msk $0xffff, v26;
	v26 =	vadd.s32 v4, v22  }
0x3f7: {  	[tilespmem:s15+$0xFFFFFFA0] =	vst.add.f32.msk $0xffff, v25;
	v21 =	vadd.s32 v3, v28  }
0x3f8: {  	v19 =	vadd.s32 v8, v19;
	v25 =	vld.idx.msk [tilespmem:v27+s5+$0x0], $0xffff  }
0x3f9: {  	[tilespmem:s15+$0xFFFFFF30] =	vst.add.f32.msk $0xffff, v23  }
0x3fa: {  	v24 =	vadd.s32 v4, v17;
	[tilespmem:s15+$0xFFFFFEA0] =	vst.add.f32.msk $0xffff, v20  }
0x3fb: {  	v23 =	vld.idx.msk [tilespmem:v26+s5+$0x0], $0xffff  }
0x3fc: {  	v20 =	vld.idx.msk [tilespmem:v21+s5+$0x0], $0xffff  }
0x3fd: {  	v29 =	vld.idx.msk [tilespmem:v19+s5+$0x0], $0xffff;
	v19 =	vadd.s32 v5, v22  }
0x3fe: {  	[tilespmem:s15+$0xFFFFFFB0] =	vst.add.f32.msk $0xffff, v25;
	v21 =	vadd.s32 v4, v28  }
0x3ff: {  	v24 =	vld.idx.msk [tilespmem:v24+s5+$0x0], $0xffff  }
0x400: {  	v25 =	vadd.s32 v5, v17;
	[tilespmem:s15+$0xFFFFFF40] =	vst.add.f32.msk $0xffff, v23  }
0x401: {  	[tilespmem:s15+$0xFFFFFEB0] =	vst.add.f32.msk $0xffff, v20  }
0x402: {  	v18 =	vadd.s32 v8, v18;
	v19 =	vld.idx.msk [tilespmem:v19+s5+$0x0], $0xffff  }
0x403: {  	v20 =	vld.idx.msk [tilespmem:v21+s5+$0x0], $0xffff  }
0x404: {  	[tilespmem:s15+$0xFFFFFFC0] =	vst.add.f32.msk $0xffff, v24  }
0x405: {  	v25 =	vld.idx.msk [tilespmem:v25+s5+$0x0], $0xffff  }
0x406: {  	[tilespmem:s14+$0xFFFFFF00] =	vst.add.f32.msk $0xffff, v29;
	v26 =	vadd.s32 v6, v17  }
0x407: {  	v27 =	vadd.s32 v6, v22;
	v23 =	vld.idx.msk [tilespmem:v18+s5+$0x0], $0xffff  }
0x408: {  	v21 =	vadd.s32 v5, v28;
	[tilespmem:s15+$0xFFFFFF50] =	vst.add.f32.msk $0xffff, v19  }
0x409: {  	[tilespmem:s15+$0xFFFFFEC0] =	vst.add.f32.msk $0xffff, v20  }
0x40a: {  	[tilespmem:s15+$0xFFFFFFD0] =	vst.add.f32.msk $0xffff, v25  }
0x40b: {  	v26 =	vld.idx.msk [tilespmem:v26+s5+$0x0], $0xffff  }
0x40c: {  	v18 =	vadd.s32 v8, v22;
	v19 =	vadd.s32 v8, v28;
	v25 =	vld.idx.msk [tilespmem:v27+s5+$0x0], $0xffff;
	v27 =	vadd.s32 v7, v17  }
0x40d: {  	s16 =	simm.s32 $0x3;
	s17 =	simm.s32 $0x4B8;
	v20 =	vadd.s32 v7, v28;
	v24 =	vld.idx.msk [tilespmem:v21+s5+$0x0], $0xffff;
	v21 =	vadd.s32 v7, v22;
	v22 =	vadd.s32 v6, v28  }
.LBB2_12:
0x40e: {  	v28 =	vld [tilespmem:s17+$0x0];
	s16 =	sadd.s32 $0x3, s16  }
0x40f: {  	v29 =	vld [tilespmem:s17+$0xFFFFFFFF];
	p1 =	slt.u32 s16, $0xED  }
0x410: {  	[tilespmem:s15+$0xFFFFFFE0] =	vst.add.f32.msk $0xffff, v26  }
0x411: {  	v26 =	vld.idx.msk [tilespmem:v27+s5+$0x0], $0xffff  }
0x412: {  	v27 =	vld [tilespmem:s17+$0xFFFFFFFE]  }
0x413: {  	[tilespmem:s15+$0xFFFFFED0] =	vst.add.f32.msk $0xffff, v24;
	v24 =	vadd.s32 v8, v17;
	v17 =	vperm.xlane v28, v0  }
0x414: {  	v28 =	vperm.xlane v29, v0;
	v29 =	vld.idx.msk [tilespmem:v22+s5+$0x0], $0xffff  }
0x415: {  	v30 =	vadd.s32 v1, v17;
	[tilespmem:s15+$0xFFFFFF60] =	vst.add.f32.msk $0xffff, v25  }
0x416: {  	v25 =	vadd.s32 v1, v28;
	v31 =	vadd.s32 v2, v28;
	v32 =	vadd.s32 v3, v28;
	v33 =	vld.idx.msk [tilespmem:v21+s5+$0x0], $0xffff  }
0x417: {  	v34 =	vadd.s32 v4, v28;
	v35 =	vadd.s32 v5, v28;
	v27 =	vperm.xlane v27, v0;
	[tilespmem:s15+$0xFFFFFFF0] =	vst.add.f32.msk $0xffff, v26  }
0x418: {  	v36 =	vadd.s32 v6, v28;
	v21 =	vadd.s32 v7, v28;
	v26 =	vadd.s32 v8, v28;
	v24 =	vld.idx.msk [tilespmem:v24+s5+$0x0], $0xffff  }
0x419: {  	v28 =	vadd.s32 v1, v27;
	v37 =	vadd.s32 v2, v27;
	v38 =	vadd.s32 v3, v27;
	[tilespmem:s14+$0xFFFFFF80] =	vst.add.f32.msk $0xffff, v23;
	s14 =	smov.u32 s15  }
0x41a: {  	v23 =	vadd.s32 v4, v27;
	v39 =	vadd.s32 v5, v27;
	v22 =	vadd.s32 v6, v27;
	v30 =	vld.idx.msk [tilespmem:v30+s5+$0x0], $0xffff  }
0x41b: {  	v40 =	vadd.s32 v7, v27;
	v27 =	vadd.s32 v8, v27;
	v25 =	vld.idx.msk [tilespmem:v25+s5+$0x0], $0xffff  }
0x41c: {  	v41 =	vadd.s32 v2, v17;
	[tilespmem:s15+$0xFFFFFEE0] =	vst.add.f32.msk $0xffff, v29  }
0x41d: {  	v29 =	vld.idx.msk [tilespmem:v20+s5+$0x0], $0xffff;
	v20 =	vmov v40  }
0x41e: {  	[tilespmem:s15+$0x0] =	vst.add.f32.msk $0xffff, v24  }
0x41f: {  	s15 =	sadd.s32 $0x180, s15;
	v24 =	vld.idx.msk [tilespmem:v28+s5+$0x0], $0xffff  }
0x420: {  	[tilespmem:s15+$0xFFFFFF90] =	vst.add.f32.msk $0xffff, v30  }
0x421: {  	v28 =	vld.idx.msk [tilespmem:v41+s5+$0x0], $0xffff  }
0x422: {  	[tilespmem:s15+$0xFFFFFF10] =	vst.add.f32.msk $0xffff, v25  }
0x423: {  	v30 =	vadd.s32 v3, v17;
	v25 =	vld.idx.msk [tilespmem:v31+s5+$0x0], $0xffff  }
0x424: {  	[tilespmem:s14+$0xFFFFFEF0] =	vst.add.f32.msk $0xffff, v29  }
0x425: {  	[tilespmem:s15+$0xFFFFFE90] =	vst.add.f32.msk $0xffff, v24  }
0x426: {  	v24 =	vld.idx.msk [tilespmem:v37+s5+$0x0], $0xffff  }
0x427: {  	[tilespmem:s15+$0xFFFFFFA0] =	vst.add.f32.msk $0xffff, v28  }
0x428: {  	v28 =	vld.idx.msk [tilespmem:v30+s5+$0x0], $0xffff  }
0x429: {  	[tilespmem:s15+$0xFFFFFF20] =	vst.add.f32.msk $0xffff, v25  }
0x42a: {  	v29 =	vadd.s32 v4, v17;
	v25 =	vld.idx.msk [tilespmem:v32+s5+$0x0], $0xffff  }
0x42b: {  	[tilespmem:s14+$0xFFFFFF70] =	vst.add.f32.msk $0xffff, v33  }
0x42c: {  	[tilespmem:s15+$0xFFFFFEA0] =	vst.add.f32.msk $0xffff, v24  }
0x42d: {  	v24 =	vld.idx.msk [tilespmem:v38+s5+$0x0], $0xffff  }
0x42e: {  	[tilespmem:s15+$0xFFFFFFB0] =	vst.add.f32.msk $0xffff, v28  }
0x42f: {  	v28 =	vld.idx.msk [tilespmem:v29+s5+$0x0], $0xffff  }
0x430: {  	[tilespmem:s15+$0xFFFFFF30] =	vst.add.f32.msk $0xffff, v25  }
0x431: {  	v29 =	vadd.s32 v5, v17;
	v25 =	vld.idx.msk [tilespmem:v34+s5+$0x0], $0xffff  }
0x432: {  	v30 =	vld.idx.msk [tilespmem:v19+s5+$0x0], $0xffff;
	v19 =	vmov v27  }
0x433: {  	[tilespmem:s15+$0xFFFFFEB0] =	vst.add.f32.msk $0xffff, v24  }
0x434: {  	v24 =	vld.idx.msk [tilespmem:v23+s5+$0x0], $0xffff  }
0x435: {  	[tilespmem:s15+$0xFFFFFFC0] =	vst.add.f32.msk $0xffff, v28  }
0x436: {  	v27 =	vld.idx.msk [tilespmem:v29+s5+$0x0], $0xffff  }
0x437: {  	[tilespmem:s15+$0xFFFFFF40] =	vst.add.f32.msk $0xffff, v25  }
0x438: {  	v28 =	vadd.s32 v6, v17;
	v25 =	vld.idx.msk [tilespmem:v35+s5+$0x0], $0xffff  }
0x439: {  	v23 =	vld.idx.msk [tilespmem:v18+s5+$0x0], $0xffff;
	v18 =	vmov v26  }
0x43a: {  	[tilespmem:s15+$0xFFFFFEC0] =	vst.add.f32.msk $0xffff, v24  }
0x43b: {  	v24 =	vld.idx.msk [tilespmem:v39+s5+$0x0], $0xffff  }
.Ltmp7:
0x43c: {  	[tilespmem:s15+$0xFFFFFFD0] =	vst.add.f32.msk $0xffff, v27;
	(pc) =	sbr.rel @p1 .LBB2_12-.Ltmp7, $4  }
0x43d: {  	v26 =	vld.idx.msk [tilespmem:v28+s5+$0x0], $0xffff  }
0x43e: {  	[tilespmem:s15+$0xFFFFFF50] =	vst.add.f32.msk $0xffff, v25  }
0x43f: {  	v27 =	vadd.s32 v7, v17;
	v25 =	vld.idx.msk [tilespmem:v36+s5+$0x0], $0xffff  }
0x440: {  	s17 =	sadd.s32 $0x3, s17;
	[tilespmem:s14+$0xFFFFFF00] =	vst.add.f32.msk $0xffff, v30  }
0x441: {  	_ =	sdelay $0x2  }
0x442: {  	[tilespmem:s15+$0xFFFFFED0] =	vst.add.f32.msk $0xffff, v24  }
0x443: {  	v22 =	vld.idx.msk [tilespmem:v22+s5+$0x0], $0xffff  }
0x444: {  	[tilespmem:s15+$0xFFFFFFE0] =	vst.add.f32.msk $0xffff, v26  }
0x445: {  	v24 =	vld.idx.msk [tilespmem:v27+s5+$0x0], $0xffff  }
0x446: {  	v17 =	vadd.s32 v8, v17;
	[tilespmem:s15+$0xFFFFFF60] =	vst.add.f32.msk $0xffff, v25  }
0x447: {  	v21 =	vld.idx.msk [tilespmem:v21+s5+$0x0], $0xffff  }
0x448: {  	[tilespmem:s15+$0xFFFFFEE0] =	vst.add.f32.msk $0xffff, v22  }
0x449: {  	v20 =	vld.idx.msk [tilespmem:v20+s5+$0x0], $0xffff  }
0x44a: {  	[tilespmem:s15+$0xFFFFFFF0] =	vst.add.f32.msk $0xffff, v24  }
0x44b: {  	v17 =	vld.idx.msk [tilespmem:v17+s5+$0x0], $0xffff  }
0x44c: {  	[tilespmem:s15+$0xFFFFFF70] =	vst.add.f32.msk $0xffff, v21  }
0x44d: {  	v18 =	vld.idx.msk [tilespmem:v18+s5+$0x0], $0xffff  }
0x44e: {  	[tilespmem:s15+$0xFFFFFEF0] =	vst.add.f32.msk $0xffff, v20  }
0x44f: {  	v19 =	vld.idx.msk [tilespmem:v19+s5+$0x0], $0xffff;
	_ =	sdelay $0x1  }
0x450: {  	[tilespmem:s14+$0xFFFFFF80] =	vst.add.f32.msk $0xffff, v23  }
0x451: {  	[tilespmem:s15+$0x0] =	vst.add.f32.msk $0xffff, v17  }
0x452: {  	[tilespmem:s15+$0xFFFFFF80] =	vst.add.f32.msk $0xffff, v18  }
0x453: {  	[tilespmem:s15+$0xFFFFFF00] =	vst.add.f32.msk $0xffff, v19  }
0x454: {  	s14 =	rddreg [dreg:$0x12]  }
0x455: {  	[hbm4b:s14+s1] =	stream.linear.scatter [tilespmem:s4], [sflag:$0x6], $0x7800, $0x38;
	[tilespmem:$0x19900] =	vst v63  }
0x456: {  	_ =	swait.ge [sflag:s10], $0x7800  }
0x457: {  	[sflag:s10] =	ssyncset.done $0x0  }
0x458: {  	s17 =	rddreg [dreg:$0x13];
	[sflag:s10] =	ssyncadd.s32 $0xFFFF8800  }
0x459: {  	[tilespmem:s3], [sflag:$0x2] =	stream.linear.gather [hbm4b:s17+s1], $0x7800, $0x38;
	[tilespmem:$0x19900] =	vst v63  }
0x45a: {  	_ =	swait.ge [sflag:s11], $0x7800  }
0x45b: {  	[sflag:s11] =	ssyncset.done $0x0  }
0x45c: {  	s18 =	simm.s32 $0x5A2;
	[sflag:s11] =	ssyncadd.s32 $0xFFFF8800  }
0x45d: {  	v17 =	vld [tilespmem:s18+$0x0]  }
0x45e: {  	v18 =	vld [tilespmem:s18+$0xFFFFFFFF];
	_ =	sdelay $0x2  }
0x45f: {  	v19 =	vld [tilespmem:s18+$0xFFFFFFFE]  }
0x460: {  	v20 =	vperm.xlane v17, v0  }
0x461: {  	v18 =	vperm.xlane v18, v0  }
0x462: {  	v17 =	vadd.s32 v1, v20  }
0x463: {  	v21 =	vadd.s32 v1, v18  }
0x464: {  	v19 =	vperm.xlane v19, v0;
	_ =	sdelay $0x1  }
0x465: {  	v22 =	vadd.s32 v1, v19  }
0x466: {  	v17 =	vld.idx.msk [tilespmem:v17+s5+$0x0], $0xffff  }
0x467: {  	v21 =	vld.idx.msk [tilespmem:v21+s5+$0x0], $0xffff  }
0x468: {  	v23 =	vadd.s32 v2, v20  }
0x469: {  	v24 =	vadd.s32 v2, v18  }
0x46a: {  	s14 =	simm.s32 $0x2DF0;
	v22 =	vld.idx.msk [tilespmem:v22+s5+$0x0], $0xffff  }
0x46b: {  	[tilespmem:s14+$0xFFFFFF90] =	vst.add.f32.msk $0xffff, v17  }
0x46c: {  	v25 =	vadd.s32 v2, v19;
	[tilespmem:s14+$0xFFFFFF10] =	vst.add.f32.msk $0xffff, v21  }
0x46d: {  	v17 =	vld.idx.msk [tilespmem:v23+s5+$0x0], $0xffff  }
0x46e: {  	v23 =	vld.idx.msk [tilespmem:v24+s5+$0x0], $0xffff  }
0x46f: {  	v21 =	vadd.s32 v3, v20  }
0x470: {  	[tilespmem:s14+$0xFFFFFE90] =	vst.add.f32.msk $0xffff, v22;
	v24 =	vadd.s32 v3, v18  }
0x471: {  	v22 =	vld.idx.msk [tilespmem:v25+s5+$0x0], $0xffff  }
0x472: {  	[tilespmem:s14+$0xFFFFFFA0] =	vst.add.f32.msk $0xffff, v17  }
0x473: {  	v25 =	vadd.s32 v3, v19;
	[tilespmem:s14+$0xFFFFFF20] =	vst.add.f32.msk $0xffff, v23  }
0x474: {  	v17 =	vld.idx.msk [tilespmem:v21+s5+$0x0], $0xffff  }
0x475: {  	v23 =	vld.idx.msk [tilespmem:v24+s5+$0x0], $0xffff  }
0x476: {  	v21 =	vadd.s32 v4, v20  }
0x477: {  	[tilespmem:s14+$0xFFFFFEA0] =	vst.add.f32.msk $0xffff, v22;
	v24 =	vadd.s32 v4, v18  }
0x478: {  	v22 =	vld.idx.msk [tilespmem:v25+s5+$0x0], $0xffff  }
0x479: {  	[tilespmem:s14+$0xFFFFFFB0] =	vst.add.f32.msk $0xffff, v17  }
0x47a: {  	v25 =	vadd.s32 v4, v19;
	[tilespmem:s14+$0xFFFFFF30] =	vst.add.f32.msk $0xffff, v23  }
0x47b: {  	v17 =	vld.idx.msk [tilespmem:v21+s5+$0x0], $0xffff  }
0x47c: {  	v23 =	vld.idx.msk [tilespmem:v24+s5+$0x0], $0xffff  }
0x47d: {  	v21 =	vadd.s32 v5, v20  }
0x47e: {  	[tilespmem:s14+$0xFFFFFEB0] =	vst.add.f32.msk $0xffff, v22;
	v24 =	vadd.s32 v5, v18  }
0x47f: {  	v22 =	vld.idx.msk [tilespmem:v25+s5+$0x0], $0xffff  }
0x480: {  	v25 =	vadd.s32 v5, v19;
	[tilespmem:s14+$0xFFFFFFC0] =	vst.add.f32.msk $0xffff, v17  }
0x481: {  	[tilespmem:s14+$0xFFFFFF40] =	vst.add.f32.msk $0xffff, v23  }
0x482: {  	v17 =	vld.idx.msk [tilespmem:v21+s5+$0x0], $0xffff  }
0x483: {  	v23 =	vld.idx.msk [tilespmem:v24+s5+$0x0], $0xffff  }
0x484: {  	[tilespmem:s14+$0xFFFFFEC0] =	vst.add.f32.msk $0xffff, v22;
	v21 =	vadd.s32 v6, v20  }
0x485: {  	s19 =	simm.s32 $0x5A5;
	v22 =	vld.idx.msk [tilespmem:v25+s5+$0x0], $0xffff;
	v24 =	vadd.s32 v6, v18  }
0x486: {  	v25 =	vld [tilespmem:s19+$0xFFFFFFFF]  }
0x487: {  	[tilespmem:s14+$0xFFFFFFD0] =	vst.add.f32.msk $0xffff, v17  }
0x488: {  	[tilespmem:s14+$0xFFFFFF50] =	vst.add.f32.msk $0xffff, v23  }
0x489: {  	v17 =	vld.idx.msk [tilespmem:v21+s5+$0x0], $0xffff  }
0x48a: {  	v24 =	vld.idx.msk [tilespmem:v24+s5+$0x0], $0xffff  }
0x48b: {  	v26 =	vadd.s32 v6, v19;
	v23 =	vld [tilespmem:s19+$0x0]  }
0x48c: {  	v28 =	vld [tilespmem:s19+$0xFFFFFFFE];
	v21 =	vadd.s32 v7, v20  }
0x48d: {  	v27 =	vadd.s32 v7, v18;
	[tilespmem:s14+$0xFFFFFED0] =	vst.add.f32.msk $0xffff, v22;
	v22 =	vperm.xlane v25, v0  }
0x48e: {  	[tilespmem:s14+$0xFFFFFFE0] =	vst.add.f32.msk $0xffff, v17  }
0x48f: {  	[tilespmem:s14+$0xFFFFFF60] =	vst.add.f32.msk $0xffff, v24;
	v24 =	vadd.s32 v1, v22  }
0x490: {  	v17 =	vperm.xlane v23, v0;
	v23 =	vld.idx.msk [tilespmem:v26+s5+$0x0], $0xffff  }
0x491: {  	v21 =	vld.idx.msk [tilespmem:v21+s5+$0x0], $0xffff  }
0x492: {  	v26 =	vld.idx.msk [tilespmem:v27+s5+$0x0], $0xffff;
	v27 =	vadd.s32 v7, v19  }
0x493: {  	v20 =	vadd.s32 v8, v20  }
0x494: {  	v24 =	vld.idx.msk [tilespmem:v24+s5+$0x0], $0xffff  }
0x495: {  	v25 =	vadd.s32 v1, v17;
	[tilespmem:s14+$0xFFFFFEE0] =	vst.add.f32.msk $0xffff, v23  }
0x496: {  	[tilespmem:s14+$0xFFFFFFF0] =	vst.add.f32.msk $0xffff, v21  }
0x497: {  	v28 =	vperm.xlane v28, v0;
	v23 =	vld.idx.msk [tilespmem:v27+s5+$0x0], $0xffff;
	v27 =	vadd.s32 v2, v22  }
0x498: {  	v20 =	vld.idx.msk [tilespmem:v20+s5+$0x0], $0xffff  }
0x499: {  	v21 =	vadd.s32 v1, v28  }
0x49a: {  	s15 =	simm.s32 $0x2F70;
	v25 =	vld.idx.msk [tilespmem:v25+s5+$0x0], $0xffff  }
0x49b: {  	[tilespmem:s15+$0xFFFFFF10] =	vst.add.f32.msk $0xffff, v24  }
0x49c: {  	v29 =	vadd.s32 v2, v17;
	v24 =	vld.idx.msk [tilespmem:v27+s5+$0x0], $0xffff  }
0x49d: {  	[tilespmem:s14+$0x0] =	vst.add.f32.msk $0xffff, v20  }
0x49e: {  	v20 =	vld.idx.msk [tilespmem:v21+s5+$0x0], $0xffff  }
0x49f: {  	[tilespmem:s14+$0xFFFFFEF0] =	vst.add.f32.msk $0xffff, v23;
	v23 =	vadd.s32 v3, v22  }
0x4a0: {  	[tilespmem:s15+$0xFFFFFF90] =	vst.add.f32.msk $0xffff, v25;
	v21 =	vadd.s32 v2, v28  }
0x4a1: {  	v25 =	vld.idx.msk [tilespmem:v29+s5+$0x0], $0xffff  }
0x4a2: {  	[tilespmem:s15+$0xFFFFFF20] =	vst.add.f32.msk $0xffff, v24  }
0x4a3: {  	v27 =	vadd.s32 v3, v17;
	[tilespmem:s15+$0xFFFFFE90] =	vst.add.f32.msk $0xffff, v20  }
0x4a4: {  	v23 =	vld.idx.msk [tilespmem:v23+s5+$0x0], $0xffff  }
0x4a5: {  	v20 =	vld.idx.msk [tilespmem:v21+s5+$0x0], $0xffff  }
0x4a6: {  	[tilespmem:s14+$0xFFFFFF70] =	vst.add.f32.msk $0xffff, v26;
	v26 =	vadd.s32 v4, v22  }
0x4a7: {  	[tilespmem:s15+$0xFFFFFFA0] =	vst.add.f32.msk $0xffff, v25;
	v21 =	vadd.s32 v3, v28  }
0x4a8: {  	v19 =	vadd.s32 v8, v19;
	v25 =	vld.idx.msk [tilespmem:v27+s5+$0x0], $0xffff  }
0x4a9: {  	[tilespmem:s15+$0xFFFFFF30] =	vst.add.f32.msk $0xffff, v23  }
0x4aa: {  	v24 =	vadd.s32 v4, v17;
	[tilespmem:s15+$0xFFFFFEA0] =	vst.add.f32.msk $0xffff, v20  }
0x4ab: {  	v23 =	vld.idx.msk [tilespmem:v26+s5+$0x0], $0xffff  }
0x4ac: {  	v20 =	vld.idx.msk [tilespmem:v21+s5+$0x0], $0xffff  }
0x4ad: {  	v29 =	vld.idx.msk [tilespmem:v19+s5+$0x0], $0xffff;
	v19 =	vadd.s32 v5, v22  }
0x4ae: {  	[tilespmem:s15+$0xFFFFFFB0] =	vst.add.f32.msk $0xffff, v25;
	v21 =	vadd.s32 v4, v28  }
0x4af: {  	v24 =	vld.idx.msk [tilespmem:v24+s5+$0x0], $0xffff  }
0x4b0: {  	v25 =	vadd.s32 v5, v17;
	[tilespmem:s15+$0xFFFFFF40] =	vst.add.f32.msk $0xffff, v23  }
0x4b1: {  	[tilespmem:s15+$0xFFFFFEB0] =	vst.add.f32.msk $0xffff, v20  }
0x4b2: {  	v18 =	vadd.s32 v8, v18;
	v19 =	vld.idx.msk [tilespmem:v19+s5+$0x0], $0xffff  }
0x4b3: {  	v20 =	vld.idx.msk [tilespmem:v21+s5+$0x0], $0xffff  }
0x4b4: {  	[tilespmem:s15+$0xFFFFFFC0] =	vst.add.f32.msk $0xffff, v24  }
0x4b5: {  	v25 =	vld.idx.msk [tilespmem:v25+s5+$0x0], $0xffff  }
0x4b6: {  	[tilespmem:s14+$0xFFFFFF00] =	vst.add.f32.msk $0xffff, v29;
	v26 =	vadd.s32 v6, v17  }
0x4b7: {  	v27 =	vadd.s32 v6, v22;
	v23 =	vld.idx.msk [tilespmem:v18+s5+$0x0], $0xffff  }
0x4b8: {  	v21 =	vadd.s32 v5, v28;
	[tilespmem:s15+$0xFFFFFF50] =	vst.add.f32.msk $0xffff, v19  }
0x4b9: {  	[tilespmem:s15+$0xFFFFFEC0] =	vst.add.f32.msk $0xffff, v20  }
0x4ba: {  	[tilespmem:s15+$0xFFFFFFD0] =	vst.add.f32.msk $0xffff, v25  }
0x4bb: {  	v26 =	vld.idx.msk [tilespmem:v26+s5+$0x0], $0xffff  }
0x4bc: {  	v18 =	vadd.s32 v8, v22;
	v19 =	vadd.s32 v8, v28;
	v25 =	vld.idx.msk [tilespmem:v27+s5+$0x0], $0xffff;
	v27 =	vadd.s32 v7, v17  }
0x4bd: {  	s16 =	simm.s32 $0x3;
	s17 =	simm.s32 $0x5A8;
	v20 =	vadd.s32 v7, v28;
	v24 =	vld.idx.msk [tilespmem:v21+s5+$0x0], $0xffff;
	v21 =	vadd.s32 v7, v22;
	v22 =	vadd.s32 v6, v28  }
.LBB2_14:
0x4be: {  	v28 =	vld [tilespmem:s17+$0x0];
	s16 =	sadd.s32 $0x3, s16  }
0x4bf: {  	v29 =	vld [tilespmem:s17+$0xFFFFFFFF];
	p1 =	slt.u32 s16, $0xED  }
0x4c0: {  	[tilespmem:s15+$0xFFFFFFE0] =	vst.add.f32.msk $0xffff, v26  }
0x4c1: {  	v26 =	vld.idx.msk [tilespmem:v27+s5+$0x0], $0xffff  }
0x4c2: {  	v27 =	vld [tilespmem:s17+$0xFFFFFFFE]  }
0x4c3: {  	[tilespmem:s15+$0xFFFFFED0] =	vst.add.f32.msk $0xffff, v24;
	v24 =	vadd.s32 v8, v17;
	v17 =	vperm.xlane v28, v0  }
0x4c4: {  	v28 =	vperm.xlane v29, v0;
	v29 =	vld.idx.msk [tilespmem:v22+s5+$0x0], $0xffff  }
0x4c5: {  	v30 =	vadd.s32 v1, v17;
	[tilespmem:s15+$0xFFFFFF60] =	vst.add.f32.msk $0xffff, v25  }
0x4c6: {  	v25 =	vadd.s32 v1, v28;
	v31 =	vadd.s32 v2, v28;
	v32 =	vadd.s32 v3, v28;
	v33 =	vld.idx.msk [tilespmem:v21+s5+$0x0], $0xffff  }
0x4c7: {  	v34 =	vadd.s32 v4, v28;
	v35 =	vadd.s32 v5, v28;
	v27 =	vperm.xlane v27, v0;
	[tilespmem:s15+$0xFFFFFFF0] =	vst.add.f32.msk $0xffff, v26  }
0x4c8: {  	v36 =	vadd.s32 v6, v28;
	v21 =	vadd.s32 v7, v28;
	v26 =	vadd.s32 v8, v28;
	v24 =	vld.idx.msk [tilespmem:v24+s5+$0x0], $0xffff  }
0x4c9: {  	v28 =	vadd.s32 v1, v27;
	v37 =	vadd.s32 v2, v27;
	v38 =	vadd.s32 v3, v27;
	[tilespmem:s14+$0xFFFFFF80] =	vst.add.f32.msk $0xffff, v23;
	s14 =	smov.u32 s15  }
0x4ca: {  	v23 =	vadd.s32 v4, v27;
	v39 =	vadd.s32 v5, v27;
	v22 =	vadd.s32 v6, v27;
	v30 =	vld.idx.msk [tilespmem:v30+s5+$0x0], $0xffff  }
0x4cb: {  	v40 =	vadd.s32 v7, v27;
	v27 =	vadd.s32 v8, v27;
	v25 =	vld.idx.msk [tilespmem:v25+s5+$0x0], $0xffff  }
0x4cc: {  	v41 =	vadd.s32 v2, v17;
	[tilespmem:s15+$0xFFFFFEE0] =	vst.add.f32.msk $0xffff, v29  }
0x4cd: {  	v29 =	vld.idx.msk [tilespmem:v20+s5+$0x0], $0xffff;
	v20 =	vmov v40  }
0x4ce: {  	[tilespmem:s15+$0x0] =	vst.add.f32.msk $0xffff, v24  }
0x4cf: {  	s15 =	sadd.s32 $0x180, s15;
	v24 =	vld.idx.msk [tilespmem:v28+s5+$0x0], $0xffff  }
0x4d0: {  	[tilespmem:s15+$0xFFFFFF90] =	vst.add.f32.msk $0xffff, v30  }
0x4d1: {  	v28 =	vld.idx.msk [tilespmem:v41+s5+$0x0], $0xffff  }
0x4d2: {  	[tilespmem:s15+$0xFFFFFF10] =	vst.add.f32.msk $0xffff, v25  }
0x4d3: {  	v30 =	vadd.s32 v3, v17;
	v25 =	vld.idx.msk [tilespmem:v31+s5+$0x0], $0xffff  }
0x4d4: {  	[tilespmem:s14+$0xFFFFFEF0] =	vst.add.f32.msk $0xffff, v29  }
0x4d5: {  	[tilespmem:s15+$0xFFFFFE90] =	vst.add.f32.msk $0xffff, v24  }
0x4d6: {  	v24 =	vld.idx.msk [tilespmem:v37+s5+$0x0], $0xffff  }
0x4d7: {  	[tilespmem:s15+$0xFFFFFFA0] =	vst.add.f32.msk $0xffff, v28  }
0x4d8: {  	v28 =	vld.idx.msk [tilespmem:v30+s5+$0x0], $0xffff  }
0x4d9: {  	[tilespmem:s15+$0xFFFFFF20] =	vst.add.f32.msk $0xffff, v25  }
0x4da: {  	v29 =	vadd.s32 v4, v17;
	v25 =	vld.idx.msk [tilespmem:v32+s5+$0x0], $0xffff  }
0x4db: {  	[tilespmem:s14+$0xFFFFFF70] =	vst.add.f32.msk $0xffff, v33  }
0x4dc: {  	[tilespmem:s15+$0xFFFFFEA0] =	vst.add.f32.msk $0xffff, v24  }
0x4dd: {  	v24 =	vld.idx.msk [tilespmem:v38+s5+$0x0], $0xffff  }
0x4de: {  	[tilespmem:s15+$0xFFFFFFB0] =	vst.add.f32.msk $0xffff, v28  }
0x4df: {  	v28 =	vld.idx.msk [tilespmem:v29+s5+$0x0], $0xffff  }
0x4e0: {  	[tilespmem:s15+$0xFFFFFF30] =	vst.add.f32.msk $0xffff, v25  }
0x4e1: {  	v29 =	vadd.s32 v5, v17;
	v25 =	vld.idx.msk [tilespmem:v34+s5+$0x0], $0xffff  }
0x4e2: {  	v30 =	vld.idx.msk [tilespmem:v19+s5+$0x0], $0xffff;
	v19 =	vmov v27  }
0x4e3: {  	[tilespmem:s15+$0xFFFFFEB0] =	vst.add.f32.msk $0xffff, v24  }
0x4e4: {  	v24 =	vld.idx.msk [tilespmem:v23+s5+$0x0], $0xffff  }
0x4e5: {  	[tilespmem:s15+$0xFFFFFFC0] =	vst.add.f32.msk $0xffff, v28  }
0x4e6: {  	v27 =	vld.idx.msk [tilespmem:v29+s5+$0x0], $0xffff  }
0x4e7: {  	[tilespmem:s15+$0xFFFFFF40] =	vst.add.f32.msk $0xffff, v25  }
0x4e8: {  	v28 =	vadd.s32 v6, v17;
	v25 =	vld.idx.msk [tilespmem:v35+s5+$0x0], $0xffff  }
0x4e9: {  	v23 =	vld.idx.msk [tilespmem:v18+s5+$0x0], $0xffff;
	v18 =	vmov v26  }
0x4ea: {  	[tilespmem:s15+$0xFFFFFEC0] =	vst.add.f32.msk $0xffff, v24  }
0x4eb: {  	v24 =	vld.idx.msk [tilespmem:v39+s5+$0x0], $0xffff  }
.Ltmp8:
0x4ec: {  	[tilespmem:s15+$0xFFFFFFD0] =	vst.add.f32.msk $0xffff, v27;
	(pc) =	sbr.rel @p1 .LBB2_14-.Ltmp8, $4  }
0x4ed: {  	v26 =	vld.idx.msk [tilespmem:v28+s5+$0x0], $0xffff  }
0x4ee: {  	[tilespmem:s15+$0xFFFFFF50] =	vst.add.f32.msk $0xffff, v25  }
0x4ef: {  	v27 =	vadd.s32 v7, v17;
	v25 =	vld.idx.msk [tilespmem:v36+s5+$0x0], $0xffff  }
0x4f0: {  	s17 =	sadd.s32 $0x3, s17;
	[tilespmem:s14+$0xFFFFFF00] =	vst.add.f32.msk $0xffff, v30  }
0x4f1: {  	_ =	sdelay $0x2  }
0x4f2: {  	[tilespmem:s15+$0xFFFFFED0] =	vst.add.f32.msk $0xffff, v24  }
0x4f3: {  	v22 =	vld.idx.msk [tilespmem:v22+s5+$0x0], $0xffff  }
0x4f4: {  	[tilespmem:s15+$0xFFFFFFE0] =	vst.add.f32.msk $0xffff, v26  }
0x4f5: {  	v24 =	vld.idx.msk [tilespmem:v27+s5+$0x0], $0xffff  }
0x4f6: {  	v17 =	vadd.s32 v8, v17;
	[tilespmem:s15+$0xFFFFFF60] =	vst.add.f32.msk $0xffff, v25  }
0x4f7: {  	v21 =	vld.idx.msk [tilespmem:v21+s5+$0x0], $0xffff  }
0x4f8: {  	[tilespmem:s15+$0xFFFFFEE0] =	vst.add.f32.msk $0xffff, v22  }
0x4f9: {  	v20 =	vld.idx.msk [tilespmem:v20+s5+$0x0], $0xffff  }
0x4fa: {  	[tilespmem:s15+$0xFFFFFFF0] =	vst.add.f32.msk $0xffff, v24  }
0x4fb: {  	v17 =	vld.idx.msk [tilespmem:v17+s5+$0x0], $0xffff  }
0x4fc: {  	[tilespmem:s15+$0xFFFFFF70] =	vst.add.f32.msk $0xffff, v21  }
0x4fd: {  	v18 =	vld.idx.msk [tilespmem:v18+s5+$0x0], $0xffff  }
0x4fe: {  	[tilespmem:s15+$0xFFFFFEF0] =	vst.add.f32.msk $0xffff, v20  }
0x4ff: {  	v19 =	vld.idx.msk [tilespmem:v19+s5+$0x0], $0xffff;
	_ =	sdelay $0x1  }
0x500: {  	[tilespmem:s14+$0xFFFFFF80] =	vst.add.f32.msk $0xffff, v23  }
0x501: {  	[tilespmem:s15+$0x0] =	vst.add.f32.msk $0xffff, v17  }
0x502: {  	[tilespmem:s15+$0xFFFFFF80] =	vst.add.f32.msk $0xffff, v18  }
0x503: {  	[tilespmem:s15+$0xFFFFFF00] =	vst.add.f32.msk $0xffff, v19  }
0x504: {  	s14 =	rddreg [dreg:$0x14]  }
0x505: {  	[hbm4b:s14+s1] =	stream.linear.scatter [tilespmem:s2], [sflag:$0x4], $0x7800, $0x38;
	[tilespmem:$0x19900] =	vst v63  }
0x506: {  	_ =	swait.ge [sflag:s12], $0x7800  }
0x507: {  	[sflag:s12] =	ssyncset.done $0x0  }
0x508: {  	s17 =	rddreg [dreg:$0x16];
	[sflag:s12] =	ssyncadd.s32 $0xFFFF8800  }
0x509: {  	[tilespmem:s4], [sflag:$0x3] =	stream.linear.gather [hbm4b:s17+s1], $0x7800, $0x38;
	[tilespmem:$0x19900] =	vst v63  }
0x50a: {  	_ =	swait.ge [sflag:s7], $0x7800  }
0x50b: {  	[sflag:s7] =	ssyncset.done $0x0  }
0x50c: {  	s18 =	simm.s32 $0x692;
	[sflag:s7] =	ssyncadd.s32 $0xFFFF8800  }
0x50d: {  	v17 =	vld [tilespmem:s18+$0x0]  }
0x50e: {  	v18 =	vld [tilespmem:s18+$0xFFFFFFFF];
	_ =	sdelay $0x2  }
0x50f: {  	v19 =	vld [tilespmem:s18+$0xFFFFFFFE]  }
0x510: {  	v20 =	vperm.xlane v17, v0  }
0x511: {  	v18 =	vperm.xlane v18, v0  }
0x512: {  	v17 =	vadd.s32 v1, v20  }
0x513: {  	v21 =	vadd.s32 v1, v18  }
0x514: {  	v19 =	vperm.xlane v19, v0;
	_ =	sdelay $0x1  }
0x515: {  	v22 =	vadd.s32 v1, v19  }
0x516: {  	v17 =	vld.idx.msk [tilespmem:v17+s5+$0x0], $0xffff  }
0x517: {  	v21 =	vld.idx.msk [tilespmem:v21+s5+$0x0], $0xffff  }
0x518: {  	v23 =	vadd.s32 v2, v20  }
0x519: {  	v24 =	vadd.s32 v2, v18  }
0x51a: {  	s14 =	simm.s32 $0xA5F0;
	v22 =	vld.idx.msk [tilespmem:v22+s5+$0x0], $0xffff  }
0x51b: {  	[tilespmem:s14+$0xFFFFFF90] =	vst.add.f32.msk $0xffff, v17  }
0x51c: {  	v25 =	vadd.s32 v2, v19;
	[tilespmem:s14+$0xFFFFFF10] =	vst.add.f32.msk $0xffff, v21  }
0x51d: {  	v17 =	vld.idx.msk [tilespmem:v23+s5+$0x0], $0xffff  }
0x51e: {  	v23 =	vld.idx.msk [tilespmem:v24+s5+$0x0], $0xffff  }
0x51f: {  	v21 =	vadd.s32 v3, v20  }
0x520: {  	[tilespmem:s14+$0xFFFFFE90] =	vst.add.f32.msk $0xffff, v22;
	v24 =	vadd.s32 v3, v18  }
0x521: {  	v22 =	vld.idx.msk [tilespmem:v25+s5+$0x0], $0xffff  }
0x522: {  	[tilespmem:s14+$0xFFFFFFA0] =	vst.add.f32.msk $0xffff, v17  }
0x523: {  	v25 =	vadd.s32 v3, v19;
	[tilespmem:s14+$0xFFFFFF20] =	vst.add.f32.msk $0xffff, v23  }
0x524: {  	v17 =	vld.idx.msk [tilespmem:v21+s5+$0x0], $0xffff  }
0x525: {  	v23 =	vld.idx.msk [tilespmem:v24+s5+$0x0], $0xffff  }
0x526: {  	v21 =	vadd.s32 v4, v20  }
0x527: {  	[tilespmem:s14+$0xFFFFFEA0] =	vst.add.f32.msk $0xffff, v22;
	v24 =	vadd.s32 v4, v18  }
0x528: {  	v22 =	vld.idx.msk [tilespmem:v25+s5+$0x0], $0xffff  }
0x529: {  	[tilespmem:s14+$0xFFFFFFB0] =	vst.add.f32.msk $0xffff, v17  }
0x52a: {  	v25 =	vadd.s32 v4, v19;
	[tilespmem:s14+$0xFFFFFF30] =	vst.add.f32.msk $0xffff, v23  }
0x52b: {  	v17 =	vld.idx.msk [tilespmem:v21+s5+$0x0], $0xffff  }
0x52c: {  	v23 =	vld.idx.msk [tilespmem:v24+s5+$0x0], $0xffff  }
0x52d: {  	v21 =	vadd.s32 v5, v20  }
0x52e: {  	[tilespmem:s14+$0xFFFFFEB0] =	vst.add.f32.msk $0xffff, v22;
	v24 =	vadd.s32 v5, v18  }
0x52f: {  	v22 =	vld.idx.msk [tilespmem:v25+s5+$0x0], $0xffff  }
0x530: {  	v25 =	vadd.s32 v5, v19;
	[tilespmem:s14+$0xFFFFFFC0] =	vst.add.f32.msk $0xffff, v17  }
0x531: {  	[tilespmem:s14+$0xFFFFFF40] =	vst.add.f32.msk $0xffff, v23  }
0x532: {  	v17 =	vld.idx.msk [tilespmem:v21+s5+$0x0], $0xffff  }
0x533: {  	v23 =	vld.idx.msk [tilespmem:v24+s5+$0x0], $0xffff  }
0x534: {  	[tilespmem:s14+$0xFFFFFEC0] =	vst.add.f32.msk $0xffff, v22;
	v21 =	vadd.s32 v6, v20  }
0x535: {  	s19 =	simm.s32 $0x695;
	v22 =	vld.idx.msk [tilespmem:v25+s5+$0x0], $0xffff;
	v24 =	vadd.s32 v6, v18  }
0x536: {  	v25 =	vld [tilespmem:s19+$0xFFFFFFFF]  }
0x537: {  	[tilespmem:s14+$0xFFFFFFD0] =	vst.add.f32.msk $0xffff, v17  }
0x538: {  	[tilespmem:s14+$0xFFFFFF50] =	vst.add.f32.msk $0xffff, v23  }
0x539: {  	v17 =	vld.idx.msk [tilespmem:v21+s5+$0x0], $0xffff  }
0x53a: {  	v24 =	vld.idx.msk [tilespmem:v24+s5+$0x0], $0xffff  }
0x53b: {  	v26 =	vadd.s32 v6, v19;
	v23 =	vld [tilespmem:s19+$0x0]  }
0x53c: {  	v28 =	vld [tilespmem:s19+$0xFFFFFFFE];
	v21 =	vadd.s32 v7, v20  }
0x53d: {  	v27 =	vadd.s32 v7, v18;
	[tilespmem:s14+$0xFFFFFED0] =	vst.add.f32.msk $0xffff, v22;
	v22 =	vperm.xlane v25, v0  }
0x53e: {  	[tilespmem:s14+$0xFFFFFFE0] =	vst.add.f32.msk $0xffff, v17  }
0x53f: {  	[tilespmem:s14+$0xFFFFFF60] =	vst.add.f32.msk $0xffff, v24;
	v24 =	vadd.s32 v1, v22  }
0x540: {  	v17 =	vperm.xlane v23, v0;
	v23 =	vld.idx.msk [tilespmem:v26+s5+$0x0], $0xffff  }
0x541: {  	v21 =	vld.idx.msk [tilespmem:v21+s5+$0x0], $0xffff  }
0x542: {  	v26 =	vld.idx.msk [tilespmem:v27+s5+$0x0], $0xffff;
	v27 =	vadd.s32 v7, v19  }
0x543: {  	v20 =	vadd.s32 v8, v20  }
0x544: {  	v24 =	vld.idx.msk [tilespmem:v24+s5+$0x0], $0xffff  }
0x545: {  	v25 =	vadd.s32 v1, v17;
	[tilespmem:s14+$0xFFFFFEE0] =	vst.add.f32.msk $0xffff, v23  }
0x546: {  	[tilespmem:s14+$0xFFFFFFF0] =	vst.add.f32.msk $0xffff, v21  }
0x547: {  	v28 =	vperm.xlane v28, v0;
	v23 =	vld.idx.msk [tilespmem:v27+s5+$0x0], $0xffff;
	v27 =	vadd.s32 v2, v22  }
0x548: {  	v20 =	vld.idx.msk [tilespmem:v20+s5+$0x0], $0xffff  }
0x549: {  	v21 =	vadd.s32 v1, v28  }
0x54a: {  	s15 =	simm.s32 $0xA770;
	v25 =	vld.idx.msk [tilespmem:v25+s5+$0x0], $0xffff  }
0x54b: {  	[tilespmem:s15+$0xFFFFFF10] =	vst.add.f32.msk $0xffff, v24  }
0x54c: {  	v29 =	vadd.s32 v2, v17;
	v24 =	vld.idx.msk [tilespmem:v27+s5+$0x0], $0xffff  }
0x54d: {  	[tilespmem:s14+$0x0] =	vst.add.f32.msk $0xffff, v20  }
0x54e: {  	v20 =	vld.idx.msk [tilespmem:v21+s5+$0x0], $0xffff  }
0x54f: {  	[tilespmem:s14+$0xFFFFFEF0] =	vst.add.f32.msk $0xffff, v23;
	v23 =	vadd.s32 v3, v22  }
0x550: {  	[tilespmem:s15+$0xFFFFFF90] =	vst.add.f32.msk $0xffff, v25;
	v21 =	vadd.s32 v2, v28  }
0x551: {  	v25 =	vld.idx.msk [tilespmem:v29+s5+$0x0], $0xffff  }
0x552: {  	[tilespmem:s15+$0xFFFFFF20] =	vst.add.f32.msk $0xffff, v24  }
0x553: {  	v27 =	vadd.s32 v3, v17;
	[tilespmem:s15+$0xFFFFFE90] =	vst.add.f32.msk $0xffff, v20  }
0x554: {  	v23 =	vld.idx.msk [tilespmem:v23+s5+$0x0], $0xffff  }
0x555: {  	v20 =	vld.idx.msk [tilespmem:v21+s5+$0x0], $0xffff  }
0x556: {  	[tilespmem:s14+$0xFFFFFF70] =	vst.add.f32.msk $0xffff, v26;
	v26 =	vadd.s32 v4, v22  }
0x557: {  	[tilespmem:s15+$0xFFFFFFA0] =	vst.add.f32.msk $0xffff, v25;
	v21 =	vadd.s32 v3, v28  }
0x558: {  	v19 =	vadd.s32 v8, v19;
	v25 =	vld.idx.msk [tilespmem:v27+s5+$0x0], $0xffff  }
0x559: {  	[tilespmem:s15+$0xFFFFFF30] =	vst.add.f32.msk $0xffff, v23  }
0x55a: {  	v24 =	vadd.s32 v4, v17;
	[tilespmem:s15+$0xFFFFFEA0] =	vst.add.f32.msk $0xffff, v20  }
0x55b: {  	v23 =	vld.idx.msk [tilespmem:v26+s5+$0x0], $0xffff  }
0x55c: {  	v20 =	vld.idx.msk [tilespmem:v21+s5+$0x0], $0xffff  }
0x55d: {  	v29 =	vld.idx.msk [tilespmem:v19+s5+$0x0], $0xffff;
	v19 =	vadd.s32 v5, v22  }
0x55e: {  	[tilespmem:s15+$0xFFFFFFB0] =	vst.add.f32.msk $0xffff, v25;
	v21 =	vadd.s32 v4, v28  }
0x55f: {  	v24 =	vld.idx.msk [tilespmem:v24+s5+$0x0], $0xffff  }
0x560: {  	v25 =	vadd.s32 v5, v17;
	[tilespmem:s15+$0xFFFFFF40] =	vst.add.f32.msk $0xffff, v23  }
0x561: {  	[tilespmem:s15+$0xFFFFFEB0] =	vst.add.f32.msk $0xffff, v20  }
0x562: {  	v18 =	vadd.s32 v8, v18;
	v19 =	vld.idx.msk [tilespmem:v19+s5+$0x0], $0xffff  }
0x563: {  	v20 =	vld.idx.msk [tilespmem:v21+s5+$0x0], $0xffff  }
0x564: {  	[tilespmem:s15+$0xFFFFFFC0] =	vst.add.f32.msk $0xffff, v24  }
0x565: {  	v25 =	vld.idx.msk [tilespmem:v25+s5+$0x0], $0xffff  }
0x566: {  	[tilespmem:s14+$0xFFFFFF00] =	vst.add.f32.msk $0xffff, v29;
	v26 =	vadd.s32 v6, v17  }
0x567: {  	v27 =	vadd.s32 v6, v22;
	v23 =	vld.idx.msk [tilespmem:v18+s5+$0x0], $0xffff  }
0x568: {  	v21 =	vadd.s32 v5, v28;
	[tilespmem:s15+$0xFFFFFF50] =	vst.add.f32.msk $0xffff, v19  }
0x569: {  	[tilespmem:s15+$0xFFFFFEC0] =	vst.add.f32.msk $0xffff, v20  }
0x56a: {  	[tilespmem:s15+$0xFFFFFFD0] =	vst.add.f32.msk $0xffff, v25  }
0x56b: {  	v26 =	vld.idx.msk [tilespmem:v26+s5+$0x0], $0xffff  }
0x56c: {  	v18 =	vadd.s32 v8, v22;
	v19 =	vadd.s32 v8, v28;
	v25 =	vld.idx.msk [tilespmem:v27+s5+$0x0], $0xffff;
	v27 =	vadd.s32 v7, v17  }
0x56d: {  	s16 =	simm.s32 $0x3;
	s17 =	simm.s32 $0x698;
	v20 =	vadd.s32 v7, v28;
	v24 =	vld.idx.msk [tilespmem:v21+s5+$0x0], $0xffff;
	v21 =	vadd.s32 v7, v22;
	v22 =	vadd.s32 v6, v28  }
.LBB2_16:
0x56e: {  	v28 =	vld [tilespmem:s17+$0x0];
	s16 =	sadd.s32 $0x3, s16  }
0x56f: {  	v29 =	vld [tilespmem:s17+$0xFFFFFFFF];
	p1 =	slt.u32 s16, $0xED  }
0x570: {  	[tilespmem:s15+$0xFFFFFFE0] =	vst.add.f32.msk $0xffff, v26  }
0x571: {  	v26 =	vld.idx.msk [tilespmem:v27+s5+$0x0], $0xffff  }
0x572: {  	v27 =	vld [tilespmem:s17+$0xFFFFFFFE]  }
0x573: {  	[tilespmem:s15+$0xFFFFFED0] =	vst.add.f32.msk $0xffff, v24;
	v24 =	vadd.s32 v8, v17;
	v17 =	vperm.xlane v28, v0  }
0x574: {  	v28 =	vperm.xlane v29, v0;
	v29 =	vld.idx.msk [tilespmem:v22+s5+$0x0], $0xffff  }
0x575: {  	v30 =	vadd.s32 v1, v17;
	[tilespmem:s15+$0xFFFFFF60] =	vst.add.f32.msk $0xffff, v25  }
0x576: {  	v25 =	vadd.s32 v1, v28;
	v31 =	vadd.s32 v2, v28;
	v32 =	vadd.s32 v3, v28;
	v33 =	vld.idx.msk [tilespmem:v21+s5+$0x0], $0xffff  }
0x577: {  	v34 =	vadd.s32 v4, v28;
	v35 =	vadd.s32 v5, v28;
	v27 =	vperm.xlane v27, v0;
	[tilespmem:s15+$0xFFFFFFF0] =	vst.add.f32.msk $0xffff, v26  }
0x578: {  	v36 =	vadd.s32 v6, v28;
	v21 =	vadd.s32 v7, v28;
	v26 =	vadd.s32 v8, v28;
	v24 =	vld.idx.msk [tilespmem:v24+s5+$0x0], $0xffff  }
0x579: {  	v28 =	vadd.s32 v1, v27;
	v37 =	vadd.s32 v2, v27;
	v38 =	vadd.s32 v3, v27;
	[tilespmem:s14+$0xFFFFFF80] =	vst.add.f32.msk $0xffff, v23;
	s14 =	smov.u32 s15  }
0x57a: {  	v23 =	vadd.s32 v4, v27;
	v39 =	vadd.s32 v5, v27;
	v22 =	vadd.s32 v6, v27;
	v30 =	vld.idx.msk [tilespmem:v30+s5+$0x0], $0xffff  }
0x57b: {  	v40 =	vadd.s32 v7, v27;
	v27 =	vadd.s32 v8, v27;
	v25 =	vld.idx.msk [tilespmem:v25+s5+$0x0], $0xffff  }
0x57c: {  	v41 =	vadd.s32 v2, v17;
	[tilespmem:s15+$0xFFFFFEE0] =	vst.add.f32.msk $0xffff, v29  }
0x57d: {  	v29 =	vld.idx.msk [tilespmem:v20+s5+$0x0], $0xffff;
	v20 =	vmov v40  }
0x57e: {  	[tilespmem:s15+$0x0] =	vst.add.f32.msk $0xffff, v24  }
0x57f: {  	s15 =	sadd.s32 $0x180, s15;
	v24 =	vld.idx.msk [tilespmem:v28+s5+$0x0], $0xffff  }
0x580: {  	[tilespmem:s15+$0xFFFFFF90] =	vst.add.f32.msk $0xffff, v30  }
0x581: {  	v28 =	vld.idx.msk [tilespmem:v41+s5+$0x0], $0xffff  }
0x582: {  	[tilespmem:s15+$0xFFFFFF10] =	vst.add.f32.msk $0xffff, v25  }
0x583: {  	v30 =	vadd.s32 v3, v17;
	v25 =	vld.idx.msk [tilespmem:v31+s5+$0x0], $0xffff  }
0x584: {  	[tilespmem:s14+$0xFFFFFEF0] =	vst.add.f32.msk $0xffff, v29  }
0x585: {  	[tilespmem:s15+$0xFFFFFE90] =	vst.add.f32.msk $0xffff, v24  }
0x586: {  	v24 =	vld.idx.msk [tilespmem:v37+s5+$0x0], $0xffff  }
0x587: {  	[tilespmem:s15+$0xFFFFFFA0] =	vst.add.f32.msk $0xffff, v28  }
0x588: {  	v28 =	vld.idx.msk [tilespmem:v30+s5+$0x0], $0xffff  }
0x589: {  	[tilespmem:s15+$0xFFFFFF20] =	vst.add.f32.msk $0xffff, v25  }
0x58a: {  	v29 =	vadd.s32 v4, v17;
	v25 =	vld.idx.msk [tilespmem:v32+s5+$0x0], $0xffff  }
0x58b: {  	[tilespmem:s14+$0xFFFFFF70] =	vst.add.f32.msk $0xffff, v33  }
0x58c: {  	[tilespmem:s15+$0xFFFFFEA0] =	vst.add.f32.msk $0xffff, v24  }
0x58d: {  	v24 =	vld.idx.msk [tilespmem:v38+s5+$0x0], $0xffff  }
0x58e: {  	[tilespmem:s15+$0xFFFFFFB0] =	vst.add.f32.msk $0xffff, v28  }
0x58f: {  	v28 =	vld.idx.msk [tilespmem:v29+s5+$0x0], $0xffff  }
0x590: {  	[tilespmem:s15+$0xFFFFFF30] =	vst.add.f32.msk $0xffff, v25  }
0x591: {  	v29 =	vadd.s32 v5, v17;
	v25 =	vld.idx.msk [tilespmem:v34+s5+$0x0], $0xffff  }
0x592: {  	v30 =	vld.idx.msk [tilespmem:v19+s5+$0x0], $0xffff;
	v19 =	vmov v27  }
0x593: {  	[tilespmem:s15+$0xFFFFFEB0] =	vst.add.f32.msk $0xffff, v24  }
0x594: {  	v24 =	vld.idx.msk [tilespmem:v23+s5+$0x0], $0xffff  }
0x595: {  	[tilespmem:s15+$0xFFFFFFC0] =	vst.add.f32.msk $0xffff, v28  }
0x596: {  	v27 =	vld.idx.msk [tilespmem:v29+s5+$0x0], $0xffff  }
0x597: {  	[tilespmem:s15+$0xFFFFFF40] =	vst.add.f32.msk $0xffff, v25  }
0x598: {  	v28 =	vadd.s32 v6, v17;
	v25 =	vld.idx.msk [tilespmem:v35+s5+$0x0], $0xffff  }
0x599: {  	v23 =	vld.idx.msk [tilespmem:v18+s5+$0x0], $0xffff;
	v18 =	vmov v26  }
0x59a: {  	[tilespmem:s15+$0xFFFFFEC0] =	vst.add.f32.msk $0xffff, v24  }
0x59b: {  	v24 =	vld.idx.msk [tilespmem:v39+s5+$0x0], $0xffff  }
.Ltmp9:
0x59c: {  	[tilespmem:s15+$0xFFFFFFD0] =	vst.add.f32.msk $0xffff, v27;
	(pc) =	sbr.rel @p1 .LBB2_16-.Ltmp9, $4  }
0x59d: {  	v26 =	vld.idx.msk [tilespmem:v28+s5+$0x0], $0xffff  }
0x59e: {  	[tilespmem:s15+$0xFFFFFF50] =	vst.add.f32.msk $0xffff, v25  }
0x59f: {  	v27 =	vadd.s32 v7, v17;
	v25 =	vld.idx.msk [tilespmem:v36+s5+$0x0], $0xffff  }
0x5a0: {  	s17 =	sadd.s32 $0x3, s17;
	[tilespmem:s14+$0xFFFFFF00] =	vst.add.f32.msk $0xffff, v30  }
0x5a1: {  	_ =	sdelay $0x2  }
0x5a2: {  	[tilespmem:s15+$0xFFFFFED0] =	vst.add.f32.msk $0xffff, v24  }
0x5a3: {  	v22 =	vld.idx.msk [tilespmem:v22+s5+$0x0], $0xffff  }
0x5a4: {  	[tilespmem:s15+$0xFFFFFFE0] =	vst.add.f32.msk $0xffff, v26  }
0x5a5: {  	v24 =	vld.idx.msk [tilespmem:v27+s5+$0x0], $0xffff  }
0x5a6: {  	v17 =	vadd.s32 v8, v17;
	[tilespmem:s15+$0xFFFFFF60] =	vst.add.f32.msk $0xffff, v25  }
0x5a7: {  	v21 =	vld.idx.msk [tilespmem:v21+s5+$0x0], $0xffff  }
0x5a8: {  	[tilespmem:s15+$0xFFFFFEE0] =	vst.add.f32.msk $0xffff, v22  }
0x5a9: {  	v20 =	vld.idx.msk [tilespmem:v20+s5+$0x0], $0xffff  }
0x5aa: {  	[tilespmem:s15+$0xFFFFFFF0] =	vst.add.f32.msk $0xffff, v24  }
0x5ab: {  	v17 =	vld.idx.msk [tilespmem:v17+s5+$0x0], $0xffff  }
0x5ac: {  	[tilespmem:s15+$0xFFFFFF70] =	vst.add.f32.msk $0xffff, v21  }
0x5ad: {  	v18 =	vld.idx.msk [tilespmem:v18+s5+$0x0], $0xffff  }
0x5ae: {  	[tilespmem:s15+$0xFFFFFEF0] =	vst.add.f32.msk $0xffff, v20  }
0x5af: {  	v19 =	vld.idx.msk [tilespmem:v19+s5+$0x0], $0xffff;
	_ =	sdelay $0x1  }
0x5b0: {  	[tilespmem:s14+$0xFFFFFF80] =	vst.add.f32.msk $0xffff, v23  }
0x5b1: {  	[tilespmem:s15+$0x0] =	vst.add.f32.msk $0xffff, v17  }
0x5b2: {  	[tilespmem:s15+$0xFFFFFF80] =	vst.add.f32.msk $0xffff, v18  }
0x5b3: {  	[tilespmem:s15+$0xFFFFFF00] =	vst.add.f32.msk $0xffff, v19  }
0x5b4: {  	s14 =	rddreg [dreg:$0x15]  }
0x5b5: {  	[hbm4b:s14+s1] =	stream.linear.scatter [tilespmem:s3], [sflag:$0x5], $0x7800, $0x38;
	[tilespmem:$0x19900] =	vst v63  }
0x5b6: {  	_ =	swait.ge [sflag:s8], $0x7800  }
0x5b7: {  	[sflag:s8] =	ssyncset.done $0x0  }
0x5b8: {  	[sflag:s8] =	ssyncadd.s32 $0xFFFF8800  }
0x5b9: {  	[tilespmem:s2], [sflag:$0x1] =	stream.linear.gather [hbm4b:s21+s1], $0x7800, $0x38;
	[tilespmem:$0x19900] =	vst v63  }
0x5ba: {  	_ =	swait.ge [sflag:s9], $0x7800  }
0x5bb: {  	s17 =	simm.s32 $0x0;
	[sflag:s9] =	ssyncset.done $0x0  }
0x5bc: {  	s14 =	sand.u32 $0xFF, s17;
	[sflag:s9] =	ssyncadd.s32 $0xFFFF8800  }
0x5bd: {  	v17 =	vld [tilespmem:s14+$0x780];
	_ =	sdelay $0x4  }
0x5be: {  	v18 =	vperm.xlane v17, v0;
	_ =	sdelay $0x1  }
0x5bf: {  	v17 =	vadd.s32 v1, v18;
	_ =	sdelay $0x4  }
0x5c0: {  	s18 =	simm.s32 $0x782;
	v17 =	vld.idx.msk [tilespmem:v17+s5+$0x0], $0xffff  }
0x5c1: {  	v21 =	vld [tilespmem:s18+$0xFFFFFFFF];
	v19 =	vadd.s32 v2, v18  }
0x5c2: {  	v20 =	vld [tilespmem:s18+$0x0];
	_ =	sdelay $0x1  }
0x5c3: {  	s14 =	simm.s32 $0x11DF0  }
0x5c4: {  	[tilespmem:s14+$0xFFFFFE90] =	vst.add.f32.msk $0xffff, v17  }
0x5c5: {  	v17 =	vperm.xlane v21, v0;
	v22 =	vld.idx.msk [tilespmem:v19+s5+$0x0], $0xffff  }
0x5c6: {  	v19 =	vperm.xlane v20, v0;
	v20 =	vadd.s32 v3, v18  }
0x5c7: {  	v21 =	vadd.s32 v1, v17  }
0x5c8: {  	v23 =	vadd.s32 v1, v19;
	_ =	sdelay $0x1  }
0x5c9: {  	[tilespmem:s14+$0xFFFFFEA0] =	vst.add.f32.msk $0xffff, v22  }
0x5ca: {  	v20 =	vld.idx.msk [tilespmem:v20+s5+$0x0], $0xffff  }
0x5cb: {  	v21 =	vld.idx.msk [tilespmem:v21+s5+$0x0], $0xffff  }
0x5cc: {  	v22 =	vld.idx.msk [tilespmem:v23+s5+$0x0], $0xffff  }
0x5cd: {  	v24 =	vadd.s32 v2, v17  }
0x5ce: {  	v23 =	vadd.s32 v2, v19  }
0x5cf: {  	[tilespmem:s14+$0xFFFFFEB0] =	vst.add.f32.msk $0xffff, v20  }
0x5d0: {  	[tilespmem:s14+$0xFFFFFF10] =	vst.add.f32.msk $0xffff, v21  }
0x5d1: {  	v20 =	vadd.s32 v4, v18;
	[tilespmem:s14+$0xFFFFFF90] =	vst.add.f32.msk $0xffff, v22  }
0x5d2: {  	v21 =	vld.idx.msk [tilespmem:v24+s5+$0x0], $0xffff  }
0x5d3: {  	s16 =	simm.s32 $0x3;
	v22 =	vld.idx.msk [tilespmem:v23+s5+$0x0], $0xffff  }
0x5d4: {  	s19 =	sand.u32 $0xFF, s16;
	v24 =	vadd.s32 v3, v17  }
0x5d5: {  	v25 =	vadd.s32 v3, v19;
	v23 =	vld [tilespmem:s19+$0x780]  }
0x5d6: {  	v26 =	vld.idx.msk [tilespmem:v20+s5+$0x0], $0xffff  }
0x5d7: {  	[tilespmem:s14+$0xFFFFFF20] =	vst.add.f32.msk $0xffff, v21  }
0x5d8: {  	[tilespmem:s14+$0xFFFFFFA0] =	vst.add.f32.msk $0xffff, v22  }
0x5d9: {  	v21 =	vld.idx.msk [tilespmem:v24+s5+$0x0], $0xffff  }
0x5da: {  	v20 =	vperm.xlane v23, v0;
	v22 =	vld.idx.msk [tilespmem:v25+s5+$0x0], $0xffff  }
0x5db: {  	v23 =	vadd.s32 v5, v18  }
0x5dc: {  	v25 =	vadd.s32 v1, v20  }
0x5dd: {  	v24 =	vadd.s32 v4, v19;
	[tilespmem:s14+$0xFFFFFEC0] =	vst.add.f32.msk $0xffff, v26  }
0x5de: {  	v26 =	vadd.s32 v4, v17;
	[tilespmem:s14+$0xFFFFFF30] =	vst.add.f32.msk $0xffff, v21  }
0x5df: {  	[tilespmem:s14+$0xFFFFFFB0] =	vst.add.f32.msk $0xffff, v22  }
0x5e0: {  	v22 =	vld.idx.msk [tilespmem:v23+s5+$0x0], $0xffff  }
0x5e1: {  	v23 =	vld.idx.msk [tilespmem:v25+s5+$0x0], $0xffff  }
0x5e2: {  	v24 =	vld.idx.msk [tilespmem:v24+s5+$0x0], $0xffff  }
0x5e3: {  	s18 =	simm.s32 $0x785;
	v21 =	vadd.s32 v5, v19;
	v25 =	vld.idx.msk [tilespmem:v26+s5+$0x0], $0xffff  }
0x5e4: {  	v26 =	vld [tilespmem:s18+$0xFFFFFFFF]  }
0x5e5: {  	s17 =	simm.s32 $0x11F70;
	[tilespmem:s14+$0xFFFFFED0] =	vst.add.f32.msk $0xffff, v22  }
0x5e6: {  	v22 =	vadd.s32 v5, v17;
	[tilespmem:s17+$0xFFFFFE90] =	vst.add.f32.msk $0xffff, v23  }
0x5e7: {  	v23 =	vadd.s32 v2, v20;
	[tilespmem:s14+$0xFFFFFFC0] =	vst.add.f32.msk $0xffff, v24  }
0x5e8: {  	v24 =	vadd.s32 v6, v18;
	v27 =	vld.idx.msk [tilespmem:v21+s5+$0x0], $0xffff  }
0x5e9: {  	v21 =	vperm.xlane v26, v0;
	[tilespmem:s14+$0xFFFFFF40] =	vst.add.f32.msk $0xffff, v25  }
0x5ea: {  	v25 =	vld [tilespmem:s18+$0x0];
	v26 =	vadd.s32 v6, v19  }
0x5eb: {  	v28 =	vadd.s32 v1, v21;
	v22 =	vld.idx.msk [tilespmem:v22+s5+$0x0], $0xffff  }
0x5ec: {  	v29 =	vld.idx.msk [tilespmem:v23+s5+$0x0], $0xffff  }
0x5ed: {  	v31 =	vld.idx.msk [tilespmem:v24+s5+$0x0], $0xffff  }
0x5ee: {  	v30 =	vadd.s32 v3, v20;
	[tilespmem:s14+$0xFFFFFFD0] =	vst.add.f32.msk $0xffff, v27  }
0x5ef: {  	v24 =	vadd.s32 v6, v17;
	v26 =	vld.idx.msk [tilespmem:v26+s5+$0x0], $0xffff  }
0x5f0: {  	v23 =	vld.idx.msk [tilespmem:v28+s5+$0x0], $0xffff  }
0x5f1: {  	[tilespmem:s17+$0xFFFFFEA0] =	vst.add.f32.msk $0xffff, v29;
	v29 =	vadd.s32 v7, v18  }
0x5f2: {  	[tilespmem:s14+$0xFFFFFF50] =	vst.add.f32.msk $0xffff, v22  }
0x5f3: {  	v22 =	vperm.xlane v25, v0;
	v28 =	vld.idx.msk [tilespmem:v30+s5+$0x0], $0xffff;
	v30 =	vadd.s32 v7, v19  }
0x5f4: {  	v27 =	vld.idx.msk [tilespmem:v24+s5+$0x0], $0xffff  }
0x5f5: {  	s15 =	simm.s32 $0x11F70;
	v25 =	vadd.s32 v2, v21;
	[tilespmem:s14+$0xFFFFFEE0] =	vst.add.f32.msk $0xffff, v31;
	v31 =	vadd.s32 v7, v17;
	v24 =	vadd.s32 v1, v22  }
.LBB2_18:
0x5f6: {  	s16 =	sadd.s32 $0x3, s16;
	v29 =	vld.idx.msk [tilespmem:v29+s5+$0x0], $0xffff  }
0x5f7: {  	s19 =	sand.u32 $0xFF, s16;
	p1 =	slt.u32 s16, $0xED;
	[tilespmem:s14+$0xFFFFFFE0] =	vst.add.f32.msk $0xffff, v26  }
0x5f8: {  	v26 =	vld.idx.msk [tilespmem:v30+s5+$0x0], $0xffff  }
0x5f9: {  	v30 =	vadd.s32 v2, v22;
	[tilespmem:s14+$0xFFFFFF60] =	vst.add.f32.msk $0xffff, v27  }
0x5fa: {  	v27 =	vld.idx.msk [tilespmem:v31+s5+$0x0], $0xffff  }
0x5fb: {  	[tilespmem:s17+$0xFFFFFEB0] =	vst.add.f32.msk $0xffff, v28;
	v28 =	vadd.s32 v3, v21  }
0x5fc: {  	[tilespmem:s17+$0xFFFFFF10] =	vst.add.f32.msk $0xffff, v23  }
0x5fd: {  	v23 =	vld.idx.msk [tilespmem:v24+s5+$0x0], $0xffff;
	v24 =	vadd.s32 v8, v18;
	v18 =	vmov v20  }
0x5fe: {  	v25 =	vld.idx.msk [tilespmem:v25+s5+$0x0], $0xffff  }
0x5ff: {  	v20 =	vld [tilespmem:s19+$0x780]  }
0x600: {  	[tilespmem:s14+$0xFFFFFFF0] =	vst.add.f32.msk $0xffff, v26;
	v26 =	vadd.s32 v8, v19;
	v19 =	vmov v22  }
0x601: {  	[tilespmem:s14+$0xFFFFFEF0] =	vst.add.f32.msk $0xffff, v29  }
0x602: {  	v22 =	vadd.s32 v3, v19;
	v29 =	vadd.s32 v8, v17;
	v17 =	vmov v21;
	v24 =	vld.idx.msk [tilespmem:v24+s5+$0x0], $0xffff  }
0x603: {  	[tilespmem:s17+$0xFFFFFF90] =	vst.add.f32.msk $0xffff, v23  }
0x604: {  	v21 =	vadd.s32 v4, v18;
	v23 =	vld.idx.msk [tilespmem:v30+s5+$0x0], $0xffff  }
0x605: {  	v26 =	vld.idx.msk [tilespmem:v26+s5+$0x0], $0xffff  }
0x606: {  	[tilespmem:s14+$0xFFFFFF70] =	vst.add.f32.msk $0xffff, v27  }
0x607: {  	v20 =	vperm.xlane v20, v0;
	v27 =	vld.idx.msk [tilespmem:v29+s5+$0x0], $0xffff  }
0x608: {  	[tilespmem:s14+$0xFFFFFF00] =	vst.add.f32.msk $0xffff, v24  }
0x609: {  	s17 =	sadd.s32 $0x180, s17;
	v21 =	vld.idx.msk [tilespmem:v21+s5+$0x0], $0xffff  }
0x60a: {  	[tilespmem:s15+$0xFFFFFFA0] =	vst.add.f32.msk $0xffff, v23  }
0x60b: {  	v23 =	vadd.s32 v1, v20;
	v22 =	vld.idx.msk [tilespmem:v22+s5+$0x0], $0xffff  }
0x60c: {  	[tilespmem:s14+$0x0] =	vst.add.f32.msk $0xffff, v26  }
0x60d: {  	v24 =	vadd.s32 v5, v18;
	[tilespmem:s14+$0xFFFFFF80] =	vst.add.f32.msk $0xffff, v27;
	s14 =	smov.u32 s15;
	s15 =	smov.u32 s17  }
0x60e: {  	[tilespmem:s14+$0xFFFFFF20] =	vst.add.f32.msk $0xffff, v25  }
0x60f: {  	v26 =	vadd.s32 v4, v19;
	v25 =	vld.idx.msk [tilespmem:v28+s5+$0x0], $0xffff  }
0x610: {  	[tilespmem:s14+$0xFFFFFEC0] =	vst.add.f32.msk $0xffff, v21  }
0x611: {  	v21 =	vadd.s32 v4, v17;
	[tilespmem:s14+$0xFFFFFFB0] =	vst.add.f32.msk $0xffff, v22  }
0x612: {  	v22 =	vld.idx.msk [tilespmem:v24+s5+$0x0], $0xffff  }
0x613: {  	v23 =	vld.idx.msk [tilespmem:v23+s5+$0x0], $0xffff  }
0x614: {  	v24 =	vld.idx.msk [tilespmem:v26+s5+$0x0], $0xffff  }
0x615: {  	s18 =	sadd.s32 $0x3, s18;
	[tilespmem:s14+$0xFFFFFF30] =	vst.add.f32.msk $0xffff, v25  }
0x616: {  	v25 =	vld.idx.msk [tilespmem:v21+s5+$0x0], $0xffff;
	v21 =	vadd.s32 v5, v19  }
0x617: {  	v26 =	vld [tilespmem:s18+$0xFFFFFFFF]  }
0x618: {  	[tilespmem:s14+$0xFFFFFED0] =	vst.add.f32.msk $0xffff, v22  }
0x619: {  	v22 =	vadd.s32 v5, v17;
	[tilespmem:s17+$0xFFFFFE90] =	vst.add.f32.msk $0xffff, v23  }
0x61a: {  	v23 =	vadd.s32 v2, v20;
	[tilespmem:s14+$0xFFFFFFC0] =	vst.add.f32.msk $0xffff, v24  }
0x61b: {  	v24 =	vadd.s32 v6, v18;
	v27 =	vld.idx.msk [tilespmem:v21+s5+$0x0], $0xffff  }
0x61c: {  	v21 =	vperm.xlane v26, v0;
	[tilespmem:s14+$0xFFFFFF40] =	vst.add.f32.msk $0xffff, v25  }
0x61d: {  	v26 =	vadd.s32 v6, v19;
	v25 =	vld [tilespmem:s18+$0x0]  }
0x61e: {  	v28 =	vadd.s32 v1, v21;
	v30 =	vld.idx.msk [tilespmem:v22+s5+$0x0], $0xffff  }
0x61f: {  	v31 =	vld.idx.msk [tilespmem:v23+s5+$0x0], $0xffff  }
0x620: {  	v33 =	vadd.s32 v6, v17;
	v32 =	vld.idx.msk [tilespmem:v24+s5+$0x0], $0xffff  }
0x621: {  	[tilespmem:s14+$0xFFFFFFD0] =	vst.add.f32.msk $0xffff, v27  }
0x622: {  	v34 =	vadd.s32 v3, v20;
	v22 =	vperm.xlane v25, v0;
	v26 =	vld.idx.msk [tilespmem:v26+s5+$0x0], $0xffff  }
0x623: {  	v23 =	vld.idx.msk [tilespmem:v28+s5+$0x0], $0xffff  }
.Ltmp10:
0x624: {  	v29 =	vadd.s32 v7, v18;
	v24 =	vadd.s32 v1, v22;
	[tilespmem:s14+$0xFFFFFF50] =	vst.add.f32.msk $0xffff, v30;
	(pc) =	sbr.rel @p1 .LBB2_18-.Ltmp10, $4  }
0x625: {  	v27 =	vld.idx.msk [tilespmem:v33+s5+$0x0], $0xffff  }
0x626: {  	v30 =	vadd.s32 v7, v19;
	[tilespmem:s17+$0xFFFFFEA0] =	vst.add.f32.msk $0xffff, v31  }
0x627: {  	v25 =	vadd.s32 v2, v21;
	v28 =	vld.idx.msk [tilespmem:v34+s5+$0x0], $0xffff  }
0x628: {  	v31 =	vadd.s32 v7, v17;
	[tilespmem:s14+$0xFFFFFEE0] =	vst.add.f32.msk $0xffff, v32  }
0x629: {  	_ =	sdelay $0x3  }
0x62a: {  	v29 =	vld.idx.msk [tilespmem:v29+s5+$0x0], $0xffff  }
0x62b: {  	[tilespmem:s14+$0xFFFFFFE0] =	vst.add.f32.msk $0xffff, v26  }
0x62c: {  	v24 =	vld.idx.msk [tilespmem:v24+s5+$0x0], $0xffff  }
0x62d: {  	[tilespmem:s17+$0xFFFFFF10] =	vst.add.f32.msk $0xffff, v23  }
0x62e: {  	v26 =	vld.idx.msk [tilespmem:v30+s5+$0x0], $0xffff  }
0x62f: {  	[tilespmem:s14+$0xFFFFFF60] =	vst.add.f32.msk $0xffff, v27;
	v27 =	vadd.s32 v2, v22  }
0x630: {  	v23 =	vld.idx.msk [tilespmem:v25+s5+$0x0], $0xffff  }
0x631: {  	v63 =	vld.idx.msk [tilespmem:v31+s5+$0x0], $0xffff  }
0x632: {  	v18 =	vadd.s32 v8, v18;
	[tilespmem:s17+$0xFFFFFEB0] =	vst.add.f32.msk $0xffff, v28  }
0x633: {  	[tilespmem:s17+$0xFFFFFF90] =	vst.add.f32.msk $0xffff, v24;
	v24 =	vadd.s32 v4, v20  }
0x634: {  	v25 =	vld.idx.msk [tilespmem:v27+s5+$0x0], $0xffff  }
0x635: {  	[tilespmem:s14+$0xFFFFFFF0] =	vst.add.f32.msk $0xffff, v26;
	v26 =	vadd.s32 v3, v22  }
0x636: {  	[tilespmem:s14+$0xFFFFFEF0] =	vst.add.f32.msk $0xffff, v29  }
0x637: {  	v18 =	vld.idx.msk [tilespmem:v18+s5+$0x0], $0xffff;
	v27 =	vadd.s32 v3, v21  }
0x638: {  	v19 =	vadd.s32 v8, v19;
	v24 =	vld.idx.msk [tilespmem:v24+s5+$0x0], $0xffff  }
0x639: {  	[tilespmem:s15+$0xFFFFFFA0] =	vst.add.f32.msk $0xffff, v25  }
0x63a: {  	v25 =	vld.idx.msk [tilespmem:v26+s5+$0x0], $0xffff  }
0x63b: {  	[tilespmem:s15+$0xFFFFFF20] =	vst.add.f32.msk $0xffff, v23;
	v26 =	vadd.s32 v4, v22  }
0x63c: {  	v23 =	vld.idx.msk [tilespmem:v27+s5+$0x0], $0xffff  }
0x63d: {  	v28 =	vadd.s32 v5, v20;
	v19 =	vld.idx.msk [tilespmem:v19+s5+$0x0], $0xffff  }
0x63e: {  	[tilespmem:s15+$0xFFFFFEC0] =	vst.add.f32.msk $0xffff, v24;
	v24 =	vadd.s32 v4, v21  }
0x63f: {  	[tilespmem:s15+$0xFFFFFFB0] =	vst.add.f32.msk $0xffff, v25  }
0x640: {  	v25 =	vld.idx.msk [tilespmem:v26+s5+$0x0], $0xffff  }
0x641: {  	v27 =	vadd.s32 v5, v22;
	[tilespmem:s15+$0xFFFFFF30] =	vst.add.f32.msk $0xffff, v23  }
0x642: {  	v26 =	vld.idx.msk [tilespmem:v28+s5+$0x0], $0xffff  }
0x643: {  	v23 =	vld.idx.msk [tilespmem:v24+s5+$0x0], $0xffff  }
0x644: {  	[tilespmem:s14+$0xFFFFFF70] =	vst.add.f32.msk $0xffff, v63;
	v24 =	vadd.s32 v5, v21  }
0x645: {  	[tilespmem:s15+$0xFFFFFFC0] =	vst.add.f32.msk $0xffff, v25;
	v25 =	vadd.s32 v6, v20  }
0x646: {  	v27 =	vld.idx.msk [tilespmem:v27+s5+$0x0], $0xffff  }
0x647: {  	[tilespmem:s15+$0xFFFFFED0] =	vst.add.f32.msk $0xffff, v26;
	v26 =	vadd.s32 v6, v22  }
0x648: {  	v17 =	vadd.s32 v8, v17;
	[tilespmem:s15+$0xFFFFFF40] =	vst.add.f32.msk $0xffff, v23  }
0x649: {  	v23 =	vld.idx.msk [tilespmem:v24+s5+$0x0], $0xffff  }
0x64a: {  	v24 =	vld.idx.msk [tilespmem:v25+s5+$0x0], $0xffff;
	v25 =	vadd.s32 v6, v21  }
0x64b: {  	[tilespmem:s15+$0xFFFFFFD0] =	vst.add.f32.msk $0xffff, v27  }
0x64c: {  	v26 =	vld.idx.msk [tilespmem:v26+s5+$0x0], $0xffff  }
0x64d: {  	v17 =	vld.idx.msk [tilespmem:v17+s5+$0x0], $0xffff;
	v28 =	vadd.s32 v7, v20  }
0x64e: {  	v27 =	vadd.s32 v7, v22;
	[tilespmem:s15+$0xFFFFFF50] =	vst.add.f32.msk $0xffff, v23  }
0x64f: {  	v23 =	vld.idx.msk [tilespmem:v25+s5+$0x0], $0xffff  }
0x650: {  	[tilespmem:s15+$0xFFFFFEE0] =	vst.add.f32.msk $0xffff, v24  }
0x651: {  	v24 =	vadd.s32 v7, v21;
	[tilespmem:s15+$0xFFFFFFE0] =	vst.add.f32.msk $0xffff, v26  }
0x652: {  	v26 =	vld.idx.msk [tilespmem:v28+s5+$0x0], $0xffff  }
0x653: {  	v25 =	vld.idx.msk [tilespmem:v27+s5+$0x0], $0xffff  }
0x654: {  	[tilespmem:s14+$0xFFFFFF00] =	vst.add.f32.msk $0xffff, v18;
	v18 =	vadd.s32 v8, v20  }
0x655: {  	v20 =	vadd.s32 v8, v22;
	[tilespmem:s15+$0xFFFFFF60] =	vst.add.f32.msk $0xffff, v23  }
0x656: {  	v22 =	vld.idx.msk [tilespmem:v24+s5+$0x0], $0xffff  }
0x657: {  	v21 =	vadd.s32 v8, v21;
	[tilespmem:s15+$0xFFFFFEF0] =	vst.add.f32.msk $0xffff, v26  }
0x658: {  	[tilespmem:s15+$0xFFFFFFF0] =	vst.add.f32.msk $0xffff, v25  }
0x659: {  	v18 =	vld.idx.msk [tilespmem:v18+s5+$0x0], $0xffff  }
0x65a: {  	v20 =	vld.idx.msk [tilespmem:v20+s5+$0x0], $0xffff  }
0x65b: {  	[tilespmem:s15+$0xFFFFFF70] =	vst.add.f32.msk $0xffff, v22  }
0x65c: {  	v21 =	vld.idx.msk [tilespmem:v21+s5+$0x0], $0xffff  }
0x65d: {  	[tilespmem:s14+$0x0] =	vst.add.f32.msk $0xffff, v19  }
0x65e: {  	[tilespmem:s14+$0xFFFFFF80] =	vst.add.f32.msk $0xffff, v17  }
0x65f: {  	[tilespmem:s15+$0xFFFFFF00] =	vst.add.f32.msk $0xffff, v18  }
0x660: {  	[tilespmem:s15+$0x0] =	vst.add.f32.msk $0xffff, v20  }
0x661: {  	[tilespmem:s15+$0xFFFFFF80] =	vst.add.f32.msk $0xffff, v21  }
0x662: {  	[hbm4b:s20+s1] =	stream.linear.scatter [tilespmem:s4], [sflag:$0x6], $0x7800, $0x38;
	[tilespmem:$0x19900] =	vst v63  }
0x663: {  	_ =	swait.ge [sflag:s10], $0x7800  }
0x664: {  	[sflag:s10] =	ssyncset.done $0x0  }
0x665: {  	[sflag:s10] =	ssyncadd.s32 $0xFFFF8800  }
0x666: {  	[tilespmem:s3], [sflag:$0x2] =	stream.linear.gather [hbm4b:s23+s1], $0x7800, $0x38;
	[tilespmem:$0x19900] =	vst v63  }
0x667: {  	_ =	swait.ge [sflag:s11], $0x7800  }
0x668: {  	[sflag:s11] =	ssyncset.done $0x0  }
0x669: {  	s18 =	simm.s32 $0x872;
	[sflag:s11] =	ssyncadd.s32 $0xFFFF8800  }
0x66a: {  	v17 =	vld [tilespmem:s18+$0x0]  }
0x66b: {  	v18 =	vld [tilespmem:s18+$0xFFFFFFFF];
	_ =	sdelay $0x2  }
0x66c: {  	v19 =	vld [tilespmem:s18+$0xFFFFFFFE]  }
0x66d: {  	v20 =	vperm.xlane v17, v0  }
0x66e: {  	v18 =	vperm.xlane v18, v0  }
0x66f: {  	v17 =	vadd.s32 v1, v20  }
0x670: {  	v21 =	vadd.s32 v1, v18  }
0x671: {  	v19 =	vperm.xlane v19, v0;
	_ =	sdelay $0x1  }
0x672: {  	v22 =	vadd.s32 v1, v19  }
0x673: {  	v17 =	vld.idx.msk [tilespmem:v17+s5+$0x0], $0xffff  }
0x674: {  	v21 =	vld.idx.msk [tilespmem:v21+s5+$0x0], $0xffff  }
0x675: {  	v23 =	vadd.s32 v2, v20  }
0x676: {  	v24 =	vadd.s32 v2, v18  }
0x677: {  	s14 =	simm.s32 $0x2DF0;
	v22 =	vld.idx.msk [tilespmem:v22+s5+$0x0], $0xffff  }
0x678: {  	[tilespmem:s14+$0xFFFFFF90] =	vst.add.f32.msk $0xffff, v17  }
0x679: {  	v25 =	vadd.s32 v2, v19;
	[tilespmem:s14+$0xFFFFFF10] =	vst.add.f32.msk $0xffff, v21  }
0x67a: {  	v17 =	vld.idx.msk [tilespmem:v23+s5+$0x0], $0xffff  }
0x67b: {  	v23 =	vld.idx.msk [tilespmem:v24+s5+$0x0], $0xffff  }
0x67c: {  	v21 =	vadd.s32 v3, v20  }
0x67d: {  	[tilespmem:s14+$0xFFFFFE90] =	vst.add.f32.msk $0xffff, v22;
	v24 =	vadd.s32 v3, v18  }
0x67e: {  	v22 =	vld.idx.msk [tilespmem:v25+s5+$0x0], $0xffff  }
0x67f: {  	[tilespmem:s14+$0xFFFFFFA0] =	vst.add.f32.msk $0xffff, v17  }
0x680: {  	v25 =	vadd.s32 v3, v19;
	[tilespmem:s14+$0xFFFFFF20] =	vst.add.f32.msk $0xffff, v23  }
0x681: {  	v17 =	vld.idx.msk [tilespmem:v21+s5+$0x0], $0xffff  }
0x682: {  	v23 =	vld.idx.msk [tilespmem:v24+s5+$0x0], $0xffff  }
0x683: {  	v21 =	vadd.s32 v4, v20  }
0x684: {  	[tilespmem:s14+$0xFFFFFEA0] =	vst.add.f32.msk $0xffff, v22;
	v24 =	vadd.s32 v4, v18  }
0x685: {  	v22 =	vld.idx.msk [tilespmem:v25+s5+$0x0], $0xffff  }
0x686: {  	[tilespmem:s14+$0xFFFFFFB0] =	vst.add.f32.msk $0xffff, v17  }
0x687: {  	v25 =	vadd.s32 v4, v19;
	[tilespmem:s14+$0xFFFFFF30] =	vst.add.f32.msk $0xffff, v23  }
0x688: {  	v17 =	vld.idx.msk [tilespmem:v21+s5+$0x0], $0xffff  }
0x689: {  	v23 =	vld.idx.msk [tilespmem:v24+s5+$0x0], $0xffff  }
0x68a: {  	v21 =	vadd.s32 v5, v20  }
0x68b: {  	[tilespmem:s14+$0xFFFFFEB0] =	vst.add.f32.msk $0xffff, v22;
	v24 =	vadd.s32 v5, v18  }
0x68c: {  	v22 =	vld.idx.msk [tilespmem:v25+s5+$0x0], $0xffff  }
0x68d: {  	v25 =	vadd.s32 v5, v19;
	[tilespmem:s14+$0xFFFFFFC0] =	vst.add.f32.msk $0xffff, v17  }
0x68e: {  	[tilespmem:s14+$0xFFFFFF40] =	vst.add.f32.msk $0xffff, v23  }
0x68f: {  	v17 =	vld.idx.msk [tilespmem:v21+s5+$0x0], $0xffff  }
0x690: {  	v23 =	vld.idx.msk [tilespmem:v24+s5+$0x0], $0xffff  }
0x691: {  	[tilespmem:s14+$0xFFFFFEC0] =	vst.add.f32.msk $0xffff, v22;
	v21 =	vadd.s32 v6, v20  }
0x692: {  	s19 =	simm.s32 $0x875;
	v22 =	vld.idx.msk [tilespmem:v25+s5+$0x0], $0xffff;
	v24 =	vadd.s32 v6, v18  }
0x693: {  	v25 =	vld [tilespmem:s19+$0xFFFFFFFF]  }
0x694: {  	[tilespmem:s14+$0xFFFFFFD0] =	vst.add.f32.msk $0xffff, v17  }
0x695: {  	[tilespmem:s14+$0xFFFFFF50] =	vst.add.f32.msk $0xffff, v23  }
0x696: {  	v17 =	vld.idx.msk [tilespmem:v21+s5+$0x0], $0xffff  }
0x697: {  	v24 =	vld.idx.msk [tilespmem:v24+s5+$0x0], $0xffff  }
0x698: {  	v26 =	vadd.s32 v6, v19;
	v23 =	vld [tilespmem:s19+$0x0]  }
0x699: {  	v28 =	vld [tilespmem:s19+$0xFFFFFFFE];
	v21 =	vadd.s32 v7, v20  }
0x69a: {  	v27 =	vadd.s32 v7, v18;
	[tilespmem:s14+$0xFFFFFED0] =	vst.add.f32.msk $0xffff, v22;
	v22 =	vperm.xlane v25, v0  }
0x69b: {  	[tilespmem:s14+$0xFFFFFFE0] =	vst.add.f32.msk $0xffff, v17  }
0x69c: {  	[tilespmem:s14+$0xFFFFFF60] =	vst.add.f32.msk $0xffff, v24;
	v24 =	vadd.s32 v1, v22  }
0x69d: {  	v17 =	vperm.xlane v23, v0;
	v23 =	vld.idx.msk [tilespmem:v26+s5+$0x0], $0xffff  }
0x69e: {  	v21 =	vld.idx.msk [tilespmem:v21+s5+$0x0], $0xffff  }
0x69f: {  	v26 =	vld.idx.msk [tilespmem:v27+s5+$0x0], $0xffff;
	v27 =	vadd.s32 v7, v19  }
0x6a0: {  	v20 =	vadd.s32 v8, v20  }
0x6a1: {  	v24 =	vld.idx.msk [tilespmem:v24+s5+$0x0], $0xffff  }
0x6a2: {  	v25 =	vadd.s32 v1, v17;
	[tilespmem:s14+$0xFFFFFEE0] =	vst.add.f32.msk $0xffff, v23  }
0x6a3: {  	[tilespmem:s14+$0xFFFFFFF0] =	vst.add.f32.msk $0xffff, v21  }
0x6a4: {  	v28 =	vperm.xlane v28, v0;
	v23 =	vld.idx.msk [tilespmem:v27+s5+$0x0], $0xffff;
	v27 =	vadd.s32 v2, v22  }
0x6a5: {  	v20 =	vld.idx.msk [tilespmem:v20+s5+$0x0], $0xffff  }
0x6a6: {  	v21 =	vadd.s32 v1, v28  }
0x6a7: {  	s15 =	simm.s32 $0x2F70;
	v25 =	vld.idx.msk [tilespmem:v25+s5+$0x0], $0xffff  }
0x6a8: {  	[tilespmem:s15+$0xFFFFFF10] =	vst.add.f32.msk $0xffff, v24  }
0x6a9: {  	v29 =	vadd.s32 v2, v17;
	v24 =	vld.idx.msk [tilespmem:v27+s5+$0x0], $0xffff  }
0x6aa: {  	[tilespmem:s14+$0x0] =	vst.add.f32.msk $0xffff, v20  }
0x6ab: {  	v20 =	vld.idx.msk [tilespmem:v21+s5+$0x0], $0xffff  }
0x6ac: {  	[tilespmem:s14+$0xFFFFFEF0] =	vst.add.f32.msk $0xffff, v23;
	v23 =	vadd.s32 v3, v22  }
0x6ad: {  	[tilespmem:s15+$0xFFFFFF90] =	vst.add.f32.msk $0xffff, v25;
	v21 =	vadd.s32 v2, v28  }
0x6ae: {  	v25 =	vld.idx.msk [tilespmem:v29+s5+$0x0], $0xffff  }
0x6af: {  	[tilespmem:s15+$0xFFFFFF20] =	vst.add.f32.msk $0xffff, v24  }
0x6b0: {  	v27 =	vadd.s32 v3, v17;
	[tilespmem:s15+$0xFFFFFE90] =	vst.add.f32.msk $0xffff, v20  }
0x6b1: {  	v23 =	vld.idx.msk [tilespmem:v23+s5+$0x0], $0xffff  }
0x6b2: {  	v20 =	vld.idx.msk [tilespmem:v21+s5+$0x0], $0xffff  }
0x6b3: {  	[tilespmem:s14+$0xFFFFFF70] =	vst.add.f32.msk $0xffff, v26;
	v26 =	vadd.s32 v4, v22  }
0x6b4: {  	[tilespmem:s15+$0xFFFFFFA0] =	vst.add.f32.msk $0xffff, v25;
	v21 =	vadd.s32 v3, v28  }
0x6b5: {  	v19 =	vadd.s32 v8, v19;
	v25 =	vld.idx.msk [tilespmem:v27+s5+$0x0], $0xffff  }
0x6b6: {  	[tilespmem:s15+$0xFFFFFF30] =	vst.add.f32.msk $0xffff, v23  }
0x6b7: {  	v24 =	vadd.s32 v4, v17;
	[tilespmem:s15+$0xFFFFFEA0] =	vst.add.f32.msk $0xffff, v20  }
0x6b8: {  	v23 =	vld.idx.msk [tilespmem:v26+s5+$0x0], $0xffff  }
0x6b9: {  	v20 =	vld.idx.msk [tilespmem:v21+s5+$0x0], $0xffff  }
0x6ba: {  	v29 =	vld.idx.msk [tilespmem:v19+s5+$0x0], $0xffff;
	v19 =	vadd.s32 v5, v22  }
0x6bb: {  	[tilespmem:s15+$0xFFFFFFB0] =	vst.add.f32.msk $0xffff, v25;
	v21 =	vadd.s32 v4, v28  }
0x6bc: {  	v24 =	vld.idx.msk [tilespmem:v24+s5+$0x0], $0xffff  }
0x6bd: {  	v25 =	vadd.s32 v5, v17;
	[tilespmem:s15+$0xFFFFFF40] =	vst.add.f32.msk $0xffff, v23  }
0x6be: {  	[tilespmem:s15+$0xFFFFFEB0] =	vst.add.f32.msk $0xffff, v20  }
0x6bf: {  	v18 =	vadd.s32 v8, v18;
	v19 =	vld.idx.msk [tilespmem:v19+s5+$0x0], $0xffff  }
0x6c0: {  	v20 =	vld.idx.msk [tilespmem:v21+s5+$0x0], $0xffff  }
0x6c1: {  	[tilespmem:s15+$0xFFFFFFC0] =	vst.add.f32.msk $0xffff, v24  }
0x6c2: {  	v25 =	vld.idx.msk [tilespmem:v25+s5+$0x0], $0xffff  }
0x6c3: {  	[tilespmem:s14+$0xFFFFFF00] =	vst.add.f32.msk $0xffff, v29;
	v26 =	vadd.s32 v6, v17  }
0x6c4: {  	v27 =	vadd.s32 v6, v22;
	v23 =	vld.idx.msk [tilespmem:v18+s5+$0x0], $0xffff  }
0x6c5: {  	v21 =	vadd.s32 v5, v28;
	[tilespmem:s15+$0xFFFFFF50] =	vst.add.f32.msk $0xffff, v19  }
0x6c6: {  	[tilespmem:s15+$0xFFFFFEC0] =	vst.add.f32.msk $0xffff, v20  }
0x6c7: {  	[tilespmem:s15+$0xFFFFFFD0] =	vst.add.f32.msk $0xffff, v25  }
0x6c8: {  	v26 =	vld.idx.msk [tilespmem:v26+s5+$0x0], $0xffff  }
0x6c9: {  	v18 =	vadd.s32 v8, v22;
	v19 =	vadd.s32 v8, v28;
	v25 =	vld.idx.msk [tilespmem:v27+s5+$0x0], $0xffff;
	v27 =	vadd.s32 v7, v17  }
0x6ca: {  	s16 =	simm.s32 $0x3;
	s17 =	simm.s32 $0x878;
	v20 =	vadd.s32 v7, v28;
	v24 =	vld.idx.msk [tilespmem:v21+s5+$0x0], $0xffff;
	v21 =	vadd.s32 v7, v22;
	v22 =	vadd.s32 v6, v28  }
.LBB2_20:
0x6cb: {  	v28 =	vld [tilespmem:s17+$0x0];
	s16 =	sadd.s32 $0x3, s16  }
0x6cc: {  	v29 =	vld [tilespmem:s17+$0xFFFFFFFF];
	p1 =	slt.u32 s16, $0xED  }
0x6cd: {  	[tilespmem:s15+$0xFFFFFFE0] =	vst.add.f32.msk $0xffff, v26  }
0x6ce: {  	v26 =	vld.idx.msk [tilespmem:v27+s5+$0x0], $0xffff  }
0x6cf: {  	v27 =	vld [tilespmem:s17+$0xFFFFFFFE]  }
0x6d0: {  	[tilespmem:s15+$0xFFFFFED0] =	vst.add.f32.msk $0xffff, v24;
	v24 =	vadd.s32 v8, v17;
	v17 =	vperm.xlane v28, v0  }
0x6d1: {  	v28 =	vperm.xlane v29, v0;
	v29 =	vld.idx.msk [tilespmem:v22+s5+$0x0], $0xffff  }
0x6d2: {  	v30 =	vadd.s32 v1, v17;
	[tilespmem:s15+$0xFFFFFF60] =	vst.add.f32.msk $0xffff, v25  }
0x6d3: {  	v25 =	vadd.s32 v1, v28;
	v31 =	vadd.s32 v2, v28;
	v32 =	vadd.s32 v3, v28;
	v33 =	vld.idx.msk [tilespmem:v21+s5+$0x0], $0xffff  }
0x6d4: {  	v34 =	vadd.s32 v4, v28;
	v35 =	vadd.s32 v5, v28;
	v27 =	vperm.xlane v27, v0;
	[tilespmem:s15+$0xFFFFFFF0] =	vst.add.f32.msk $0xffff, v26  }
0x6d5: {  	v36 =	vadd.s32 v6, v28;
	v21 =	vadd.s32 v7, v28;
	v26 =	vadd.s32 v8, v28;
	v24 =	vld.idx.msk [tilespmem:v24+s5+$0x0], $0xffff  }
0x6d6: {  	v28 =	vadd.s32 v1, v27;
	v37 =	vadd.s32 v2, v27;
	v38 =	vadd.s32 v3, v27;
	[tilespmem:s14+$0xFFFFFF80] =	vst.add.f32.msk $0xffff, v23;
	s14 =	smov.u32 s15  }
0x6d7: {  	v23 =	vadd.s32 v4, v27;
	v39 =	vadd.s32 v5, v27;
	v22 =	vadd.s32 v6, v27;
	v30 =	vld.idx.msk [tilespmem:v30+s5+$0x0], $0xffff  }
0x6d8: {  	v40 =	vadd.s32 v7, v27;
	v27 =	vadd.s32 v8, v27;
	v25 =	vld.idx.msk [tilespmem:v25+s5+$0x0], $0xffff  }
0x6d9: {  	v41 =	vadd.s32 v2, v17;
	[tilespmem:s15+$0xFFFFFEE0] =	vst.add.f32.msk $0xffff, v29  }
0x6da: {  	v29 =	vld.idx.msk [tilespmem:v20+s5+$0x0], $0xffff;
	v20 =	vmov v40  }
0x6db: {  	[tilespmem:s15+$0x0] =	vst.add.f32.msk $0xffff, v24  }
0x6dc: {  	s15 =	sadd.s32 $0x180, s15;
	v24 =	vld.idx.msk [tilespmem:v28+s5+$0x0], $0xffff  }
0x6dd: {  	[tilespmem:s15+$0xFFFFFF90] =	vst.add.f32.msk $0xffff, v30  }
0x6de: {  	v28 =	vld.idx.msk [tilespmem:v41+s5+$0x0], $0xffff  }
0x6df: {  	[tilespmem:s15+$0xFFFFFF10] =	vst.add.f32.msk $0xffff, v25  }
0x6e0: {  	v30 =	vadd.s32 v3, v17;
	v25 =	vld.idx.msk [tilespmem:v31+s5+$0x0], $0xffff  }
0x6e1: {  	[tilespmem:s14+$0xFFFFFEF0] =	vst.add.f32.msk $0xffff, v29  }
0x6e2: {  	[tilespmem:s15+$0xFFFFFE90] =	vst.add.f32.msk $0xffff, v24  }
0x6e3: {  	v24 =	vld.idx.msk [tilespmem:v37+s5+$0x0], $0xffff  }
0x6e4: {  	[tilespmem:s15+$0xFFFFFFA0] =	vst.add.f32.msk $0xffff, v28  }
0x6e5: {  	v28 =	vld.idx.msk [tilespmem:v30+s5+$0x0], $0xffff  }
0x6e6: {  	[tilespmem:s15+$0xFFFFFF20] =	vst.add.f32.msk $0xffff, v25  }
0x6e7: {  	v29 =	vadd.s32 v4, v17;
	v25 =	vld.idx.msk [tilespmem:v32+s5+$0x0], $0xffff  }
0x6e8: {  	[tilespmem:s14+$0xFFFFFF70] =	vst.add.f32.msk $0xffff, v33  }
0x6e9: {  	[tilespmem:s15+$0xFFFFFEA0] =	vst.add.f32.msk $0xffff, v24  }
0x6ea: {  	v24 =	vld.idx.msk [tilespmem:v38+s5+$0x0], $0xffff  }
0x6eb: {  	[tilespmem:s15+$0xFFFFFFB0] =	vst.add.f32.msk $0xffff, v28  }
0x6ec: {  	v28 =	vld.idx.msk [tilespmem:v29+s5+$0x0], $0xffff  }
0x6ed: {  	[tilespmem:s15+$0xFFFFFF30] =	vst.add.f32.msk $0xffff, v25  }
0x6ee: {  	v29 =	vadd.s32 v5, v17;
	v25 =	vld.idx.msk [tilespmem:v34+s5+$0x0], $0xffff  }
0x6ef: {  	v30 =	vld.idx.msk [tilespmem:v19+s5+$0x0], $0xffff;
	v19 =	vmov v27  }
0x6f0: {  	[tilespmem:s15+$0xFFFFFEB0] =	vst.add.f32.msk $0xffff, v24  }
0x6f1: {  	v24 =	vld.idx.msk [tilespmem:v23+s5+$0x0], $0xffff  }
0x6f2: {  	[tilespmem:s15+$0xFFFFFFC0] =	vst.add.f32.msk $0xffff, v28  }
0x6f3: {  	v27 =	vld.idx.msk [tilespmem:v29+s5+$0x0], $0xffff  }
0x6f4: {  	[tilespmem:s15+$0xFFFFFF40] =	vst.add.f32.msk $0xffff, v25  }
0x6f5: {  	v28 =	vadd.s32 v6, v17;
	v25 =	vld.idx.msk [tilespmem:v35+s5+$0x0], $0xffff  }
0x6f6: {  	v23 =	vld.idx.msk [tilespmem:v18+s5+$0x0], $0xffff;
	v18 =	vmov v26  }
0x6f7: {  	[tilespmem:s15+$0xFFFFFEC0] =	vst.add.f32.msk $0xffff, v24  }
0x6f8: {  	v24 =	vld.idx.msk [tilespmem:v39+s5+$0x0], $0xffff  }
.Ltmp11:
0x6f9: {  	[tilespmem:s15+$0xFFFFFFD0] =	vst.add.f32.msk $0xffff, v27;
	(pc) =	sbr.rel @p1 .LBB2_20-.Ltmp11, $4  }
0x6fa: {  	v26 =	vld.idx.msk [tilespmem:v28+s5+$0x0], $0xffff  }
0x6fb: {  	[tilespmem:s15+$0xFFFFFF50] =	vst.add.f32.msk $0xffff, v25  }
0x6fc: {  	v27 =	vadd.s32 v7, v17;
	v25 =	vld.idx.msk [tilespmem:v36+s5+$0x0], $0xffff  }
0x6fd: {  	s17 =	sadd.s32 $0x3, s17;
	[tilespmem:s14+$0xFFFFFF00] =	vst.add.f32.msk $0xffff, v30  }
0x6fe: {  	_ =	sdelay $0x2  }
0x6ff: {  	[tilespmem:s15+$0xFFFFFED0] =	vst.add.f32.msk $0xffff, v24  }
0x700: {  	v22 =	vld.idx.msk [tilespmem:v22+s5+$0x0], $0xffff  }
0x701: {  	[tilespmem:s15+$0xFFFFFFE0] =	vst.add.f32.msk $0xffff, v26  }
0x702: {  	v24 =	vld.idx.msk [tilespmem:v27+s5+$0x0], $0xffff  }
0x703: {  	v17 =	vadd.s32 v8, v17;
	[tilespmem:s15+$0xFFFFFF60] =	vst.add.f32.msk $0xffff, v25  }
0x704: {  	v21 =	vld.idx.msk [tilespmem:v21+s5+$0x0], $0xffff  }
0x705: {  	[tilespmem:s15+$0xFFFFFEE0] =	vst.add.f32.msk $0xffff, v22  }
0x706: {  	v20 =	vld.idx.msk [tilespmem:v20+s5+$0x0], $0xffff  }
0x707: {  	[tilespmem:s15+$0xFFFFFFF0] =	vst.add.f32.msk $0xffff, v24  }
0x708: {  	v17 =	vld.idx.msk [tilespmem:v17+s5+$0x0], $0xffff  }
0x709: {  	[tilespmem:s15+$0xFFFFFF70] =	vst.add.f32.msk $0xffff, v21  }
0x70a: {  	v18 =	vld.idx.msk [tilespmem:v18+s5+$0x0], $0xffff  }
0x70b: {  	[tilespmem:s15+$0xFFFFFEF0] =	vst.add.f32.msk $0xffff, v20  }
0x70c: {  	v19 =	vld.idx.msk [tilespmem:v19+s5+$0x0], $0xffff;
	_ =	sdelay $0x1  }
0x70d: {  	[tilespmem:s14+$0xFFFFFF80] =	vst.add.f32.msk $0xffff, v23  }
0x70e: {  	[tilespmem:s15+$0x0] =	vst.add.f32.msk $0xffff, v17  }
0x70f: {  	[tilespmem:s15+$0xFFFFFF80] =	vst.add.f32.msk $0xffff, v18  }
0x710: {  	[tilespmem:s15+$0xFFFFFF00] =	vst.add.f32.msk $0xffff, v19  }
0x711: {  	[hbm4b:s22+s1] =	stream.linear.scatter [tilespmem:s2], [sflag:$0x4], $0x7800, $0x38;
	[tilespmem:$0x19900] =	vst v63  }
0x712: {  	_ =	swait.ge [sflag:s12], $0x7800  }
0x713: {  	[sflag:s12] =	ssyncset.done $0x0  }
0x714: {  	[sflag:s12] =	ssyncadd.s32 $0xFFFF8800  }
0x715: {  	[tilespmem:s4], [sflag:$0x3] =	stream.linear.gather [hbm4b:s29+s1], $0x7800, $0x38;
	[tilespmem:$0x19900] =	vst v63  }
0x716: {  	_ =	swait.ge [sflag:s7], $0x7800  }
0x717: {  	[sflag:s7] =	ssyncset.done $0x0  }
0x718: {  	s18 =	simm.s32 $0x962;
	[sflag:s7] =	ssyncadd.s32 $0xFFFF8800  }
0x719: {  	v17 =	vld [tilespmem:s18+$0x0]  }
0x71a: {  	v18 =	vld [tilespmem:s18+$0xFFFFFFFF];
	_ =	sdelay $0x2  }
0x71b: {  	v19 =	vld [tilespmem:s18+$0xFFFFFFFE]  }
0x71c: {  	v20 =	vperm.xlane v17, v0  }
0x71d: {  	v18 =	vperm.xlane v18, v0  }
0x71e: {  	v17 =	vadd.s32 v1, v20  }
0x71f: {  	v21 =	vadd.s32 v1, v18  }
0x720: {  	v19 =	vperm.xlane v19, v0;
	_ =	sdelay $0x1  }
0x721: {  	v22 =	vadd.s32 v1, v19  }
0x722: {  	v17 =	vld.idx.msk [tilespmem:v17+s5+$0x0], $0xffff  }
0x723: {  	v21 =	vld.idx.msk [tilespmem:v21+s5+$0x0], $0xffff  }
0x724: {  	v23 =	vadd.s32 v2, v20  }
0x725: {  	v24 =	vadd.s32 v2, v18  }
0x726: {  	s14 =	simm.s32 $0xA5F0;
	v22 =	vld.idx.msk [tilespmem:v22+s5+$0x0], $0xffff  }
0x727: {  	[tilespmem:s14+$0xFFFFFF90] =	vst.add.f32.msk $0xffff, v17  }
0x728: {  	v25 =	vadd.s32 v2, v19;
	[tilespmem:s14+$0xFFFFFF10] =	vst.add.f32.msk $0xffff, v21  }
0x729: {  	v17 =	vld.idx.msk [tilespmem:v23+s5+$0x0], $0xffff  }
0x72a: {  	v23 =	vld.idx.msk [tilespmem:v24+s5+$0x0], $0xffff  }
0x72b: {  	v21 =	vadd.s32 v3, v20  }
0x72c: {  	[tilespmem:s14+$0xFFFFFE90] =	vst.add.f32.msk $0xffff, v22;
	v24 =	vadd.s32 v3, v18  }
0x72d: {  	v22 =	vld.idx.msk [tilespmem:v25+s5+$0x0], $0xffff  }
0x72e: {  	[tilespmem:s14+$0xFFFFFFA0] =	vst.add.f32.msk $0xffff, v17  }
0x72f: {  	v25 =	vadd.s32 v3, v19;
	[tilespmem:s14+$0xFFFFFF20] =	vst.add.f32.msk $0xffff, v23  }
0x730: {  	v17 =	vld.idx.msk [tilespmem:v21+s5+$0x0], $0xffff  }
0x731: {  	v23 =	vld.idx.msk [tilespmem:v24+s5+$0x0], $0xffff  }
0x732: {  	v21 =	vadd.s32 v4, v20  }
0x733: {  	[tilespmem:s14+$0xFFFFFEA0] =	vst.add.f32.msk $0xffff, v22;
	v24 =	vadd.s32 v4, v18  }
0x734: {  	v22 =	vld.idx.msk [tilespmem:v25+s5+$0x0], $0xffff  }
0x735: {  	[tilespmem:s14+$0xFFFFFFB0] =	vst.add.f32.msk $0xffff, v17  }
0x736: {  	v25 =	vadd.s32 v4, v19;
	[tilespmem:s14+$0xFFFFFF30] =	vst.add.f32.msk $0xffff, v23  }
0x737: {  	v17 =	vld.idx.msk [tilespmem:v21+s5+$0x0], $0xffff  }
0x738: {  	v23 =	vld.idx.msk [tilespmem:v24+s5+$0x0], $0xffff  }
0x739: {  	v21 =	vadd.s32 v5, v20  }
0x73a: {  	[tilespmem:s14+$0xFFFFFEB0] =	vst.add.f32.msk $0xffff, v22;
	v24 =	vadd.s32 v5, v18  }
0x73b: {  	v22 =	vld.idx.msk [tilespmem:v25+s5+$0x0], $0xffff  }
0x73c: {  	v25 =	vadd.s32 v5, v19;
	[tilespmem:s14+$0xFFFFFFC0] =	vst.add.f32.msk $0xffff, v17  }
0x73d: {  	[tilespmem:s14+$0xFFFFFF40] =	vst.add.f32.msk $0xffff, v23  }
0x73e: {  	v17 =	vld.idx.msk [tilespmem:v21+s5+$0x0], $0xffff  }
0x73f: {  	v23 =	vld.idx.msk [tilespmem:v24+s5+$0x0], $0xffff  }
0x740: {  	[tilespmem:s14+$0xFFFFFEC0] =	vst.add.f32.msk $0xffff, v22;
	v21 =	vadd.s32 v6, v20  }
0x741: {  	s19 =	simm.s32 $0x965;
	v22 =	vld.idx.msk [tilespmem:v25+s5+$0x0], $0xffff;
	v24 =	vadd.s32 v6, v18  }
0x742: {  	v25 =	vld [tilespmem:s19+$0xFFFFFFFF]  }
0x743: {  	[tilespmem:s14+$0xFFFFFFD0] =	vst.add.f32.msk $0xffff, v17  }
0x744: {  	[tilespmem:s14+$0xFFFFFF50] =	vst.add.f32.msk $0xffff, v23  }
0x745: {  	v17 =	vld.idx.msk [tilespmem:v21+s5+$0x0], $0xffff  }
0x746: {  	v24 =	vld.idx.msk [tilespmem:v24+s5+$0x0], $0xffff  }
0x747: {  	v26 =	vadd.s32 v6, v19;
	v23 =	vld [tilespmem:s19+$0x0]  }
0x748: {  	v28 =	vld [tilespmem:s19+$0xFFFFFFFE];
	v21 =	vadd.s32 v7, v20  }
0x749: {  	v27 =	vadd.s32 v7, v18;
	[tilespmem:s14+$0xFFFFFED0] =	vst.add.f32.msk $0xffff, v22;
	v22 =	vperm.xlane v25, v0  }
0x74a: {  	[tilespmem:s14+$0xFFFFFFE0] =	vst.add.f32.msk $0xffff, v17  }
0x74b: {  	[tilespmem:s14+$0xFFFFFF60] =	vst.add.f32.msk $0xffff, v24;
	v24 =	vadd.s32 v1, v22  }
0x74c: {  	v17 =	vperm.xlane v23, v0;
	v23 =	vld.idx.msk [tilespmem:v26+s5+$0x0], $0xffff  }
0x74d: {  	v21 =	vld.idx.msk [tilespmem:v21+s5+$0x0], $0xffff  }
0x74e: {  	v26 =	vld.idx.msk [tilespmem:v27+s5+$0x0], $0xffff;
	v27 =	vadd.s32 v7, v19  }
0x74f: {  	v20 =	vadd.s32 v8, v20  }
0x750: {  	v24 =	vld.idx.msk [tilespmem:v24+s5+$0x0], $0xffff  }
0x751: {  	v25 =	vadd.s32 v1, v17;
	[tilespmem:s14+$0xFFFFFEE0] =	vst.add.f32.msk $0xffff, v23  }
0x752: {  	[tilespmem:s14+$0xFFFFFFF0] =	vst.add.f32.msk $0xffff, v21  }
0x753: {  	v28 =	vperm.xlane v28, v0;
	v23 =	vld.idx.msk [tilespmem:v27+s5+$0x0], $0xffff;
	v27 =	vadd.s32 v2, v22  }
0x754: {  	v20 =	vld.idx.msk [tilespmem:v20+s5+$0x0], $0xffff  }
0x755: {  	v21 =	vadd.s32 v1, v28  }
0x756: {  	s15 =	simm.s32 $0xA770;
	v25 =	vld.idx.msk [tilespmem:v25+s5+$0x0], $0xffff  }
0x757: {  	[tilespmem:s15+$0xFFFFFF10] =	vst.add.f32.msk $0xffff, v24  }
0x758: {  	v29 =	vadd.s32 v2, v17;
	v24 =	vld.idx.msk [tilespmem:v27+s5+$0x0], $0xffff  }
0x759: {  	[tilespmem:s14+$0x0] =	vst.add.f32.msk $0xffff, v20  }
0x75a: {  	v20 =	vld.idx.msk [tilespmem:v21+s5+$0x0], $0xffff  }
0x75b: {  	[tilespmem:s14+$0xFFFFFEF0] =	vst.add.f32.msk $0xffff, v23;
	v23 =	vadd.s32 v3, v22  }
0x75c: {  	[tilespmem:s15+$0xFFFFFF90] =	vst.add.f32.msk $0xffff, v25;
	v21 =	vadd.s32 v2, v28  }
0x75d: {  	v25 =	vld.idx.msk [tilespmem:v29+s5+$0x0], $0xffff  }
0x75e: {  	[tilespmem:s15+$0xFFFFFF20] =	vst.add.f32.msk $0xffff, v24  }
0x75f: {  	v27 =	vadd.s32 v3, v17;
	[tilespmem:s15+$0xFFFFFE90] =	vst.add.f32.msk $0xffff, v20  }
0x760: {  	v23 =	vld.idx.msk [tilespmem:v23+s5+$0x0], $0xffff  }
0x761: {  	v20 =	vld.idx.msk [tilespmem:v21+s5+$0x0], $0xffff  }
0x762: {  	[tilespmem:s14+$0xFFFFFF70] =	vst.add.f32.msk $0xffff, v26;
	v26 =	vadd.s32 v4, v22  }
0x763: {  	[tilespmem:s15+$0xFFFFFFA0] =	vst.add.f32.msk $0xffff, v25;
	v21 =	vadd.s32 v3, v28  }
0x764: {  	v19 =	vadd.s32 v8, v19;
	v25 =	vld.idx.msk [tilespmem:v27+s5+$0x0], $0xffff  }
0x765: {  	[tilespmem:s15+$0xFFFFFF30] =	vst.add.f32.msk $0xffff, v23  }
0x766: {  	v24 =	vadd.s32 v4, v17;
	[tilespmem:s15+$0xFFFFFEA0] =	vst.add.f32.msk $0xffff, v20  }
0x767: {  	v23 =	vld.idx.msk [tilespmem:v26+s5+$0x0], $0xffff  }
0x768: {  	v20 =	vld.idx.msk [tilespmem:v21+s5+$0x0], $0xffff  }
0x769: {  	v29 =	vld.idx.msk [tilespmem:v19+s5+$0x0], $0xffff;
	v19 =	vadd.s32 v5, v22  }
0x76a: {  	[tilespmem:s15+$0xFFFFFFB0] =	vst.add.f32.msk $0xffff, v25;
	v21 =	vadd.s32 v4, v28  }
0x76b: {  	v24 =	vld.idx.msk [tilespmem:v24+s5+$0x0], $0xffff  }
0x76c: {  	v25 =	vadd.s32 v5, v17;
	[tilespmem:s15+$0xFFFFFF40] =	vst.add.f32.msk $0xffff, v23  }
0x76d: {  	[tilespmem:s15+$0xFFFFFEB0] =	vst.add.f32.msk $0xffff, v20  }
0x76e: {  	v18 =	vadd.s32 v8, v18;
	v19 =	vld.idx.msk [tilespmem:v19+s5+$0x0], $0xffff  }
0x76f: {  	v20 =	vld.idx.msk [tilespmem:v21+s5+$0x0], $0xffff  }
0x770: {  	[tilespmem:s15+$0xFFFFFFC0] =	vst.add.f32.msk $0xffff, v24  }
0x771: {  	v25 =	vld.idx.msk [tilespmem:v25+s5+$0x0], $0xffff  }
0x772: {  	[tilespmem:s14+$0xFFFFFF00] =	vst.add.f32.msk $0xffff, v29;
	v26 =	vadd.s32 v6, v17  }
0x773: {  	v27 =	vadd.s32 v6, v22;
	v23 =	vld.idx.msk [tilespmem:v18+s5+$0x0], $0xffff  }
0x774: {  	v21 =	vadd.s32 v5, v28;
	[tilespmem:s15+$0xFFFFFF50] =	vst.add.f32.msk $0xffff, v19  }
0x775: {  	[tilespmem:s15+$0xFFFFFEC0] =	vst.add.f32.msk $0xffff, v20  }
0x776: {  	[tilespmem:s15+$0xFFFFFFD0] =	vst.add.f32.msk $0xffff, v25  }
0x777: {  	v26 =	vld.idx.msk [tilespmem:v26+s5+$0x0], $0xffff  }
0x778: {  	v18 =	vadd.s32 v8, v22;
	v19 =	vadd.s32 v8, v28;
	v25 =	vld.idx.msk [tilespmem:v27+s5+$0x0], $0xffff;
	v27 =	vadd.s32 v7, v17  }
0x779: {  	s16 =	simm.s32 $0x3;
	s17 =	simm.s32 $0x968;
	v20 =	vadd.s32 v7, v28;
	v24 =	vld.idx.msk [tilespmem:v21+s5+$0x0], $0xffff;
	v21 =	vadd.s32 v7, v22;
	v22 =	vadd.s32 v6, v28  }
.LBB2_22:
0x77a: {  	v28 =	vld [tilespmem:s17+$0x0];
	s16 =	sadd.s32 $0x3, s16  }
0x77b: {  	v29 =	vld [tilespmem:s17+$0xFFFFFFFF];
	p1 =	slt.u32 s16, $0xED  }
0x77c: {  	[tilespmem:s15+$0xFFFFFFE0] =	vst.add.f32.msk $0xffff, v26  }
0x77d: {  	v26 =	vld.idx.msk [tilespmem:v27+s5+$0x0], $0xffff  }
0x77e: {  	v27 =	vld [tilespmem:s17+$0xFFFFFFFE]  }
0x77f: {  	[tilespmem:s15+$0xFFFFFED0] =	vst.add.f32.msk $0xffff, v24;
	v24 =	vadd.s32 v8, v17;
	v17 =	vperm.xlane v28, v0  }
0x780: {  	v28 =	vperm.xlane v29, v0;
	v29 =	vld.idx.msk [tilespmem:v22+s5+$0x0], $0xffff  }
0x781: {  	v30 =	vadd.s32 v1, v17;
	[tilespmem:s15+$0xFFFFFF60] =	vst.add.f32.msk $0xffff, v25  }
0x782: {  	v25 =	vadd.s32 v1, v28;
	v31 =	vadd.s32 v2, v28;
	v32 =	vadd.s32 v3, v28;
	v33 =	vld.idx.msk [tilespmem:v21+s5+$0x0], $0xffff  }
0x783: {  	v34 =	vadd.s32 v4, v28;
	v35 =	vadd.s32 v5, v28;
	v27 =	vperm.xlane v27, v0;
	[tilespmem:s15+$0xFFFFFFF0] =	vst.add.f32.msk $0xffff, v26  }
0x784: {  	v36 =	vadd.s32 v6, v28;
	v21 =	vadd.s32 v7, v28;
	v26 =	vadd.s32 v8, v28;
	v24 =	vld.idx.msk [tilespmem:v24+s5+$0x0], $0xffff  }
0x785: {  	v28 =	vadd.s32 v1, v27;
	v37 =	vadd.s32 v2, v27;
	v38 =	vadd.s32 v3, v27;
	[tilespmem:s14+$0xFFFFFF80] =	vst.add.f32.msk $0xffff, v23;
	s14 =	smov.u32 s15  }
0x786: {  	v23 =	vadd.s32 v4, v27;
	v39 =	vadd.s32 v5, v27;
	v22 =	vadd.s32 v6, v27;
	v30 =	vld.idx.msk [tilespmem:v30+s5+$0x0], $0xffff  }
0x787: {  	v40 =	vadd.s32 v7, v27;
	v27 =	vadd.s32 v8, v27;
	v25 =	vld.idx.msk [tilespmem:v25+s5+$0x0], $0xffff  }
0x788: {  	v41 =	vadd.s32 v2, v17;
	[tilespmem:s15+$0xFFFFFEE0] =	vst.add.f32.msk $0xffff, v29  }
0x789: {  	v29 =	vld.idx.msk [tilespmem:v20+s5+$0x0], $0xffff;
	v20 =	vmov v40  }
0x78a: {  	[tilespmem:s15+$0x0] =	vst.add.f32.msk $0xffff, v24  }
0x78b: {  	s15 =	sadd.s32 $0x180, s15;
	v24 =	vld.idx.msk [tilespmem:v28+s5+$0x0], $0xffff  }
0x78c: {  	[tilespmem:s15+$0xFFFFFF90] =	vst.add.f32.msk $0xffff, v30  }
0x78d: {  	v28 =	vld.idx.msk [tilespmem:v41+s5+$0x0], $0xffff  }
0x78e: {  	[tilespmem:s15+$0xFFFFFF10] =	vst.add.f32.msk $0xffff, v25  }
0x78f: {  	v30 =	vadd.s32 v3, v17;
	v25 =	vld.idx.msk [tilespmem:v31+s5+$0x0], $0xffff  }
0x790: {  	[tilespmem:s14+$0xFFFFFEF0] =	vst.add.f32.msk $0xffff, v29  }
0x791: {  	[tilespmem:s15+$0xFFFFFE90] =	vst.add.f32.msk $0xffff, v24  }
0x792: {  	v24 =	vld.idx.msk [tilespmem:v37+s5+$0x0], $0xffff  }
0x793: {  	[tilespmem:s15+$0xFFFFFFA0] =	vst.add.f32.msk $0xffff, v28  }
0x794: {  	v28 =	vld.idx.msk [tilespmem:v30+s5+$0x0], $0xffff  }
0x795: {  	[tilespmem:s15+$0xFFFFFF20] =	vst.add.f32.msk $0xffff, v25  }
0x796: {  	v29 =	vadd.s32 v4, v17;
	v25 =	vld.idx.msk [tilespmem:v32+s5+$0x0], $0xffff  }
0x797: {  	[tilespmem:s14+$0xFFFFFF70] =	vst.add.f32.msk $0xffff, v33  }
0x798: {  	[tilespmem:s15+$0xFFFFFEA0] =	vst.add.f32.msk $0xffff, v24  }
0x799: {  	v24 =	vld.idx.msk [tilespmem:v38+s5+$0x0], $0xffff  }
0x79a: {  	[tilespmem:s15+$0xFFFFFFB0] =	vst.add.f32.msk $0xffff, v28  }
0x79b: {  	v28 =	vld.idx.msk [tilespmem:v29+s5+$0x0], $0xffff  }
0x79c: {  	[tilespmem:s15+$0xFFFFFF30] =	vst.add.f32.msk $0xffff, v25  }
0x79d: {  	v29 =	vadd.s32 v5, v17;
	v25 =	vld.idx.msk [tilespmem:v34+s5+$0x0], $0xffff  }
0x79e: {  	v30 =	vld.idx.msk [tilespmem:v19+s5+$0x0], $0xffff;
	v19 =	vmov v27  }
0x79f: {  	[tilespmem:s15+$0xFFFFFEB0] =	vst.add.f32.msk $0xffff, v24  }
0x7a0: {  	v24 =	vld.idx.msk [tilespmem:v23+s5+$0x0], $0xffff  }
0x7a1: {  	[tilespmem:s15+$0xFFFFFFC0] =	vst.add.f32.msk $0xffff, v28  }
0x7a2: {  	v27 =	vld.idx.msk [tilespmem:v29+s5+$0x0], $0xffff  }
0x7a3: {  	[tilespmem:s15+$0xFFFFFF40] =	vst.add.f32.msk $0xffff, v25  }
0x7a4: {  	v28 =	vadd.s32 v6, v17;
	v25 =	vld.idx.msk [tilespmem:v35+s5+$0x0], $0xffff  }
0x7a5: {  	v23 =	vld.idx.msk [tilespmem:v18+s5+$0x0], $0xffff;
	v18 =	vmov v26  }
0x7a6: {  	[tilespmem:s15+$0xFFFFFEC0] =	vst.add.f32.msk $0xffff, v24  }
0x7a7: {  	v24 =	vld.idx.msk [tilespmem:v39+s5+$0x0], $0xffff  }
.Ltmp12:
0x7a8: {  	[tilespmem:s15+$0xFFFFFFD0] =	vst.add.f32.msk $0xffff, v27;
	(pc) =	sbr.rel @p1 .LBB2_22-.Ltmp12, $4  }
0x7a9: {  	v26 =	vld.idx.msk [tilespmem:v28+s5+$0x0], $0xffff  }
0x7aa: {  	[tilespmem:s15+$0xFFFFFF50] =	vst.add.f32.msk $0xffff, v25  }
0x7ab: {  	v27 =	vadd.s32 v7, v17;
	v25 =	vld.idx.msk [tilespmem:v36+s5+$0x0], $0xffff  }
0x7ac: {  	s17 =	sadd.s32 $0x3, s17;
	[tilespmem:s14+$0xFFFFFF00] =	vst.add.f32.msk $0xffff, v30  }
0x7ad: {  	_ =	sdelay $0x2  }
0x7ae: {  	[tilespmem:s15+$0xFFFFFED0] =	vst.add.f32.msk $0xffff, v24  }
0x7af: {  	v22 =	vld.idx.msk [tilespmem:v22+s5+$0x0], $0xffff  }
0x7b0: {  	[tilespmem:s15+$0xFFFFFFE0] =	vst.add.f32.msk $0xffff, v26  }
0x7b1: {  	v24 =	vld.idx.msk [tilespmem:v27+s5+$0x0], $0xffff  }
0x7b2: {  	v17 =	vadd.s32 v8, v17;
	[tilespmem:s15+$0xFFFFFF60] =	vst.add.f32.msk $0xffff, v25  }
0x7b3: {  	v21 =	vld.idx.msk [tilespmem:v21+s5+$0x0], $0xffff  }
0x7b4: {  	[tilespmem:s15+$0xFFFFFEE0] =	vst.add.f32.msk $0xffff, v22  }
0x7b5: {  	v20 =	vld.idx.msk [tilespmem:v20+s5+$0x0], $0xffff  }
0x7b6: {  	[tilespmem:s15+$0xFFFFFFF0] =	vst.add.f32.msk $0xffff, v24  }
0x7b7: {  	v17 =	vld.idx.msk [tilespmem:v17+s5+$0x0], $0xffff  }
0x7b8: {  	[tilespmem:s15+$0xFFFFFF70] =	vst.add.f32.msk $0xffff, v21  }
0x7b9: {  	v18 =	vld.idx.msk [tilespmem:v18+s5+$0x0], $0xffff  }
0x7ba: {  	[tilespmem:s15+$0xFFFFFEF0] =	vst.add.f32.msk $0xffff, v20  }
0x7bb: {  	v19 =	vld.idx.msk [tilespmem:v19+s5+$0x0], $0xffff;
	_ =	sdelay $0x1  }
0x7bc: {  	[tilespmem:s14+$0xFFFFFF80] =	vst.add.f32.msk $0xffff, v23  }
0x7bd: {  	[tilespmem:s15+$0x0] =	vst.add.f32.msk $0xffff, v17  }
0x7be: {  	[tilespmem:s15+$0xFFFFFF80] =	vst.add.f32.msk $0xffff, v18  }
0x7bf: {  	[tilespmem:s15+$0xFFFFFF00] =	vst.add.f32.msk $0xffff, v19  }
0x7c0: {  	[hbm4b:s24+s1] =	stream.linear.scatter [tilespmem:s3], [sflag:$0x5], $0x7800, $0x38;
	[tilespmem:$0x19900] =	vst v63  }
0x7c1: {  	_ =	swait.ge [sflag:s8], $0x7800  }
0x7c2: {  	[sflag:s8] =	ssyncset.done $0x0  }
0x7c3: {  	[sflag:s8] =	ssyncadd.s32 $0xFFFF8800  }
0x7c4: {  	[tilespmem:s2], [sflag:$0x1] =	stream.linear.gather [hbm4b:s30+s1], $0x7800, $0x38;
	[tilespmem:$0x19900] =	vst v63  }
0x7c5: {  	_ =	swait.ge [sflag:s9], $0x7800  }
0x7c6: {  	[sflag:s9] =	ssyncset.done $0x0  }
0x7c7: {  	s18 =	simm.s32 $0xA52;
	[sflag:s9] =	ssyncadd.s32 $0xFFFF8800  }
0x7c8: {  	v17 =	vld [tilespmem:s18+$0x0]  }
0x7c9: {  	v18 =	vld [tilespmem:s18+$0xFFFFFFFF];
	_ =	sdelay $0x2  }
0x7ca: {  	v19 =	vld [tilespmem:s18+$0xFFFFFFFE]  }
0x7cb: {  	v20 =	vperm.xlane v17, v0  }
0x7cc: {  	v18 =	vperm.xlane v18, v0  }
0x7cd: {  	v17 =	vadd.s32 v1, v20  }
0x7ce: {  	v21 =	vadd.s32 v1, v18  }
0x7cf: {  	v19 =	vperm.xlane v19, v0;
	_ =	sdelay $0x1  }
0x7d0: {  	v22 =	vadd.s32 v1, v19  }
0x7d1: {  	v17 =	vld.idx.msk [tilespmem:v17+s5+$0x0], $0xffff  }
0x7d2: {  	v21 =	vld.idx.msk [tilespmem:v21+s5+$0x0], $0xffff  }
0x7d3: {  	v23 =	vadd.s32 v2, v20  }
0x7d4: {  	v24 =	vadd.s32 v2, v18  }
0x7d5: {  	s14 =	simm.s32 $0x11DF0;
	v22 =	vld.idx.msk [tilespmem:v22+s5+$0x0], $0xffff  }
0x7d6: {  	[tilespmem:s14+$0xFFFFFF90] =	vst.add.f32.msk $0xffff, v17  }
0x7d7: {  	v25 =	vadd.s32 v2, v19;
	[tilespmem:s14+$0xFFFFFF10] =	vst.add.f32.msk $0xffff, v21  }
0x7d8: {  	v17 =	vld.idx.msk [tilespmem:v23+s5+$0x0], $0xffff  }
0x7d9: {  	v23 =	vld.idx.msk [tilespmem:v24+s5+$0x0], $0xffff  }
0x7da: {  	v21 =	vadd.s32 v3, v20  }
0x7db: {  	[tilespmem:s14+$0xFFFFFE90] =	vst.add.f32.msk $0xffff, v22;
	v24 =	vadd.s32 v3, v18  }
0x7dc: {  	v22 =	vld.idx.msk [tilespmem:v25+s5+$0x0], $0xffff  }
0x7dd: {  	[tilespmem:s14+$0xFFFFFFA0] =	vst.add.f32.msk $0xffff, v17  }
0x7de: {  	v25 =	vadd.s32 v3, v19;
	[tilespmem:s14+$0xFFFFFF20] =	vst.add.f32.msk $0xffff, v23  }
0x7df: {  	v17 =	vld.idx.msk [tilespmem:v21+s5+$0x0], $0xffff  }
0x7e0: {  	v23 =	vld.idx.msk [tilespmem:v24+s5+$0x0], $0xffff  }
0x7e1: {  	v21 =	vadd.s32 v4, v20  }
0x7e2: {  	[tilespmem:s14+$0xFFFFFEA0] =	vst.add.f32.msk $0xffff, v22;
	v24 =	vadd.s32 v4, v18  }
0x7e3: {  	v22 =	vld.idx.msk [tilespmem:v25+s5+$0x0], $0xffff  }
0x7e4: {  	[tilespmem:s14+$0xFFFFFFB0] =	vst.add.f32.msk $0xffff, v17  }
0x7e5: {  	v25 =	vadd.s32 v4, v19;
	[tilespmem:s14+$0xFFFFFF30] =	vst.add.f32.msk $0xffff, v23  }
0x7e6: {  	v17 =	vld.idx.msk [tilespmem:v21+s5+$0x0], $0xffff  }
0x7e7: {  	v23 =	vld.idx.msk [tilespmem:v24+s5+$0x0], $0xffff  }
0x7e8: {  	v21 =	vadd.s32 v5, v20  }
0x7e9: {  	[tilespmem:s14+$0xFFFFFEB0] =	vst.add.f32.msk $0xffff, v22;
	v24 =	vadd.s32 v5, v18  }
0x7ea: {  	v22 =	vld.idx.msk [tilespmem:v25+s5+$0x0], $0xffff  }
0x7eb: {  	v25 =	vadd.s32 v5, v19;
	[tilespmem:s14+$0xFFFFFFC0] =	vst.add.f32.msk $0xffff, v17  }
0x7ec: {  	[tilespmem:s14+$0xFFFFFF40] =	vst.add.f32.msk $0xffff, v23  }
0x7ed: {  	v17 =	vld.idx.msk [tilespmem:v21+s5+$0x0], $0xffff  }
0x7ee: {  	v23 =	vld.idx.msk [tilespmem:v24+s5+$0x0], $0xffff  }
0x7ef: {  	[tilespmem:s14+$0xFFFFFEC0] =	vst.add.f32.msk $0xffff, v22;
	v21 =	vadd.s32 v6, v20  }
0x7f0: {  	s19 =	simm.s32 $0xA55;
	v22 =	vld.idx.msk [tilespmem:v25+s5+$0x0], $0xffff;
	v24 =	vadd.s32 v6, v18  }
0x7f1: {  	v25 =	vld [tilespmem:s19+$0xFFFFFFFF]  }
0x7f2: {  	[tilespmem:s14+$0xFFFFFFD0] =	vst.add.f32.msk $0xffff, v17  }
0x7f3: {  	[tilespmem:s14+$0xFFFFFF50] =	vst.add.f32.msk $0xffff, v23  }
0x7f4: {  	v17 =	vld.idx.msk [tilespmem:v21+s5+$0x0], $0xffff  }
0x7f5: {  	v24 =	vld.idx.msk [tilespmem:v24+s5+$0x0], $0xffff  }
0x7f6: {  	v26 =	vadd.s32 v6, v19;
	v23 =	vld [tilespmem:s19+$0x0]  }
0x7f7: {  	v28 =	vld [tilespmem:s19+$0xFFFFFFFE];
	v21 =	vadd.s32 v7, v20  }
0x7f8: {  	v27 =	vadd.s32 v7, v18;
	[tilespmem:s14+$0xFFFFFED0] =	vst.add.f32.msk $0xffff, v22;
	v22 =	vperm.xlane v25, v0  }
0x7f9: {  	[tilespmem:s14+$0xFFFFFFE0] =	vst.add.f32.msk $0xffff, v17  }
0x7fa: {  	[tilespmem:s14+$0xFFFFFF60] =	vst.add.f32.msk $0xffff, v24;
	v24 =	vadd.s32 v1, v22  }
0x7fb: {  	v17 =	vperm.xlane v23, v0;
	v23 =	vld.idx.msk [tilespmem:v26+s5+$0x0], $0xffff  }
0x7fc: {  	v21 =	vld.idx.msk [tilespmem:v21+s5+$0x0], $0xffff  }
0x7fd: {  	v26 =	vld.idx.msk [tilespmem:v27+s5+$0x0], $0xffff;
	v27 =	vadd.s32 v7, v19  }
0x7fe: {  	v20 =	vadd.s32 v8, v20  }
0x7ff: {  	v24 =	vld.idx.msk [tilespmem:v24+s5+$0x0], $0xffff  }
0x800: {  	v25 =	vadd.s32 v1, v17;
	[tilespmem:s14+$0xFFFFFEE0] =	vst.add.f32.msk $0xffff, v23  }
0x801: {  	[tilespmem:s14+$0xFFFFFFF0] =	vst.add.f32.msk $0xffff, v21  }
0x802: {  	v28 =	vperm.xlane v28, v0;
	v23 =	vld.idx.msk [tilespmem:v27+s5+$0x0], $0xffff;
	v27 =	vadd.s32 v2, v22  }
0x803: {  	v20 =	vld.idx.msk [tilespmem:v20+s5+$0x0], $0xffff  }
0x804: {  	v21 =	vadd.s32 v1, v28  }
0x805: {  	s15 =	simm.s32 $0x11F70;
	v25 =	vld.idx.msk [tilespmem:v25+s5+$0x0], $0xffff  }
0x806: {  	[tilespmem:s15+$0xFFFFFF10] =	vst.add.f32.msk $0xffff, v24  }
0x807: {  	v29 =	vadd.s32 v2, v17;
	v24 =	vld.idx.msk [tilespmem:v27+s5+$0x0], $0xffff  }
0x808: {  	[tilespmem:s14+$0x0] =	vst.add.f32.msk $0xffff, v20  }
0x809: {  	v20 =	vld.idx.msk [tilespmem:v21+s5+$0x0], $0xffff  }
0x80a: {  	[tilespmem:s14+$0xFFFFFEF0] =	vst.add.f32.msk $0xffff, v23;
	v23 =	vadd.s32 v3, v22  }
0x80b: {  	[tilespmem:s15+$0xFFFFFF90] =	vst.add.f32.msk $0xffff, v25;
	v21 =	vadd.s32 v2, v28  }
0x80c: {  	v25 =	vld.idx.msk [tilespmem:v29+s5+$0x0], $0xffff  }
0x80d: {  	[tilespmem:s15+$0xFFFFFF20] =	vst.add.f32.msk $0xffff, v24  }
0x80e: {  	v27 =	vadd.s32 v3, v17;
	[tilespmem:s15+$0xFFFFFE90] =	vst.add.f32.msk $0xffff, v20  }
0x80f: {  	v23 =	vld.idx.msk [tilespmem:v23+s5+$0x0], $0xffff  }
0x810: {  	v20 =	vld.idx.msk [tilespmem:v21+s5+$0x0], $0xffff  }
0x811: {  	[tilespmem:s14+$0xFFFFFF70] =	vst.add.f32.msk $0xffff, v26;
	v26 =	vadd.s32 v4, v22  }
0x812: {  	[tilespmem:s15+$0xFFFFFFA0] =	vst.add.f32.msk $0xffff, v25;
	v21 =	vadd.s32 v3, v28  }
0x813: {  	v19 =	vadd.s32 v8, v19;
	v25 =	vld.idx.msk [tilespmem:v27+s5+$0x0], $0xffff  }
0x814: {  	[tilespmem:s15+$0xFFFFFF30] =	vst.add.f32.msk $0xffff, v23  }
0x815: {  	v24 =	vadd.s32 v4, v17;
	[tilespmem:s15+$0xFFFFFEA0] =	vst.add.f32.msk $0xffff, v20  }
0x816: {  	v23 =	vld.idx.msk [tilespmem:v26+s5+$0x0], $0xffff  }
0x817: {  	v20 =	vld.idx.msk [tilespmem:v21+s5+$0x0], $0xffff  }
0x818: {  	v29 =	vld.idx.msk [tilespmem:v19+s5+$0x0], $0xffff;
	v19 =	vadd.s32 v5, v22  }
0x819: {  	[tilespmem:s15+$0xFFFFFFB0] =	vst.add.f32.msk $0xffff, v25;
	v21 =	vadd.s32 v4, v28  }
0x81a: {  	v24 =	vld.idx.msk [tilespmem:v24+s5+$0x0], $0xffff  }
0x81b: {  	v25 =	vadd.s32 v5, v17;
	[tilespmem:s15+$0xFFFFFF40] =	vst.add.f32.msk $0xffff, v23  }
0x81c: {  	[tilespmem:s15+$0xFFFFFEB0] =	vst.add.f32.msk $0xffff, v20  }
0x81d: {  	v18 =	vadd.s32 v8, v18;
	v19 =	vld.idx.msk [tilespmem:v19+s5+$0x0], $0xffff  }
0x81e: {  	v20 =	vld.idx.msk [tilespmem:v21+s5+$0x0], $0xffff  }
0x81f: {  	[tilespmem:s15+$0xFFFFFFC0] =	vst.add.f32.msk $0xffff, v24  }
0x820: {  	v25 =	vld.idx.msk [tilespmem:v25+s5+$0x0], $0xffff  }
0x821: {  	[tilespmem:s14+$0xFFFFFF00] =	vst.add.f32.msk $0xffff, v29;
	v26 =	vadd.s32 v6, v17  }
0x822: {  	v27 =	vadd.s32 v6, v22;
	v23 =	vld.idx.msk [tilespmem:v18+s5+$0x0], $0xffff  }
0x823: {  	v21 =	vadd.s32 v5, v28;
	[tilespmem:s15+$0xFFFFFF50] =	vst.add.f32.msk $0xffff, v19  }
0x824: {  	[tilespmem:s15+$0xFFFFFEC0] =	vst.add.f32.msk $0xffff, v20  }
0x825: {  	[tilespmem:s15+$0xFFFFFFD0] =	vst.add.f32.msk $0xffff, v25  }
0x826: {  	v26 =	vld.idx.msk [tilespmem:v26+s5+$0x0], $0xffff  }
0x827: {  	v18 =	vadd.s32 v8, v22;
	v19 =	vadd.s32 v8, v28;
	v25 =	vld.idx.msk [tilespmem:v27+s5+$0x0], $0xffff;
	v27 =	vadd.s32 v7, v17  }
0x828: {  	s16 =	simm.s32 $0x3;
	s17 =	simm.s32 $0xA58;
	v20 =	vadd.s32 v7, v28;
	v24 =	vld.idx.msk [tilespmem:v21+s5+$0x0], $0xffff;
	v21 =	vadd.s32 v7, v22;
	v22 =	vadd.s32 v6, v28  }
.LBB2_24:
0x829: {  	v28 =	vld [tilespmem:s17+$0x0];
	s16 =	sadd.s32 $0x3, s16  }
0x82a: {  	v29 =	vld [tilespmem:s17+$0xFFFFFFFF];
	p1 =	slt.u32 s16, $0xED  }
0x82b: {  	[tilespmem:s15+$0xFFFFFFE0] =	vst.add.f32.msk $0xffff, v26  }
0x82c: {  	v26 =	vld.idx.msk [tilespmem:v27+s5+$0x0], $0xffff  }
0x82d: {  	v27 =	vld [tilespmem:s17+$0xFFFFFFFE]  }
0x82e: {  	[tilespmem:s15+$0xFFFFFED0] =	vst.add.f32.msk $0xffff, v24;
	v24 =	vadd.s32 v8, v17;
	v17 =	vperm.xlane v28, v0  }
0x82f: {  	v28 =	vperm.xlane v29, v0;
	v29 =	vld.idx.msk [tilespmem:v22+s5+$0x0], $0xffff  }
0x830: {  	v30 =	vadd.s32 v1, v17;
	[tilespmem:s15+$0xFFFFFF60] =	vst.add.f32.msk $0xffff, v25  }
0x831: {  	v25 =	vadd.s32 v1, v28;
	v31 =	vadd.s32 v2, v28;
	v32 =	vadd.s32 v3, v28;
	v33 =	vld.idx.msk [tilespmem:v21+s5+$0x0], $0xffff  }
0x832: {  	v34 =	vadd.s32 v4, v28;
	v35 =	vadd.s32 v5, v28;
	v27 =	vperm.xlane v27, v0;
	[tilespmem:s15+$0xFFFFFFF0] =	vst.add.f32.msk $0xffff, v26  }
0x833: {  	v36 =	vadd.s32 v6, v28;
	v21 =	vadd.s32 v7, v28;
	v26 =	vadd.s32 v8, v28;
	v24 =	vld.idx.msk [tilespmem:v24+s5+$0x0], $0xffff  }
0x834: {  	v28 =	vadd.s32 v1, v27;
	v37 =	vadd.s32 v2, v27;
	v38 =	vadd.s32 v3, v27;
	[tilespmem:s14+$0xFFFFFF80] =	vst.add.f32.msk $0xffff, v23;
	s14 =	smov.u32 s15  }
0x835: {  	v23 =	vadd.s32 v4, v27;
	v39 =	vadd.s32 v5, v27;
	v22 =	vadd.s32 v6, v27;
	v30 =	vld.idx.msk [tilespmem:v30+s5+$0x0], $0xffff  }
0x836: {  	v40 =	vadd.s32 v7, v27;
	v27 =	vadd.s32 v8, v27;
	v25 =	vld.idx.msk [tilespmem:v25+s5+$0x0], $0xffff  }
0x837: {  	v41 =	vadd.s32 v2, v17;
	[tilespmem:s15+$0xFFFFFEE0] =	vst.add.f32.msk $0xffff, v29  }
0x838: {  	v29 =	vld.idx.msk [tilespmem:v20+s5+$0x0], $0xffff;
	v20 =	vmov v40  }
0x839: {  	[tilespmem:s15+$0x0] =	vst.add.f32.msk $0xffff, v24  }
0x83a: {  	s15 =	sadd.s32 $0x180, s15;
	v24 =	vld.idx.msk [tilespmem:v28+s5+$0x0], $0xffff  }
0x83b: {  	[tilespmem:s15+$0xFFFFFF90] =	vst.add.f32.msk $0xffff, v30  }
0x83c: {  	v28 =	vld.idx.msk [tilespmem:v41+s5+$0x0], $0xffff  }
0x83d: {  	[tilespmem:s15+$0xFFFFFF10] =	vst.add.f32.msk $0xffff, v25  }
0x83e: {  	v30 =	vadd.s32 v3, v17;
	v25 =	vld.idx.msk [tilespmem:v31+s5+$0x0], $0xffff  }
0x83f: {  	[tilespmem:s14+$0xFFFFFEF0] =	vst.add.f32.msk $0xffff, v29  }
0x840: {  	[tilespmem:s15+$0xFFFFFE90] =	vst.add.f32.msk $0xffff, v24  }
0x841: {  	v24 =	vld.idx.msk [tilespmem:v37+s5+$0x0], $0xffff  }
0x842: {  	[tilespmem:s15+$0xFFFFFFA0] =	vst.add.f32.msk $0xffff, v28  }
0x843: {  	v28 =	vld.idx.msk [tilespmem:v30+s5+$0x0], $0xffff  }
0x844: {  	[tilespmem:s15+$0xFFFFFF20] =	vst.add.f32.msk $0xffff, v25  }
0x845: {  	v29 =	vadd.s32 v4, v17;
	v25 =	vld.idx.msk [tilespmem:v32+s5+$0x0], $0xffff  }
0x846: {  	[tilespmem:s14+$0xFFFFFF70] =	vst.add.f32.msk $0xffff, v33  }
0x847: {  	[tilespmem:s15+$0xFFFFFEA0] =	vst.add.f32.msk $0xffff, v24  }
0x848: {  	v24 =	vld.idx.msk [tilespmem:v38+s5+$0x0], $0xffff  }
0x849: {  	[tilespmem:s15+$0xFFFFFFB0] =	vst.add.f32.msk $0xffff, v28  }
0x84a: {  	v28 =	vld.idx.msk [tilespmem:v29+s5+$0x0], $0xffff  }
0x84b: {  	[tilespmem:s15+$0xFFFFFF30] =	vst.add.f32.msk $0xffff, v25  }
0x84c: {  	v29 =	vadd.s32 v5, v17;
	v25 =	vld.idx.msk [tilespmem:v34+s5+$0x0], $0xffff  }
0x84d: {  	v30 =	vld.idx.msk [tilespmem:v19+s5+$0x0], $0xffff;
	v19 =	vmov v27  }
0x84e: {  	[tilespmem:s15+$0xFFFFFEB0] =	vst.add.f32.msk $0xffff, v24  }
0x84f: {  	v24 =	vld.idx.msk [tilespmem:v23+s5+$0x0], $0xffff  }
0x850: {  	[tilespmem:s15+$0xFFFFFFC0] =	vst.add.f32.msk $0xffff, v28  }
0x851: {  	v27 =	vld.idx.msk [tilespmem:v29+s5+$0x0], $0xffff  }
0x852: {  	[tilespmem:s15+$0xFFFFFF40] =	vst.add.f32.msk $0xffff, v25  }
0x853: {  	v28 =	vadd.s32 v6, v17;
	v25 =	vld.idx.msk [tilespmem:v35+s5+$0x0], $0xffff  }
0x854: {  	v23 =	vld.idx.msk [tilespmem:v18+s5+$0x0], $0xffff;
	v18 =	vmov v26  }
0x855: {  	[tilespmem:s15+$0xFFFFFEC0] =	vst.add.f32.msk $0xffff, v24  }
0x856: {  	v24 =	vld.idx.msk [tilespmem:v39+s5+$0x0], $0xffff  }
.Ltmp13:
0x857: {  	[tilespmem:s15+$0xFFFFFFD0] =	vst.add.f32.msk $0xffff, v27;
	(pc) =	sbr.rel @p1 .LBB2_24-.Ltmp13, $4  }
0x858: {  	v26 =	vld.idx.msk [tilespmem:v28+s5+$0x0], $0xffff  }
0x859: {  	[tilespmem:s15+$0xFFFFFF50] =	vst.add.f32.msk $0xffff, v25  }
0x85a: {  	v27 =	vadd.s32 v7, v17;
	v25 =	vld.idx.msk [tilespmem:v36+s5+$0x0], $0xffff  }
0x85b: {  	s17 =	sadd.s32 $0x3, s17;
	[tilespmem:s14+$0xFFFFFF00] =	vst.add.f32.msk $0xffff, v30  }
0x85c: {  	_ =	sdelay $0x2  }
0x85d: {  	[tilespmem:s15+$0xFFFFFED0] =	vst.add.f32.msk $0xffff, v24  }
0x85e: {  	v22 =	vld.idx.msk [tilespmem:v22+s5+$0x0], $0xffff  }
0x85f: {  	[tilespmem:s15+$0xFFFFFFE0] =	vst.add.f32.msk $0xffff, v26  }
0x860: {  	v24 =	vld.idx.msk [tilespmem:v27+s5+$0x0], $0xffff  }
0x861: {  	v17 =	vadd.s32 v8, v17;
	[tilespmem:s15+$0xFFFFFF60] =	vst.add.f32.msk $0xffff, v25  }
0x862: {  	v21 =	vld.idx.msk [tilespmem:v21+s5+$0x0], $0xffff  }
0x863: {  	[tilespmem:s15+$0xFFFFFEE0] =	vst.add.f32.msk $0xffff, v22  }
0x864: {  	v20 =	vld.idx.msk [tilespmem:v20+s5+$0x0], $0xffff  }
0x865: {  	[tilespmem:s15+$0xFFFFFFF0] =	vst.add.f32.msk $0xffff, v24  }
0x866: {  	v17 =	vld.idx.msk [tilespmem:v17+s5+$0x0], $0xffff  }
0x867: {  	[tilespmem:s15+$0xFFFFFF70] =	vst.add.f32.msk $0xffff, v21  }
0x868: {  	v18 =	vld.idx.msk [tilespmem:v18+s5+$0x0], $0xffff  }
0x869: {  	[tilespmem:s15+$0xFFFFFEF0] =	vst.add.f32.msk $0xffff, v20  }
0x86a: {  	v19 =	vld.idx.msk [tilespmem:v19+s5+$0x0], $0xffff;
	_ =	sdelay $0x1  }
0x86b: {  	[tilespmem:s14+$0xFFFFFF80] =	vst.add.f32.msk $0xffff, v23  }
0x86c: {  	[tilespmem:s15+$0x0] =	vst.add.f32.msk $0xffff, v17  }
0x86d: {  	[tilespmem:s15+$0xFFFFFF80] =	vst.add.f32.msk $0xffff, v18  }
0x86e: {  	[tilespmem:s15+$0xFFFFFF00] =	vst.add.f32.msk $0xffff, v19  }
0x86f: {  	[hbm4b:s31+s1] =	stream.linear.scatter [tilespmem:s4], [sflag:$0x6], $0x7800, $0x38;
	[tilespmem:$0x19900] =	vst v63  }
0x870: {  	_ =	swait.ge [sflag:s11], $0x7800  }
0x871: {  	[sflag:s11] =	ssyncset.done $0x0  }
0x872: {  	s18 =	simm.s32 $0xB42;
	[sflag:s11] =	ssyncadd.s32 $0xFFFF8800  }
0x873: {  	v17 =	vld [tilespmem:s18+$0x0]  }
0x874: {  	v18 =	vld [tilespmem:s18+$0xFFFFFFFF];
	_ =	sdelay $0x2  }
0x875: {  	v19 =	vld [tilespmem:s18+$0xFFFFFFFE]  }
0x876: {  	v20 =	vperm.xlane v17, v0  }
0x877: {  	v18 =	vperm.xlane v18, v0  }
0x878: {  	v17 =	vadd.s32 v1, v20  }
0x879: {  	v21 =	vadd.s32 v1, v18  }
0x87a: {  	v19 =	vperm.xlane v19, v0;
	_ =	sdelay $0x1  }
0x87b: {  	v22 =	vadd.s32 v1, v19  }
0x87c: {  	v17 =	vld.idx.msk [tilespmem:v17+s5+$0x0], $0xffff  }
0x87d: {  	v21 =	vld.idx.msk [tilespmem:v21+s5+$0x0], $0xffff  }
0x87e: {  	v23 =	vadd.s32 v2, v20  }
0x87f: {  	v24 =	vadd.s32 v2, v18  }
0x880: {  	s14 =	simm.s32 $0x2DF0;
	v22 =	vld.idx.msk [tilespmem:v22+s5+$0x0], $0xffff  }
0x881: {  	[tilespmem:s14+$0xFFFFFF90] =	vst.add.f32.msk $0xffff, v17  }
0x882: {  	v25 =	vadd.s32 v2, v19;
	[tilespmem:s14+$0xFFFFFF10] =	vst.add.f32.msk $0xffff, v21  }
0x883: {  	v17 =	vld.idx.msk [tilespmem:v23+s5+$0x0], $0xffff  }
0x884: {  	v23 =	vld.idx.msk [tilespmem:v24+s5+$0x0], $0xffff  }
0x885: {  	v21 =	vadd.s32 v3, v20  }
0x886: {  	[tilespmem:s14+$0xFFFFFE90] =	vst.add.f32.msk $0xffff, v22;
	v24 =	vadd.s32 v3, v18  }
0x887: {  	v22 =	vld.idx.msk [tilespmem:v25+s5+$0x0], $0xffff  }
0x888: {  	[tilespmem:s14+$0xFFFFFFA0] =	vst.add.f32.msk $0xffff, v17  }
0x889: {  	v25 =	vadd.s32 v3, v19;
	[tilespmem:s14+$0xFFFFFF20] =	vst.add.f32.msk $0xffff, v23  }
0x88a: {  	v17 =	vld.idx.msk [tilespmem:v21+s5+$0x0], $0xffff  }
0x88b: {  	v23 =	vld.idx.msk [tilespmem:v24+s5+$0x0], $0xffff  }
0x88c: {  	v21 =	vadd.s32 v4, v20  }
0x88d: {  	[tilespmem:s14+$0xFFFFFEA0] =	vst.add.f32.msk $0xffff, v22;
	v24 =	vadd.s32 v4, v18  }
0x88e: {  	v22 =	vld.idx.msk [tilespmem:v25+s5+$0x0], $0xffff  }
0x88f: {  	[tilespmem:s14+$0xFFFFFFB0] =	vst.add.f32.msk $0xffff, v17  }
0x890: {  	v25 =	vadd.s32 v4, v19;
	[tilespmem:s14+$0xFFFFFF30] =	vst.add.f32.msk $0xffff, v23  }
0x891: {  	v17 =	vld.idx.msk [tilespmem:v21+s5+$0x0], $0xffff  }
0x892: {  	v23 =	vld.idx.msk [tilespmem:v24+s5+$0x0], $0xffff  }
0x893: {  	v21 =	vadd.s32 v5, v20  }
0x894: {  	[tilespmem:s14+$0xFFFFFEB0] =	vst.add.f32.msk $0xffff, v22;
	v24 =	vadd.s32 v5, v18  }
0x895: {  	v22 =	vld.idx.msk [tilespmem:v25+s5+$0x0], $0xffff  }
0x896: {  	v25 =	vadd.s32 v5, v19;
	[tilespmem:s14+$0xFFFFFFC0] =	vst.add.f32.msk $0xffff, v17  }
0x897: {  	[tilespmem:s14+$0xFFFFFF40] =	vst.add.f32.msk $0xffff, v23  }
0x898: {  	v17 =	vld.idx.msk [tilespmem:v21+s5+$0x0], $0xffff  }
0x899: {  	v23 =	vld.idx.msk [tilespmem:v24+s5+$0x0], $0xffff  }
0x89a: {  	[tilespmem:s14+$0xFFFFFEC0] =	vst.add.f32.msk $0xffff, v22;
	v21 =	vadd.s32 v6, v20  }
0x89b: {  	s19 =	simm.s32 $0xB45;
	v22 =	vld.idx.msk [tilespmem:v25+s5+$0x0], $0xffff;
	v24 =	vadd.s32 v6, v18  }
0x89c: {  	v25 =	vld [tilespmem:s19+$0xFFFFFFFF]  }
0x89d: {  	[tilespmem:s14+$0xFFFFFFD0] =	vst.add.f32.msk $0xffff, v17  }
0x89e: {  	[tilespmem:s14+$0xFFFFFF50] =	vst.add.f32.msk $0xffff, v23  }
0x89f: {  	v17 =	vld.idx.msk [tilespmem:v21+s5+$0x0], $0xffff  }
0x8a0: {  	v24 =	vld.idx.msk [tilespmem:v24+s5+$0x0], $0xffff  }
0x8a1: {  	v26 =	vadd.s32 v6, v19;
	v23 =	vld [tilespmem:s19+$0x0]  }
0x8a2: {  	v28 =	vld [tilespmem:s19+$0xFFFFFFFE];
	v21 =	vadd.s32 v7, v20  }
0x8a3: {  	v27 =	vadd.s32 v7, v18;
	[tilespmem:s14+$0xFFFFFED0] =	vst.add.f32.msk $0xffff, v22;
	v22 =	vperm.xlane v25, v0  }
0x8a4: {  	[tilespmem:s14+$0xFFFFFFE0] =	vst.add.f32.msk $0xffff, v17  }
0x8a5: {  	[tilespmem:s14+$0xFFFFFF60] =	vst.add.f32.msk $0xffff, v24;
	v24 =	vadd.s32 v1, v22  }
0x8a6: {  	v17 =	vperm.xlane v23, v0;
	v23 =	vld.idx.msk [tilespmem:v26+s5+$0x0], $0xffff  }
0x8a7: {  	v21 =	vld.idx.msk [tilespmem:v21+s5+$0x0], $0xffff  }
0x8a8: {  	v26 =	vld.idx.msk [tilespmem:v27+s5+$0x0], $0xffff;
	v27 =	vadd.s32 v7, v19  }
0x8a9: {  	v20 =	vadd.s32 v8, v20  }
0x8aa: {  	v24 =	vld.idx.msk [tilespmem:v24+s5+$0x0], $0xffff  }
0x8ab: {  	v25 =	vadd.s32 v1, v17;
	[tilespmem:s14+$0xFFFFFEE0] =	vst.add.f32.msk $0xffff, v23  }
0x8ac: {  	[tilespmem:s14+$0xFFFFFFF0] =	vst.add.f32.msk $0xffff, v21  }
0x8ad: {  	v28 =	vperm.xlane v28, v0;
	v23 =	vld.idx.msk [tilespmem:v27+s5+$0x0], $0xffff;
	v27 =	vadd.s32 v2, v22  }
0x8ae: {  	v20 =	vld.idx.msk [tilespmem:v20+s5+$0x0], $0xffff  }
0x8af: {  	v21 =	vadd.s32 v1, v28  }
0x8b0: {  	s15 =	simm.s32 $0x2F70;
	v25 =	vld.idx.msk [tilespmem:v25+s5+$0x0], $0xffff  }
0x8b1: {  	[tilespmem:s15+$0xFFFFFF10] =	vst.add.f32.msk $0xffff, v24  }
0x8b2: {  	v29 =	vadd.s32 v2, v17;
	v24 =	vld.idx.msk [tilespmem:v27+s5+$0x0], $0xffff  }
0x8b3: {  	[tilespmem:s14+$0x0] =	vst.add.f32.msk $0xffff, v20  }
0x8b4: {  	v20 =	vld.idx.msk [tilespmem:v21+s5+$0x0], $0xffff  }
0x8b5: {  	[tilespmem:s14+$0xFFFFFEF0] =	vst.add.f32.msk $0xffff, v23;
	v23 =	vadd.s32 v3, v22  }
0x8b6: {  	[tilespmem:s15+$0xFFFFFF90] =	vst.add.f32.msk $0xffff, v25;
	v21 =	vadd.s32 v2, v28  }
0x8b7: {  	v25 =	vld.idx.msk [tilespmem:v29+s5+$0x0], $0xffff  }
0x8b8: {  	[tilespmem:s15+$0xFFFFFF20] =	vst.add.f32.msk $0xffff, v24  }
0x8b9: {  	v27 =	vadd.s32 v3, v17;
	[tilespmem:s15+$0xFFFFFE90] =	vst.add.f32.msk $0xffff, v20  }
0x8ba: {  	v23 =	vld.idx.msk [tilespmem:v23+s5+$0x0], $0xffff  }
0x8bb: {  	v20 =	vld.idx.msk [tilespmem:v21+s5+$0x0], $0xffff  }
0x8bc: {  	[tilespmem:s14+$0xFFFFFF70] =	vst.add.f32.msk $0xffff, v26;
	v26 =	vadd.s32 v4, v22  }
0x8bd: {  	[tilespmem:s15+$0xFFFFFFA0] =	vst.add.f32.msk $0xffff, v25;
	v21 =	vadd.s32 v3, v28  }
0x8be: {  	v19 =	vadd.s32 v8, v19;
	v25 =	vld.idx.msk [tilespmem:v27+s5+$0x0], $0xffff  }
0x8bf: {  	[tilespmem:s15+$0xFFFFFF30] =	vst.add.f32.msk $0xffff, v23  }
0x8c0: {  	v24 =	vadd.s32 v4, v17;
	[tilespmem:s15+$0xFFFFFEA0] =	vst.add.f32.msk $0xffff, v20  }
0x8c1: {  	v23 =	vld.idx.msk [tilespmem:v26+s5+$0x0], $0xffff  }
0x8c2: {  	v20 =	vld.idx.msk [tilespmem:v21+s5+$0x0], $0xffff  }
0x8c3: {  	v29 =	vld.idx.msk [tilespmem:v19+s5+$0x0], $0xffff;
	v19 =	vadd.s32 v5, v22  }
0x8c4: {  	[tilespmem:s15+$0xFFFFFFB0] =	vst.add.f32.msk $0xffff, v25;
	v21 =	vadd.s32 v4, v28  }
0x8c5: {  	v24 =	vld.idx.msk [tilespmem:v24+s5+$0x0], $0xffff  }
0x8c6: {  	v25 =	vadd.s32 v5, v17;
	[tilespmem:s15+$0xFFFFFF40] =	vst.add.f32.msk $0xffff, v23  }
0x8c7: {  	[tilespmem:s15+$0xFFFFFEB0] =	vst.add.f32.msk $0xffff, v20  }
0x8c8: {  	v18 =	vadd.s32 v8, v18;
	v19 =	vld.idx.msk [tilespmem:v19+s5+$0x0], $0xffff  }
0x8c9: {  	v20 =	vld.idx.msk [tilespmem:v21+s5+$0x0], $0xffff  }
0x8ca: {  	[tilespmem:s15+$0xFFFFFFC0] =	vst.add.f32.msk $0xffff, v24  }
0x8cb: {  	v25 =	vld.idx.msk [tilespmem:v25+s5+$0x0], $0xffff  }
0x8cc: {  	[tilespmem:s14+$0xFFFFFF00] =	vst.add.f32.msk $0xffff, v29;
	v26 =	vadd.s32 v6, v17  }
0x8cd: {  	v27 =	vadd.s32 v6, v22;
	v23 =	vld.idx.msk [tilespmem:v18+s5+$0x0], $0xffff  }
0x8ce: {  	v21 =	vadd.s32 v5, v28;
	[tilespmem:s15+$0xFFFFFF50] =	vst.add.f32.msk $0xffff, v19  }
0x8cf: {  	[tilespmem:s15+$0xFFFFFEC0] =	vst.add.f32.msk $0xffff, v20  }
0x8d0: {  	[tilespmem:s15+$0xFFFFFFD0] =	vst.add.f32.msk $0xffff, v25  }
0x8d1: {  	v26 =	vld.idx.msk [tilespmem:v26+s5+$0x0], $0xffff  }
0x8d2: {  	v18 =	vadd.s32 v8, v22;
	v19 =	vadd.s32 v8, v28;
	v25 =	vld.idx.msk [tilespmem:v27+s5+$0x0], $0xffff;
	v27 =	vadd.s32 v7, v17  }
0x8d3: {  	s16 =	simm.s32 $0x3;
	s17 =	simm.s32 $0xB48;
	v20 =	vadd.s32 v7, v28;
	v24 =	vld.idx.msk [tilespmem:v21+s5+$0x0], $0xffff;
	v21 =	vadd.s32 v7, v22;
	v22 =	vadd.s32 v6, v28  }
.LBB2_26:
0x8d4: {  	v28 =	vld [tilespmem:s17+$0x0];
	s16 =	sadd.s32 $0x3, s16  }
0x8d5: {  	v29 =	vld [tilespmem:s17+$0xFFFFFFFF];
	p1 =	slt.u32 s16, $0xED  }
0x8d6: {  	[tilespmem:s15+$0xFFFFFFE0] =	vst.add.f32.msk $0xffff, v26  }
0x8d7: {  	v26 =	vld.idx.msk [tilespmem:v27+s5+$0x0], $0xffff  }
0x8d8: {  	v27 =	vld [tilespmem:s17+$0xFFFFFFFE]  }
0x8d9: {  	[tilespmem:s15+$0xFFFFFED0] =	vst.add.f32.msk $0xffff, v24;
	v24 =	vadd.s32 v8, v17;
	v17 =	vperm.xlane v28, v0  }
0x8da: {  	v28 =	vperm.xlane v29, v0;
	v29 =	vld.idx.msk [tilespmem:v22+s5+$0x0], $0xffff  }
0x8db: {  	v30 =	vadd.s32 v1, v17;
	[tilespmem:s15+$0xFFFFFF60] =	vst.add.f32.msk $0xffff, v25  }
0x8dc: {  	v25 =	vadd.s32 v1, v28;
	v31 =	vadd.s32 v2, v28;
	v32 =	vadd.s32 v3, v28;
	v33 =	vld.idx.msk [tilespmem:v21+s5+$0x0], $0xffff  }
0x8dd: {  	v34 =	vadd.s32 v4, v28;
	v35 =	vadd.s32 v5, v28;
	v27 =	vperm.xlane v27, v0;
	[tilespmem:s15+$0xFFFFFFF0] =	vst.add.f32.msk $0xffff, v26  }
0x8de: {  	v36 =	vadd.s32 v6, v28;
	v21 =	vadd.s32 v7, v28;
	v26 =	vadd.s32 v8, v28;
	v24 =	vld.idx.msk [tilespmem:v24+s5+$0x0], $0xffff  }
0x8df: {  	v28 =	vadd.s32 v1, v27;
	v37 =	vadd.s32 v2, v27;
	v38 =	vadd.s32 v3, v27;
	[tilespmem:s14+$0xFFFFFF80] =	vst.add.f32.msk $0xffff, v23;
	s14 =	smov.u32 s15  }
0x8e0: {  	v23 =	vadd.s32 v4, v27;
	v39 =	vadd.s32 v5, v27;
	v22 =	vadd.s32 v6, v27;
	v30 =	vld.idx.msk [tilespmem:v30+s5+$0x0], $0xffff  }
0x8e1: {  	v40 =	vadd.s32 v7, v27;
	v27 =	vadd.s32 v8, v27;
	v25 =	vld.idx.msk [tilespmem:v25+s5+$0x0], $0xffff  }
0x8e2: {  	v41 =	vadd.s32 v2, v17;
	[tilespmem:s15+$0xFFFFFEE0] =	vst.add.f32.msk $0xffff, v29  }
0x8e3: {  	v29 =	vld.idx.msk [tilespmem:v20+s5+$0x0], $0xffff;
	v20 =	vmov v40  }
0x8e4: {  	[tilespmem:s15+$0x0] =	vst.add.f32.msk $0xffff, v24  }
0x8e5: {  	s15 =	sadd.s32 $0x180, s15;
	v24 =	vld.idx.msk [tilespmem:v28+s5+$0x0], $0xffff  }
0x8e6: {  	[tilespmem:s15+$0xFFFFFF90] =	vst.add.f32.msk $0xffff, v30  }
0x8e7: {  	v28 =	vld.idx.msk [tilespmem:v41+s5+$0x0], $0xffff  }
0x8e8: {  	[tilespmem:s15+$0xFFFFFF10] =	vst.add.f32.msk $0xffff, v25  }
0x8e9: {  	v30 =	vadd.s32 v3, v17;
	v25 =	vld.idx.msk [tilespmem:v31+s5+$0x0], $0xffff  }
0x8ea: {  	[tilespmem:s14+$0xFFFFFEF0] =	vst.add.f32.msk $0xffff, v29  }
0x8eb: {  	[tilespmem:s15+$0xFFFFFE90] =	vst.add.f32.msk $0xffff, v24  }
0x8ec: {  	v24 =	vld.idx.msk [tilespmem:v37+s5+$0x0], $0xffff  }
0x8ed: {  	[tilespmem:s15+$0xFFFFFFA0] =	vst.add.f32.msk $0xffff, v28  }
0x8ee: {  	v28 =	vld.idx.msk [tilespmem:v30+s5+$0x0], $0xffff  }
0x8ef: {  	[tilespmem:s15+$0xFFFFFF20] =	vst.add.f32.msk $0xffff, v25  }
0x8f0: {  	v29 =	vadd.s32 v4, v17;
	v25 =	vld.idx.msk [tilespmem:v32+s5+$0x0], $0xffff  }
0x8f1: {  	[tilespmem:s14+$0xFFFFFF70] =	vst.add.f32.msk $0xffff, v33  }
0x8f2: {  	[tilespmem:s15+$0xFFFFFEA0] =	vst.add.f32.msk $0xffff, v24  }
0x8f3: {  	v24 =	vld.idx.msk [tilespmem:v38+s5+$0x0], $0xffff  }
0x8f4: {  	[tilespmem:s15+$0xFFFFFFB0] =	vst.add.f32.msk $0xffff, v28  }
0x8f5: {  	v28 =	vld.idx.msk [tilespmem:v29+s5+$0x0], $0xffff  }
0x8f6: {  	[tilespmem:s15+$0xFFFFFF30] =	vst.add.f32.msk $0xffff, v25  }
0x8f7: {  	v29 =	vadd.s32 v5, v17;
	v25 =	vld.idx.msk [tilespmem:v34+s5+$0x0], $0xffff  }
0x8f8: {  	v30 =	vld.idx.msk [tilespmem:v19+s5+$0x0], $0xffff;
	v19 =	vmov v27  }
0x8f9: {  	[tilespmem:s15+$0xFFFFFEB0] =	vst.add.f32.msk $0xffff, v24  }
0x8fa: {  	v24 =	vld.idx.msk [tilespmem:v23+s5+$0x0], $0xffff  }
0x8fb: {  	[tilespmem:s15+$0xFFFFFFC0] =	vst.add.f32.msk $0xffff, v28  }
0x8fc: {  	v27 =	vld.idx.msk [tilespmem:v29+s5+$0x0], $0xffff  }
0x8fd: {  	[tilespmem:s15+$0xFFFFFF40] =	vst.add.f32.msk $0xffff, v25  }
0x8fe: {  	v28 =	vadd.s32 v6, v17;
	v25 =	vld.idx.msk [tilespmem:v35+s5+$0x0], $0xffff  }
0x8ff: {  	v23 =	vld.idx.msk [tilespmem:v18+s5+$0x0], $0xffff;
	v18 =	vmov v26  }
0x900: {  	[tilespmem:s15+$0xFFFFFEC0] =	vst.add.f32.msk $0xffff, v24  }
0x901: {  	v24 =	vld.idx.msk [tilespmem:v39+s5+$0x0], $0xffff  }
.Ltmp14:
0x902: {  	[tilespmem:s15+$0xFFFFFFD0] =	vst.add.f32.msk $0xffff, v27;
	(pc) =	sbr.rel @p1 .LBB2_26-.Ltmp14, $4  }
0x903: {  	v26 =	vld.idx.msk [tilespmem:v28+s5+$0x0], $0xffff  }
0x904: {  	[tilespmem:s15+$0xFFFFFF50] =	vst.add.f32.msk $0xffff, v25  }
0x905: {  	v27 =	vadd.s32 v7, v17;
	v25 =	vld.idx.msk [tilespmem:v36+s5+$0x0], $0xffff  }
0x906: {  	s17 =	sadd.s32 $0x3, s17;
	[tilespmem:s14+$0xFFFFFF00] =	vst.add.f32.msk $0xffff, v30  }
0x907: {  	_ =	sdelay $0x2  }
0x908: {  	[tilespmem:s15+$0xFFFFFED0] =	vst.add.f32.msk $0xffff, v24  }
0x909: {  	v22 =	vld.idx.msk [tilespmem:v22+s5+$0x0], $0xffff  }
0x90a: {  	[tilespmem:s15+$0xFFFFFFE0] =	vst.add.f32.msk $0xffff, v26  }
0x90b: {  	v63 =	vld.idx.msk [tilespmem:v27+s5+$0x0], $0xffff  }
0x90c: {  	v17 =	vadd.s32 v8, v17;
	[tilespmem:s15+$0xFFFFFF60] =	vst.add.f32.msk $0xffff, v25  }
0x90d: {  	v21 =	vld.idx.msk [tilespmem:v21+s5+$0x0], $0xffff  }
0x90e: {  	[tilespmem:s15+$0xFFFFFEE0] =	vst.add.f32.msk $0xffff, v22  }
0x90f: {  	v20 =	vld.idx.msk [tilespmem:v20+s5+$0x0], $0xffff  }
0x910: {  	[tilespmem:s15+$0xFFFFFFF0] =	vst.add.f32.msk $0xffff, v63  }
0x911: {  	v17 =	vld.idx.msk [tilespmem:v17+s5+$0x0], $0xffff  }
0x912: {  	[tilespmem:s15+$0xFFFFFF70] =	vst.add.f32.msk $0xffff, v21  }
0x913: {  	v18 =	vld.idx.msk [tilespmem:v18+s5+$0x0], $0xffff  }
0x914: {  	[tilespmem:s15+$0xFFFFFEF0] =	vst.add.f32.msk $0xffff, v20  }
0x915: {  	v19 =	vld.idx.msk [tilespmem:v19+s5+$0x0], $0xffff;
	_ =	sdelay $0x1  }
.Ltmp15:
0x916: {  	[tilespmem:s14+$0xFFFFFF80] =	vst.add.f32.msk $0xffff, v23;
	(pc) =	sbr.rel @p0 .LBB2_29-.Ltmp15, $4  }
0x917: {  	[tilespmem:s15+$0x0] =	vst.add.f32.msk $0xffff, v17  }
0x918: {  	[tilespmem:s15+$0xFFFFFF80] =	vst.add.f32.msk $0xffff, v18  }
0x919: {  	[tilespmem:s15+$0xFFFFFF00] =	vst.add.f32.msk $0xffff, v19  }
0x91a: {  	[hbm4b:s25+s1] =	stream.linear.scatter [tilespmem:s2], [sflag:$0x4], $0x7800, $0x38;
	[tilespmem:$0x19900] =	vst v63  }
0x91b: {  	s14 =	simm.s32 $0x7  }
0x91c: {  	_ =	swait.ge [sflag:s14], $0x10  }
0x91d: {  	[sflag:s14] =	ssyncset.done $0x0  }
0x91e: {  	s15 =	simm.s32 $0x8;
	[sflag:s14] =	ssyncadd.s32 $0xFFFFFFF0  }
0x91f: {  	_ =	swait.ge [sflag:s15], $0x400  }
0x920: {  	[sflag:s15] =	ssyncset.done $0x0  }
0x921: {  	[sflag:s15] =	ssyncadd.s32 $0xFFFFFC00  }
0x922: {  	v17 =	vld [tilespmem:$0x19480];
	_ =	sdelay $0x4  }
0x923: {  	v18 =	vperm.xlane v17, v9;
	_ =	sdelay $0x1  }
0x924: {  	v19 =	vadd.s32 v1, v18;
	_ =	sdelay $0x4  }
0x925: {  	v19 =	vld.idx.msk [tilespmem:v19+s5+$0x0], $0xffff  }
0x926: {  	v20 =	vadd.s32 v2, v18;
	_ =	sdelay $0x2  }
0x927: {  	s15 =	simm.s32 $0x19500  }
0x928: {  	[tilespmem:s15+$0x0] =	vst.add.f32.msk $0xffff, v19  }
0x929: {  	v19 =	vld.idx.msk [tilespmem:v20+s5+$0x0], $0xffff  }
0x92a: {  	v57 =	vadd.s32 v3, v18;
	_ =	sdelay $0x2  }
0x92b: {  	s16 =	simm.s32 $0x19510  }
0x92c: {  	[tilespmem:s16+$0x0] =	vst.add.f32.msk $0xffff, v19  }
0x92d: {  	v19 =	vld.idx.msk [tilespmem:v57+s5+$0x0], $0xffff  }
0x92e: {  	v58 =	vadd.s32 v4, v18;
	_ =	sdelay $0x2  }
0x92f: {  	s17 =	simm.s32 $0x19520  }
0x930: {  	[tilespmem:s17+$0x0] =	vst.add.f32.msk $0xffff, v19  }
0x931: {  	v19 =	vld.idx.msk [tilespmem:v58+s5+$0x0], $0xffff  }
0x932: {  	v59 =	vadd.s32 v5, v18;
	_ =	sdelay $0x2  }
0x933: {  	s18 =	simm.s32 $0x19530  }
0x934: {  	[tilespmem:s18+$0x0] =	vst.add.f32.msk $0xffff, v19  }
0x935: {  	v19 =	vld.idx.msk [tilespmem:v59+s5+$0x0], $0xffff  }
0x936: {  	v60 =	vadd.s32 v6, v18;
	_ =	sdelay $0x2  }
0x937: {  	s19 =	simm.s32 $0x19540  }
0x938: {  	[tilespmem:s19+$0x0] =	vst.add.f32.msk $0xffff, v19  }
0x939: {  	v19 =	vld.idx.msk [tilespmem:v60+s5+$0x0], $0xffff  }
0x93a: {  	v61 =	vadd.s32 v7, v18;
	_ =	sdelay $0x2  }
0x93b: {  	s16 =	simm.s32 $0x19550  }
0x93c: {  	[tilespmem:s16+$0x0] =	vst.add.f32.msk $0xffff, v19  }
0x93d: {  	v19 =	vld.idx.msk [tilespmem:v61+s5+$0x0], $0xffff  }
0x93e: {  	v18 =	vadd.s32 v8, v18;
	_ =	sdelay $0x2  }
0x93f: {  	s17 =	simm.s32 $0x19560  }
0x940: {  	[tilespmem:s17+$0x0] =	vst.add.f32.msk $0xffff, v19;
	v19 =	vperm.xlane v17, v10  }
0x941: {  	v18 =	vld.idx.msk [tilespmem:v18+s5+$0x0], $0xffff  }
0x942: {  	v62 =	vadd.s32 v1, v19;
	_ =	sdelay $0x2  }
0x943: {  	s18 =	simm.s32 $0x19570  }
0x944: {  	[tilespmem:s18+$0x0] =	vst.add.f32.msk $0xffff, v18  }
0x945: {  	v18 =	vld.idx.msk [tilespmem:v62+s5+$0x0], $0xffff  }
0x946: {  	v63 =	vadd.s32 v2, v19;
	_ =	sdelay $0x2  }
0x947: {  	s19 =	simm.s32 $0x19580  }
0x948: {  	[tilespmem:s19+$0x0] =	vst.add.f32.msk $0xffff, v18  }
0x949: {  	v18 =	vld.idx.msk [tilespmem:v63+s5+$0x0], $0xffff  }
0x94a: {  	v24 =	vadd.s32 v3, v19;
	_ =	sdelay $0x2  }
0x94b: {  	s16 =	simm.s32 $0x19590  }
0x94c: {  	[tilespmem:s16+$0x0] =	vst.add.f32.msk $0xffff, v18  }
0x94d: {  	v18 =	vld.idx.msk [tilespmem:v24+s5+$0x0], $0xffff  }
0x94e: {  	v25 =	vadd.s32 v4, v19;
	_ =	sdelay $0x2  }
0x94f: {  	s17 =	simm.s32 $0x195A0  }
0x950: {  	[tilespmem:s17+$0x0] =	vst.add.f32.msk $0xffff, v18  }
0x951: {  	v18 =	vld.idx.msk [tilespmem:v25+s5+$0x0], $0xffff  }
0x952: {  	v26 =	vadd.s32 v5, v19;
	_ =	sdelay $0x2  }
0x953: {  	s18 =	simm.s32 $0x195B0  }
0x954: {  	[tilespmem:s18+$0x0] =	vst.add.f32.msk $0xffff, v18  }
0x955: {  	v18 =	vld.idx.msk [tilespmem:v26+s5+$0x0], $0xffff  }
0x956: {  	v27 =	vadd.s32 v6, v19;
	_ =	sdelay $0x2  }
0x957: {  	s19 =	simm.s32 $0x195C0  }
0x958: {  	[tilespmem:s19+$0x0] =	vst.add.f32.msk $0xffff, v18  }
0x959: {  	v18 =	vld.idx.msk [tilespmem:v27+s5+$0x0], $0xffff  }
0x95a: {  	v28 =	vadd.s32 v7, v19;
	_ =	sdelay $0x2  }
0x95b: {  	s16 =	simm.s32 $0x195D0  }
0x95c: {  	[tilespmem:s16+$0x0] =	vst.add.f32.msk $0xffff, v18  }
0x95d: {  	v18 =	vld.idx.msk [tilespmem:v28+s5+$0x0], $0xffff  }
0x95e: {  	v19 =	vadd.s32 v8, v19;
	_ =	sdelay $0x2  }
0x95f: {  	s17 =	simm.s32 $0x195E0  }
0x960: {  	[tilespmem:s17+$0x0] =	vst.add.f32.msk $0xffff, v18;
	v18 =	vperm.xlane v17, v11  }
0x961: {  	v19 =	vld.idx.msk [tilespmem:v19+s5+$0x0], $0xffff  }
0x962: {  	v29 =	vadd.s32 v1, v18;
	_ =	sdelay $0x2  }
0x963: {  	s18 =	simm.s32 $0x195F0  }
0x964: {  	[tilespmem:s18+$0x0] =	vst.add.f32.msk $0xffff, v19  }
0x965: {  	v19 =	vld.idx.msk [tilespmem:v29+s5+$0x0], $0xffff  }
0x966: {  	v30 =	vadd.s32 v2, v18;
	_ =	sdelay $0x2  }
0x967: {  	s19 =	simm.s32 $0x19600  }
0x968: {  	[tilespmem:s19+$0x0] =	vst.add.f32.msk $0xffff, v19  }
0x969: {  	v19 =	vld.idx.msk [tilespmem:v30+s5+$0x0], $0xffff  }
0x96a: {  	v31 =	vadd.s32 v3, v18;
	_ =	sdelay $0x2  }
0x96b: {  	s16 =	simm.s32 $0x19610  }
0x96c: {  	[tilespmem:s16+$0x0] =	vst.add.f32.msk $0xffff, v19  }
0x96d: {  	v19 =	vld.idx.msk [tilespmem:v31+s5+$0x0], $0xffff  }
0x96e: {  	v32 =	vadd.s32 v4, v18;
	_ =	sdelay $0x2  }
0x96f: {  	s17 =	simm.s32 $0x19620  }
0x970: {  	[tilespmem:s17+$0x0] =	vst.add.f32.msk $0xffff, v19  }
0x971: {  	v19 =	vld.idx.msk [tilespmem:v32+s5+$0x0], $0xffff  }
0x972: {  	v33 =	vadd.s32 v5, v18;
	_ =	sdelay $0x2  }
0x973: {  	s18 =	simm.s32 $0x19630  }
0x974: {  	[tilespmem:s18+$0x0] =	vst.add.f32.msk $0xffff, v19  }
0x975: {  	v19 =	vld.idx.msk [tilespmem:v33+s5+$0x0], $0xffff  }
0x976: {  	v34 =	vadd.s32 v6, v18;
	_ =	sdelay $0x2  }
0x977: {  	s19 =	simm.s32 $0x19640  }
0x978: {  	[tilespmem:s19+$0x0] =	vst.add.f32.msk $0xffff, v19  }
0x979: {  	v19 =	vld.idx.msk [tilespmem:v34+s5+$0x0], $0xffff  }
0x97a: {  	v35 =	vadd.s32 v7, v18;
	_ =	sdelay $0x2  }
0x97b: {  	s16 =	simm.s32 $0x19650  }
0x97c: {  	[tilespmem:s16+$0x0] =	vst.add.f32.msk $0xffff, v19  }
0x97d: {  	v19 =	vld.idx.msk [tilespmem:v35+s5+$0x0], $0xffff  }
0x97e: {  	v18 =	vadd.s32 v8, v18;
	_ =	sdelay $0x2  }
0x97f: {  	s17 =	simm.s32 $0x19660  }
0x980: {  	[tilespmem:s17+$0x0] =	vst.add.f32.msk $0xffff, v19;
	v19 =	vperm.xlane v17, v12  }
0x981: {  	v18 =	vld.idx.msk [tilespmem:v18+s5+$0x0], $0xffff  }
0x982: {  	v36 =	vadd.s32 v1, v19;
	_ =	sdelay $0x2  }
0x983: {  	s18 =	simm.s32 $0x19670  }
0x984: {  	[tilespmem:s18+$0x0] =	vst.add.f32.msk $0xffff, v18  }
0x985: {  	v18 =	vld.idx.msk [tilespmem:v36+s5+$0x0], $0xffff  }
0x986: {  	v37 =	vadd.s32 v2, v19;
	_ =	sdelay $0x2  }
0x987: {  	s19 =	simm.s32 $0x19680  }
0x988: {  	[tilespmem:s19+$0x0] =	vst.add.f32.msk $0xffff, v18  }
0x989: {  	v18 =	vld.idx.msk [tilespmem:v37+s5+$0x0], $0xffff  }
0x98a: {  	v38 =	vadd.s32 v3, v19;
	_ =	sdelay $0x2  }
0x98b: {  	s16 =	simm.s32 $0x19690  }
0x98c: {  	[tilespmem:s16+$0x0] =	vst.add.f32.msk $0xffff, v18  }
0x98d: {  	v18 =	vld.idx.msk [tilespmem:v38+s5+$0x0], $0xffff  }
0x98e: {  	v39 =	vadd.s32 v4, v19;
	_ =	sdelay $0x2  }
0x98f: {  	s17 =	simm.s32 $0x196A0  }
0x990: {  	[tilespmem:s17+$0x0] =	vst.add.f32.msk $0xffff, v18  }
0x991: {  	v18 =	vld.idx.msk [tilespmem:v39+s5+$0x0], $0xffff  }
0x992: {  	v40 =	vadd.s32 v5, v19;
	_ =	sdelay $0x2  }
0x993: {  	s18 =	simm.s32 $0x196B0  }
0x994: {  	[tilespmem:s18+$0x0] =	vst.add.f32.msk $0xffff, v18  }
0x995: {  	v18 =	vld.idx.msk [tilespmem:v40+s5+$0x0], $0xffff  }
0x996: {  	v41 =	vadd.s32 v6, v19;
	_ =	sdelay $0x2  }
0x997: {  	s19 =	simm.s32 $0x196C0  }
0x998: {  	[tilespmem:s19+$0x0] =	vst.add.f32.msk $0xffff, v18  }
0x999: {  	v18 =	vld.idx.msk [tilespmem:v41+s5+$0x0], $0xffff  }
0x99a: {  	v42 =	vadd.s32 v7, v19;
	_ =	sdelay $0x2  }
0x99b: {  	s16 =	simm.s32 $0x196D0  }
0x99c: {  	[tilespmem:s16+$0x0] =	vst.add.f32.msk $0xffff, v18  }
0x99d: {  	v18 =	vld.idx.msk [tilespmem:v42+s5+$0x0], $0xffff  }
0x99e: {  	v19 =	vadd.s32 v8, v19;
	_ =	sdelay $0x2  }
0x99f: {  	s17 =	simm.s32 $0x196E0  }
0x9a0: {  	[tilespmem:s17+$0x0] =	vst.add.f32.msk $0xffff, v18;
	v18 =	vperm.xlane v17, v13  }
0x9a1: {  	v19 =	vld.idx.msk [tilespmem:v19+s5+$0x0], $0xffff  }
0x9a2: {  	v43 =	vadd.s32 v1, v18;
	_ =	sdelay $0x2  }
0x9a3: {  	s18 =	simm.s32 $0x196F0  }
0x9a4: {  	[tilespmem:s18+$0x0] =	vst.add.f32.msk $0xffff, v19  }
0x9a5: {  	v19 =	vld.idx.msk [tilespmem:v43+s5+$0x0], $0xffff  }
0x9a6: {  	v44 =	vadd.s32 v2, v18;
	_ =	sdelay $0x2  }
0x9a7: {  	s19 =	simm.s32 $0x19700  }
0x9a8: {  	[tilespmem:s19+$0x0] =	vst.add.f32.msk $0xffff, v19  }
0x9a9: {  	v19 =	vld.idx.msk [tilespmem:v44+s5+$0x0], $0xffff  }
0x9aa: {  	v45 =	vadd.s32 v3, v18;
	_ =	sdelay $0x2  }
0x9ab: {  	s16 =	simm.s32 $0x19710  }
0x9ac: {  	[tilespmem:s16+$0x0] =	vst.add.f32.msk $0xffff, v19  }
0x9ad: {  	v19 =	vld.idx.msk [tilespmem:v45+s5+$0x0], $0xffff  }
0x9ae: {  	v46 =	vadd.s32 v4, v18;
	_ =	sdelay $0x2  }
0x9af: {  	s17 =	simm.s32 $0x19720  }
0x9b0: {  	[tilespmem:s17+$0x0] =	vst.add.f32.msk $0xffff, v19  }
0x9b1: {  	v19 =	vld.idx.msk [tilespmem:v46+s5+$0x0], $0xffff  }
0x9b2: {  	v47 =	vadd.s32 v5, v18;
	_ =	sdelay $0x2  }
0x9b3: {  	s18 =	simm.s32 $0x19730  }
0x9b4: {  	[tilespmem:s18+$0x0] =	vst.add.f32.msk $0xffff, v19  }
0x9b5: {  	v19 =	vld.idx.msk [tilespmem:v47+s5+$0x0], $0xffff  }
0x9b6: {  	v48 =	vadd.s32 v6, v18;
	_ =	sdelay $0x2  }
0x9b7: {  	s19 =	simm.s32 $0x19740  }
0x9b8: {  	[tilespmem:s19+$0x0] =	vst.add.f32.msk $0xffff, v19  }
0x9b9: {  	v19 =	vld.idx.msk [tilespmem:v48+s5+$0x0], $0xffff  }
0x9ba: {  	v49 =	vadd.s32 v7, v18;
	_ =	sdelay $0x2  }
0x9bb: {  	s16 =	simm.s32 $0x19750  }
0x9bc: {  	[tilespmem:s16+$0x0] =	vst.add.f32.msk $0xffff, v19  }
0x9bd: {  	v19 =	vld.idx.msk [tilespmem:v49+s5+$0x0], $0xffff  }
0x9be: {  	v18 =	vadd.s32 v8, v18;
	_ =	sdelay $0x2  }
0x9bf: {  	s17 =	simm.s32 $0x19760  }
0x9c0: {  	[tilespmem:s17+$0x0] =	vst.add.f32.msk $0xffff, v19;
	v19 =	vperm.xlane v17, v14  }
0x9c1: {  	v18 =	vld.idx.msk [tilespmem:v18+s5+$0x0], $0xffff  }
0x9c2: {  	v50 =	vadd.s32 v1, v19;
	_ =	sdelay $0x2  }
0x9c3: {  	s18 =	simm.s32 $0x19770  }
0x9c4: {  	[tilespmem:s18+$0x0] =	vst.add.f32.msk $0xffff, v18  }
0x9c5: {  	v18 =	vld.idx.msk [tilespmem:v50+s5+$0x0], $0xffff  }
0x9c6: {  	v51 =	vadd.s32 v2, v19;
	_ =	sdelay $0x2  }
0x9c7: {  	s19 =	simm.s32 $0x19780  }
0x9c8: {  	[tilespmem:s19+$0x0] =	vst.add.f32.msk $0xffff, v18  }
0x9c9: {  	v18 =	vld.idx.msk [tilespmem:v51+s5+$0x0], $0xffff  }
0x9ca: {  	v52 =	vadd.s32 v3, v19;
	_ =	sdelay $0x2  }
0x9cb: {  	s16 =	simm.s32 $0x19790  }
0x9cc: {  	[tilespmem:s16+$0x0] =	vst.add.f32.msk $0xffff, v18  }
0x9cd: {  	v18 =	vld.idx.msk [tilespmem:v52+s5+$0x0], $0xffff  }
0x9ce: {  	v53 =	vadd.s32 v4, v19;
	_ =	sdelay $0x2  }
0x9cf: {  	s17 =	simm.s32 $0x197A0  }
0x9d0: {  	[tilespmem:s17+$0x0] =	vst.add.f32.msk $0xffff, v18  }
0x9d1: {  	v18 =	vld.idx.msk [tilespmem:v53+s5+$0x0], $0xffff  }
0x9d2: {  	v54 =	vadd.s32 v5, v19;
	_ =	sdelay $0x2  }
0x9d3: {  	s18 =	simm.s32 $0x197B0  }
0x9d4: {  	[tilespmem:s18+$0x0] =	vst.add.f32.msk $0xffff, v18  }
0x9d5: {  	v18 =	vld.idx.msk [tilespmem:v54+s5+$0x0], $0xffff  }
0x9d6: {  	v55 =	vadd.s32 v6, v19;
	_ =	sdelay $0x2  }
0x9d7: {  	s19 =	simm.s32 $0x197C0  }
0x9d8: {  	[tilespmem:s19+$0x0] =	vst.add.f32.msk $0xffff, v18  }
0x9d9: {  	v18 =	vld.idx.msk [tilespmem:v55+s5+$0x0], $0xffff  }
0x9da: {  	v56 =	vadd.s32 v7, v19;
	_ =	sdelay $0x2  }
0x9db: {  	s16 =	simm.s32 $0x197D0  }
0x9dc: {  	[tilespmem:s16+$0x0] =	vst.add.f32.msk $0xffff, v18  }
0x9dd: {  	v18 =	vld.idx.msk [tilespmem:v56+s5+$0x0], $0xffff  }
0x9de: {  	v19 =	vadd.s32 v8, v19;
	_ =	sdelay $0x2  }
0x9df: {  	s17 =	simm.s32 $0x197E0  }
0x9e0: {  	[tilespmem:s17+$0x0] =	vst.add.f32.msk $0xffff, v18;
	v18 =	vperm.xlane v17, v15  }
0x9e1: {  	v19 =	vld.idx.msk [tilespmem:v19+s5+$0x0], $0xffff  }
0x9e2: {  	v57 =	vadd.s32 v1, v18;
	_ =	sdelay $0x2  }
0x9e3: {  	s18 =	simm.s32 $0x197F0  }
0x9e4: {  	[tilespmem:s18+$0x0] =	vst.add.f32.msk $0xffff, v19  }
0x9e5: {  	v19 =	vld.idx.msk [tilespmem:v57+s5+$0x0], $0xffff  }
0x9e6: {  	v58 =	vadd.s32 v2, v18;
	_ =	sdelay $0x2  }
0x9e7: {  	s19 =	simm.s32 $0x19800  }
0x9e8: {  	[tilespmem:s19+$0x0] =	vst.add.f32.msk $0xffff, v19  }
0x9e9: {  	v19 =	vld.idx.msk [tilespmem:v58+s5+$0x0], $0xffff  }
0x9ea: {  	v59 =	vadd.s32 v3, v18;
	_ =	sdelay $0x2  }
0x9eb: {  	s16 =	simm.s32 $0x19810  }
0x9ec: {  	[tilespmem:s16+$0x0] =	vst.add.f32.msk $0xffff, v19  }
0x9ed: {  	v19 =	vld.idx.msk [tilespmem:v59+s5+$0x0], $0xffff  }
0x9ee: {  	v60 =	vadd.s32 v4, v18;
	_ =	sdelay $0x2  }
0x9ef: {  	s17 =	simm.s32 $0x19820  }
0x9f0: {  	[tilespmem:s17+$0x0] =	vst.add.f32.msk $0xffff, v19  }
0x9f1: {  	v19 =	vld.idx.msk [tilespmem:v60+s5+$0x0], $0xffff  }
0x9f2: {  	v61 =	vadd.s32 v5, v18;
	_ =	sdelay $0x2  }
0x9f3: {  	s18 =	simm.s32 $0x19830  }
0x9f4: {  	[tilespmem:s18+$0x0] =	vst.add.f32.msk $0xffff, v19  }
0x9f5: {  	v19 =	vld.idx.msk [tilespmem:v61+s5+$0x0], $0xffff  }
0x9f6: {  	v62 =	vadd.s32 v6, v18;
	_ =	sdelay $0x2  }
0x9f7: {  	s19 =	simm.s32 $0x19840  }
0x9f8: {  	[tilespmem:s19+$0x0] =	vst.add.f32.msk $0xffff, v19  }
0x9f9: {  	v19 =	vld.idx.msk [tilespmem:v62+s5+$0x0], $0xffff  }
0x9fa: {  	v63 =	vadd.s32 v7, v18;
	_ =	sdelay $0x2  }
0x9fb: {  	s16 =	simm.s32 $0x19850  }
0x9fc: {  	[tilespmem:s16+$0x0] =	vst.add.f32.msk $0xffff, v19  }
0x9fd: {  	v19 =	vld.idx.msk [tilespmem:v63+s5+$0x0], $0xffff  }
0x9fe: {  	v18 =	vadd.s32 v8, v18;
	_ =	sdelay $0x2  }
0x9ff: {  	s17 =	simm.s32 $0x19860  }
0xa00: {  	v17 =	vperm.xlane v17, v16;
	[tilespmem:s17+$0x0] =	vst.add.f32.msk $0xffff, v19  }
0xa01: {  	v18 =	vld.idx.msk [tilespmem:v18+s5+$0x0], $0xffff  }
0xa02: {  	v19 =	vadd.s32 v1, v17;
	_ =	sdelay $0x2  }
0xa03: {  	s18 =	simm.s32 $0x19870  }
0xa04: {  	[tilespmem:s18+$0x0] =	vst.add.f32.msk $0xffff, v18  }
0xa05: {  	v18 =	vld.idx.msk [tilespmem:v19+s5+$0x0], $0xffff  }
0xa06: {  	v19 =	vadd.s32 v2, v17;
	_ =	sdelay $0x2  }
0xa07: {  	s19 =	simm.s32 $0x19880  }
0xa08: {  	[tilespmem:s19+$0x0] =	vst.add.f32.msk $0xffff, v18  }
0xa09: {  	v18 =	vld.idx.msk [tilespmem:v19+s5+$0x0], $0xffff  }
0xa0a: {  	v19 =	vadd.s32 v3, v17;
	_ =	sdelay $0x2  }
0xa0b: {  	s16 =	simm.s32 $0x19890  }
0xa0c: {  	[tilespmem:s16+$0x0] =	vst.add.f32.msk $0xffff, v18  }
0xa0d: {  	v18 =	vld.idx.msk [tilespmem:v19+s5+$0x0], $0xffff  }
0xa0e: {  	v19 =	vadd.s32 v4, v17;
	_ =	sdelay $0x2  }
0xa0f: {  	s17 =	simm.s32 $0x198A0  }
0xa10: {  	[tilespmem:s17+$0x0] =	vst.add.f32.msk $0xffff, v18  }
0xa11: {  	v18 =	vld.idx.msk [tilespmem:v19+s5+$0x0], $0xffff  }
0xa12: {  	v19 =	vadd.s32 v5, v17;
	_ =	sdelay $0x2  }
0xa13: {  	s18 =	simm.s32 $0x198B0  }
0xa14: {  	[tilespmem:s18+$0x0] =	vst.add.f32.msk $0xffff, v18  }
0xa15: {  	v18 =	vld.idx.msk [tilespmem:v19+s5+$0x0], $0xffff  }
0xa16: {  	v19 =	vadd.s32 v6, v17;
	_ =	sdelay $0x2  }
0xa17: {  	s19 =	simm.s32 $0x198C0  }
0xa18: {  	[tilespmem:s19+$0x0] =	vst.add.f32.msk $0xffff, v18  }
0xa19: {  	v18 =	vld.idx.msk [tilespmem:v19+s5+$0x0], $0xffff  }
0xa1a: {  	v19 =	vadd.s32 v7, v17;
	_ =	sdelay $0x2  }
0xa1b: {  	s16 =	simm.s32 $0x198D0  }
0xa1c: {  	[tilespmem:s16+$0x0] =	vst.add.f32.msk $0xffff, v18  }
0xa1d: {  	v18 =	vld.idx.msk [tilespmem:v19+s5+$0x0], $0xffff  }
0xa1e: {  	v17 =	vadd.s32 v8, v17;
	_ =	sdelay $0x2  }
0xa1f: {  	s17 =	simm.s32 $0x198E0  }
0xa20: {  	[tilespmem:s17+$0x0] =	vst.add.f32.msk $0xffff, v18  }
0xa21: {  	v17 =	vld.idx.msk [tilespmem:v17+s5+$0x0], $0xffff;
	_ =	sdelay $0x3  }
0xa22: {  	s18 =	simm.s32 $0x198F0  }
.Ltmp16:
0xa23: {  	s19 =	rddreg [dreg:$0x17];
	[tilespmem:s18+$0x0] =	vst.add.f32.msk $0xffff, v17;
	(pc) =	sbr.rel .LBB2_29-.Ltmp16, $4  }
0xa24: {  	[hbm4b:s19+s1] =	stream.linear.scatter [tilespmem:s15], [sflag:$0x9], $0x400, $0x38;
	[tilespmem:$0x19900] =	vst v63  }
0xa25: {  	_ =	swait.ge [sflag:s6], $0x400  }
0xa26: {  	[sflag:s6] =	ssyncset.done $0x0  }
0xa27: {  	[sflag:s6] =	ssyncadd.s32 $0xFFFFFC00  }
.LBB2_30:
0xa28: {  	_ =	sfence.sel $0x180000  }
0xa29: {  	[bflag:$0x0] =	sbarrier.arrive $0xFFFF  }
0xa2a: {  	_ =	strace $0x90000047  }
0xa2b: {  	s0 =	stileid.u32;
	[bflag:$0x2] =	sbarrier.arrive $0xFFFF  }
0xa2c: {  	p0 =	sne.s32 s0, $0x0;
	s0 =	rddreg [dreg:$0x4]  }
0xa2d: {  	s0 =	sadd.s32 @!p0 $0x100000, s0  }
0xa2e: {  	[sflag:s0] =	ssyncadd.tile.s32 @!p0 $0x1;
	_ =	shalt  }
.Lfunc_end2:
_tile_overlayer_lowered:
.L_overlay_start_2:
0xa2f: {  	(tag) =	ssettag $0x2  }
0xa30: {  	s0 =	rddreg [dreg:$0x0];
	s2 =	stileid.u32  }
0xa31: {  	s1 =	rddreg [dreg:$0x1];
	p0 =	sne.s32 s2, $0x0  }
0xa32: {  	s3 =	rddreg [dreg:$0x2];
	[bflag:$0x3] =	sbarrier.arrive $0xFFFF;
	s2 =	simm.s32 @!p0 $0x1C09  }
0xa33: {  	[timem:s3], [sflag:s2] =	dma.local @!p0 [hbm:s0], s1  }
0xa34: {  	s0 =	simm.s32 @!p0 $0x9  }
0xa35: {  	_ =	swait.ge @!p0 [sflag:s0], s1  }
0xa36: {  	s1 =	ssub.s32 @!p0 $0x0, s1;
	[sflag:s0] =	ssyncset.done @!p0 $0x0  }
0xa37: {  	[sflag:s0] =	ssyncadd.s32 @!p0 s1  }
0xa38: {  	[bflag:$0x3] =	sbarrier.arrive $0xFFFF  }
0xa39: {  	_ =	shalt  }

</sc_bundles>
